<compile_context>
chip_gen: v7x
topology: tpu7x:2x2x1
jax: 0.10.2.dev20260603
libtpu: 0.0.44.dev20260713+nightly
codegen_flags: <defaults>
</compile_context>

<pallas_src>
import jax
import jax.numpy as jnp
from jax import lax
from jax.experimental import pallas as pl
from jax.experimental.pallas import tpu as pltpu
from jax.experimental.pallas import tpu_sc as plsc

B = 16384
N_EMB = 26
VOCAB = 100000
EDIM = 16
N_DENSE = 13
N_COL = N_EMB + N_DENSE
OUT_D = N_EMB * EDIM + N_DENSE

NC = 2
NS = 16
NW = NC * NS
ROWS_W = B // NW

SLAB = 1536
N_FULL = VOCAB // SLAB
TAIL = VOCAB - N_FULL * SLAB
TAIL_A = 128
TAIL_B = TAIL - TAIL_A
ITEMS = N_EMB * N_FULL
V_CUT = N_FULL * SLAB + TAIL_A
T_STRIDE = V_CUT // 8
MAIN_G = N_EMB * T_STRIDE
TAB_G = MAIN_G + 8 * N_EMB


def _transpose16(src_load, buf_v, w0, n16):
    def wstep(w, c):
        lv0 = (w - w0) * 16
        k = lax.iota(jnp.int32, 16)
        row16 = lax.shift_right_logical(lv0 + k, 3)
        colb = lax.mul(lax.bitwise_and(k, 7), 16)
        vals = [src_load(d, w) for d in range(EDIM)]
        for d in range(EDIM):
            plsc.store_scatter(buf_v, [row16, colb + d], vals[d])
        return c

    return wstep


def _repack_body(
    tab_hbm, out_hbm, slab0, slab1, buf0, buf1, tail_v, last_v,
    semr0, semr1, semw0, semw1,
):
    wid = lax.axis_index("s") * NC + lax.axis_index("c")
    slabs = (slab0, slab1)
    bufs = (buf0, buf1)
    semr = (semr0, semr1)
    semw = (semw0, semw1)
    n_mine = (ITEMS - wid + NW - 1) // NW

    def coords(kk):
        it = wid + kk * NW
        return it // N_FULL, it % N_FULL

    def read(kk, p):
        i, s = coords(kk)
        v0 = pl.multiple_of(s * SLAB, 128)
        pltpu.async_copy(tab_hbm.at[i].at[:, pl.ds(v0, SLAB)], slabs[p], semr[p])

    def write(kk, p):
        i, s = coords(kk)
        g0 = pl.multiple_of(i * T_STRIDE + s * (SLAB // 8), 8)
        pltpu.async_copy(bufs[p], out_hbm.at[pl.ds(g0, SLAB // 8), :], semw[p])

    def wait_r(p):
        pltpu.make_async_copy(
            tab_hbm.at[0].at[:, pl.ds(0, SLAB)], slabs[p], semr[p]
        ).wait()

    def wait_w(p):
        pltpu.make_async_copy(
            bufs[p], out_hbm.at[pl.ds(0, SLAB // 8), :], semw[p]
        ).wait()

    read(0, 0)

    def pair(pp, carry):
        for p in range(2):
            kk = pp * 2 + p

            @pl.when(kk < n_mine)
            def _():
                wait_r(p)

                @pl.when(kk + 1 < n_mine)
                def _():
                    read(kk + 1, 1 - p)

                @pl.when(kk >= 2)
                def _():
                    wait_w(p)

                def load(d, w):
                    return slabs[p][d, pl.ds(pl.multiple_of(w * 16, 16), 16)]

                lax.fori_loop(
                    0, SLAB // 16, _transpose16(load, bufs[p], 0, SLAB // 16), 0
                )
                write(kk, p)

        return carry

    lax.fori_loop(0, (n_mine + 1) // 2, pair, 0)
    for p in range(2):
        @pl.when(n_mine > p)
        def _():
            wait_w(p)

    @pl.when(wid < N_EMB)
    def _tail():
        i = wid
        v0 = pl.multiple_of(N_FULL * SLAB, 128)
        pltpu.sync_copy(tab_hbm.at[i].at[:, pl.ds(v0, TAIL_A)], tail_v)
        for d in range(EDIM):
            pltpu.sync_copy(
                tab_hbm.at[i].at[d, pl.ds(v0 + TAIL_A, TAIL_B)], last_v.at[d]
            )

        def load_a(d, w):
            return tail_v[d, pl.ds(pl.multiple_of(w * 16, 16), 16)]

        lax.fori_loop(
            0, TAIL_A // 16, _transpose16(load_a, buf0, 0, TAIL_A // 16), 0
        )

        def load_b(d, w):
            return last_v[
                d, pl.ds(pl.multiple_of((w - TAIL_A // 16) * 16, 16), 16)
            ]

        lax.fori_loop(
            TAIL_A // 16,
            TAIL // 16,
            _transpose16(load_b, buf0, 0, TAIL_B // 16),
            0,
        )
        g0 = pl.multiple_of(i * T_STRIDE + N_FULL * (SLAB // 8), 8)
        pltpu.sync_copy(
            buf0.at[pl.ds(0, TAIL_A // 8), :],
            out_hbm.at[pl.ds(g0, TAIL_A // 8), :],
        )
        ga = pl.multiple_of(MAIN_G + 8 * i, 8)
        pltpu.sync_copy(
            buf0.at[pl.ds(TAIL_A // 8, 8), :], out_hbm.at[pl.ds(ga, 8), :]
        )


def _gather_body(
    in_hbm, tab_hbm, out_hbm, in_v, idx0, idx1, rows0, rows1, dense_v,
    semg0, semg1, semw0, semw1,
):
    wid = lax.axis_index("s") * NC + lax.axis_index("c")
    base = wid * ROWS_W
    idxs = (idx0, idx1)
    rows = (rows0, rows1)
    semg = (semg0, semg1)
    semw = (semw0, semw1)

    pltpu.sync_copy(in_hbm.at[pl.ds(base, ROWS_W)], in_v)

    def vec_dense(j, c2):
        r16 = lax.iota(jnp.int32, 16) + j * 16
        for c in range(N_DENSE):
            vals = plsc.load_gather(
                in_v, [r16, jnp.full((16,), N_EMB + c, jnp.int32)]
            )
            plsc.store_scatter(
                dense_v, [r16, jnp.full((16,), c, jnp.int32)], vals
            )
        return c2

    lax.fori_loop(0, ROWS_W // 16, vec_dense, 0)
    pltpu.sync_copy(
        dense_v,
        out_hbm.at[pl.ds(base, ROWS_W), pl.ds(N_EMB * EDIM, N_DENSE)],
    )

    def build_idx(i, p):
        def vec(j, c2):
            r16 = lax.iota(jnp.int32, 16) + j * 16
            cols = jnp.full((16,), i, jnp.int32)
            vals = plsc.load_gather(in_v, [r16, cols])
            v = vals.astype(jnp.int32)
            main = v + i * V_CUT
            apx = (MAIN_G * 8 + 64 * i - V_CUT) + v
            off = pl.multiple_of(j * 16, 16)
            idxs[p][pl.ds(off, 16)] = jnp.where(v < V_CUT, main, apx)
            return c2

        lax.fori_loop(0, ROWS_W // 16, vec, 0)

    def fire_gather(p):
        pltpu.async_copy(tab_hbm.at[idxs[p]], rows[p], semg[p])

    def wait_gather(p):
        pltpu.make_async_copy(
            tab_hbm.at[idxs[p]], rows[p], semg[p]
        ).wait()

    def fire_write(i, p):
        pltpu.async_copy(
            rows[p],
            out_hbm.at[pl.ds(base, ROWS_W), pl.ds(i * EDIM, EDIM)],
            semw[p],
        )

    def wait_write(p):
        pltpu.make_async_copy(
            rows[p],
            out_hbm.at[pl.ds(base, ROWS_W), pl.ds(0, EDIM)],
            semw[p],
        ).wait()

    def pair(pp, carry):
        for p in range(2):
            i = pp * 2 + p

            @pl.when(i < N_EMB)
            def _():
                build_idx(i, p)

                @pl.when(i >= 2)
                def _():
                    wait_write(p)

                fire_gather(p)

                @pl.when(i >= 1)
                def _():
                    wait_gather(1 - p)
                    fire_write(i - 1, 1 - p)

        return carry

    lax.fori_loop(0, (N_EMB + 1) // 2, pair, 0)
    lastp = (N_EMB - 1) % 2
    wait_gather(lastp)
    fire_write(N_EMB - 1, lastp)
    wait_write(lastp)
    wait_write(1 - lastp)


def kernel(inputs, tables):
    mesh = plsc.VectorSubcoreMesh(core_axis_name="c", subcore_axis_name="s")

    repack = pl.kernel(
        _repack_body,
        out_type=jax.ShapeDtypeStruct((TAB_G, 128), jnp.float32),
        mesh=mesh,
        scratch_types=[
            pltpu.VMEM((EDIM, SLAB), jnp.float32),
            pltpu.VMEM((EDIM, SLAB), jnp.float32),
            pltpu.VMEM((SLAB // 8, 128), jnp.float32),
            pltpu.VMEM((SLAB // 8, 128), jnp.float32),
            pltpu.VMEM((EDIM, TAIL_A), jnp.float32),
            pltpu.VMEM((EDIM, TAIL_B), jnp.float32),
            pltpu.SemaphoreType.DMA,
            pltpu.SemaphoreType.DMA,
            pltpu.SemaphoreType.DMA,
            pltpu.SemaphoreType.DMA,
        ],
        compiler_params=pltpu.CompilerParams(
            use_tc_tiling_on_sc=True, needs_layout_passes=False
        ),
    )
    tab_lin = repack(tables.transpose(0, 2, 1)).reshape(TAB_G * 8, EDIM)

    gather = pl.kernel(
        _gather_body,
        out_type=jax.ShapeDtypeStruct((B, OUT_D), jnp.float32),
        mesh=mesh,
        scratch_types=[
            pltpu.VMEM((ROWS_W, N_COL), jnp.float32),
            pltpu.VMEM((ROWS_W,), jnp.int32),
            pltpu.VMEM((ROWS_W,), jnp.int32),
            pltpu.VMEM((ROWS_W, EDIM), jnp.float32),
            pltpu.VMEM((ROWS_W, EDIM), jnp.float32),
            pltpu.VMEM((ROWS_W, N_DENSE), jnp.float32),
            pltpu.SemaphoreType.DMA,
            pltpu.SemaphoreType.DMA,
            pltpu.SemaphoreType.DMA,
            pltpu.SemaphoreType.DMA,
        ],
        compiler_params=pltpu.CompilerParams(
            use_tc_tiling_on_sc=False, needs_layout_passes=False
        ),
    )
    return gather(inputs, tab_lin)

# --- scband reference (transcript-rebuilt; emitter-appended) ---
"""Pipeline reference for scband-categorizer-39908836115086 (READ-ONLY COPY).

The authoritative reference and input builder live on the scoring server;
editing this copy changes nothing except your own understanding.
"""

import jax, jax.numpy as jnp
import numpy as np

B = 16384
N_EMB = 26
VOCAB = 100000
EDIM = 16
N_DENSE = 13


def setup_inputs(seed: int = 0) -> dict:
    key = jax.random.key(seed)
    k1, k2 = jax.random.split(key)
    # Keras model takes a single float tensor; first N_EMB columns are categorical
    # indices (Embedding casts them to int), remaining columns are passed through.
    idx = jax.random.randint(k1, (B, N_EMB + N_DENSE), 0, VOCAB)
    inputs = idx.astype(jnp.float32)
    # 26 embedding tables, each [VOCAB, EDIM], stacked for convenience.
    tables = jax.random.normal(k2, (N_EMB, VOCAB, EDIM), dtype=jnp.float32) * 0.05
    return {"inputs": inputs, "tables": tables}


def reference(inputs, tables):
    # Faithful translation of the Keras graph:
    #   for each categorical column i: Embedding_i(inputs[:, i])
    #   then concat all embeddings with the dense tail inputs[:, N_EMB:]
    idx = inputs[:, :N_EMB].astype(jnp.int32)
    embs = [jnp.take(tables[i], idx[:, i], axis=0) for i in range(N_EMB)]
    embs.append(inputs[:, N_EMB:])
    return jnp.concatenate(embs, axis=1)

if __name__ == "__main__":
    import jax
    _d = setup_inputs()
    print(jax.jit(kernel)(*tuple(_d.values())))

</pallas_src>

<mosaic_0001>
#map = affine_map<(d0, d1) -> (0, 0, 0)>
#map1 = affine_map<(d0, d1) -> (0, 0)>
module attributes {stable_mosaic.version = 14 : i64} {
  func.func @_repack_body(%arg0: i32, %arg1: i32, %arg2: memref<26x16x100000xf32, #tpu.memory_space<hbm>>, %arg3: memref<325104x128xf32, #tpu.memory_space<hbm>>, %arg4: memref<16x1536xf32, #tpu.memory_space<vmem>>, %arg5: memref<16x1536xf32, #tpu.memory_space<vmem>>, %arg6: memref<192x128xf32, #tpu.memory_space<vmem>>, %arg7: memref<192x128xf32, #tpu.memory_space<vmem>>, %arg8: memref<16x128xf32, #tpu.memory_space<vmem>>, %arg9: memref<16x32xf32, #tpu.memory_space<vmem>>, %arg10: memref<!tpu.dma_semaphore, #tpu.memory_space<semaphore_mem>>, %arg11: memref<!tpu.dma_semaphore, #tpu.memory_space<semaphore_mem>>, %arg12: memref<!tpu.dma_semaphore, #tpu.memory_space<semaphore_mem>>, %arg13: memref<!tpu.dma_semaphore, #tpu.memory_space<semaphore_mem>>) attributes {dimension_semantics = [#tpu.dimension_semantics<core_parallel>, #tpu.dimension_semantics<subcore_parallel>], iteration_bounds = array<i64: 2, 16>, scalar_prefetch = 0 : i64, scratch_operands = 10 : i64, tpu.core_type = #tpu.core_type<sc_vector_subcore>, window_params = [{transform_indices = #map}, {transform_indices = #map1}]} {
    %mul3A = arith.constant 2 : i32
    %mul3A_0 = arith.muli %arg1, %mul3A : i32
    %add3A = arith.addi %mul3A_0, %arg0 : i32
    %sub3A = arith.constant 1690 : i32
    %sub3A_1 = arith.subi %sub3A, %add3A : i32
    %add3A_2 = arith.constant 32 : i32
    %add3A_3 = arith.addi %sub3A_1, %add3A_2 : i32
    %sub3A_4 = arith.constant 1 : i32
    %sub3A_5 = arith.subi %add3A_3, %sub3A_4 : i32
    %jit3A = arith.constant 32 : i32
    %div3A = arith.divsi %sub3A_5, %jit3A : i32
    %sign3A = arith.constant 0 : i32
    %sign3A_6 = arith.cmpi sgt, %sub3A_5, %sign3A : i32
    %sign3A_7 = arith.extui %sign3A_6 : i1 to i32
    %sign3A_8 = arith.constant 0 : i32
    %sign3A_9 = arith.cmpi slt, %sub3A_5, %sign3A_8 : i32
    %sign3A_10 = arith.extui %sign3A_9 : i1 to i32
    %sign3A_11 = arith.subi %sign3A_7, %sign3A_10 : i32
    %sign3A_12 = arith.constant 0 : i32
    %sign3A_13 = arith.cmpi sgt, %jit3A, %sign3A_12 : i32
    %sign3A_14 = arith.extui %sign3A_13 : i1 to i32
    %sign3A_15 = arith.constant 0 : i32
    %sign3A_16 = arith.cmpi slt, %jit3A, %sign3A_15 : i32
    %sign3A_17 = arith.extui %sign3A_16 : i1 to i32
    %sign3A_18 = arith.subi %sign3A_14, %sign3A_17 : i32
    %ne3A = arith.cmpi ne, %sign3A_11, %sign3A_18 : i32
    %rem3A = arith.remsi %sub3A_5, %jit3A : i32
    %ne3A_19 = arith.constant 0 : i32
    %ne3A_20 = arith.cmpi ne, %rem3A, %ne3A_19 : i32
    %and3A = arith.andi %ne3A, %ne3A_20 : i1
    %sub3A_21 = arith.constant 1 : i32
    %sub3A_22 = arith.subi %div3A, %sub3A_21 : i32
    %select_n3A = arith.select %and3A, %sub3A_22, %div3A : i32
    %add3A_23 = arith.constant 0 : i32
    %add3A_24 = arith.addi %add3A, %add3A_23 : i32
    %jit3A_25 = arith.constant 65 : i32
    %div3A_26 = arith.divsi %add3A_24, %jit3A_25 : i32
    %sign3A_27 = arith.constant 0 : i32
    %sign3A_28 = arith.cmpi sgt, %add3A_24, %sign3A_27 : i32
    %sign3A_29 = arith.extui %sign3A_28 : i1 to i32
    %sign3A_30 = arith.constant 0 : i32
    %sign3A_31 = arith.cmpi slt, %add3A_24, %sign3A_30 : i32
    %sign3A_32 = arith.extui %sign3A_31 : i1 to i32
    %sign3A_33 = arith.subi %sign3A_29, %sign3A_32 : i32
    %sign3A_34 = arith.constant 0 : i32
    %sign3A_35 = arith.cmpi sgt, %jit3A_25, %sign3A_34 : i32
    %sign3A_36 = arith.extui %sign3A_35 : i1 to i32
    %sign3A_37 = arith.constant 0 : i32
    %sign3A_38 = arith.cmpi slt, %jit3A_25, %sign3A_37 : i32
    %sign3A_39 = arith.extui %sign3A_38 : i1 to i32
    %sign3A_40 = arith.subi %sign3A_36, %sign3A_39 : i32
    %ne3A_41 = arith.cmpi ne, %sign3A_33, %sign3A_40 : i32
    %rem3A_42 = arith.remsi %add3A_24, %jit3A_25 : i32
    %ne3A_43 = arith.constant 0 : i32
    %ne3A_44 = arith.cmpi ne, %rem3A_42, %ne3A_43 : i32
    %and3A_45 = arith.andi %ne3A_41, %ne3A_44 : i1
    %sub3A_46 = arith.constant 1 : i32
    %sub3A_47 = arith.subi %div3A_26, %sub3A_46 : i32
    %select_n3A_48 = arith.select %and3A_45, %sub3A_47, %div3A_26 : i32
    %jit3A_49 = arith.constant 65 : i32
    %eq3A = arith.constant 0 : i32
    %eq3A_50 = arith.cmpi eq, %jit3A_49, %eq3A : i32
    %jit3A_51 = arith.constant 1 : i32
    %select_n3A_52 = arith.select %eq3A_50, %jit3A_51, %jit3A_49 : i32
    %rem3A_53 = arith.remsi %add3A_24, %select_n3A_52 : i32
    %ne3A_54 = arith.constant 0 : i32
    %ne3A_55 = arith.cmpi ne, %rem3A_53, %ne3A_54 : i32
    %lt3A = arith.constant 0 : i32
    %lt3A_56 = arith.cmpi slt, %rem3A_53, %lt3A : i32
    %lt3A_57 = arith.constant 0 : i32
    %lt3A_58 = arith.cmpi slt, %select_n3A_52, %lt3A_57 : i32
    %ne3A_59 = arith.xori %lt3A_56, %lt3A_58 : i1
    %and3A_60 = arith.andi %ne3A_59, %ne3A_55 : i1
    %add3A_61 = arith.addi %rem3A_53, %select_n3A_52 : i32
    %select_n3A_62 = arith.select %and3A_60, %add3A_61, %rem3A_53 : i32
    %mul3A_63 = arith.constant 1536 : i32
    %mul3A_64 = arith.muli %select_n3A_62, %mul3A_63 : i32
    %multiple_of3A = tpu.assume_multiple %mul3A_64, 128 : i32
    %dma_start3A = arith.constant 0 : i32
    %dma_start3A_65 = arith.constant 0 : i32
    %dma_start3A_66 = tpu.memref_slice %arg2[%select_n3A_48, %dma_start3A, %dma_start3A_65] : memref<26x16x100000xf32, #tpu.memory_space<hbm>> -> memref<1x16x100000xf32, #tpu.memory_space<hbm>>
    %dma_start3A_67 = tpu.memref_squeeze %dma_start3A_66 : memref<1x16x100000xf32, #tpu.memory_space<hbm>> -> memref<16x100000xf32, #tpu.memory_space<hbm>>
    %dma_start3A_68 = arith.constant 0 : i32
    %dma_start3A_69 = tpu.memref_slice %dma_start3A_67[%dma_start3A_68, %multiple_of3A] : memref<16x100000xf32, #tpu.memory_space<hbm>> -> memref<16x1536xf32, #tpu.memory_space<hbm>>
    %dma_start3A_70 = arith.constant 0 : i32
    %dma_start3A_71 = arith.constant 0 : i32
    %dma_start3A_72 = tpu.memref_slice %arg2[%select_n3A_48, %dma_start3A_70, %dma_start3A_71] : memref<26x16x100000xf32, #tpu.memory_space<hbm>> -> memref<1x16x100000xf32, #tpu.memory_space<hbm>>
    %dma_start3A_73 = tpu.memref_squeeze %dma_start3A_72 : memref<1x16x100000xf32, #tpu.memory_space<hbm>> -> memref<16x100000xf32, #tpu.memory_space<hbm>>
    %dma_start3A_74 = arith.constant 0 : i32
    %dma_start3A_75 = tpu.memref_slice %dma_start3A_73[%dma_start3A_74, %multiple_of3A] : memref<16x100000xf32, #tpu.memory_space<hbm>> -> memref<16x1536xf32, #tpu.memory_space<hbm>>
    tpu.enqueue_dma source(%dma_start3A_75 : memref<16x1536xf32, #tpu.memory_space<hbm>>) target(%arg4 : memref<16x1536xf32, #tpu.memory_space<vmem>>) target_semaphore(%arg10 : memref<!tpu.dma_semaphore, #tpu.memory_space<semaphore_mem>>)
    %add3A_76 = arith.constant 1 : i32
    %add3A_77 = arith.addi %select_n3A, %add3A_76 : i32
    %jit3A_78 = arith.constant 2 : i32
    %div3A_79 = arith.divsi %add3A_77, %jit3A_78 : i32
    %sign3A_80 = arith.constant 0 : i32
    %sign3A_81 = arith.cmpi sgt, %add3A_77, %sign3A_80 : i32
    %sign3A_82 = arith.extui %sign3A_81 : i1 to i32
    %sign3A_83 = arith.constant 0 : i32
    %sign3A_84 = arith.cmpi slt, %add3A_77, %sign3A_83 : i32
    %sign3A_85 = arith.extui %sign3A_84 : i1 to i32
    %sign3A_86 = arith.subi %sign3A_82, %sign3A_85 : i32
    %sign3A_87 = arith.constant 0 : i32
    %sign3A_88 = arith.cmpi sgt, %jit3A_78, %sign3A_87 : i32
    %sign3A_89 = arith.extui %sign3A_88 : i1 to i32
    %sign3A_90 = arith.constant 0 : i32
    %sign3A_91 = arith.cmpi slt, %jit3A_78, %sign3A_90 : i32
    %sign3A_92 = arith.extui %sign3A_91 : i1 to i32
    %sign3A_93 = arith.subi %sign3A_89, %sign3A_92 : i32
    %ne3A_94 = arith.cmpi ne, %sign3A_86, %sign3A_93 : i32
    %rem3A_95 = arith.remsi %add3A_77, %jit3A_78 : i32
    %ne3A_96 = arith.constant 0 : i32
    %ne3A_97 = arith.cmpi ne, %rem3A_95, %ne3A_96 : i32
    %and3A_98 = arith.andi %ne3A_94, %ne3A_97 : i1
    %sub3A_99 = arith.constant 1 : i32
    %sub3A_100 = arith.subi %div3A_79, %sub3A_99 : i32
    %select_n3A_101 = arith.select %and3A_98, %sub3A_100, %div3A_79 : i32
    %while3A = arith.constant 0 : i32
    %while3A_102 = arith.constant 0 : i32
    %while3A_103 = arith.subi %select_n3A_101, %while3A_102 : i32
    %while3A_104 = arith.addi %while3A_102, %while3A_103 : i32
    %while3A_105 = arith.constant 1 : i32
    %while3A_106 = arith.divsi %while3A_103, %while3A_105 : i32
    %while3A_107 = arith.muli %while3A_106, %while3A_105 : i32
    %while3A_108 = arith.addi %while3A_102, %while3A_107 : i32
    %while3A_109 = arith.constant 1 : i32
    scf.for %while3A_123 = %while3A_102 to %while3A_108 step %while3A_109  : i32 {
      %mul3A_124 = arith.constant 2 : i32
      %mul3A_125 = arith.muli %while3A_123, %mul3A_124 : i32
      %add3A_126 = arith.constant 0 : i32
      %add3A_127 = arith.addi %mul3A_125, %add3A_126 : i32
      %lt3A_128 = arith.cmpi slt, %add3A_127, %select_n3A : i32
      %convert_element_type3A_129 = arith.extui %lt3A_128 : i1 to i32
      %cond3A_130 = arith.constant 0 : i32
      %cond3A_131 = arith.cmpi ne, %convert_element_type3A_129, %cond3A_130 : i32
      scf.if %cond3A_131 {
        %dma_wait3A = arith.constant 0 : i32
        %dma_wait3A_140 = arith.constant 0 : i32
        %dma_wait3A_141 = arith.constant 0 : i32
        %dma_wait3A_142 = tpu.memref_slice %arg2[%dma_wait3A, %dma_wait3A_140, %dma_wait3A_141] : memref<26x16x100000xf32, #tpu.memory_space<hbm>> -> memref<1x16x100000xf32, #tpu.memory_space<hbm>>
        %dma_wait3A_143 = tpu.memref_squeeze %dma_wait3A_142 : memref<1x16x100000xf32, #tpu.memory_space<hbm>> -> memref<16x100000xf32, #tpu.memory_space<hbm>>
        %dma_wait3A_144 = arith.constant 0 : i32
        %dma_wait3A_145 = arith.constant 0 : i32
        %dma_wait3A_146 = tpu.memref_slice %dma_wait3A_143[%dma_wait3A_144, %dma_wait3A_145] : memref<16x100000xf32, #tpu.memory_space<hbm>> -> memref<16x1536xf32, #tpu.memory_space<hbm>>
        %dma_wait3A_147 = arith.constant 0 : i32
        %dma_wait3A_148 = arith.constant 0 : i32
        %dma_wait3A_149 = tpu.memref_slice %arg2[%dma_wait3A, %dma_wait3A_147, %dma_wait3A_148] : memref<26x16x100000xf32, #tpu.memory_space<hbm>> -> memref<1x16x100000xf32, #tpu.memory_space<hbm>>
        %dma_wait3A_150 = tpu.memref_squeeze %dma_wait3A_149 : memref<1x16x100000xf32, #tpu.memory_space<hbm>> -> memref<16x100000xf32, #tpu.memory_space<hbm>>
        %dma_wait3A_151 = arith.constant 0 : i32
        %dma_wait3A_152 = arith.constant 0 : i32
        %dma_wait3A_153 = tpu.memref_slice %dma_wait3A_150[%dma_wait3A_151, %dma_wait3A_152] : memref<16x100000xf32, #tpu.memory_space<hbm>> -> memref<16x1536xf32, #tpu.memory_space<hbm>>
        tpu.wait_dma2 semaphore(%arg10 : memref<!tpu.dma_semaphore, #tpu.memory_space<semaphore_mem>>) src(%dma_wait3A_153 : memref<16x1536xf32, #tpu.memory_space<hbm>>) dst(%arg4 : memref<16x1536xf32, #tpu.memory_space<vmem>>)
        %add3A_154 = arith.constant 1 : i32
        %add3A_155 = arith.addi %add3A_127, %add3A_154 : i32
        %lt3A_156 = arith.cmpi slt, %add3A_155, %select_n3A : i32
        %convert_element_type3A_157 = arith.extui %lt3A_156 : i1 to i32
        %cond3A_158 = arith.constant 0 : i32
        %cond3A_159 = arith.cmpi ne, %convert_element_type3A_157, %cond3A_158 : i32
        scf.if %cond3A_159 {
          %add3A_222 = arith.constant 1 : i32
          %add3A_223 = arith.addi %add3A_127, %add3A_222 : i32
          %mul3A_224 = arith.constant 32 : i32
          %mul3A_225 = arith.muli %add3A_223, %mul3A_224 : i32
          %add3A_226 = arith.addi %add3A, %mul3A_225 : i32
          %jit3A_227 = arith.constant 65 : i32
          %div3A_228 = arith.divsi %add3A_226, %jit3A_227 : i32
          %sign3A_229 = arith.constant 0 : i32
          %sign3A_230 = arith.cmpi sgt, %add3A_226, %sign3A_229 : i32
          %sign3A_231 = arith.extui %sign3A_230 : i1 to i32
          %sign3A_232 = arith.constant 0 : i32
          %sign3A_233 = arith.cmpi slt, %add3A_226, %sign3A_232 : i32
          %sign3A_234 = arith.extui %sign3A_233 : i1 to i32
          %sign3A_235 = arith.subi %sign3A_231, %sign3A_234 : i32
          %sign3A_236 = arith.constant 0 : i32
          %sign3A_237 = arith.cmpi sgt, %jit3A_227, %sign3A_236 : i32
          %sign3A_238 = arith.extui %sign3A_237 : i1 to i32
          %sign3A_239 = arith.constant 0 : i32
          %sign3A_240 = arith.cmpi slt, %jit3A_227, %sign3A_239 : i32
          %sign3A_241 = arith.extui %sign3A_240 : i1 to i32
          %sign3A_242 = arith.subi %sign3A_238, %sign3A_241 : i32
          %ne3A_243 = arith.cmpi ne, %sign3A_235, %sign3A_242 : i32
          %rem3A_244 = arith.remsi %add3A_226, %jit3A_227 : i32
          %ne3A_245 = arith.constant 0 : i32
          %ne3A_246 = arith.cmpi ne, %rem3A_244, %ne3A_245 : i32
          %and3A_247 = arith.andi %ne3A_243, %ne3A_246 : i1
          %sub3A_248 = arith.constant 1 : i32
          %sub3A_249 = arith.subi %div3A_228, %sub3A_248 : i32
          %select_n3A_250 = arith.select %and3A_247, %sub3A_249, %div3A_228 : i32
          %jit3A_251 = arith.constant 65 : i32
          %eq3A_252 = arith.constant 0 : i32
          %eq3A_253 = arith.cmpi eq, %jit3A_251, %eq3A_252 : i32
          %jit3A_254 = arith.constant 1 : i32
          %select_n3A_255 = arith.select %eq3A_253, %jit3A_254, %jit3A_251 : i32
          %rem3A_256 = arith.remsi %add3A_226, %select_n3A_255 : i32
          %ne3A_257 = arith.constant 0 : i32
          %ne3A_258 = arith.cmpi ne, %rem3A_256, %ne3A_257 : i32
          %lt3A_259 = arith.constant 0 : i32
          %lt3A_260 = arith.cmpi slt, %rem3A_256, %lt3A_259 : i32
          %lt3A_261 = arith.constant 0 : i32
          %lt3A_262 = arith.cmpi slt, %select_n3A_255, %lt3A_261 : i32
          %ne3A_263 = arith.xori %lt3A_260, %lt3A_262 : i1
          %and3A_264 = arith.andi %ne3A_263, %ne3A_258 : i1
          %add3A_265 = arith.addi %rem3A_256, %select_n3A_255 : i32
          %select_n3A_266 = arith.select %and3A_264, %add3A_265, %rem3A_256 : i32
          %mul3A_267 = arith.constant 1536 : i32
          %mul3A_268 = arith.muli %select_n3A_266, %mul3A_267 : i32
          %multiple_of3A_269 = tpu.assume_multiple %mul3A_268, 128 : i32
          %dma_start3A_270 = arith.constant 0 : i32
          %dma_start3A_271 = arith.constant 0 : i32
          %dma_start3A_272 = tpu.memref_slice %arg2[%select_n3A_250, %dma_start3A_270, %dma_start3A_271] : memref<26x16x100000xf32, #tpu.memory_space<hbm>> -> memref<1x16x100000xf32, #tpu.memory_space<hbm>>
          %dma_start3A_273 = tpu.memref_squeeze %dma_start3A_272 : memref<1x16x100000xf32, #tpu.memory_space<hbm>> -> memref<16x100000xf32, #tpu.memory_space<hbm>>
          %dma_start3A_274 = arith.constant 0 : i32
          %dma_start3A_275 = tpu.memref_slice %dma_start3A_273[%dma_start3A_274, %multiple_of3A_269] : memref<16x100000xf32, #tpu.memory_space<hbm>> -> memref<16x1536xf32, #tpu.memory_space<hbm>>
          %dma_start3A_276 = arith.constant 0 : i32
          %dma_start3A_277 = arith.constant 0 : i32
          %dma_start3A_278 = tpu.memref_slice %arg2[%select_n3A_250, %dma_start3A_276, %dma_start3A_277] : memref<26x16x100000xf32, #tpu.memory_space<hbm>> -> memref<1x16x100000xf32, #tpu.memory_space<hbm>>
          %dma_start3A_279 = tpu.memref_squeeze %dma_start3A_278 : memref<1x16x100000xf32, #tpu.memory_space<hbm>> -> memref<16x100000xf32, #tpu.memory_space<hbm>>
          %dma_start3A_280 = arith.constant 0 : i32
          %dma_start3A_281 = tpu.memref_slice %dma_start3A_279[%dma_start3A_280, %multiple_of3A_269] : memref<16x100000xf32, #tpu.memory_space<hbm>> -> memref<16x1536xf32, #tpu.memory_space<hbm>>
          tpu.enqueue_dma source(%dma_start3A_281 : memref<16x1536xf32, #tpu.memory_space<hbm>>) target(%arg5 : memref<16x1536xf32, #tpu.memory_space<vmem>>) target_semaphore(%arg11 : memref<!tpu.dma_semaphore, #tpu.memory_space<semaphore_mem>>)
        } else {
        }
        %ge3A = arith.constant 2 : i32
        %ge3A_160 = arith.cmpi sge, %add3A_127, %ge3A : i32
        %convert_element_type3A_161 = arith.extui %ge3A_160 : i1 to i32
        %cond3A_162 = arith.constant 0 : i32
        %cond3A_163 = arith.cmpi ne, %convert_element_type3A_161, %cond3A_162 : i32
        scf.if %cond3A_163 {
          %dma_wait3A_222 = arith.constant 0 : i32
          %dma_wait3A_223 = arith.constant 0 : i32
          %dma_wait3A_224 = tpu.memref_slice %arg3[%dma_wait3A_222, %dma_wait3A_223] : memref<325104x128xf32, #tpu.memory_space<hbm>> -> memref<192x128xf32, #tpu.memory_space<hbm>>
          %dma_wait3A_225 = arith.constant 0 : i32
          %dma_wait3A_226 = arith.constant 0 : i32
          %dma_wait3A_227 = tpu.memref_slice %arg3[%dma_wait3A_225, %dma_wait3A_226] : memref<325104x128xf32, #tpu.memory_space<hbm>> -> memref<192x128xf32, #tpu.memory_space<hbm>>
          tpu.wait_dma2 semaphore(%arg12 : memref<!tpu.dma_semaphore, #tpu.memory_space<semaphore_mem>>) src(%arg6 : memref<192x128xf32, #tpu.memory_space<vmem>>) dst(%dma_wait3A_227 : memref<192x128xf32, #tpu.memory_space<hbm>>)
        } else {
        }
        %scan3A = arith.constant 0 : i32
        %scan3A_164 = arith.constant 0 : i32
        %scan3A_165 = arith.constant 96 : i32
        %scan3A_166 = arith.addi %scan3A_164, %scan3A_165 : i32
        %scan3A_167 = arith.constant 1 : i32
        scf.for %scan3A_222 = %scan3A_164 to %scan3A_166 step %scan3A_167  : i32 {
          %sub3A_223 = arith.constant 0 : i32
          %sub3A_224 = arith.subi %scan3A_222, %sub3A_223 : i32
          %mul3A_225 = arith.constant 16 : i32
          %mul3A_226 = arith.muli %sub3A_224, %mul3A_225 : i32
          %iota3A = tpu.iota {dimensions = array<i32: 0>} : vector<16xi32>
          %add3A_227 = vector.broadcast %mul3A_226 : i32 to vector<16xi32>
          %add3A_228 = arith.addi %add3A_227, %iota3A : vector<16xi32>
          %shift_right_logical3A = arith.constant 3 : i32
          %shift_right_logical3A_229 = vector.broadcast %shift_right_logical3A : i32 to vector<16xi32>
          %shift_right_logical3A_230 = arith.shrui %add3A_228, %shift_right_logical3A_229 : vector<16xi32>
          %and3A_231 = arith.constant 7 : i32
          %and3A_232 = vector.broadcast %and3A_231 : i32 to vector<16xi32>
          %and3A_233 = arith.andi %iota3A, %and3A_232 : vector<16xi32>
          %mul3A_234 = arith.constant 16 : i32
          %mul3A_235 = vector.broadcast %mul3A_234 : i32 to vector<16xi32>
          %mul3A_236 = arith.muli %and3A_233, %mul3A_235 : vector<16xi32>
          %mul3A_237 = arith.constant 16 : i32
          %mul3A_238 = arith.muli %scan3A_222, %mul3A_237 : i32
          %multiple_of3A_239 = tpu.assume_multiple %mul3A_238, 16 : i32
          %get3A = arith.constant 0 : i32
          %get3A_240 = arith.index_cast %get3A : i32 to index
          %get3A_241 = arith.index_cast %multiple_of3A_239 : i32 to index
          %get3A_242 = tpu.vector_load %arg4[%get3A_240, %get3A_241] {strides = array<i32>} : memref<16x1536xf32, #tpu.memory_space<vmem>>, vector<16xf32>,
          %mul3A_243 = arith.constant 16 : i32
          %mul3A_244 = arith.muli %scan3A_222, %mul3A_243 : i32
          %multiple_of3A_245 = tpu.assume_multiple %mul3A_244, 16 : i32
          %get3A_246 = arith.constant 1 : i32
          %get3A_247 = arith.index_cast %get3A_246 : i32 to index
          %get3A_248 = arith.index_cast %multiple_of3A_245 : i32 to index
          %get3A_249 = tpu.vector_load %arg4[%get3A_247, %get3A_248] {strides = array<i32>} : memref<16x1536xf32, #tpu.memory_space<vmem>>, vector<16xf32>,
          %mul3A_250 = arith.constant 16 : i32
          %mul3A_251 = arith.muli %scan3A_222, %mul3A_250 : i32
          %multiple_of3A_252 = tpu.assume_multiple %mul3A_251, 16 : i32
          %get3A_253 = arith.constant 2 : i32
          %get3A_254 = arith.index_cast %get3A_253 : i32 to index
          %get3A_255 = arith.index_cast %multiple_of3A_252 : i32 to index
          %get3A_256 = tpu.vector_load %arg4[%get3A_254, %get3A_255] {strides = array<i32>} : memref<16x1536xf32, #tpu.memory_space<vmem>>, vector<16xf32>,
          %mul3A_257 = arith.constant 16 : i32
          %mul3A_258 = arith.muli %scan3A_222, %mul3A_257 : i32
          %multiple_of3A_259 = tpu.assume_multiple %mul3A_258, 16 : i32
          %get3A_260 = arith.constant 3 : i32
          %get3A_261 = arith.index_cast %get3A_260 : i32 to index
          %get3A_262 = arith.index_cast %multiple_of3A_259 : i32 to index
          %get3A_263 = tpu.vector_load %arg4[%get3A_261, %get3A_262] {strides = array<i32>} : memref<16x1536xf32, #tpu.memory_space<vmem>>, vector<16xf32>,
          %mul3A_264 = arith.constant 16 : i32
          %mul3A_265 = arith.muli %scan3A_222, %mul3A_264 : i32
          %multiple_of3A_266 = tpu.assume_multiple %mul3A_265, 16 : i32
          %get3A_267 = arith.constant 4 : i32
          %get3A_268 = arith.index_cast %get3A_267 : i32 to index
          %get3A_269 = arith.index_cast %multiple_of3A_266 : i32 to index
          %get3A_270 = tpu.vector_load %arg4[%get3A_268, %get3A_269] {strides = array<i32>} : memref<16x1536xf32, #tpu.memory_space<vmem>>, vector<16xf32>,
          %mul3A_271 = arith.constant 16 : i32
          %mul3A_272 = arith.muli %scan3A_222, %mul3A_271 : i32
          %multiple_of3A_273 = tpu.assume_multiple %mul3A_272, 16 : i32
          %get3A_274 = arith.constant 5 : i32
          %get3A_275 = arith.index_cast %get3A_274 : i32 to index
          %get3A_276 = arith.index_cast %multiple_of3A_273 : i32 to index
          %get3A_277 = tpu.vector_load %arg4[%get3A_275, %get3A_276] {strides = array<i32>} : memref<16x1536xf32, #tpu.memory_space<vmem>>, vector<16xf32>,
          %mul3A_278 = arith.constant 16 : i32
          %mul3A_279 = arith.muli %scan3A_222, %mul3A_278 : i32
          %multiple_of3A_280 = tpu.assume_multiple %mul3A_279, 16 : i32
          %get3A_281 = arith.constant 6 : i32
          %get3A_282 = arith.index_cast %get3A_281 : i32 to index
          %get3A_283 = arith.index_cast %multiple_of3A_280 : i32 to index
          %get3A_284 = tpu.vector_load %arg4[%get3A_282, %get3A_283] {strides = array<i32>} : memref<16x1536xf32, #tpu.memory_space<vmem>>, vector<16xf32>,
          %mul3A_285 = arith.constant 16 : i32
          %mul3A_286 = arith.muli %scan3A_222, %mul3A_285 : i32
          %multiple_of3A_287 = tpu.assume_multiple %mul3A_286, 16 : i32
          %get3A_288 = arith.constant 7 : i32
          %get3A_289 = arith.index_cast %get3A_288 : i32 to index
          %get3A_290 = arith.index_cast %multiple_of3A_287 : i32 to index
          %get3A_291 = tpu.vector_load %arg4[%get3A_289, %get3A_290] {strides = array<i32>} : memref<16x1536xf32, #tpu.memory_space<vmem>>, vector<16xf32>,
          %mul3A_292 = arith.constant 16 : i32
          %mul3A_293 = arith.muli %scan3A_222, %mul3A_292 : i32
          %multiple_of3A_294 = tpu.assume_multiple %mul3A_293, 16 : i32
          %get3A_295 = arith.constant 8 : i32
          %get3A_296 = arith.index_cast %get3A_295 : i32 to index
          %get3A_297 = arith.index_cast %multiple_of3A_294 : i32 to index
          %get3A_298 = tpu.vector_load %arg4[%get3A_296, %get3A_297] {strides = array<i32>} : memref<16x1536xf32, #tpu.memory_space<vmem>>, vector<16xf32>,
          %mul3A_299 = arith.constant 16 : i32
          %mul3A_300 = arith.muli %scan3A_222, %mul3A_299 : i32
          %multiple_of3A_301 = tpu.assume_multiple %mul3A_300, 16 : i32
          %get3A_302 = arith.constant 9 : i32
          %get3A_303 = arith.index_cast %get3A_302 : i32 to index
          %get3A_304 = arith.index_cast %multiple_of3A_301 : i32 to index
          %get3A_305 = tpu.vector_load %arg4[%get3A_303, %get3A_304] {strides = array<i32>} : memref<16x1536xf32, #tpu.memory_space<vmem>>, vector<16xf32>,
          %mul3A_306 = arith.constant 16 : i32
          %mul3A_307 = arith.muli %scan3A_222, %mul3A_306 : i32
          %multiple_of3A_308 = tpu.assume_multiple %mul3A_307, 16 : i32
          %get3A_309 = arith.constant 10 : i32
          %get3A_310 = arith.index_cast %get3A_309 : i32 to index
          %get3A_311 = arith.index_cast %multiple_of3A_308 : i32 to index
          %get3A_312 = tpu.vector_load %arg4[%get3A_310, %get3A_311] {strides = array<i32>} : memref<16x1536xf32, #tpu.memory_space<vmem>>, vector<16xf32>,
          %mul3A_313 = arith.constant 16 : i32
          %mul3A_314 = arith.muli %scan3A_222, %mul3A_313 : i32
          %multiple_of3A_315 = tpu.assume_multiple %mul3A_314, 16 : i32
          %get3A_316 = arith.constant 11 : i32
          %get3A_317 = arith.index_cast %get3A_316 : i32 to index
          %get3A_318 = arith.index_cast %multiple_of3A_315 : i32 to index
          %get3A_319 = tpu.vector_load %arg4[%get3A_317, %get3A_318] {strides = array<i32>} : memref<16x1536xf32, #tpu.memory_space<vmem>>, vector<16xf32>,
          %mul3A_320 = arith.constant 16 : i32
          %mul3A_321 = arith.muli %scan3A_222, %mul3A_320 : i32
          %multiple_of3A_322 = tpu.assume_multiple %mul3A_321, 16 : i32
          %get3A_323 = arith.constant 12 : i32
          %get3A_324 = arith.index_cast %get3A_323 : i32 to index
          %get3A_325 = arith.index_cast %multiple_of3A_322 : i32 to index
          %get3A_326 = tpu.vector_load %arg4[%get3A_324, %get3A_325] {strides = array<i32>} : memref<16x1536xf32, #tpu.memory_space<vmem>>, vector<16xf32>,
          %mul3A_327 = arith.constant 16 : i32
          %mul3A_328 = arith.muli %scan3A_222, %mul3A_327 : i32
          %multiple_of3A_329 = tpu.assume_multiple %mul3A_328, 16 : i32
          %get3A_330 = arith.constant 13 : i32
          %get3A_331 = arith.index_cast %get3A_330 : i32 to index
          %get3A_332 = arith.index_cast %multiple_of3A_329 : i32 to index
          %get3A_333 = tpu.vector_load %arg4[%get3A_331, %get3A_332] {strides = array<i32>} : memref<16x1536xf32, #tpu.memory_space<vmem>>, vector<16xf32>,
          %mul3A_334 = arith.constant 16 : i32
          %mul3A_335 = arith.muli %scan3A_222, %mul3A_334 : i32
          %multiple_of3A_336 = tpu.assume_multiple %mul3A_335, 16 : i32
          %get3A_337 = arith.constant 14 : i32
          %get3A_338 = arith.index_cast %get3A_337 : i32 to index
          %get3A_339 = arith.index_cast %multiple_of3A_336 : i32 to index
          %get3A_340 = tpu.vector_load %arg4[%get3A_338, %get3A_339] {strides = array<i32>} : memref<16x1536xf32, #tpu.memory_space<vmem>>, vector<16xf32>,
          %mul3A_341 = arith.constant 16 : i32
          %mul3A_342 = arith.muli %scan3A_222, %mul3A_341 : i32
          %multiple_of3A_343 = tpu.assume_multiple %mul3A_342, 16 : i32
          %get3A_344 = arith.constant 15 : i32
          %get3A_345 = arith.index_cast %get3A_344 : i32 to index
          %get3A_346 = arith.index_cast %multiple_of3A_343 : i32 to index
          %get3A_347 = tpu.vector_load %arg4[%get3A_345, %get3A_346] {strides = array<i32>} : memref<16x1536xf32, #tpu.memory_space<vmem>>, vector<16xf32>,
          %add3A_348 = arith.constant 0 : i32
          %add3A_349 = vector.broadcast %add3A_348 : i32 to vector<16xi32>
          %add3A_350 = arith.addi %mul3A_236, %add3A_349 : vector<16xi32>
          tpu.vector_store_idx %arg6[%shift_right_logical3A_230, %add3A_350], %get3A_242 : memref<192x128xf32, #tpu.memory_space<vmem>>[vector<16xi32>, vector<16xi32>], vector<16xf32>,
          %add3A_351 = arith.constant 1 : i32
          %add3A_352 = vector.broadcast %add3A_351 : i32 to vector<16xi32>
          %add3A_353 = arith.addi %mul3A_236, %add3A_352 : vector<16xi32>
          tpu.vector_store_idx %arg6[%shift_right_logical3A_230, %add3A_353], %get3A_249 : memref<192x128xf32, #tpu.memory_space<vmem>>[vector<16xi32>, vector<16xi32>], vector<16xf32>,
          %add3A_354 = arith.constant 2 : i32
          %add3A_355 = vector.broadcast %add3A_354 : i32 to vector<16xi32>
          %add3A_356 = arith.addi %mul3A_236, %add3A_355 : vector<16xi32>
          tpu.vector_store_idx %arg6[%shift_right_logical3A_230, %add3A_356], %get3A_256 : memref<192x128xf32, #tpu.memory_space<vmem>>[vector<16xi32>, vector<16xi32>], vector<16xf32>,
          %add3A_357 = arith.constant 3 : i32
          %add3A_358 = vector.broadcast %add3A_357 : i32 to vector<16xi32>
          %add3A_359 = arith.addi %mul3A_236, %add3A_358 : vector<16xi32>
          tpu.vector_store_idx %arg6[%shift_right_logical3A_230, %add3A_359], %get3A_263 : memref<192x128xf32, #tpu.memory_space<vmem>>[vector<16xi32>, vector<16xi32>], vector<16xf32>,
          %add3A_360 = arith.constant 4 : i32
          %add3A_361 = vector.broadcast %add3A_360 : i32 to vector<16xi32>
          %add3A_362 = arith.addi %mul3A_236, %add3A_361 : vector<16xi32>
          tpu.vector_store_idx %arg6[%shift_right_logical3A_230, %add3A_362], %get3A_270 : memref<192x128xf32, #tpu.memory_space<vmem>>[vector<16xi32>, vector<16xi32>], vector<16xf32>,
          %add3A_363 = arith.constant 5 : i32
          %add3A_364 = vector.broadcast %add3A_363 : i32 to vector<16xi32>
          %add3A_365 = arith.addi %mul3A_236, %add3A_364 : vector<16xi32>
          tpu.vector_store_idx %arg6[%shift_right_logical3A_230, %add3A_365], %get3A_277 : memref<192x128xf32, #tpu.memory_space<vmem>>[vector<16xi32>, vector<16xi32>], vector<16xf32>,
          %add3A_366 = arith.constant 6 : i32
          %add3A_367 = vector.broadcast %add3A_366 : i32 to vector<16xi32>
          %add3A_368 = arith.addi %mul3A_236, %add3A_367 : vector<16xi32>
          tpu.vector_store_idx %arg6[%shift_right_logical3A_230, %add3A_368], %get3A_284 : memref<192x128xf32, #tpu.memory_space<vmem>>[vector<16xi32>, vector<16xi32>], vector<16xf32>,
          %add3A_369 = arith.constant 7 : i32
          %add3A_370 = vector.broadcast %add3A_369 : i32 to vector<16xi32>
          %add3A_371 = arith.addi %mul3A_236, %add3A_370 : vector<16xi32>
          tpu.vector_store_idx %arg6[%shift_right_logical3A_230, %add3A_371], %get3A_291 : memref<192x128xf32, #tpu.memory_space<vmem>>[vector<16xi32>, vector<16xi32>], vector<16xf32>,
          %add3A_372 = arith.constant 8 : i32
          %add3A_373 = vector.broadcast %add3A_372 : i32 to vector<16xi32>
          %add3A_374 = arith.addi %mul3A_236, %add3A_373 : vector<16xi32>
          tpu.vector_store_idx %arg6[%shift_right_logical3A_230, %add3A_374], %get3A_298 : memref<192x128xf32, #tpu.memory_space<vmem>>[vector<16xi32>, vector<16xi32>], vector<16xf32>,
          %add3A_375 = arith.constant 9 : i32
          %add3A_376 = vector.broadcast %add3A_375 : i32 to vector<16xi32>
          %add3A_377 = arith.addi %mul3A_236, %add3A_376 : vector<16xi32>
          tpu.vector_store_idx %arg6[%shift_right_logical3A_230, %add3A_377], %get3A_305 : memref<192x128xf32, #tpu.memory_space<vmem>>[vector<16xi32>, vector<16xi32>], vector<16xf32>,
          %add3A_378 = arith.constant 10 : i32
          %add3A_379 = vector.broadcast %add3A_378 : i32 to vector<16xi32>
          %add3A_380 = arith.addi %mul3A_236, %add3A_379 : vector<16xi32>
          tpu.vector_store_idx %arg6[%shift_right_logical3A_230, %add3A_380], %get3A_312 : memref<192x128xf32, #tpu.memory_space<vmem>>[vector<16xi32>, vector<16xi32>], vector<16xf32>,
          %add3A_381 = arith.constant 11 : i32
          %add3A_382 = vector.broadcast %add3A_381 : i32 to vector<16xi32>
          %add3A_383 = arith.addi %mul3A_236, %add3A_382 : vector<16xi32>
          tpu.vector_store_idx %arg6[%shift_right_logical3A_230, %add3A_383], %get3A_319 : memref<192x128xf32, #tpu.memory_space<vmem>>[vector<16xi32>, vector<16xi32>], vector<16xf32>,
          %add3A_384 = arith.constant 12 : i32
          %add3A_385 = vector.broadcast %add3A_384 : i32 to vector<16xi32>
          %add3A_386 = arith.addi %mul3A_236, %add3A_385 : vector<16xi32>
          tpu.vector_store_idx %arg6[%shift_right_logical3A_230, %add3A_386], %get3A_326 : memref<192x128xf32, #tpu.memory_space<vmem>>[vector<16xi32>, vector<16xi32>], vector<16xf32>,
          %add3A_387 = arith.constant 13 : i32
          %add3A_388 = vector.broadcast %add3A_387 : i32 to vector<16xi32>
          %add3A_389 = arith.addi %mul3A_236, %add3A_388 : vector<16xi32>
          tpu.vector_store_idx %arg6[%shift_right_logical3A_230, %add3A_389], %get3A_333 : memref<192x128xf32, #tpu.memory_space<vmem>>[vector<16xi32>, vector<16xi32>], vector<16xf32>,
          %add3A_390 = arith.constant 14 : i32
          %add3A_391 = vector.broadcast %add3A_390 : i32 to vector<16xi32>
          %add3A_392 = arith.addi %mul3A_236, %add3A_391 : vector<16xi32>
          tpu.vector_store_idx %arg6[%shift_right_logical3A_230, %add3A_392], %get3A_340 : memref<192x128xf32, #tpu.memory_space<vmem>>[vector<16xi32>, vector<16xi32>], vector<16xf32>,
          %add3A_393 = arith.constant 15 : i32
          %add3A_394 = vector.broadcast %add3A_393 : i32 to vector<16xi32>
          %add3A_395 = arith.addi %mul3A_236, %add3A_394 : vector<16xi32>
          tpu.vector_store_idx %arg6[%shift_right_logical3A_230, %add3A_395], %get3A_347 : memref<192x128xf32, #tpu.memory_space<vmem>>[vector<16xi32>, vector<16xi32>], vector<16xf32>,
        }
        %scan3A_168 = arith.constant 96 : i32
        %mul3A_169 = arith.constant 32 : i32
        %mul3A_170 = arith.muli %add3A_127, %mul3A_169 : i32
        %add3A_171 = arith.addi %add3A, %mul3A_170 : i32
        %jit3A_172 = arith.constant 65 : i32
        %div3A_173 = arith.divsi %add3A_171, %jit3A_172 : i32
        %sign3A_174 = arith.constant 0 : i32
        %sign3A_175 = arith.cmpi sgt, %add3A_171, %sign3A_174 : i32
        %sign3A_176 = arith.extui %sign3A_175 : i1 to i32
        %sign3A_177 = arith.constant 0 : i32
        %sign3A_178 = arith.cmpi slt, %add3A_171, %sign3A_177 : i32
        %sign3A_179 = arith.extui %sign3A_178 : i1 to i32
        %sign3A_180 = arith.subi %sign3A_176, %sign3A_179 : i32
        %sign3A_181 = arith.constant 0 : i32
        %sign3A_182 = arith.cmpi sgt, %jit3A_172, %sign3A_181 : i32
        %sign3A_183 = arith.extui %sign3A_182 : i1 to i32
        %sign3A_184 = arith.constant 0 : i32
        %sign3A_185 = arith.cmpi slt, %jit3A_172, %sign3A_184 : i32
        %sign3A_186 = arith.extui %sign3A_185 : i1 to i32
        %sign3A_187 = arith.subi %sign3A_183, %sign3A_186 : i32
        %ne3A_188 = arith.cmpi ne, %sign3A_180, %sign3A_187 : i32
        %rem3A_189 = arith.remsi %add3A_171, %jit3A_172 : i32
        %ne3A_190 = arith.constant 0 : i32
        %ne3A_191 = arith.cmpi ne, %rem3A_189, %ne3A_190 : i32
        %and3A_192 = arith.andi %ne3A_188, %ne3A_191 : i1
        %sub3A_193 = arith.constant 1 : i32
        %sub3A_194 = arith.subi %div3A_173, %sub3A_193 : i32
        %select_n3A_195 = arith.select %and3A_192, %sub3A_194, %div3A_173 : i32
        %jit3A_196 = arith.constant 65 : i32
        %eq3A_197 = arith.constant 0 : i32
        %eq3A_198 = arith.cmpi eq, %jit3A_196, %eq3A_197 : i32
        %jit3A_199 = arith.constant 1 : i32
        %select_n3A_200 = arith.select %eq3A_198, %jit3A_199, %jit3A_196 : i32
        %rem3A_201 = arith.remsi %add3A_171, %select_n3A_200 : i32
        %ne3A_202 = arith.constant 0 : i32
        %ne3A_203 = arith.cmpi ne, %rem3A_201, %ne3A_202 : i32
        %lt3A_204 = arith.constant 0 : i32
        %lt3A_205 = arith.cmpi slt, %rem3A_201, %lt3A_204 : i32
        %lt3A_206 = arith.constant 0 : i32
        %lt3A_207 = arith.cmpi slt, %select_n3A_200, %lt3A_206 : i32
        %ne3A_208 = arith.xori %lt3A_205, %lt3A_207 : i1
        %and3A_209 = arith.andi %ne3A_208, %ne3A_203 : i1
        %add3A_210 = arith.addi %rem3A_201, %select_n3A_200 : i32
        %select_n3A_211 = arith.select %and3A_209, %add3A_210, %rem3A_201 : i32
        %mul3A_212 = arith.constant 12496 : i32
        %mul3A_213 = arith.muli %select_n3A_195, %mul3A_212 : i32
        %mul3A_214 = arith.constant 192 : i32
        %mul3A_215 = arith.muli %select_n3A_211, %mul3A_214 : i32
        %add3A_216 = arith.addi %mul3A_213, %mul3A_215 : i32
        %multiple_of3A_217 = tpu.assume_multiple %add3A_216, 8 : i32
        %dma_start3A_218 = arith.constant 0 : i32
        %dma_start3A_219 = tpu.memref_slice %arg3[%multiple_of3A_217, %dma_start3A_218] : memref<325104x128xf32, #tpu.memory_space<hbm>> -> memref<192x128xf32, #tpu.memory_space<hbm>>
        %dma_start3A_220 = arith.constant 0 : i32
        %dma_start3A_221 = tpu.memref_slice %arg3[%multiple_of3A_217, %dma_start3A_220] : memref<325104x128xf32, #tpu.memory_space<hbm>> -> memref<192x128xf32, #tpu.memory_space<hbm>>
        tpu.enqueue_dma source(%arg6 : memref<192x128xf32, #tpu.memory_space<vmem>>) target(%dma_start3A_221 : memref<192x128xf32, #tpu.memory_space<hbm>>) target_semaphore(%arg12 : memref<!tpu.dma_semaphore, #tpu.memory_space<semaphore_mem>>)
      } else {
      }
      %mul3A_132 = arith.constant 2 : i32
      %mul3A_133 = arith.muli %while3A_123, %mul3A_132 : i32
      %add3A_134 = arith.constant 1 : i32
      %add3A_135 = arith.addi %mul3A_133, %add3A_134 : i32
      %lt3A_136 = arith.cmpi slt, %add3A_135, %select_n3A : i32
      %convert_element_type3A_137 = arith.extui %lt3A_136 : i1 to i32
      %cond3A_138 = arith.constant 0 : i32
      %cond3A_139 = arith.cmpi ne, %convert_element_type3A_137, %cond3A_138 : i32
      scf.if %cond3A_139 {
        %dma_wait3A = arith.constant 0 : i32
        %dma_wait3A_140 = arith.constant 0 : i32
        %dma_wait3A_141 = arith.constant 0 : i32
        %dma_wait3A_142 = tpu.memref_slice %arg2[%dma_wait3A, %dma_wait3A_140, %dma_wait3A_141] : memref<26x16x100000xf32, #tpu.memory_space<hbm>> -> memref<1x16x100000xf32, #tpu.memory_space<hbm>>
        %dma_wait3A_143 = tpu.memref_squeeze %dma_wait3A_142 : memref<1x16x100000xf32, #tpu.memory_space<hbm>> -> memref<16x100000xf32, #tpu.memory_space<hbm>>
        %dma_wait3A_144 = arith.constant 0 : i32
        %dma_wait3A_145 = arith.constant 0 : i32
        %dma_wait3A_146 = tpu.memref_slice %dma_wait3A_143[%dma_wait3A_144, %dma_wait3A_145] : memref<16x100000xf32, #tpu.memory_space<hbm>> -> memref<16x1536xf32, #tpu.memory_space<hbm>>
        %dma_wait3A_147 = arith.constant 0 : i32
        %dma_wait3A_148 = arith.constant 0 : i32
        %dma_wait3A_149 = tpu.memref_slice %arg2[%dma_wait3A, %dma_wait3A_147, %dma_wait3A_148] : memref<26x16x100000xf32, #tpu.memory_space<hbm>> -> memref<1x16x100000xf32, #tpu.memory_space<hbm>>
        %dma_wait3A_150 = tpu.memref_squeeze %dma_wait3A_149 : memref<1x16x100000xf32, #tpu.memory_space<hbm>> -> memref<16x100000xf32, #tpu.memory_space<hbm>>
        %dma_wait3A_151 = arith.constant 0 : i32
        %dma_wait3A_152 = arith.constant 0 : i32
        %dma_wait3A_153 = tpu.memref_slice %dma_wait3A_150[%dma_wait3A_151, %dma_wait3A_152] : memref<16x100000xf32, #tpu.memory_space<hbm>> -> memref<16x1536xf32, #tpu.memory_space<hbm>>
        tpu.wait_dma2 semaphore(%arg11 : memref<!tpu.dma_semaphore, #tpu.memory_space<semaphore_mem>>) src(%dma_wait3A_153 : memref<16x1536xf32, #tpu.memory_space<hbm>>) dst(%arg5 : memref<16x1536xf32, #tpu.memory_space<vmem>>)
        %add3A_154 = arith.constant 1 : i32
        %add3A_155 = arith.addi %add3A_135, %add3A_154 : i32
        %lt3A_156 = arith.cmpi slt, %add3A_155, %select_n3A : i32
        %convert_element_type3A_157 = arith.extui %lt3A_156 : i1 to i32
        %cond3A_158 = arith.constant 0 : i32
        %cond3A_159 = arith.cmpi ne, %convert_element_type3A_157, %cond3A_158 : i32
        scf.if %cond3A_159 {
          %add3A_222 = arith.constant 1 : i32
          %add3A_223 = arith.addi %add3A_135, %add3A_222 : i32
          %mul3A_224 = arith.constant 32 : i32
          %mul3A_225 = arith.muli %add3A_223, %mul3A_224 : i32
          %add3A_226 = arith.addi %add3A, %mul3A_225 : i32
          %jit3A_227 = arith.constant 65 : i32
          %div3A_228 = arith.divsi %add3A_226, %jit3A_227 : i32
          %sign3A_229 = arith.constant 0 : i32
          %sign3A_230 = arith.cmpi sgt, %add3A_226, %sign3A_229 : i32
          %sign3A_231 = arith.extui %sign3A_230 : i1 to i32
          %sign3A_232 = arith.constant 0 : i32
          %sign3A_233 = arith.cmpi slt, %add3A_226, %sign3A_232 : i32
          %sign3A_234 = arith.extui %sign3A_233 : i1 to i32
          %sign3A_235 = arith.subi %sign3A_231, %sign3A_234 : i32
          %sign3A_236 = arith.constant 0 : i32
          %sign3A_237 = arith.cmpi sgt, %jit3A_227, %sign3A_236 : i32
          %sign3A_238 = arith.extui %sign3A_237 : i1 to i32
          %sign3A_239 = arith.constant 0 : i32
          %sign3A_240 = arith.cmpi slt, %jit3A_227, %sign3A_239 : i32
          %sign3A_241 = arith.extui %sign3A_240 : i1 to i32
          %sign3A_242 = arith.subi %sign3A_238, %sign3A_241 : i32
          %ne3A_243 = arith.cmpi ne, %sign3A_235, %sign3A_242 : i32
          %rem3A_244 = arith.remsi %add3A_226, %jit3A_227 : i32
          %ne3A_245 = arith.constant 0 : i32
          %ne3A_246 = arith.cmpi ne, %rem3A_244, %ne3A_245 : i32
          %and3A_247 = arith.andi %ne3A_243, %ne3A_246 : i1
          %sub3A_248 = arith.constant 1 : i32
          %sub3A_249 = arith.subi %div3A_228, %sub3A_248 : i32
          %select_n3A_250 = arith.select %and3A_247, %sub3A_249, %div3A_228 : i32
          %jit3A_251 = arith.constant 65 : i32
          %eq3A_252 = arith.constant 0 : i32
          %eq3A_253 = arith.cmpi eq, %jit3A_251, %eq3A_252 : i32
          %jit3A_254 = arith.constant 1 : i32
          %select_n3A_255 = arith.select %eq3A_253, %jit3A_254, %jit3A_251 : i32
          %rem3A_256 = arith.remsi %add3A_226, %select_n3A_255 : i32
          %ne3A_257 = arith.constant 0 : i32
          %ne3A_258 = arith.cmpi ne, %rem3A_256, %ne3A_257 : i32
          %lt3A_259 = arith.constant 0 : i32
          %lt3A_260 = arith.cmpi slt, %rem3A_256, %lt3A_259 : i32
          %lt3A_261 = arith.constant 0 : i32
          %lt3A_262 = arith.cmpi slt, %select_n3A_255, %lt3A_261 : i32
          %ne3A_263 = arith.xori %lt3A_260, %lt3A_262 : i1
          %and3A_264 = arith.andi %ne3A_263, %ne3A_258 : i1
          %add3A_265 = arith.addi %rem3A_256, %select_n3A_255 : i32
          %select_n3A_266 = arith.select %and3A_264, %add3A_265, %rem3A_256 : i32
          %mul3A_267 = arith.constant 1536 : i32
          %mul3A_268 = arith.muli %select_n3A_266, %mul3A_267 : i32
          %multiple_of3A_269 = tpu.assume_multiple %mul3A_268, 128 : i32
          %dma_start3A_270 = arith.constant 0 : i32
          %dma_start3A_271 = arith.constant 0 : i32
          %dma_start3A_272 = tpu.memref_slice %arg2[%select_n3A_250, %dma_start3A_270, %dma_start3A_271] : memref<26x16x100000xf32, #tpu.memory_space<hbm>> -> memref<1x16x100000xf32, #tpu.memory_space<hbm>>
          %dma_start3A_273 = tpu.memref_squeeze %dma_start3A_272 : memref<1x16x100000xf32, #tpu.memory_space<hbm>> -> memref<16x100000xf32, #tpu.memory_space<hbm>>
          %dma_start3A_274 = arith.constant 0 : i32
          %dma_start3A_275 = tpu.memref_slice %dma_start3A_273[%dma_start3A_274, %multiple_of3A_269] : memref<16x100000xf32, #tpu.memory_space<hbm>> -> memref<16x1536xf32, #tpu.memory_space<hbm>>
          %dma_start3A_276 = arith.constant 0 : i32
          %dma_start3A_277 = arith.constant 0 : i32
          %dma_start3A_278 = tpu.memref_slice %arg2[%select_n3A_250, %dma_start3A_276, %dma_start3A_277] : memref<26x16x100000xf32, #tpu.memory_space<hbm>> -> memref<1x16x100000xf32, #tpu.memory_space<hbm>>
          %dma_start3A_279 = tpu.memref_squeeze %dma_start3A_278 : memref<1x16x100000xf32, #tpu.memory_space<hbm>> -> memref<16x100000xf32, #tpu.memory_space<hbm>>
          %dma_start3A_280 = arith.constant 0 : i32
          %dma_start3A_281 = tpu.memref_slice %dma_start3A_279[%dma_start3A_280, %multiple_of3A_269] : memref<16x100000xf32, #tpu.memory_space<hbm>> -> memref<16x1536xf32, #tpu.memory_space<hbm>>
          tpu.enqueue_dma source(%dma_start3A_281 : memref<16x1536xf32, #tpu.memory_space<hbm>>) target(%arg4 : memref<16x1536xf32, #tpu.memory_space<vmem>>) target_semaphore(%arg10 : memref<!tpu.dma_semaphore, #tpu.memory_space<semaphore_mem>>)
        } else {
        }
        %ge3A = arith.constant 2 : i32
        %ge3A_160 = arith.cmpi sge, %add3A_135, %ge3A : i32
        %convert_element_type3A_161 = arith.extui %ge3A_160 : i1 to i32
        %cond3A_162 = arith.constant 0 : i32
        %cond3A_163 = arith.cmpi ne, %convert_element_type3A_161, %cond3A_162 : i32
        scf.if %cond3A_163 {
          %dma_wait3A_222 = arith.constant 0 : i32
          %dma_wait3A_223 = arith.constant 0 : i32
          %dma_wait3A_224 = tpu.memref_slice %arg3[%dma_wait3A_222, %dma_wait3A_223] : memref<325104x128xf32, #tpu.memory_space<hbm>> -> memref<192x128xf32, #tpu.memory_space<hbm>>
          %dma_wait3A_225 = arith.constant 0 : i32
          %dma_wait3A_226 = arith.constant 0 : i32
          %dma_wait3A_227 = tpu.memref_slice %arg3[%dma_wait3A_225, %dma_wait3A_226] : memref<325104x128xf32, #tpu.memory_space<hbm>> -> memref<192x128xf32, #tpu.memory_space<hbm>>
          tpu.wait_dma2 semaphore(%arg13 : memref<!tpu.dma_semaphore, #tpu.memory_space<semaphore_mem>>) src(%arg7 : memref<192x128xf32, #tpu.memory_space<vmem>>) dst(%dma_wait3A_227 : memref<192x128xf32, #tpu.memory_space<hbm>>)
        } else {
        }
        %scan3A = arith.constant 0 : i32
        %scan3A_164 = arith.constant 0 : i32
        %scan3A_165 = arith.constant 96 : i32
        %scan3A_166 = arith.addi %scan3A_164, %scan3A_165 : i32
        %scan3A_167 = arith.constant 1 : i32
        scf.for %scan3A_222 = %scan3A_164 to %scan3A_166 step %scan3A_167  : i32 {
          %sub3A_223 = arith.constant 0 : i32
          %sub3A_224 = arith.subi %scan3A_222, %sub3A_223 : i32
          %mul3A_225 = arith.constant 16 : i32
          %mul3A_226 = arith.muli %sub3A_224, %mul3A_225 : i32
          %iota3A = tpu.iota {dimensions = array<i32: 0>} : vector<16xi32>
          %add3A_227 = vector.broadcast %mul3A_226 : i32 to vector<16xi32>
          %add3A_228 = arith.addi %add3A_227, %iota3A : vector<16xi32>
          %shift_right_logical3A = arith.constant 3 : i32
          %shift_right_logical3A_229 = vector.broadcast %shift_right_logical3A : i32 to vector<16xi32>
          %shift_right_logical3A_230 = arith.shrui %add3A_228, %shift_right_logical3A_229 : vector<16xi32>
          %and3A_231 = arith.constant 7 : i32
          %and3A_232 = vector.broadcast %and3A_231 : i32 to vector<16xi32>
          %and3A_233 = arith.andi %iota3A, %and3A_232 : vector<16xi32>
          %mul3A_234 = arith.constant 16 : i32
          %mul3A_235 = vector.broadcast %mul3A_234 : i32 to vector<16xi32>
          %mul3A_236 = arith.muli %and3A_233, %mul3A_235 : vector<16xi32>
          %mul3A_237 = arith.constant 16 : i32
          %mul3A_238 = arith.muli %scan3A_222, %mul3A_237 : i32
          %multiple_of3A_239 = tpu.assume_multiple %mul3A_238, 16 : i32
          %get3A = arith.constant 0 : i32
          %get3A_240 = arith.index_cast %get3A : i32 to index
          %get3A_241 = arith.index_cast %multiple_of3A_239 : i32 to index
          %get3A_242 = tpu.vector_load %arg5[%get3A_240, %get3A_241] {strides = array<i32>} : memref<16x1536xf32, #tpu.memory_space<vmem>>, vector<16xf32>,
          %mul3A_243 = arith.constant 16 : i32
          %mul3A_244 = arith.muli %scan3A_222, %mul3A_243 : i32
          %multiple_of3A_245 = tpu.assume_multiple %mul3A_244, 16 : i32
          %get3A_246 = arith.constant 1 : i32
          %get3A_247 = arith.index_cast %get3A_246 : i32 to index
          %get3A_248 = arith.index_cast %multiple_of3A_245 : i32 to index
          %get3A_249 = tpu.vector_load %arg5[%get3A_247, %get3A_248] {strides = array<i32>} : memref<16x1536xf32, #tpu.memory_space<vmem>>, vector<16xf32>,
          %mul3A_250 = arith.constant 16 : i32
          %mul3A_251 = arith.muli %scan3A_222, %mul3A_250 : i32
          %multiple_of3A_252 = tpu.assume_multiple %mul3A_251, 16 : i32
          %get3A_253 = arith.constant 2 : i32
          %get3A_254 = arith.index_cast %get3A_253 : i32 to index
          %get3A_255 = arith.index_cast %multiple_of3A_252 : i32 to index
          %get3A_256 = tpu.vector_load %arg5[%get3A_254, %get3A_255] {strides = array<i32>} : memref<16x1536xf32, #tpu.memory_space<vmem>>, vector<16xf32>,
          %mul3A_257 = arith.constant 16 : i32
          %mul3A_258 = arith.muli %scan3A_222, %mul3A_257 : i32
          %multiple_of3A_259 = tpu.assume_multiple %mul3A_258, 16 : i32
          %get3A_260 = arith.constant 3 : i32
          %get3A_261 = arith.index_cast %get3A_260 : i32 to index
          %get3A_262 = arith.index_cast %multiple_of3A_259 : i32 to index
          %get3A_263 = tpu.vector_load %arg5[%get3A_261, %get3A_262] {strides = array<i32>} : memref<16x1536xf32, #tpu.memory_space<vmem>>, vector<16xf32>,
          %mul3A_264 = arith.constant 16 : i32
          %mul3A_265 = arith.muli %scan3A_222, %mul3A_264 : i32
          %multiple_of3A_266 = tpu.assume_multiple %mul3A_265, 16 : i32
          %get3A_267 = arith.constant 4 : i32
          %get3A_268 = arith.index_cast %get3A_267 : i32 to index
          %get3A_269 = arith.index_cast %multiple_of3A_266 : i32 to index
          %get3A_270 = tpu.vector_load %arg5[%get3A_268, %get3A_269] {strides = array<i32>} : memref<16x1536xf32, #tpu.memory_space<vmem>>, vector<16xf32>,
          %mul3A_271 = arith.constant 16 : i32
          %mul3A_272 = arith.muli %scan3A_222, %mul3A_271 : i32
          %multiple_of3A_273 = tpu.assume_multiple %mul3A_272, 16 : i32
          %get3A_274 = arith.constant 5 : i32
          %get3A_275 = arith.index_cast %get3A_274 : i32 to index
          %get3A_276 = arith.index_cast %multiple_of3A_273 : i32 to index
          %get3A_277 = tpu.vector_load %arg5[%get3A_275, %get3A_276] {strides = array<i32>} : memref<16x1536xf32, #tpu.memory_space<vmem>>, vector<16xf32>,
          %mul3A_278 = arith.constant 16 : i32
          %mul3A_279 = arith.muli %scan3A_222, %mul3A_278 : i32
          %multiple_of3A_280 = tpu.assume_multiple %mul3A_279, 16 : i32
          %get3A_281 = arith.constant 6 : i32
          %get3A_282 = arith.index_cast %get3A_281 : i32 to index
          %get3A_283 = arith.index_cast %multiple_of3A_280 : i32 to index
          %get3A_284 = tpu.vector_load %arg5[%get3A_282, %get3A_283] {strides = array<i32>} : memref<16x1536xf32, #tpu.memory_space<vmem>>, vector<16xf32>,
          %mul3A_285 = arith.constant 16 : i32
          %mul3A_286 = arith.muli %scan3A_222, %mul3A_285 : i32
          %multiple_of3A_287 = tpu.assume_multiple %mul3A_286, 16 : i32
          %get3A_288 = arith.constant 7 : i32
          %get3A_289 = arith.index_cast %get3A_288 : i32 to index
          %get3A_290 = arith.index_cast %multiple_of3A_287 : i32 to index
          %get3A_291 = tpu.vector_load %arg5[%get3A_289, %get3A_290] {strides = array<i32>} : memref<16x1536xf32, #tpu.memory_space<vmem>>, vector<16xf32>,
          %mul3A_292 = arith.constant 16 : i32
          %mul3A_293 = arith.muli %scan3A_222, %mul3A_292 : i32
          %multiple_of3A_294 = tpu.assume_multiple %mul3A_293, 16 : i32
          %get3A_295 = arith.constant 8 : i32
          %get3A_296 = arith.index_cast %get3A_295 : i32 to index
          %get3A_297 = arith.index_cast %multiple_of3A_294 : i32 to index
          %get3A_298 = tpu.vector_load %arg5[%get3A_296, %get3A_297] {strides = array<i32>} : memref<16x1536xf32, #tpu.memory_space<vmem>>, vector<16xf32>,
          %mul3A_299 = arith.constant 16 : i32
          %mul3A_300 = arith.muli %scan3A_222, %mul3A_299 : i32
          %multiple_of3A_301 = tpu.assume_multiple %mul3A_300, 16 : i32
          %get3A_302 = arith.constant 9 : i32
          %get3A_303 = arith.index_cast %get3A_302 : i32 to index
          %get3A_304 = arith.index_cast %multiple_of3A_301 : i32 to index
          %get3A_305 = tpu.vector_load %arg5[%get3A_303, %get3A_304] {strides = array<i32>} : memref<16x1536xf32, #tpu.memory_space<vmem>>, vector<16xf32>,
          %mul3A_306 = arith.constant 16 : i32
          %mul3A_307 = arith.muli %scan3A_222, %mul3A_306 : i32
          %multiple_of3A_308 = tpu.assume_multiple %mul3A_307, 16 : i32
          %get3A_309 = arith.constant 10 : i32
          %get3A_310 = arith.index_cast %get3A_309 : i32 to index
          %get3A_311 = arith.index_cast %multiple_of3A_308 : i32 to index
          %get3A_312 = tpu.vector_load %arg5[%get3A_310, %get3A_311] {strides = array<i32>} : memref<16x1536xf32, #tpu.memory_space<vmem>>, vector<16xf32>,
          %mul3A_313 = arith.constant 16 : i32
          %mul3A_314 = arith.muli %scan3A_222, %mul3A_313 : i32
          %multiple_of3A_315 = tpu.assume_multiple %mul3A_314, 16 : i32
          %get3A_316 = arith.constant 11 : i32
          %get3A_317 = arith.index_cast %get3A_316 : i32 to index
          %get3A_318 = arith.index_cast %multiple_of3A_315 : i32 to index
          %get3A_319 = tpu.vector_load %arg5[%get3A_317, %get3A_318] {strides = array<i32>} : memref<16x1536xf32, #tpu.memory_space<vmem>>, vector<16xf32>,
          %mul3A_320 = arith.constant 16 : i32
          %mul3A_321 = arith.muli %scan3A_222, %mul3A_320 : i32
          %multiple_of3A_322 = tpu.assume_multiple %mul3A_321, 16 : i32
          %get3A_323 = arith.constant 12 : i32
          %get3A_324 = arith.index_cast %get3A_323 : i32 to index
          %get3A_325 = arith.index_cast %multiple_of3A_322 : i32 to index
          %get3A_326 = tpu.vector_load %arg5[%get3A_324, %get3A_325] {strides = array<i32>} : memref<16x1536xf32, #tpu.memory_space<vmem>>, vector<16xf32>,
          %mul3A_327 = arith.constant 16 : i32
          %mul3A_328 = arith.muli %scan3A_222, %mul3A_327 : i32
          %multiple_of3A_329 = tpu.assume_multiple %mul3A_328, 16 : i32
          %get3A_330 = arith.constant 13 : i32
          %get3A_331 = arith.index_cast %get3A_330 : i32 to index
          %get3A_332 = arith.index_cast %multiple_of3A_329 : i32 to index
          %get3A_333 = tpu.vector_load %arg5[%get3A_331, %get3A_332] {strides = array<i32>} : memref<16x1536xf32, #tpu.memory_space<vmem>>, vector<16xf32>,
          %mul3A_334 = arith.constant 16 : i32
          %mul3A_335 = arith.muli %scan3A_222, %mul3A_334 : i32
          %multiple_of3A_336 = tpu.assume_multiple %mul3A_335, 16 : i32
          %get3A_337 = arith.constant 14 : i32
          %get3A_338 = arith.index_cast %get3A_337 : i32 to index
          %get3A_339 = arith.index_cast %multiple_of3A_336 : i32 to index
          %get3A_340 = tpu.vector_load %arg5[%get3A_338, %get3A_339] {strides = array<i32>} : memref<16x1536xf32, #tpu.memory_space<vmem>>, vector<16xf32>,
          %mul3A_341 = arith.constant 16 : i32
          %mul3A_342 = arith.muli %scan3A_222, %mul3A_341 : i32
          %multiple_of3A_343 = tpu.assume_multiple %mul3A_342, 16 : i32
          %get3A_344 = arith.constant 15 : i32
          %get3A_345 = arith.index_cast %get3A_344 : i32 to index
          %get3A_346 = arith.index_cast %multiple_of3A_343 : i32 to index
          %get3A_347 = tpu.vector_load %arg5[%get3A_345, %get3A_346] {strides = array<i32>} : memref<16x1536xf32, #tpu.memory_space<vmem>>, vector<16xf32>,
          %add3A_348 = arith.constant 0 : i32
          %add3A_349 = vector.broadcast %add3A_348 : i32 to vector<16xi32>
          %add3A_350 = arith.addi %mul3A_236, %add3A_349 : vector<16xi32>
          tpu.vector_store_idx %arg7[%shift_right_logical3A_230, %add3A_350], %get3A_242 : memref<192x128xf32, #tpu.memory_space<vmem>>[vector<16xi32>, vector<16xi32>], vector<16xf32>,
          %add3A_351 = arith.constant 1 : i32
          %add3A_352 = vector.broadcast %add3A_351 : i32 to vector<16xi32>
          %add3A_353 = arith.addi %mul3A_236, %add3A_352 : vector<16xi32>
          tpu.vector_store_idx %arg7[%shift_right_logical3A_230, %add3A_353], %get3A_249 : memref<192x128xf32, #tpu.memory_space<vmem>>[vector<16xi32>, vector<16xi32>], vector<16xf32>,
          %add3A_354 = arith.constant 2 : i32
          %add3A_355 = vector.broadcast %add3A_354 : i32 to vector<16xi32>
          %add3A_356 = arith.addi %mul3A_236, %add3A_355 : vector<16xi32>
          tpu.vector_store_idx %arg7[%shift_right_logical3A_230, %add3A_356], %get3A_256 : memref<192x128xf32, #tpu.memory_space<vmem>>[vector<16xi32>, vector<16xi32>], vector<16xf32>,
          %add3A_357 = arith.constant 3 : i32
          %add3A_358 = vector.broadcast %add3A_357 : i32 to vector<16xi32>
          %add3A_359 = arith.addi %mul3A_236, %add3A_358 : vector<16xi32>
          tpu.vector_store_idx %arg7[%shift_right_logical3A_230, %add3A_359], %get3A_263 : memref<192x128xf32, #tpu.memory_space<vmem>>[vector<16xi32>, vector<16xi32>], vector<16xf32>,
          %add3A_360 = arith.constant 4 : i32
          %add3A_361 = vector.broadcast %add3A_360 : i32 to vector<16xi32>
          %add3A_362 = arith.addi %mul3A_236, %add3A_361 : vector<16xi32>
          tpu.vector_store_idx %arg7[%shift_right_logical3A_230, %add3A_362], %get3A_270 : memref<192x128xf32, #tpu.memory_space<vmem>>[vector<16xi32>, vector<16xi32>], vector<16xf32>,
          %add3A_363 = arith.constant 5 : i32
          %add3A_364 = vector.broadcast %add3A_363 : i32 to vector<16xi32>
          %add3A_365 = arith.addi %mul3A_236, %add3A_364 : vector<16xi32>
          tpu.vector_store_idx %arg7[%shift_right_logical3A_230, %add3A_365], %get3A_277 : memref<192x128xf32, #tpu.memory_space<vmem>>[vector<16xi32>, vector<16xi32>], vector<16xf32>,
          %add3A_366 = arith.constant 6 : i32
          %add3A_367 = vector.broadcast %add3A_366 : i32 to vector<16xi32>
          %add3A_368 = arith.addi %mul3A_236, %add3A_367 : vector<16xi32>
          tpu.vector_store_idx %arg7[%shift_right_logical3A_230, %add3A_368], %get3A_284 : memref<192x128xf32, #tpu.memory_space<vmem>>[vector<16xi32>, vector<16xi32>], vector<16xf32>,
          %add3A_369 = arith.constant 7 : i32
          %add3A_370 = vector.broadcast %add3A_369 : i32 to vector<16xi32>
          %add3A_371 = arith.addi %mul3A_236, %add3A_370 : vector<16xi32>
          tpu.vector_store_idx %arg7[%shift_right_logical3A_230, %add3A_371], %get3A_291 : memref<192x128xf32, #tpu.memory_space<vmem>>[vector<16xi32>, vector<16xi32>], vector<16xf32>,
          %add3A_372 = arith.constant 8 : i32
          %add3A_373 = vector.broadcast %add3A_372 : i32 to vector<16xi32>
          %add3A_374 = arith.addi %mul3A_236, %add3A_373 : vector<16xi32>
          tpu.vector_store_idx %arg7[%shift_right_logical3A_230, %add3A_374], %get3A_298 : memref<192x128xf32, #tpu.memory_space<vmem>>[vector<16xi32>, vector<16xi32>], vector<16xf32>,
          %add3A_375 = arith.constant 9 : i32
          %add3A_376 = vector.broadcast %add3A_375 : i32 to vector<16xi32>
          %add3A_377 = arith.addi %mul3A_236, %add3A_376 : vector<16xi32>
          tpu.vector_store_idx %arg7[%shift_right_logical3A_230, %add3A_377], %get3A_305 : memref<192x128xf32, #tpu.memory_space<vmem>>[vector<16xi32>, vector<16xi32>], vector<16xf32>,
          %add3A_378 = arith.constant 10 : i32
          %add3A_379 = vector.broadcast %add3A_378 : i32 to vector<16xi32>
          %add3A_380 = arith.addi %mul3A_236, %add3A_379 : vector<16xi32>
          tpu.vector_store_idx %arg7[%shift_right_logical3A_230, %add3A_380], %get3A_312 : memref<192x128xf32, #tpu.memory_space<vmem>>[vector<16xi32>, vector<16xi32>], vector<16xf32>,
          %add3A_381 = arith.constant 11 : i32
          %add3A_382 = vector.broadcast %add3A_381 : i32 to vector<16xi32>
          %add3A_383 = arith.addi %mul3A_236, %add3A_382 : vector<16xi32>
          tpu.vector_store_idx %arg7[%shift_right_logical3A_230, %add3A_383], %get3A_319 : memref<192x128xf32, #tpu.memory_space<vmem>>[vector<16xi32>, vector<16xi32>], vector<16xf32>,
          %add3A_384 = arith.constant 12 : i32
          %add3A_385 = vector.broadcast %add3A_384 : i32 to vector<16xi32>
          %add3A_386 = arith.addi %mul3A_236, %add3A_385 : vector<16xi32>
          tpu.vector_store_idx %arg7[%shift_right_logical3A_230, %add3A_386], %get3A_326 : memref<192x128xf32, #tpu.memory_space<vmem>>[vector<16xi32>, vector<16xi32>], vector<16xf32>,
          %add3A_387 = arith.constant 13 : i32
          %add3A_388 = vector.broadcast %add3A_387 : i32 to vector<16xi32>
          %add3A_389 = arith.addi %mul3A_236, %add3A_388 : vector<16xi32>
          tpu.vector_store_idx %arg7[%shift_right_logical3A_230, %add3A_389], %get3A_333 : memref<192x128xf32, #tpu.memory_space<vmem>>[vector<16xi32>, vector<16xi32>], vector<16xf32>,
          %add3A_390 = arith.constant 14 : i32
          %add3A_391 = vector.broadcast %add3A_390 : i32 to vector<16xi32>
          %add3A_392 = arith.addi %mul3A_236, %add3A_391 : vector<16xi32>
          tpu.vector_store_idx %arg7[%shift_right_logical3A_230, %add3A_392], %get3A_340 : memref<192x128xf32, #tpu.memory_space<vmem>>[vector<16xi32>, vector<16xi32>], vector<16xf32>,
          %add3A_393 = arith.constant 15 : i32
          %add3A_394 = vector.broadcast %add3A_393 : i32 to vector<16xi32>
          %add3A_395 = arith.addi %mul3A_236, %add3A_394 : vector<16xi32>
          tpu.vector_store_idx %arg7[%shift_right_logical3A_230, %add3A_395], %get3A_347 : memref<192x128xf32, #tpu.memory_space<vmem>>[vector<16xi32>, vector<16xi32>], vector<16xf32>,
        }
        %scan3A_168 = arith.constant 96 : i32
        %mul3A_169 = arith.constant 32 : i32
        %mul3A_170 = arith.muli %add3A_135, %mul3A_169 : i32
        %add3A_171 = arith.addi %add3A, %mul3A_170 : i32
        %jit3A_172 = arith.constant 65 : i32
        %div3A_173 = arith.divsi %add3A_171, %jit3A_172 : i32
        %sign3A_174 = arith.constant 0 : i32
        %sign3A_175 = arith.cmpi sgt, %add3A_171, %sign3A_174 : i32
        %sign3A_176 = arith.extui %sign3A_175 : i1 to i32
        %sign3A_177 = arith.constant 0 : i32
        %sign3A_178 = arith.cmpi slt, %add3A_171, %sign3A_177 : i32
        %sign3A_179 = arith.extui %sign3A_178 : i1 to i32
        %sign3A_180 = arith.subi %sign3A_176, %sign3A_179 : i32
        %sign3A_181 = arith.constant 0 : i32
        %sign3A_182 = arith.cmpi sgt, %jit3A_172, %sign3A_181 : i32
        %sign3A_183 = arith.extui %sign3A_182 : i1 to i32
        %sign3A_184 = arith.constant 0 : i32
        %sign3A_185 = arith.cmpi slt, %jit3A_172, %sign3A_184 : i32
        %sign3A_186 = arith.extui %sign3A_185 : i1 to i32
        %sign3A_187 = arith.subi %sign3A_183, %sign3A_186 : i32
        %ne3A_188 = arith.cmpi ne, %sign3A_180, %sign3A_187 : i32
        %rem3A_189 = arith.remsi %add3A_171, %jit3A_172 : i32
        %ne3A_190 = arith.constant 0 : i32
        %ne3A_191 = arith.cmpi ne, %rem3A_189, %ne3A_190 : i32
        %and3A_192 = arith.andi %ne3A_188, %ne3A_191 : i1
        %sub3A_193 = arith.constant 1 : i32
        %sub3A_194 = arith.subi %div3A_173, %sub3A_193 : i32
        %select_n3A_195 = arith.select %and3A_192, %sub3A_194, %div3A_173 : i32
        %jit3A_196 = arith.constant 65 : i32
        %eq3A_197 = arith.constant 0 : i32
        %eq3A_198 = arith.cmpi eq, %jit3A_196, %eq3A_197 : i32
        %jit3A_199 = arith.constant 1 : i32
        %select_n3A_200 = arith.select %eq3A_198, %jit3A_199, %jit3A_196 : i32
        %rem3A_201 = arith.remsi %add3A_171, %select_n3A_200 : i32
        %ne3A_202 = arith.constant 0 : i32
        %ne3A_203 = arith.cmpi ne, %rem3A_201, %ne3A_202 : i32
        %lt3A_204 = arith.constant 0 : i32
        %lt3A_205 = arith.cmpi slt, %rem3A_201, %lt3A_204 : i32
        %lt3A_206 = arith.constant 0 : i32
        %lt3A_207 = arith.cmpi slt, %select_n3A_200, %lt3A_206 : i32
        %ne3A_208 = arith.xori %lt3A_205, %lt3A_207 : i1
        %and3A_209 = arith.andi %ne3A_208, %ne3A_203 : i1
        %add3A_210 = arith.addi %rem3A_201, %select_n3A_200 : i32
        %select_n3A_211 = arith.select %and3A_209, %add3A_210, %rem3A_201 : i32
        %mul3A_212 = arith.constant 12496 : i32
        %mul3A_213 = arith.muli %select_n3A_195, %mul3A_212 : i32
        %mul3A_214 = arith.constant 192 : i32
        %mul3A_215 = arith.muli %select_n3A_211, %mul3A_214 : i32
        %add3A_216 = arith.addi %mul3A_213, %mul3A_215 : i32
        %multiple_of3A_217 = tpu.assume_multiple %add3A_216, 8 : i32
        %dma_start3A_218 = arith.constant 0 : i32
        %dma_start3A_219 = tpu.memref_slice %arg3[%multiple_of3A_217, %dma_start3A_218] : memref<325104x128xf32, #tpu.memory_space<hbm>> -> memref<192x128xf32, #tpu.memory_space<hbm>>
        %dma_start3A_220 = arith.constant 0 : i32
        %dma_start3A_221 = tpu.memref_slice %arg3[%multiple_of3A_217, %dma_start3A_220] : memref<325104x128xf32, #tpu.memory_space<hbm>> -> memref<192x128xf32, #tpu.memory_space<hbm>>
        tpu.enqueue_dma source(%arg7 : memref<192x128xf32, #tpu.memory_space<vmem>>) target(%dma_start3A_221 : memref<192x128xf32, #tpu.memory_space<hbm>>) target_semaphore(%arg13 : memref<!tpu.dma_semaphore, #tpu.memory_space<semaphore_mem>>)
      } else {
      }
    }
    %while3A_110 = arith.constant 1 : i32
    scf.for %while3A_123 = %while3A_108 to %while3A_104 step %while3A_110  : i32 {
      %mul3A_124 = arith.constant 2 : i32
      %mul3A_125 = arith.muli %while3A_123, %mul3A_124 : i32
      %add3A_126 = arith.constant 0 : i32
      %add3A_127 = arith.addi %mul3A_125, %add3A_126 : i32
      %lt3A_128 = arith.cmpi slt, %add3A_127, %select_n3A : i32
      %convert_element_type3A_129 = arith.extui %lt3A_128 : i1 to i32
      %cond3A_130 = arith.constant 0 : i32
      %cond3A_131 = arith.cmpi ne, %convert_element_type3A_129, %cond3A_130 : i32
      scf.if %cond3A_131 {
        %dma_wait3A = arith.constant 0 : i32
        %dma_wait3A_140 = arith.constant 0 : i32
        %dma_wait3A_141 = arith.constant 0 : i32
        %dma_wait3A_142 = tpu.memref_slice %arg2[%dma_wait3A, %dma_wait3A_140, %dma_wait3A_141] : memref<26x16x100000xf32, #tpu.memory_space<hbm>> -> memref<1x16x100000xf32, #tpu.memory_space<hbm>>
        %dma_wait3A_143 = tpu.memref_squeeze %dma_wait3A_142 : memref<1x16x100000xf32, #tpu.memory_space<hbm>> -> memref<16x100000xf32, #tpu.memory_space<hbm>>
        %dma_wait3A_144 = arith.constant 0 : i32
        %dma_wait3A_145 = arith.constant 0 : i32
        %dma_wait3A_146 = tpu.memref_slice %dma_wait3A_143[%dma_wait3A_144, %dma_wait3A_145] : memref<16x100000xf32, #tpu.memory_space<hbm>> -> memref<16x1536xf32, #tpu.memory_space<hbm>>
        %dma_wait3A_147 = arith.constant 0 : i32
        %dma_wait3A_148 = arith.constant 0 : i32
        %dma_wait3A_149 = tpu.memref_slice %arg2[%dma_wait3A, %dma_wait3A_147, %dma_wait3A_148] : memref<26x16x100000xf32, #tpu.memory_space<hbm>> -> memref<1x16x100000xf32, #tpu.memory_space<hbm>>
        %dma_wait3A_150 = tpu.memref_squeeze %dma_wait3A_149 : memref<1x16x100000xf32, #tpu.memory_space<hbm>> -> memref<16x100000xf32, #tpu.memory_space<hbm>>
        %dma_wait3A_151 = arith.constant 0 : i32
        %dma_wait3A_152 = arith.constant 0 : i32
        %dma_wait3A_153 = tpu.memref_slice %dma_wait3A_150[%dma_wait3A_151, %dma_wait3A_152] : memref<16x100000xf32, #tpu.memory_space<hbm>> -> memref<16x1536xf32, #tpu.memory_space<hbm>>
        tpu.wait_dma2 semaphore(%arg10 : memref<!tpu.dma_semaphore, #tpu.memory_space<semaphore_mem>>) src(%dma_wait3A_153 : memref<16x1536xf32, #tpu.memory_space<hbm>>) dst(%arg4 : memref<16x1536xf32, #tpu.memory_space<vmem>>)
        %add3A_154 = arith.constant 1 : i32
        %add3A_155 = arith.addi %add3A_127, %add3A_154 : i32
        %lt3A_156 = arith.cmpi slt, %add3A_155, %select_n3A : i32
        %convert_element_type3A_157 = arith.extui %lt3A_156 : i1 to i32
        %cond3A_158 = arith.constant 0 : i32
        %cond3A_159 = arith.cmpi ne, %convert_element_type3A_157, %cond3A_158 : i32
        scf.if %cond3A_159 {
          %add3A_222 = arith.constant 1 : i32
          %add3A_223 = arith.addi %add3A_127, %add3A_222 : i32
          %mul3A_224 = arith.constant 32 : i32
          %mul3A_225 = arith.muli %add3A_223, %mul3A_224 : i32
          %add3A_226 = arith.addi %add3A, %mul3A_225 : i32
          %jit3A_227 = arith.constant 65 : i32
          %div3A_228 = arith.divsi %add3A_226, %jit3A_227 : i32
          %sign3A_229 = arith.constant 0 : i32
          %sign3A_230 = arith.cmpi sgt, %add3A_226, %sign3A_229 : i32
          %sign3A_231 = arith.extui %sign3A_230 : i1 to i32
          %sign3A_232 = arith.constant 0 : i32
          %sign3A_233 = arith.cmpi slt, %add3A_226, %sign3A_232 : i32
          %sign3A_234 = arith.extui %sign3A_233 : i1 to i32
          %sign3A_235 = arith.subi %sign3A_231, %sign3A_234 : i32
          %sign3A_236 = arith.constant 0 : i32
          %sign3A_237 = arith.cmpi sgt, %jit3A_227, %sign3A_236 : i32
          %sign3A_238 = arith.extui %sign3A_237 : i1 to i32
          %sign3A_239 = arith.constant 0 : i32
          %sign3A_240 = arith.cmpi slt, %jit3A_227, %sign3A_239 : i32
          %sign3A_241 = arith.extui %sign3A_240 : i1 to i32
          %sign3A_242 = arith.subi %sign3A_238, %sign3A_241 : i32
          %ne3A_243 = arith.cmpi ne, %sign3A_235, %sign3A_242 : i32
          %rem3A_244 = arith.remsi %add3A_226, %jit3A_227 : i32
          %ne3A_245 = arith.constant 0 : i32
          %ne3A_246 = arith.cmpi ne, %rem3A_244, %ne3A_245 : i32
          %and3A_247 = arith.andi %ne3A_243, %ne3A_246 : i1
          %sub3A_248 = arith.constant 1 : i32
          %sub3A_249 = arith.subi %div3A_228, %sub3A_248 : i32
          %select_n3A_250 = arith.select %and3A_247, %sub3A_249, %div3A_228 : i32
          %jit3A_251 = arith.constant 65 : i32
          %eq3A_252 = arith.constant 0 : i32
          %eq3A_253 = arith.cmpi eq, %jit3A_251, %eq3A_252 : i32
          %jit3A_254 = arith.constant 1 : i32
          %select_n3A_255 = arith.select %eq3A_253, %jit3A_254, %jit3A_251 : i32
          %rem3A_256 = arith.remsi %add3A_226, %select_n3A_255 : i32
          %ne3A_257 = arith.constant 0 : i32
          %ne3A_258 = arith.cmpi ne, %rem3A_256, %ne3A_257 : i32
          %lt3A_259 = arith.constant 0 : i32
          %lt3A_260 = arith.cmpi slt, %rem3A_256, %lt3A_259 : i32
          %lt3A_261 = arith.constant 0 : i32
          %lt3A_262 = arith.cmpi slt, %select_n3A_255, %lt3A_261 : i32
          %ne3A_263 = arith.xori %lt3A_260, %lt3A_262 : i1
          %and3A_264 = arith.andi %ne3A_263, %ne3A_258 : i1
          %add3A_265 = arith.addi %rem3A_256, %select_n3A_255 : i32
          %select_n3A_266 = arith.select %and3A_264, %add3A_265, %rem3A_256 : i32
          %mul3A_267 = arith.constant 1536 : i32
          %mul3A_268 = arith.muli %select_n3A_266, %mul3A_267 : i32
          %multiple_of3A_269 = tpu.assume_multiple %mul3A_268, 128 : i32
          %dma_start3A_270 = arith.constant 0 : i32
          %dma_start3A_271 = arith.constant 0 : i32
          %dma_start3A_272 = tpu.memref_slice %arg2[%select_n3A_250, %dma_start3A_270, %dma_start3A_271] : memref<26x16x100000xf32, #tpu.memory_space<hbm>> -> memref<1x16x100000xf32, #tpu.memory_space<hbm>>
          %dma_start3A_273 = tpu.memref_squeeze %dma_start3A_272 : memref<1x16x100000xf32, #tpu.memory_space<hbm>> -> memref<16x100000xf32, #tpu.memory_space<hbm>>
          %dma_start3A_274 = arith.constant 0 : i32
          %dma_start3A_275 = tpu.memref_slice %dma_start3A_273[%dma_start3A_274, %multiple_of3A_269] : memref<16x100000xf32, #tpu.memory_space<hbm>> -> memref<16x1536xf32, #tpu.memory_space<hbm>>
          %dma_start3A_276 = arith.constant 0 : i32
          %dma_start3A_277 = arith.constant 0 : i32
          %dma_start3A_278 = tpu.memref_slice %arg2[%select_n3A_250, %dma_start3A_276, %dma_start3A_277] : memref<26x16x100000xf32, #tpu.memory_space<hbm>> -> memref<1x16x100000xf32, #tpu.memory_space<hbm>>
          %dma_start3A_279 = tpu.memref_squeeze %dma_start3A_278 : memref<1x16x100000xf32, #tpu.memory_space<hbm>> -> memref<16x100000xf32, #tpu.memory_space<hbm>>
          %dma_start3A_280 = arith.constant 0 : i32
          %dma_start3A_281 = tpu.memref_slice %dma_start3A_279[%dma_start3A_280, %multiple_of3A_269] : memref<16x100000xf32, #tpu.memory_space<hbm>> -> memref<16x1536xf32, #tpu.memory_space<hbm>>
          tpu.enqueue_dma source(%dma_start3A_281 : memref<16x1536xf32, #tpu.memory_space<hbm>>) target(%arg5 : memref<16x1536xf32, #tpu.memory_space<vmem>>) target_semaphore(%arg11 : memref<!tpu.dma_semaphore, #tpu.memory_space<semaphore_mem>>)
        } else {
        }
        %ge3A = arith.constant 2 : i32
        %ge3A_160 = arith.cmpi sge, %add3A_127, %ge3A : i32
        %convert_element_type3A_161 = arith.extui %ge3A_160 : i1 to i32
        %cond3A_162 = arith.constant 0 : i32
        %cond3A_163 = arith.cmpi ne, %convert_element_type3A_161, %cond3A_162 : i32
        scf.if %cond3A_163 {
          %dma_wait3A_222 = arith.constant 0 : i32
          %dma_wait3A_223 = arith.constant 0 : i32
          %dma_wait3A_224 = tpu.memref_slice %arg3[%dma_wait3A_222, %dma_wait3A_223] : memref<325104x128xf32, #tpu.memory_space<hbm>> -> memref<192x128xf32, #tpu.memory_space<hbm>>
          %dma_wait3A_225 = arith.constant 0 : i32
          %dma_wait3A_226 = arith.constant 0 : i32
          %dma_wait3A_227 = tpu.memref_slice %arg3[%dma_wait3A_225, %dma_wait3A_226] : memref<325104x128xf32, #tpu.memory_space<hbm>> -> memref<192x128xf32, #tpu.memory_space<hbm>>
          tpu.wait_dma2 semaphore(%arg12 : memref<!tpu.dma_semaphore, #tpu.memory_space<semaphore_mem>>) src(%arg6 : memref<192x128xf32, #tpu.memory_space<vmem>>) dst(%dma_wait3A_227 : memref<192x128xf32, #tpu.memory_space<hbm>>)
        } else {
        }
        %scan3A = arith.constant 0 : i32
        %scan3A_164 = arith.constant 0 : i32
        %scan3A_165 = arith.constant 96 : i32
        %scan3A_166 = arith.addi %scan3A_164, %scan3A_165 : i32
        %scan3A_167 = arith.constant 1 : i32
        scf.for %scan3A_222 = %scan3A_164 to %scan3A_166 step %scan3A_167  : i32 {
          %sub3A_223 = arith.constant 0 : i32
          %sub3A_224 = arith.subi %scan3A_222, %sub3A_223 : i32
          %mul3A_225 = arith.constant 16 : i32
          %mul3A_226 = arith.muli %sub3A_224, %mul3A_225 : i32
          %iota3A = tpu.iota {dimensions = array<i32: 0>} : vector<16xi32>
          %add3A_227 = vector.broadcast %mul3A_226 : i32 to vector<16xi32>
          %add3A_228 = arith.addi %add3A_227, %iota3A : vector<16xi32>
          %shift_right_logical3A = arith.constant 3 : i32
          %shift_right_logical3A_229 = vector.broadcast %shift_right_logical3A : i32 to vector<16xi32>
          %shift_right_logical3A_230 = arith.shrui %add3A_228, %shift_right_logical3A_229 : vector<16xi32>
          %and3A_231 = arith.constant 7 : i32
          %and3A_232 = vector.broadcast %and3A_231 : i32 to vector<16xi32>
          %and3A_233 = arith.andi %iota3A, %and3A_232 : vector<16xi32>
          %mul3A_234 = arith.constant 16 : i32
          %mul3A_235 = vector.broadcast %mul3A_234 : i32 to vector<16xi32>
          %mul3A_236 = arith.muli %and3A_233, %mul3A_235 : vector<16xi32>
          %mul3A_237 = arith.constant 16 : i32
          %mul3A_238 = arith.muli %scan3A_222, %mul3A_237 : i32
          %multiple_of3A_239 = tpu.assume_multiple %mul3A_238, 16 : i32
          %get3A = arith.constant 0 : i32
          %get3A_240 = arith.index_cast %get3A : i32 to index
          %get3A_241 = arith.index_cast %multiple_of3A_239 : i32 to index
          %get3A_242 = tpu.vector_load %arg4[%get3A_240, %get3A_241] {strides = array<i32>} : memref<16x1536xf32, #tpu.memory_space<vmem>>, vector<16xf32>,
          %mul3A_243 = arith.constant 16 : i32
          %mul3A_244 = arith.muli %scan3A_222, %mul3A_243 : i32
          %multiple_of3A_245 = tpu.assume_multiple %mul3A_244, 16 : i32
          %get3A_246 = arith.constant 1 : i32
          %get3A_247 = arith.index_cast %get3A_246 : i32 to index
          %get3A_248 = arith.index_cast %multiple_of3A_245 : i32 to index
          %get3A_249 = tpu.vector_load %arg4[%get3A_247, %get3A_248] {strides = array<i32>} : memref<16x1536xf32, #tpu.memory_space<vmem>>, vector<16xf32>,
          %mul3A_250 = arith.constant 16 : i32
          %mul3A_251 = arith.muli %scan3A_222, %mul3A_250 : i32
          %multiple_of3A_252 = tpu.assume_multiple %mul3A_251, 16 : i32
          %get3A_253 = arith.constant 2 : i32
          %get3A_254 = arith.index_cast %get3A_253 : i32 to index
          %get3A_255 = arith.index_cast %multiple_of3A_252 : i32 to index
          %get3A_256 = tpu.vector_load %arg4[%get3A_254, %get3A_255] {strides = array<i32>} : memref<16x1536xf32, #tpu.memory_space<vmem>>, vector<16xf32>,
          %mul3A_257 = arith.constant 16 : i32
          %mul3A_258 = arith.muli %scan3A_222, %mul3A_257 : i32
          %multiple_of3A_259 = tpu.assume_multiple %mul3A_258, 16 : i32
          %get3A_260 = arith.constant 3 : i32
          %get3A_261 = arith.index_cast %get3A_260 : i32 to index
          %get3A_262 = arith.index_cast %multiple_of3A_259 : i32 to index
          %get3A_263 = tpu.vector_load %arg4[%get3A_261, %get3A_262] {strides = array<i32>} : memref<16x1536xf32, #tpu.memory_space<vmem>>, vector<16xf32>,
          %mul3A_264 = arith.constant 16 : i32
          %mul3A_265 = arith.muli %scan3A_222, %mul3A_264 : i32
          %multiple_of3A_266 = tpu.assume_multiple %mul3A_265, 16 : i32
          %get3A_267 = arith.constant 4 : i32
          %get3A_268 = arith.index_cast %get3A_267 : i32 to index
          %get3A_269 = arith.index_cast %multiple_of3A_266 : i32 to index
          %get3A_270 = tpu.vector_load %arg4[%get3A_268, %get3A_269] {strides = array<i32>} : memref<16x1536xf32, #tpu.memory_space<vmem>>, vector<16xf32>,
          %mul3A_271 = arith.constant 16 : i32
          %mul3A_272 = arith.muli %scan3A_222, %mul3A_271 : i32
          %multiple_of3A_273 = tpu.assume_multiple %mul3A_272, 16 : i32
          %get3A_274 = arith.constant 5 : i32
          %get3A_275 = arith.index_cast %get3A_274 : i32 to index
          %get3A_276 = arith.index_cast %multiple_of3A_273 : i32 to index
          %get3A_277 = tpu.vector_load %arg4[%get3A_275, %get3A_276] {strides = array<i32>} : memref<16x1536xf32, #tpu.memory_space<vmem>>, vector<16xf32>,
          %mul3A_278 = arith.constant 16 : i32
          %mul3A_279 = arith.muli %scan3A_222, %mul3A_278 : i32
          %multiple_of3A_280 = tpu.assume_multiple %mul3A_279, 16 : i32
          %get3A_281 = arith.constant 6 : i32
          %get3A_282 = arith.index_cast %get3A_281 : i32 to index
          %get3A_283 = arith.index_cast %multiple_of3A_280 : i32 to index
          %get3A_284 = tpu.vector_load %arg4[%get3A_282, %get3A_283] {strides = array<i32>} : memref<16x1536xf32, #tpu.memory_space<vmem>>, vector<16xf32>,
          %mul3A_285 = arith.constant 16 : i32
          %mul3A_286 = arith.muli %scan3A_222, %mul3A_285 : i32
          %multiple_of3A_287 = tpu.assume_multiple %mul3A_286, 16 : i32
          %get3A_288 = arith.constant 7 : i32
          %get3A_289 = arith.index_cast %get3A_288 : i32 to index
          %get3A_290 = arith.index_cast %multiple_of3A_287 : i32 to index
          %get3A_291 = tpu.vector_load %arg4[%get3A_289, %get3A_290] {strides = array<i32>} : memref<16x1536xf32, #tpu.memory_space<vmem>>, vector<16xf32>,
          %mul3A_292 = arith.constant 16 : i32
          %mul3A_293 = arith.muli %scan3A_222, %mul3A_292 : i32
          %multiple_of3A_294 = tpu.assume_multiple %mul3A_293, 16 : i32
          %get3A_295 = arith.constant 8 : i32
          %get3A_296 = arith.index_cast %get3A_295 : i32 to index
          %get3A_297 = arith.index_cast %multiple_of3A_294 : i32 to index
          %get3A_298 = tpu.vector_load %arg4[%get3A_296, %get3A_297] {strides = array<i32>} : memref<16x1536xf32, #tpu.memory_space<vmem>>, vector<16xf32>,
          %mul3A_299 = arith.constant 16 : i32
          %mul3A_300 = arith.muli %scan3A_222, %mul3A_299 : i32
          %multiple_of3A_301 = tpu.assume_multiple %mul3A_300, 16 : i32
          %get3A_302 = arith.constant 9 : i32
          %get3A_303 = arith.index_cast %get3A_302 : i32 to index
          %get3A_304 = arith.index_cast %multiple_of3A_301 : i32 to index
          %get3A_305 = tpu.vector_load %arg4[%get3A_303, %get3A_304] {strides = array<i32>} : memref<16x1536xf32, #tpu.memory_space<vmem>>, vector<16xf32>,
          %mul3A_306 = arith.constant 16 : i32
          %mul3A_307 = arith.muli %scan3A_222, %mul3A_306 : i32
          %multiple_of3A_308 = tpu.assume_multiple %mul3A_307, 16 : i32
          %get3A_309 = arith.constant 10 : i32
          %get3A_310 = arith.index_cast %get3A_309 : i32 to index
          %get3A_311 = arith.index_cast %multiple_of3A_308 : i32 to index
          %get3A_312 = tpu.vector_load %arg4[%get3A_310, %get3A_311] {strides = array<i32>} : memref<16x1536xf32, #tpu.memory_space<vmem>>, vector<16xf32>,
          %mul3A_313 = arith.constant 16 : i32
          %mul3A_314 = arith.muli %scan3A_222, %mul3A_313 : i32
          %multiple_of3A_315 = tpu.assume_multiple %mul3A_314, 16 : i32
          %get3A_316 = arith.constant 11 : i32
          %get3A_317 = arith.index_cast %get3A_316 : i32 to index
          %get3A_318 = arith.index_cast %multiple_of3A_315 : i32 to index
          %get3A_319 = tpu.vector_load %arg4[%get3A_317, %get3A_318] {strides = array<i32>} : memref<16x1536xf32, #tpu.memory_space<vmem>>, vector<16xf32>,
          %mul3A_320 = arith.constant 16 : i32
          %mul3A_321 = arith.muli %scan3A_222, %mul3A_320 : i32
          %multiple_of3A_322 = tpu.assume_multiple %mul3A_321, 16 : i32
          %get3A_323 = arith.constant 12 : i32
          %get3A_324 = arith.index_cast %get3A_323 : i32 to index
          %get3A_325 = arith.index_cast %multiple_of3A_322 : i32 to index
          %get3A_326 = tpu.vector_load %arg4[%get3A_324, %get3A_325] {strides = array<i32>} : memref<16x1536xf32, #tpu.memory_space<vmem>>, vector<16xf32>,
          %mul3A_327 = arith.constant 16 : i32
          %mul3A_328 = arith.muli %scan3A_222, %mul3A_327 : i32
          %multiple_of3A_329 = tpu.assume_multiple %mul3A_328, 16 : i32
          %get3A_330 = arith.constant 13 : i32
          %get3A_331 = arith.index_cast %get3A_330 : i32 to index
          %get3A_332 = arith.index_cast %multiple_of3A_329 : i32 to index
          %get3A_333 = tpu.vector_load %arg4[%get3A_331, %get3A_332] {strides = array<i32>} : memref<16x1536xf32, #tpu.memory_space<vmem>>, vector<16xf32>,
          %mul3A_334 = arith.constant 16 : i32
          %mul3A_335 = arith.muli %scan3A_222, %mul3A_334 : i32
          %multiple_of3A_336 = tpu.assume_multiple %mul3A_335, 16 : i32
          %get3A_337 = arith.constant 14 : i32
          %get3A_338 = arith.index_cast %get3A_337 : i32 to index
          %get3A_339 = arith.index_cast %multiple_of3A_336 : i32 to index
          %get3A_340 = tpu.vector_load %arg4[%get3A_338, %get3A_339] {strides = array<i32>} : memref<16x1536xf32, #tpu.memory_space<vmem>>, vector<16xf32>,
          %mul3A_341 = arith.constant 16 : i32
          %mul3A_342 = arith.muli %scan3A_222, %mul3A_341 : i32
          %multiple_of3A_343 = tpu.assume_multiple %mul3A_342, 16 : i32
          %get3A_344 = arith.constant 15 : i32
          %get3A_345 = arith.index_cast %get3A_344 : i32 to index
          %get3A_346 = arith.index_cast %multiple_of3A_343 : i32 to index
          %get3A_347 = tpu.vector_load %arg4[%get3A_345, %get3A_346] {strides = array<i32>} : memref<16x1536xf32, #tpu.memory_space<vmem>>, vector<16xf32>,
          %add3A_348 = arith.constant 0 : i32
          %add3A_349 = vector.broadcast %add3A_348 : i32 to vector<16xi32>
          %add3A_350 = arith.addi %mul3A_236, %add3A_349 : vector<16xi32>
          tpu.vector_store_idx %arg6[%shift_right_logical3A_230, %add3A_350], %get3A_242 : memref<192x128xf32, #tpu.memory_space<vmem>>[vector<16xi32>, vector<16xi32>], vector<16xf32>,
          %add3A_351 = arith.constant 1 : i32
          %add3A_352 = vector.broadcast %add3A_351 : i32 to vector<16xi32>
          %add3A_353 = arith.addi %mul3A_236, %add3A_352 : vector<16xi32>
          tpu.vector_store_idx %arg6[%shift_right_logical3A_230, %add3A_353], %get3A_249 : memref<192x128xf32, #tpu.memory_space<vmem>>[vector<16xi32>, vector<16xi32>], vector<16xf32>,
          %add3A_354 = arith.constant 2 : i32
          %add3A_355 = vector.broadcast %add3A_354 : i32 to vector<16xi32>
          %add3A_356 = arith.addi %mul3A_236, %add3A_355 : vector<16xi32>
          tpu.vector_store_idx %arg6[%shift_right_logical3A_230, %add3A_356], %get3A_256 : memref<192x128xf32, #tpu.memory_space<vmem>>[vector<16xi32>, vector<16xi32>], vector<16xf32>,
          %add3A_357 = arith.constant 3 : i32
          %add3A_358 = vector.broadcast %add3A_357 : i32 to vector<16xi32>
          %add3A_359 = arith.addi %mul3A_236, %add3A_358 : vector<16xi32>
          tpu.vector_store_idx %arg6[%shift_right_logical3A_230, %add3A_359], %get3A_263 : memref<192x128xf32, #tpu.memory_space<vmem>>[vector<16xi32>, vector<16xi32>], vector<16xf32>,
          %add3A_360 = arith.constant 4 : i32
          %add3A_361 = vector.broadcast %add3A_360 : i32 to vector<16xi32>
          %add3A_362 = arith.addi %mul3A_236, %add3A_361 : vector<16xi32>
          tpu.vector_store_idx %arg6[%shift_right_logical3A_230, %add3A_362], %get3A_270 : memref<192x128xf32, #tpu.memory_space<vmem>>[vector<16xi32>, vector<16xi32>], vector<16xf32>,
          %add3A_363 = arith.constant 5 : i32
          %add3A_364 = vector.broadcast %add3A_363 : i32 to vector<16xi32>
          %add3A_365 = arith.addi %mul3A_236, %add3A_364 : vector<16xi32>
          tpu.vector_store_idx %arg6[%shift_right_logical3A_230, %add3A_365], %get3A_277 : memref<192x128xf32, #tpu.memory_space<vmem>>[vector<16xi32>, vector<16xi32>], vector<16xf32>,
          %add3A_366 = arith.constant 6 : i32
          %add3A_367 = vector.broadcast %add3A_366 : i32 to vector<16xi32>
          %add3A_368 = arith.addi %mul3A_236, %add3A_367 : vector<16xi32>
          tpu.vector_store_idx %arg6[%shift_right_logical3A_230, %add3A_368], %get3A_284 : memref<192x128xf32, #tpu.memory_space<vmem>>[vector<16xi32>, vector<16xi32>], vector<16xf32>,
          %add3A_369 = arith.constant 7 : i32
          %add3A_370 = vector.broadcast %add3A_369 : i32 to vector<16xi32>
          %add3A_371 = arith.addi %mul3A_236, %add3A_370 : vector<16xi32>
          tpu.vector_store_idx %arg6[%shift_right_logical3A_230, %add3A_371], %get3A_291 : memref<192x128xf32, #tpu.memory_space<vmem>>[vector<16xi32>, vector<16xi32>], vector<16xf32>,
          %add3A_372 = arith.constant 8 : i32
          %add3A_373 = vector.broadcast %add3A_372 : i32 to vector<16xi32>
          %add3A_374 = arith.addi %mul3A_236, %add3A_373 : vector<16xi32>
          tpu.vector_store_idx %arg6[%shift_right_logical3A_230, %add3A_374], %get3A_298 : memref<192x128xf32, #tpu.memory_space<vmem>>[vector<16xi32>, vector<16xi32>], vector<16xf32>,
          %add3A_375 = arith.constant 9 : i32
          %add3A_376 = vector.broadcast %add3A_375 : i32 to vector<16xi32>
          %add3A_377 = arith.addi %mul3A_236, %add3A_376 : vector<16xi32>
          tpu.vector_store_idx %arg6[%shift_right_logical3A_230, %add3A_377], %get3A_305 : memref<192x128xf32, #tpu.memory_space<vmem>>[vector<16xi32>, vector<16xi32>], vector<16xf32>,
          %add3A_378 = arith.constant 10 : i32
          %add3A_379 = vector.broadcast %add3A_378 : i32 to vector<16xi32>
          %add3A_380 = arith.addi %mul3A_236, %add3A_379 : vector<16xi32>
          tpu.vector_store_idx %arg6[%shift_right_logical3A_230, %add3A_380], %get3A_312 : memref<192x128xf32, #tpu.memory_space<vmem>>[vector<16xi32>, vector<16xi32>], vector<16xf32>,
          %add3A_381 = arith.constant 11 : i32
          %add3A_382 = vector.broadcast %add3A_381 : i32 to vector<16xi32>
          %add3A_383 = arith.addi %mul3A_236, %add3A_382 : vector<16xi32>
          tpu.vector_store_idx %arg6[%shift_right_logical3A_230, %add3A_383], %get3A_319 : memref<192x128xf32, #tpu.memory_space<vmem>>[vector<16xi32>, vector<16xi32>], vector<16xf32>,
          %add3A_384 = arith.constant 12 : i32
          %add3A_385 = vector.broadcast %add3A_384 : i32 to vector<16xi32>
          %add3A_386 = arith.addi %mul3A_236, %add3A_385 : vector<16xi32>
          tpu.vector_store_idx %arg6[%shift_right_logical3A_230, %add3A_386], %get3A_326 : memref<192x128xf32, #tpu.memory_space<vmem>>[vector<16xi32>, vector<16xi32>], vector<16xf32>,
          %add3A_387 = arith.constant 13 : i32
          %add3A_388 = vector.broadcast %add3A_387 : i32 to vector<16xi32>
          %add3A_389 = arith.addi %mul3A_236, %add3A_388 : vector<16xi32>
          tpu.vector_store_idx %arg6[%shift_right_logical3A_230, %add3A_389], %get3A_333 : memref<192x128xf32, #tpu.memory_space<vmem>>[vector<16xi32>, vector<16xi32>], vector<16xf32>,
          %add3A_390 = arith.constant 14 : i32
          %add3A_391 = vector.broadcast %add3A_390 : i32 to vector<16xi32>
          %add3A_392 = arith.addi %mul3A_236, %add3A_391 : vector<16xi32>
          tpu.vector_store_idx %arg6[%shift_right_logical3A_230, %add3A_392], %get3A_340 : memref<192x128xf32, #tpu.memory_space<vmem>>[vector<16xi32>, vector<16xi32>], vector<16xf32>,
          %add3A_393 = arith.constant 15 : i32
          %add3A_394 = vector.broadcast %add3A_393 : i32 to vector<16xi32>
          %add3A_395 = arith.addi %mul3A_236, %add3A_394 : vector<16xi32>
          tpu.vector_store_idx %arg6[%shift_right_logical3A_230, %add3A_395], %get3A_347 : memref<192x128xf32, #tpu.memory_space<vmem>>[vector<16xi32>, vector<16xi32>], vector<16xf32>,
        }
        %scan3A_168 = arith.constant 96 : i32
        %mul3A_169 = arith.constant 32 : i32
        %mul3A_170 = arith.muli %add3A_127, %mul3A_169 : i32
        %add3A_171 = arith.addi %add3A, %mul3A_170 : i32
        %jit3A_172 = arith.constant 65 : i32
        %div3A_173 = arith.divsi %add3A_171, %jit3A_172 : i32
        %sign3A_174 = arith.constant 0 : i32
        %sign3A_175 = arith.cmpi sgt, %add3A_171, %sign3A_174 : i32
        %sign3A_176 = arith.extui %sign3A_175 : i1 to i32
        %sign3A_177 = arith.constant 0 : i32
        %sign3A_178 = arith.cmpi slt, %add3A_171, %sign3A_177 : i32
        %sign3A_179 = arith.extui %sign3A_178 : i1 to i32
        %sign3A_180 = arith.subi %sign3A_176, %sign3A_179 : i32
        %sign3A_181 = arith.constant 0 : i32
        %sign3A_182 = arith.cmpi sgt, %jit3A_172, %sign3A_181 : i32
        %sign3A_183 = arith.extui %sign3A_182 : i1 to i32
        %sign3A_184 = arith.constant 0 : i32
        %sign3A_185 = arith.cmpi slt, %jit3A_172, %sign3A_184 : i32
        %sign3A_186 = arith.extui %sign3A_185 : i1 to i32
        %sign3A_187 = arith.subi %sign3A_183, %sign3A_186 : i32
        %ne3A_188 = arith.cmpi ne, %sign3A_180, %sign3A_187 : i32
        %rem3A_189 = arith.remsi %add3A_171, %jit3A_172 : i32
        %ne3A_190 = arith.constant 0 : i32
        %ne3A_191 = arith.cmpi ne, %rem3A_189, %ne3A_190 : i32
        %and3A_192 = arith.andi %ne3A_188, %ne3A_191 : i1
        %sub3A_193 = arith.constant 1 : i32
        %sub3A_194 = arith.subi %div3A_173, %sub3A_193 : i32
        %select_n3A_195 = arith.select %and3A_192, %sub3A_194, %div3A_173 : i32
        %jit3A_196 = arith.constant 65 : i32
        %eq3A_197 = arith.constant 0 : i32
        %eq3A_198 = arith.cmpi eq, %jit3A_196, %eq3A_197 : i32
        %jit3A_199 = arith.constant 1 : i32
        %select_n3A_200 = arith.select %eq3A_198, %jit3A_199, %jit3A_196 : i32
        %rem3A_201 = arith.remsi %add3A_171, %select_n3A_200 : i32
        %ne3A_202 = arith.constant 0 : i32
        %ne3A_203 = arith.cmpi ne, %rem3A_201, %ne3A_202 : i32
        %lt3A_204 = arith.constant 0 : i32
        %lt3A_205 = arith.cmpi slt, %rem3A_201, %lt3A_204 : i32
        %lt3A_206 = arith.constant 0 : i32
        %lt3A_207 = arith.cmpi slt, %select_n3A_200, %lt3A_206 : i32
        %ne3A_208 = arith.xori %lt3A_205, %lt3A_207 : i1
        %and3A_209 = arith.andi %ne3A_208, %ne3A_203 : i1
        %add3A_210 = arith.addi %rem3A_201, %select_n3A_200 : i32
        %select_n3A_211 = arith.select %and3A_209, %add3A_210, %rem3A_201 : i32
        %mul3A_212 = arith.constant 12496 : i32
        %mul3A_213 = arith.muli %select_n3A_195, %mul3A_212 : i32
        %mul3A_214 = arith.constant 192 : i32
        %mul3A_215 = arith.muli %select_n3A_211, %mul3A_214 : i32
        %add3A_216 = arith.addi %mul3A_213, %mul3A_215 : i32
        %multiple_of3A_217 = tpu.assume_multiple %add3A_216, 8 : i32
        %dma_start3A_218 = arith.constant 0 : i32
        %dma_start3A_219 = tpu.memref_slice %arg3[%multiple_of3A_217, %dma_start3A_218] : memref<325104x128xf32, #tpu.memory_space<hbm>> -> memref<192x128xf32, #tpu.memory_space<hbm>>
        %dma_start3A_220 = arith.constant 0 : i32
        %dma_start3A_221 = tpu.memref_slice %arg3[%multiple_of3A_217, %dma_start3A_220] : memref<325104x128xf32, #tpu.memory_space<hbm>> -> memref<192x128xf32, #tpu.memory_space<hbm>>
        tpu.enqueue_dma source(%arg6 : memref<192x128xf32, #tpu.memory_space<vmem>>) target(%dma_start3A_221 : memref<192x128xf32, #tpu.memory_space<hbm>>) target_semaphore(%arg12 : memref<!tpu.dma_semaphore, #tpu.memory_space<semaphore_mem>>)
      } else {
      }
      %mul3A_132 = arith.constant 2 : i32
      %mul3A_133 = arith.muli %while3A_123, %mul3A_132 : i32
      %add3A_134 = arith.constant 1 : i32
      %add3A_135 = arith.addi %mul3A_133, %add3A_134 : i32
      %lt3A_136 = arith.cmpi slt, %add3A_135, %select_n3A : i32
      %convert_element_type3A_137 = arith.extui %lt3A_136 : i1 to i32
      %cond3A_138 = arith.constant 0 : i32
      %cond3A_139 = arith.cmpi ne, %convert_element_type3A_137, %cond3A_138 : i32
      scf.if %cond3A_139 {
        %dma_wait3A = arith.constant 0 : i32
        %dma_wait3A_140 = arith.constant 0 : i32
        %dma_wait3A_141 = arith.constant 0 : i32
        %dma_wait3A_142 = tpu.memref_slice %arg2[%dma_wait3A, %dma_wait3A_140, %dma_wait3A_141] : memref<26x16x100000xf32, #tpu.memory_space<hbm>> -> memref<1x16x100000xf32, #tpu.memory_space<hbm>>
        %dma_wait3A_143 = tpu.memref_squeeze %dma_wait3A_142 : memref<1x16x100000xf32, #tpu.memory_space<hbm>> -> memref<16x100000xf32, #tpu.memory_space<hbm>>
        %dma_wait3A_144 = arith.constant 0 : i32
        %dma_wait3A_145 = arith.constant 0 : i32
        %dma_wait3A_146 = tpu.memref_slice %dma_wait3A_143[%dma_wait3A_144, %dma_wait3A_145] : memref<16x100000xf32, #tpu.memory_space<hbm>> -> memref<16x1536xf32, #tpu.memory_space<hbm>>
        %dma_wait3A_147 = arith.constant 0 : i32
        %dma_wait3A_148 = arith.constant 0 : i32
        %dma_wait3A_149 = tpu.memref_slice %arg2[%dma_wait3A, %dma_wait3A_147, %dma_wait3A_148] : memref<26x16x100000xf32, #tpu.memory_space<hbm>> -> memref<1x16x100000xf32, #tpu.memory_space<hbm>>
        %dma_wait3A_150 = tpu.memref_squeeze %dma_wait3A_149 : memref<1x16x100000xf32, #tpu.memory_space<hbm>> -> memref<16x100000xf32, #tpu.memory_space<hbm>>
        %dma_wait3A_151 = arith.constant 0 : i32
        %dma_wait3A_152 = arith.constant 0 : i32
        %dma_wait3A_153 = tpu.memref_slice %dma_wait3A_150[%dma_wait3A_151, %dma_wait3A_152] : memref<16x100000xf32, #tpu.memory_space<hbm>> -> memref<16x1536xf32, #tpu.memory_space<hbm>>
        tpu.wait_dma2 semaphore(%arg11 : memref<!tpu.dma_semaphore, #tpu.memory_space<semaphore_mem>>) src(%dma_wait3A_153 : memref<16x1536xf32, #tpu.memory_space<hbm>>) dst(%arg5 : memref<16x1536xf32, #tpu.memory_space<vmem>>)
        %add3A_154 = arith.constant 1 : i32
        %add3A_155 = arith.addi %add3A_135, %add3A_154 : i32
        %lt3A_156 = arith.cmpi slt, %add3A_155, %select_n3A : i32
        %convert_element_type3A_157 = arith.extui %lt3A_156 : i1 to i32
        %cond3A_158 = arith.constant 0 : i32
        %cond3A_159 = arith.cmpi ne, %convert_element_type3A_157, %cond3A_158 : i32
        scf.if %cond3A_159 {
          %add3A_222 = arith.constant 1 : i32
          %add3A_223 = arith.addi %add3A_135, %add3A_222 : i32
          %mul3A_224 = arith.constant 32 : i32
          %mul3A_225 = arith.muli %add3A_223, %mul3A_224 : i32
          %add3A_226 = arith.addi %add3A, %mul3A_225 : i32
          %jit3A_227 = arith.constant 65 : i32
          %div3A_228 = arith.divsi %add3A_226, %jit3A_227 : i32
          %sign3A_229 = arith.constant 0 : i32
          %sign3A_230 = arith.cmpi sgt, %add3A_226, %sign3A_229 : i32
          %sign3A_231 = arith.extui %sign3A_230 : i1 to i32
          %sign3A_232 = arith.constant 0 : i32
          %sign3A_233 = arith.cmpi slt, %add3A_226, %sign3A_232 : i32
          %sign3A_234 = arith.extui %sign3A_233 : i1 to i32
          %sign3A_235 = arith.subi %sign3A_231, %sign3A_234 : i32
          %sign3A_236 = arith.constant 0 : i32
          %sign3A_237 = arith.cmpi sgt, %jit3A_227, %sign3A_236 : i32
          %sign3A_238 = arith.extui %sign3A_237 : i1 to i32
          %sign3A_239 = arith.constant 0 : i32
          %sign3A_240 = arith.cmpi slt, %jit3A_227, %sign3A_239 : i32
          %sign3A_241 = arith.extui %sign3A_240 : i1 to i32
          %sign3A_242 = arith.subi %sign3A_238, %sign3A_241 : i32
          %ne3A_243 = arith.cmpi ne, %sign3A_235, %sign3A_242 : i32
          %rem3A_244 = arith.remsi %add3A_226, %jit3A_227 : i32
          %ne3A_245 = arith.constant 0 : i32
          %ne3A_246 = arith.cmpi ne, %rem3A_244, %ne3A_245 : i32
          %and3A_247 = arith.andi %ne3A_243, %ne3A_246 : i1
          %sub3A_248 = arith.constant 1 : i32
          %sub3A_249 = arith.subi %div3A_228, %sub3A_248 : i32
          %select_n3A_250 = arith.select %and3A_247, %sub3A_249, %div3A_228 : i32
          %jit3A_251 = arith.constant 65 : i32
          %eq3A_252 = arith.constant 0 : i32
          %eq3A_253 = arith.cmpi eq, %jit3A_251, %eq3A_252 : i32
          %jit3A_254 = arith.constant 1 : i32
          %select_n3A_255 = arith.select %eq3A_253, %jit3A_254, %jit3A_251 : i32
          %rem3A_256 = arith.remsi %add3A_226, %select_n3A_255 : i32
          %ne3A_257 = arith.constant 0 : i32
          %ne3A_258 = arith.cmpi ne, %rem3A_256, %ne3A_257 : i32
          %lt3A_259 = arith.constant 0 : i32
          %lt3A_260 = arith.cmpi slt, %rem3A_256, %lt3A_259 : i32
          %lt3A_261 = arith.constant 0 : i32
          %lt3A_262 = arith.cmpi slt, %select_n3A_255, %lt3A_261 : i32
          %ne3A_263 = arith.xori %lt3A_260, %lt3A_262 : i1
          %and3A_264 = arith.andi %ne3A_263, %ne3A_258 : i1
          %add3A_265 = arith.addi %rem3A_256, %select_n3A_255 : i32
          %select_n3A_266 = arith.select %and3A_264, %add3A_265, %rem3A_256 : i32
          %mul3A_267 = arith.constant 1536 : i32
          %mul3A_268 = arith.muli %select_n3A_266, %mul3A_267 : i32
          %multiple_of3A_269 = tpu.assume_multiple %mul3A_268, 128 : i32
          %dma_start3A_270 = arith.constant 0 : i32
          %dma_start3A_271 = arith.constant 0 : i32
          %dma_start3A_272 = tpu.memref_slice %arg2[%select_n3A_250, %dma_start3A_270, %dma_start3A_271] : memref<26x16x100000xf32, #tpu.memory_space<hbm>> -> memref<1x16x100000xf32, #tpu.memory_space<hbm>>
          %dma_start3A_273 = tpu.memref_squeeze %dma_start3A_272 : memref<1x16x100000xf32, #tpu.memory_space<hbm>> -> memref<16x100000xf32, #tpu.memory_space<hbm>>
          %dma_start3A_274 = arith.constant 0 : i32
          %dma_start3A_275 = tpu.memref_slice %dma_start3A_273[%dma_start3A_274, %multiple_of3A_269] : memref<16x100000xf32, #tpu.memory_space<hbm>> -> memref<16x1536xf32, #tpu.memory_space<hbm>>
          %dma_start3A_276 = arith.constant 0 : i32
          %dma_start3A_277 = arith.constant 0 : i32
          %dma_start3A_278 = tpu.memref_slice %arg2[%select_n3A_250, %dma_start3A_276, %dma_start3A_277] : memref<26x16x100000xf32, #tpu.memory_space<hbm>> -> memref<1x16x100000xf32, #tpu.memory_space<hbm>>
          %dma_start3A_279 = tpu.memref_squeeze %dma_start3A_278 : memref<1x16x100000xf32, #tpu.memory_space<hbm>> -> memref<16x100000xf32, #tpu.memory_space<hbm>>
          %dma_start3A_280 = arith.constant 0 : i32
          %dma_start3A_281 = tpu.memref_slice %dma_start3A_279[%dma_start3A_280, %multiple_of3A_269] : memref<16x100000xf32, #tpu.memory_space<hbm>> -> memref<16x1536xf32, #tpu.memory_space<hbm>>
          tpu.enqueue_dma source(%dma_start3A_281 : memref<16x1536xf32, #tpu.memory_space<hbm>>) target(%arg4 : memref<16x1536xf32, #tpu.memory_space<vmem>>) target_semaphore(%arg10 : memref<!tpu.dma_semaphore, #tpu.memory_space<semaphore_mem>>)
        } else {
        }
        %ge3A = arith.constant 2 : i32
        %ge3A_160 = arith.cmpi sge, %add3A_135, %ge3A : i32
        %convert_element_type3A_161 = arith.extui %ge3A_160 : i1 to i32
        %cond3A_162 = arith.constant 0 : i32
        %cond3A_163 = arith.cmpi ne, %convert_element_type3A_161, %cond3A_162 : i32
        scf.if %cond3A_163 {
          %dma_wait3A_222 = arith.constant 0 : i32
          %dma_wait3A_223 = arith.constant 0 : i32
          %dma_wait3A_224 = tpu.memref_slice %arg3[%dma_wait3A_222, %dma_wait3A_223] : memref<325104x128xf32, #tpu.memory_space<hbm>> -> memref<192x128xf32, #tpu.memory_space<hbm>>
          %dma_wait3A_225 = arith.constant 0 : i32
          %dma_wait3A_226 = arith.constant 0 : i32
          %dma_wait3A_227 = tpu.memref_slice %arg3[%dma_wait3A_225, %dma_wait3A_226] : memref<325104x128xf32, #tpu.memory_space<hbm>> -> memref<192x128xf32, #tpu.memory_space<hbm>>
          tpu.wait_dma2 semaphore(%arg13 : memref<!tpu.dma_semaphore, #tpu.memory_space<semaphore_mem>>) src(%arg7 : memref<192x128xf32, #tpu.memory_space<vmem>>) dst(%dma_wait3A_227 : memref<192x128xf32, #tpu.memory_space<hbm>>)
        } else {
        }
        %scan3A = arith.constant 0 : i32
        %scan3A_164 = arith.constant 0 : i32
        %scan3A_165 = arith.constant 96 : i32
        %scan3A_166 = arith.addi %scan3A_164, %scan3A_165 : i32
        %scan3A_167 = arith.constant 1 : i32
        scf.for %scan3A_222 = %scan3A_164 to %scan3A_166 step %scan3A_167  : i32 {
          %sub3A_223 = arith.constant 0 : i32
          %sub3A_224 = arith.subi %scan3A_222, %sub3A_223 : i32
          %mul3A_225 = arith.constant 16 : i32
          %mul3A_226 = arith.muli %sub3A_224, %mul3A_225 : i32
          %iota3A = tpu.iota {dimensions = array<i32: 0>} : vector<16xi32>
          %add3A_227 = vector.broadcast %mul3A_226 : i32 to vector<16xi32>
          %add3A_228 = arith.addi %add3A_227, %iota3A : vector<16xi32>
          %shift_right_logical3A = arith.constant 3 : i32
          %shift_right_logical3A_229 = vector.broadcast %shift_right_logical3A : i32 to vector<16xi32>
          %shift_right_logical3A_230 = arith.shrui %add3A_228, %shift_right_logical3A_229 : vector<16xi32>
          %and3A_231 = arith.constant 7 : i32
          %and3A_232 = vector.broadcast %and3A_231 : i32 to vector<16xi32>
          %and3A_233 = arith.andi %iota3A, %and3A_232 : vector<16xi32>
          %mul3A_234 = arith.constant 16 : i32
          %mul3A_235 = vector.broadcast %mul3A_234 : i32 to vector<16xi32>
          %mul3A_236 = arith.muli %and3A_233, %mul3A_235 : vector<16xi32>
          %mul3A_237 = arith.constant 16 : i32
          %mul3A_238 = arith.muli %scan3A_222, %mul3A_237 : i32
          %multiple_of3A_239 = tpu.assume_multiple %mul3A_238, 16 : i32
          %get3A = arith.constant 0 : i32
          %get3A_240 = arith.index_cast %get3A : i32 to index
          %get3A_241 = arith.index_cast %multiple_of3A_239 : i32 to index
          %get3A_242 = tpu.vector_load %arg5[%get3A_240, %get3A_241] {strides = array<i32>} : memref<16x1536xf32, #tpu.memory_space<vmem>>, vector<16xf32>,
          %mul3A_243 = arith.constant 16 : i32
          %mul3A_244 = arith.muli %scan3A_222, %mul3A_243 : i32
          %multiple_of3A_245 = tpu.assume_multiple %mul3A_244, 16 : i32
          %get3A_246 = arith.constant 1 : i32
          %get3A_247 = arith.index_cast %get3A_246 : i32 to index
          %get3A_248 = arith.index_cast %multiple_of3A_245 : i32 to index
          %get3A_249 = tpu.vector_load %arg5[%get3A_247, %get3A_248] {strides = array<i32>} : memref<16x1536xf32, #tpu.memory_space<vmem>>, vector<16xf32>,
          %mul3A_250 = arith.constant 16 : i32
          %mul3A_251 = arith.muli %scan3A_222, %mul3A_250 : i32
          %multiple_of3A_252 = tpu.assume_multiple %mul3A_251, 16 : i32
          %get3A_253 = arith.constant 2 : i32
          %get3A_254 = arith.index_cast %get3A_253 : i32 to index
          %get3A_255 = arith.index_cast %multiple_of3A_252 : i32 to index
          %get3A_256 = tpu.vector_load %arg5[%get3A_254, %get3A_255] {strides = array<i32>} : memref<16x1536xf32, #tpu.memory_space<vmem>>, vector<16xf32>,
          %mul3A_257 = arith.constant 16 : i32
          %mul3A_258 = arith.muli %scan3A_222, %mul3A_257 : i32
          %multiple_of3A_259 = tpu.assume_multiple %mul3A_258, 16 : i32
          %get3A_260 = arith.constant 3 : i32
          %get3A_261 = arith.index_cast %get3A_260 : i32 to index
          %get3A_262 = arith.index_cast %multiple_of3A_259 : i32 to index
          %get3A_263 = tpu.vector_load %arg5[%get3A_261, %get3A_262] {strides = array<i32>} : memref<16x1536xf32, #tpu.memory_space<vmem>>, vector<16xf32>,
          %mul3A_264 = arith.constant 16 : i32
          %mul3A_265 = arith.muli %scan3A_222, %mul3A_264 : i32
          %multiple_of3A_266 = tpu.assume_multiple %mul3A_265, 16 : i32
          %get3A_267 = arith.constant 4 : i32
          %get3A_268 = arith.index_cast %get3A_267 : i32 to index
          %get3A_269 = arith.index_cast %multiple_of3A_266 : i32 to index
          %get3A_270 = tpu.vector_load %arg5[%get3A_268, %get3A_269] {strides = array<i32>} : memref<16x1536xf32, #tpu.memory_space<vmem>>, vector<16xf32>,
          %mul3A_271 = arith.constant 16 : i32
          %mul3A_272 = arith.muli %scan3A_222, %mul3A_271 : i32
          %multiple_of3A_273 = tpu.assume_multiple %mul3A_272, 16 : i32
          %get3A_274 = arith.constant 5 : i32
          %get3A_275 = arith.index_cast %get3A_274 : i32 to index
          %get3A_276 = arith.index_cast %multiple_of3A_273 : i32 to index
          %get3A_277 = tpu.vector_load %arg5[%get3A_275, %get3A_276] {strides = array<i32>} : memref<16x1536xf32, #tpu.memory_space<vmem>>, vector<16xf32>,
          %mul3A_278 = arith.constant 16 : i32
          %mul3A_279 = arith.muli %scan3A_222, %mul3A_278 : i32
          %multiple_of3A_280 = tpu.assume_multiple %mul3A_279, 16 : i32
          %get3A_281 = arith.constant 6 : i32
          %get3A_282 = arith.index_cast %get3A_281 : i32 to index
          %get3A_283 = arith.index_cast %multiple_of3A_280 : i32 to index
          %get3A_284 = tpu.vector_load %arg5[%get3A_282, %get3A_283] {strides = array<i32>} : memref<16x1536xf32, #tpu.memory_space<vmem>>, vector<16xf32>,
          %mul3A_285 = arith.constant 16 : i32
          %mul3A_286 = arith.muli %scan3A_222, %mul3A_285 : i32
          %multiple_of3A_287 = tpu.assume_multiple %mul3A_286, 16 : i32
          %get3A_288 = arith.constant 7 : i32
          %get3A_289 = arith.index_cast %get3A_288 : i32 to index
          %get3A_290 = arith.index_cast %multiple_of3A_287 : i32 to index
          %get3A_291 = tpu.vector_load %arg5[%get3A_289, %get3A_290] {strides = array<i32>} : memref<16x1536xf32, #tpu.memory_space<vmem>>, vector<16xf32>,
          %mul3A_292 = arith.constant 16 : i32
          %mul3A_293 = arith.muli %scan3A_222, %mul3A_292 : i32
          %multiple_of3A_294 = tpu.assume_multiple %mul3A_293, 16 : i32
          %get3A_295 = arith.constant 8 : i32
          %get3A_296 = arith.index_cast %get3A_295 : i32 to index
          %get3A_297 = arith.index_cast %multiple_of3A_294 : i32 to index
          %get3A_298 = tpu.vector_load %arg5[%get3A_296, %get3A_297] {strides = array<i32>} : memref<16x1536xf32, #tpu.memory_space<vmem>>, vector<16xf32>,
          %mul3A_299 = arith.constant 16 : i32
          %mul3A_300 = arith.muli %scan3A_222, %mul3A_299 : i32
          %multiple_of3A_301 = tpu.assume_multiple %mul3A_300, 16 : i32
          %get3A_302 = arith.constant 9 : i32
          %get3A_303 = arith.index_cast %get3A_302 : i32 to index
          %get3A_304 = arith.index_cast %multiple_of3A_301 : i32 to index
          %get3A_305 = tpu.vector_load %arg5[%get3A_303, %get3A_304] {strides = array<i32>} : memref<16x1536xf32, #tpu.memory_space<vmem>>, vector<16xf32>,
          %mul3A_306 = arith.constant 16 : i32
          %mul3A_307 = arith.muli %scan3A_222, %mul3A_306 : i32
          %multiple_of3A_308 = tpu.assume_multiple %mul3A_307, 16 : i32
          %get3A_309 = arith.constant 10 : i32
          %get3A_310 = arith.index_cast %get3A_309 : i32 to index
          %get3A_311 = arith.index_cast %multiple_of3A_308 : i32 to index
          %get3A_312 = tpu.vector_load %arg5[%get3A_310, %get3A_311] {strides = array<i32>} : memref<16x1536xf32, #tpu.memory_space<vmem>>, vector<16xf32>,
          %mul3A_313 = arith.constant 16 : i32
          %mul3A_314 = arith.muli %scan3A_222, %mul3A_313 : i32
          %multiple_of3A_315 = tpu.assume_multiple %mul3A_314, 16 : i32
          %get3A_316 = arith.constant 11 : i32
          %get3A_317 = arith.index_cast %get3A_316 : i32 to index
          %get3A_318 = arith.index_cast %multiple_of3A_315 : i32 to index
          %get3A_319 = tpu.vector_load %arg5[%get3A_317, %get3A_318] {strides = array<i32>} : memref<16x1536xf32, #tpu.memory_space<vmem>>, vector<16xf32>,
          %mul3A_320 = arith.constant 16 : i32
          %mul3A_321 = arith.muli %scan3A_222, %mul3A_320 : i32
          %multiple_of3A_322 = tpu.assume_multiple %mul3A_321, 16 : i32
          %get3A_323 = arith.constant 12 : i32
          %get3A_324 = arith.index_cast %get3A_323 : i32 to index
          %get3A_325 = arith.index_cast %multiple_of3A_322 : i32 to index
          %get3A_326 = tpu.vector_load %arg5[%get3A_324, %get3A_325] {strides = array<i32>} : memref<16x1536xf32, #tpu.memory_space<vmem>>, vector<16xf32>,
          %mul3A_327 = arith.constant 16 : i32
          %mul3A_328 = arith.muli %scan3A_222, %mul3A_327 : i32
          %multiple_of3A_329 = tpu.assume_multiple %mul3A_328, 16 : i32
          %get3A_330 = arith.constant 13 : i32
          %get3A_331 = arith.index_cast %get3A_330 : i32 to index
          %get3A_332 = arith.index_cast %multiple_of3A_329 : i32 to index
          %get3A_333 = tpu.vector_load %arg5[%get3A_331, %get3A_332] {strides = array<i32>} : memref<16x1536xf32, #tpu.memory_space<vmem>>, vector<16xf32>,
          %mul3A_334 = arith.constant 16 : i32
          %mul3A_335 = arith.muli %scan3A_222, %mul3A_334 : i32
          %multiple_of3A_336 = tpu.assume_multiple %mul3A_335, 16 : i32
          %get3A_337 = arith.constant 14 : i32
          %get3A_338 = arith.index_cast %get3A_337 : i32 to index
          %get3A_339 = arith.index_cast %multiple_of3A_336 : i32 to index
          %get3A_340 = tpu.vector_load %arg5[%get3A_338, %get3A_339] {strides = array<i32>} : memref<16x1536xf32, #tpu.memory_space<vmem>>, vector<16xf32>,
          %mul3A_341 = arith.constant 16 : i32
          %mul3A_342 = arith.muli %scan3A_222, %mul3A_341 : i32
          %multiple_of3A_343 = tpu.assume_multiple %mul3A_342, 16 : i32
          %get3A_344 = arith.constant 15 : i32
          %get3A_345 = arith.index_cast %get3A_344 : i32 to index
          %get3A_346 = arith.index_cast %multiple_of3A_343 : i32 to index
          %get3A_347 = tpu.vector_load %arg5[%get3A_345, %get3A_346] {strides = array<i32>} : memref<16x1536xf32, #tpu.memory_space<vmem>>, vector<16xf32>,
          %add3A_348 = arith.constant 0 : i32
          %add3A_349 = vector.broadcast %add3A_348 : i32 to vector<16xi32>
          %add3A_350 = arith.addi %mul3A_236, %add3A_349 : vector<16xi32>
          tpu.vector_store_idx %arg7[%shift_right_logical3A_230, %add3A_350], %get3A_242 : memref<192x128xf32, #tpu.memory_space<vmem>>[vector<16xi32>, vector<16xi32>], vector<16xf32>,
          %add3A_351 = arith.constant 1 : i32
          %add3A_352 = vector.broadcast %add3A_351 : i32 to vector<16xi32>
          %add3A_353 = arith.addi %mul3A_236, %add3A_352 : vector<16xi32>
          tpu.vector_store_idx %arg7[%shift_right_logical3A_230, %add3A_353], %get3A_249 : memref<192x128xf32, #tpu.memory_space<vmem>>[vector<16xi32>, vector<16xi32>], vector<16xf32>,
          %add3A_354 = arith.constant 2 : i32
          %add3A_355 = vector.broadcast %add3A_354 : i32 to vector<16xi32>
          %add3A_356 = arith.addi %mul3A_236, %add3A_355 : vector<16xi32>
          tpu.vector_store_idx %arg7[%shift_right_logical3A_230, %add3A_356], %get3A_256 : memref<192x128xf32, #tpu.memory_space<vmem>>[vector<16xi32>, vector<16xi32>], vector<16xf32>,
          %add3A_357 = arith.constant 3 : i32
          %add3A_358 = vector.broadcast %add3A_357 : i32 to vector<16xi32>
          %add3A_359 = arith.addi %mul3A_236, %add3A_358 : vector<16xi32>
          tpu.vector_store_idx %arg7[%shift_right_logical3A_230, %add3A_359], %get3A_263 : memref<192x128xf32, #tpu.memory_space<vmem>>[vector<16xi32>, vector<16xi32>], vector<16xf32>,
          %add3A_360 = arith.constant 4 : i32
          %add3A_361 = vector.broadcast %add3A_360 : i32 to vector<16xi32>
          %add3A_362 = arith.addi %mul3A_236, %add3A_361 : vector<16xi32>
          tpu.vector_store_idx %arg7[%shift_right_logical3A_230, %add3A_362], %get3A_270 : memref<192x128xf32, #tpu.memory_space<vmem>>[vector<16xi32>, vector<16xi32>], vector<16xf32>,
          %add3A_363 = arith.constant 5 : i32
          %add3A_364 = vector.broadcast %add3A_363 : i32 to vector<16xi32>
          %add3A_365 = arith.addi %mul3A_236, %add3A_364 : vector<16xi32>
          tpu.vector_store_idx %arg7[%shift_right_logical3A_230, %add3A_365], %get3A_277 : memref<192x128xf32, #tpu.memory_space<vmem>>[vector<16xi32>, vector<16xi32>], vector<16xf32>,
          %add3A_366 = arith.constant 6 : i32
          %add3A_367 = vector.broadcast %add3A_366 : i32 to vector<16xi32>
          %add3A_368 = arith.addi %mul3A_236, %add3A_367 : vector<16xi32>
          tpu.vector_store_idx %arg7[%shift_right_logical3A_230, %add3A_368], %get3A_284 : memref<192x128xf32, #tpu.memory_space<vmem>>[vector<16xi32>, vector<16xi32>], vector<16xf32>,
          %add3A_369 = arith.constant 7 : i32
          %add3A_370 = vector.broadcast %add3A_369 : i32 to vector<16xi32>
          %add3A_371 = arith.addi %mul3A_236, %add3A_370 : vector<16xi32>
          tpu.vector_store_idx %arg7[%shift_right_logical3A_230, %add3A_371], %get3A_291 : memref<192x128xf32, #tpu.memory_space<vmem>>[vector<16xi32>, vector<16xi32>], vector<16xf32>,
          %add3A_372 = arith.constant 8 : i32
          %add3A_373 = vector.broadcast %add3A_372 : i32 to vector<16xi32>
          %add3A_374 = arith.addi %mul3A_236, %add3A_373 : vector<16xi32>
          tpu.vector_store_idx %arg7[%shift_right_logical3A_230, %add3A_374], %get3A_298 : memref<192x128xf32, #tpu.memory_space<vmem>>[vector<16xi32>, vector<16xi32>], vector<16xf32>,
          %add3A_375 = arith.constant 9 : i32
          %add3A_376 = vector.broadcast %add3A_375 : i32 to vector<16xi32>
          %add3A_377 = arith.addi %mul3A_236, %add3A_376 : vector<16xi32>
          tpu.vector_store_idx %arg7[%shift_right_logical3A_230, %add3A_377], %get3A_305 : memref<192x128xf32, #tpu.memory_space<vmem>>[vector<16xi32>, vector<16xi32>], vector<16xf32>,
          %add3A_378 = arith.constant 10 : i32
          %add3A_379 = vector.broadcast %add3A_378 : i32 to vector<16xi32>
          %add3A_380 = arith.addi %mul3A_236, %add3A_379 : vector<16xi32>
          tpu.vector_store_idx %arg7[%shift_right_logical3A_230, %add3A_380], %get3A_312 : memref<192x128xf32, #tpu.memory_space<vmem>>[vector<16xi32>, vector<16xi32>], vector<16xf32>,
          %add3A_381 = arith.constant 11 : i32
          %add3A_382 = vector.broadcast %add3A_381 : i32 to vector<16xi32>
          %add3A_383 = arith.addi %mul3A_236, %add3A_382 : vector<16xi32>
          tpu.vector_store_idx %arg7[%shift_right_logical3A_230, %add3A_383], %get3A_319 : memref<192x128xf32, #tpu.memory_space<vmem>>[vector<16xi32>, vector<16xi32>], vector<16xf32>,
          %add3A_384 = arith.constant 12 : i32
          %add3A_385 = vector.broadcast %add3A_384 : i32 to vector<16xi32>
          %add3A_386 = arith.addi %mul3A_236, %add3A_385 : vector<16xi32>
          tpu.vector_store_idx %arg7[%shift_right_logical3A_230, %add3A_386], %get3A_326 : memref<192x128xf32, #tpu.memory_space<vmem>>[vector<16xi32>, vector<16xi32>], vector<16xf32>,
          %add3A_387 = arith.constant 13 : i32
          %add3A_388 = vector.broadcast %add3A_387 : i32 to vector<16xi32>
          %add3A_389 = arith.addi %mul3A_236, %add3A_388 : vector<16xi32>
          tpu.vector_store_idx %arg7[%shift_right_logical3A_230, %add3A_389], %get3A_333 : memref<192x128xf32, #tpu.memory_space<vmem>>[vector<16xi32>, vector<16xi32>], vector<16xf32>,
          %add3A_390 = arith.constant 14 : i32
          %add3A_391 = vector.broadcast %add3A_390 : i32 to vector<16xi32>
          %add3A_392 = arith.addi %mul3A_236, %add3A_391 : vector<16xi32>
          tpu.vector_store_idx %arg7[%shift_right_logical3A_230, %add3A_392], %get3A_340 : memref<192x128xf32, #tpu.memory_space<vmem>>[vector<16xi32>, vector<16xi32>], vector<16xf32>,
          %add3A_393 = arith.constant 15 : i32
          %add3A_394 = vector.broadcast %add3A_393 : i32 to vector<16xi32>
          %add3A_395 = arith.addi %mul3A_236, %add3A_394 : vector<16xi32>
          tpu.vector_store_idx %arg7[%shift_right_logical3A_230, %add3A_395], %get3A_347 : memref<192x128xf32, #tpu.memory_space<vmem>>[vector<16xi32>, vector<16xi32>], vector<16xf32>,
        }
        %scan3A_168 = arith.constant 96 : i32
        %mul3A_169 = arith.constant 32 : i32
        %mul3A_170 = arith.muli %add3A_135, %mul3A_169 : i32
        %add3A_171 = arith.addi %add3A, %mul3A_170 : i32
        %jit3A_172 = arith.constant 65 : i32
        %div3A_173 = arith.divsi %add3A_171, %jit3A_172 : i32
        %sign3A_174 = arith.constant 0 : i32
        %sign3A_175 = arith.cmpi sgt, %add3A_171, %sign3A_174 : i32
        %sign3A_176 = arith.extui %sign3A_175 : i1 to i32
        %sign3A_177 = arith.constant 0 : i32
        %sign3A_178 = arith.cmpi slt, %add3A_171, %sign3A_177 : i32
        %sign3A_179 = arith.extui %sign3A_178 : i1 to i32
        %sign3A_180 = arith.subi %sign3A_176, %sign3A_179 : i32
        %sign3A_181 = arith.constant 0 : i32
        %sign3A_182 = arith.cmpi sgt, %jit3A_172, %sign3A_181 : i32
        %sign3A_183 = arith.extui %sign3A_182 : i1 to i32
        %sign3A_184 = arith.constant 0 : i32
        %sign3A_185 = arith.cmpi slt, %jit3A_172, %sign3A_184 : i32
        %sign3A_186 = arith.extui %sign3A_185 : i1 to i32
        %sign3A_187 = arith.subi %sign3A_183, %sign3A_186 : i32
        %ne3A_188 = arith.cmpi ne, %sign3A_180, %sign3A_187 : i32
        %rem3A_189 = arith.remsi %add3A_171, %jit3A_172 : i32
        %ne3A_190 = arith.constant 0 : i32
        %ne3A_191 = arith.cmpi ne, %rem3A_189, %ne3A_190 : i32
        %and3A_192 = arith.andi %ne3A_188, %ne3A_191 : i1
        %sub3A_193 = arith.constant 1 : i32
        %sub3A_194 = arith.subi %div3A_173, %sub3A_193 : i32
        %select_n3A_195 = arith.select %and3A_192, %sub3A_194, %div3A_173 : i32
        %jit3A_196 = arith.constant 65 : i32
        %eq3A_197 = arith.constant 0 : i32
        %eq3A_198 = arith.cmpi eq, %jit3A_196, %eq3A_197 : i32
        %jit3A_199 = arith.constant 1 : i32
        %select_n3A_200 = arith.select %eq3A_198, %jit3A_199, %jit3A_196 : i32
        %rem3A_201 = arith.remsi %add3A_171, %select_n3A_200 : i32
        %ne3A_202 = arith.constant 0 : i32
        %ne3A_203 = arith.cmpi ne, %rem3A_201, %ne3A_202 : i32
        %lt3A_204 = arith.constant 0 : i32
        %lt3A_205 = arith.cmpi slt, %rem3A_201, %lt3A_204 : i32
        %lt3A_206 = arith.constant 0 : i32
        %lt3A_207 = arith.cmpi slt, %select_n3A_200, %lt3A_206 : i32
        %ne3A_208 = arith.xori %lt3A_205, %lt3A_207 : i1
        %and3A_209 = arith.andi %ne3A_208, %ne3A_203 : i1
        %add3A_210 = arith.addi %rem3A_201, %select_n3A_200 : i32
        %select_n3A_211 = arith.select %and3A_209, %add3A_210, %rem3A_201 : i32
        %mul3A_212 = arith.constant 12496 : i32
        %mul3A_213 = arith.muli %select_n3A_195, %mul3A_212 : i32
        %mul3A_214 = arith.constant 192 : i32
        %mul3A_215 = arith.muli %select_n3A_211, %mul3A_214 : i32
        %add3A_216 = arith.addi %mul3A_213, %mul3A_215 : i32
        %multiple_of3A_217 = tpu.assume_multiple %add3A_216, 8 : i32
        %dma_start3A_218 = arith.constant 0 : i32
        %dma_start3A_219 = tpu.memref_slice %arg3[%multiple_of3A_217, %dma_start3A_218] : memref<325104x128xf32, #tpu.memory_space<hbm>> -> memref<192x128xf32, #tpu.memory_space<hbm>>
        %dma_start3A_220 = arith.constant 0 : i32
        %dma_start3A_221 = tpu.memref_slice %arg3[%multiple_of3A_217, %dma_start3A_220] : memref<325104x128xf32, #tpu.memory_space<hbm>> -> memref<192x128xf32, #tpu.memory_space<hbm>>
        tpu.enqueue_dma source(%arg7 : memref<192x128xf32, #tpu.memory_space<vmem>>) target(%dma_start3A_221 : memref<192x128xf32, #tpu.memory_space<hbm>>) target_semaphore(%arg13 : memref<!tpu.dma_semaphore, #tpu.memory_space<semaphore_mem>>)
      } else {
      }
    }
    %gt3A = arith.constant 0 : i32
    %gt3A_111 = arith.cmpi sgt, %select_n3A, %gt3A : i32
    %convert_element_type3A = arith.extui %gt3A_111 : i1 to i32
    %cond3A = arith.constant 0 : i32
    %cond3A_112 = arith.cmpi ne, %convert_element_type3A, %cond3A : i32
    scf.if %cond3A_112 {
      %dma_wait3A = arith.constant 0 : i32
      %dma_wait3A_123 = arith.constant 0 : i32
      %dma_wait3A_124 = tpu.memref_slice %arg3[%dma_wait3A, %dma_wait3A_123] : memref<325104x128xf32, #tpu.memory_space<hbm>> -> memref<192x128xf32, #tpu.memory_space<hbm>>
      %dma_wait3A_125 = arith.constant 0 : i32
      %dma_wait3A_126 = arith.constant 0 : i32
      %dma_wait3A_127 = tpu.memref_slice %arg3[%dma_wait3A_125, %dma_wait3A_126] : memref<325104x128xf32, #tpu.memory_space<hbm>> -> memref<192x128xf32, #tpu.memory_space<hbm>>
      tpu.wait_dma2 semaphore(%arg12 : memref<!tpu.dma_semaphore, #tpu.memory_space<semaphore_mem>>) src(%arg6 : memref<192x128xf32, #tpu.memory_space<vmem>>) dst(%dma_wait3A_127 : memref<192x128xf32, #tpu.memory_space<hbm>>)
    } else {
    }
    %gt3A_113 = arith.constant 1 : i32
    %gt3A_114 = arith.cmpi sgt, %select_n3A, %gt3A_113 : i32
    %convert_element_type3A_115 = arith.extui %gt3A_114 : i1 to i32
    %cond3A_116 = arith.constant 0 : i32
    %cond3A_117 = arith.cmpi ne, %convert_element_type3A_115, %cond3A_116 : i32
    scf.if %cond3A_117 {
      %dma_wait3A = arith.constant 0 : i32
      %dma_wait3A_123 = arith.constant 0 : i32
      %dma_wait3A_124 = tpu.memref_slice %arg3[%dma_wait3A, %dma_wait3A_123] : memref<325104x128xf32, #tpu.memory_space<hbm>> -> memref<192x128xf32, #tpu.memory_space<hbm>>
      %dma_wait3A_125 = arith.constant 0 : i32
      %dma_wait3A_126 = arith.constant 0 : i32
      %dma_wait3A_127 = tpu.memref_slice %arg3[%dma_wait3A_125, %dma_wait3A_126] : memref<325104x128xf32, #tpu.memory_space<hbm>> -> memref<192x128xf32, #tpu.memory_space<hbm>>
      tpu.wait_dma2 semaphore(%arg13 : memref<!tpu.dma_semaphore, #tpu.memory_space<semaphore_mem>>) src(%arg7 : memref<192x128xf32, #tpu.memory_space<vmem>>) dst(%dma_wait3A_127 : memref<192x128xf32, #tpu.memory_space<hbm>>)
    } else {
    }
    %lt3A_118 = arith.constant 26 : i32
    %lt3A_119 = arith.cmpi slt, %add3A, %lt3A_118 : i32
    %convert_element_type3A_120 = arith.extui %lt3A_119 : i1 to i32
    %cond3A_121 = arith.constant 0 : i32
    %cond3A_122 = arith.cmpi ne, %convert_element_type3A_120, %cond3A_121 : i32
    scf.if %cond3A_122 {
      %multiple_of3A_123 = arith.constant 99840 : i32
      %multiple_of3A_124 = tpu.assume_multiple %multiple_of3A_123, 128 : i32
      "tpu.region"() ({
        %run_scoped3A_209 = tpu.sem_alloc : memref<!tpu.dma_semaphore, #tpu.memory_space<semaphore_mem>>
        %dma_start3A_210 = arith.constant 0 : i32
        %dma_start3A_211 = arith.constant 0 : i32
        %dma_start3A_212 = tpu.memref_slice %arg2[%add3A, %dma_start3A_210, %dma_start3A_211] : memref<26x16x100000xf32, #tpu.memory_space<hbm>> -> memref<1x16x100000xf32, #tpu.memory_space<hbm>>
        %dma_start3A_213 = tpu.memref_squeeze %dma_start3A_212 : memref<1x16x100000xf32, #tpu.memory_space<hbm>> -> memref<16x100000xf32, #tpu.memory_space<hbm>>
        %dma_start3A_214 = arith.constant 0 : i32
        %dma_start3A_215 = tpu.memref_slice %dma_start3A_213[%dma_start3A_214, %multiple_of3A_124] : memref<16x100000xf32, #tpu.memory_space<hbm>> -> memref<16x128xf32, #tpu.memory_space<hbm>>
        %dma_start3A_216 = arith.constant 0 : i32
        %dma_start3A_217 = arith.constant 0 : i32
        %dma_start3A_218 = tpu.memref_slice %arg2[%add3A, %dma_start3A_216, %dma_start3A_217] : memref<26x16x100000xf32, #tpu.memory_space<hbm>> -> memref<1x16x100000xf32, #tpu.memory_space<hbm>>
        %dma_start3A_219 = tpu.memref_squeeze %dma_start3A_218 : memref<1x16x100000xf32, #tpu.memory_space<hbm>> -> memref<16x100000xf32, #tpu.memory_space<hbm>>
        %dma_start3A_220 = arith.constant 0 : i32
        %dma_start3A_221 = tpu.memref_slice %dma_start3A_219[%dma_start3A_220, %multiple_of3A_124] : memref<16x100000xf32, #tpu.memory_space<hbm>> -> memref<16x128xf32, #tpu.memory_space<hbm>>
        tpu.enqueue_dma source(%dma_start3A_221 : memref<16x128xf32, #tpu.memory_space<hbm>>) target(%arg8 : memref<16x128xf32, #tpu.memory_space<vmem>>) target_semaphore(%run_scoped3A_209 : memref<!tpu.dma_semaphore, #tpu.memory_space<semaphore_mem>>)
        %dma_wait3A = arith.constant 0 : i32
        %dma_wait3A_222 = arith.constant 0 : i32
        %dma_wait3A_223 = tpu.memref_slice %arg2[%add3A, %dma_wait3A, %dma_wait3A_222] : memref<26x16x100000xf32, #tpu.memory_space<hbm>> -> memref<1x16x100000xf32, #tpu.memory_space<hbm>>
        %dma_wait3A_224 = tpu.memref_squeeze %dma_wait3A_223 : memref<1x16x100000xf32, #tpu.memory_space<hbm>> -> memref<16x100000xf32, #tpu.memory_space<hbm>>
        %dma_wait3A_225 = arith.constant 0 : i32
        %dma_wait3A_226 = tpu.memref_slice %dma_wait3A_224[%dma_wait3A_225, %multiple_of3A_124] : memref<16x100000xf32, #tpu.memory_space<hbm>> -> memref<16x128xf32, #tpu.memory_space<hbm>>
        %dma_wait3A_227 = arith.constant 0 : i32
        %dma_wait3A_228 = arith.constant 0 : i32
        %dma_wait3A_229 = tpu.memref_slice %arg2[%add3A, %dma_wait3A_227, %dma_wait3A_228] : memref<26x16x100000xf32, #tpu.memory_space<hbm>> -> memref<1x16x100000xf32, #tpu.memory_space<hbm>>
        %dma_wait3A_230 = tpu.memref_squeeze %dma_wait3A_229 : memref<1x16x100000xf32, #tpu.memory_space<hbm>> -> memref<16x100000xf32, #tpu.memory_space<hbm>>
        %dma_wait3A_231 = arith.constant 0 : i32
        %dma_wait3A_232 = tpu.memref_slice %dma_wait3A_230[%dma_wait3A_231, %multiple_of3A_124] : memref<16x100000xf32, #tpu.memory_space<hbm>> -> memref<16x128xf32, #tpu.memory_space<hbm>>
        tpu.wait_dma2 semaphore(%run_scoped3A_209 : memref<!tpu.dma_semaphore, #tpu.memory_space<semaphore_mem>>) src(%dma_wait3A_232 : memref<16x128xf32, #tpu.memory_space<hbm>>) dst(%arg8 : memref<16x128xf32, #tpu.memory_space<vmem>>)
        tpu.yield
      }) : () -> ()
      %add3A_125 = arith.constant 128 : i32
      %add3A_126 = arith.addi %multiple_of3A_124, %add3A_125 : i32
      %run_scoped3A = arith.constant 0 : i32
      %run_scoped3A_127 = arith.constant 0 : i32
      "tpu.region"() ({
        %run_scoped3A_209 = tpu.sem_alloc : memref<!tpu.dma_semaphore, #tpu.memory_space<semaphore_mem>>
        %dma_start3A_210 = arith.constant 0 : i32
        %dma_start3A_211 = tpu.memref_slice %arg9[%run_scoped3A_127, %dma_start3A_210] : memref<16x32xf32, #tpu.memory_space<vmem>> -> memref<1x32xf32, #tpu.memory_space<vmem>>
        %dma_start3A_212 = tpu.memref_squeeze %dma_start3A_211 : memref<1x32xf32, #tpu.memory_space<vmem>> -> memref<32xf32, #tpu.memory_space<vmem>>
        %dma_start3A_213 = arith.constant 0 : i32
        %dma_start3A_214 = arith.constant 0 : i32
        %dma_start3A_215 = tpu.memref_slice %arg2[%add3A, %dma_start3A_213, %dma_start3A_214] : memref<26x16x100000xf32, #tpu.memory_space<hbm>> -> memref<1x16x100000xf32, #tpu.memory_space<hbm>>
        %dma_start3A_216 = tpu.memref_squeeze %dma_start3A_215 : memref<1x16x100000xf32, #tpu.memory_space<hbm>> -> memref<16x100000xf32, #tpu.memory_space<hbm>>
        %dma_start3A_217 = tpu.memref_slice %dma_start3A_216[%run_scoped3A, %add3A_126] : memref<16x100000xf32, #tpu.memory_space<hbm>> -> memref<1x32xf32, #tpu.memory_space<hbm>>
        %dma_start3A_218 = tpu.memref_squeeze %dma_start3A_217 : memref<1x32xf32, #tpu.memory_space<hbm>> -> memref<32xf32, #tpu.memory_space<hbm>>
        %dma_start3A_219 = arith.constant 0 : i32
        %dma_start3A_220 = tpu.memref_slice %arg9[%run_scoped3A_127, %dma_start3A_219] : memref<16x32xf32, #tpu.memory_space<vmem>> -> memref<1x32xf32, #tpu.memory_space<vmem>>
        %dma_start3A_221 = tpu.memref_squeeze %dma_start3A_220 : memref<1x32xf32, #tpu.memory_space<vmem>> -> memref<32xf32, #tpu.memory_space<vmem>>
        %dma_start3A_222 = arith.constant 0 : i32
        %dma_start3A_223 = arith.constant 0 : i32
        %dma_start3A_224 = tpu.memref_slice %arg2[%add3A, %dma_start3A_222, %dma_start3A_223] : memref<26x16x100000xf32, #tpu.memory_space<hbm>> -> memref<1x16x100000xf32, #tpu.memory_space<hbm>>
        %dma_start3A_225 = tpu.memref_squeeze %dma_start3A_224 : memref<1x16x100000xf32, #tpu.memory_space<hbm>> -> memref<16x100000xf32, #tpu.memory_space<hbm>>
        %dma_start3A_226 = tpu.memref_slice %dma_start3A_225[%run_scoped3A, %add3A_126] : memref<16x100000xf32, #tpu.memory_space<hbm>> -> memref<1x32xf32, #tpu.memory_space<hbm>>
        %dma_start3A_227 = tpu.memref_squeeze %dma_start3A_226 : memref<1x32xf32, #tpu.memory_space<hbm>> -> memref<32xf32, #tpu.memory_space<hbm>>
        tpu.enqueue_dma source(%dma_start3A_227 : memref<32xf32, #tpu.memory_space<hbm>>) target(%dma_start3A_221 : memref<32xf32, #tpu.memory_space<vmem>>) target_semaphore(%run_scoped3A_209 : memref<!tpu.dma_semaphore, #tpu.memory_space<semaphore_mem>>)
        %dma_wait3A = arith.constant 0 : i32
        %dma_wait3A_228 = tpu.memref_slice %arg9[%run_scoped3A_127, %dma_wait3A] : memref<16x32xf32, #tpu.memory_space<vmem>> -> memref<1x32xf32, #tpu.memory_space<vmem>>
        %dma_wait3A_229 = tpu.memref_squeeze %dma_wait3A_228 : memref<1x32xf32, #tpu.memory_space<vmem>> -> memref<32xf32, #tpu.memory_space<vmem>>
        %dma_wait3A_230 = arith.constant 0 : i32
        %dma_wait3A_231 = arith.constant 0 : i32
        %dma_wait3A_232 = tpu.memref_slice %arg2[%add3A, %dma_wait3A_230, %dma_wait3A_231] : memref<26x16x100000xf32, #tpu.memory_space<hbm>> -> memref<1x16x100000xf32, #tpu.memory_space<hbm>>
        %dma_wait3A_233 = tpu.memref_squeeze %dma_wait3A_232 : memref<1x16x100000xf32, #tpu.memory_space<hbm>> -> memref<16x100000xf32, #tpu.memory_space<hbm>>
        %dma_wait3A_234 = tpu.memref_slice %dma_wait3A_233[%run_scoped3A, %add3A_126] : memref<16x100000xf32, #tpu.memory_space<hbm>> -> memref<1x32xf32, #tpu.memory_space<hbm>>
        %dma_wait3A_235 = tpu.memref_squeeze %dma_wait3A_234 : memref<1x32xf32, #tpu.memory_space<hbm>> -> memref<32xf32, #tpu.memory_space<hbm>>
        %dma_wait3A_236 = arith.constant 0 : i32
        %dma_wait3A_237 = tpu.memref_slice %arg9[%run_scoped3A_127, %dma_wait3A_236] : memref<16x32xf32, #tpu.memory_space<vmem>> -> memref<1x32xf32, #tpu.memory_space<vmem>>
        %dma_wait3A_238 = tpu.memref_squeeze %dma_wait3A_237 : memref<1x32xf32, #tpu.memory_space<vmem>> -> memref<32xf32, #tpu.memory_space<vmem>>
        %dma_wait3A_239 = arith.constant 0 : i32
        %dma_wait3A_240 = arith.constant 0 : i32
        %dma_wait3A_241 = tpu.memref_slice %arg2[%add3A, %dma_wait3A_239, %dma_wait3A_240] : memref<26x16x100000xf32, #tpu.memory_space<hbm>> -> memref<1x16x100000xf32, #tpu.memory_space<hbm>>
        %dma_wait3A_242 = tpu.memref_squeeze %dma_wait3A_241 : memref<1x16x100000xf32, #tpu.memory_space<hbm>> -> memref<16x100000xf32, #tpu.memory_space<hbm>>
        %dma_wait3A_243 = tpu.memref_slice %dma_wait3A_242[%run_scoped3A, %add3A_126] : memref<16x100000xf32, #tpu.memory_space<hbm>> -> memref<1x32xf32, #tpu.memory_space<hbm>>
        %dma_wait3A_244 = tpu.memref_squeeze %dma_wait3A_243 : memref<1x32xf32, #tpu.memory_space<hbm>> -> memref<32xf32, #tpu.memory_space<hbm>>
        tpu.wait_dma2 semaphore(%run_scoped3A_209 : memref<!tpu.dma_semaphore, #tpu.memory_space<semaphore_mem>>) src(%dma_wait3A_244 : memref<32xf32, #tpu.memory_space<hbm>>) dst(%dma_wait3A_238 : memref<32xf32, #tpu.memory_space<vmem>>)
        tpu.yield
      }) : () -> ()
      %add3A_128 = arith.constant 128 : i32
      %add3A_129 = arith.addi %multiple_of3A_124, %add3A_128 : i32
      %run_scoped3A_130 = arith.constant 1 : i32
      %run_scoped3A_131 = arith.constant 1 : i32
      "tpu.region"() ({
        %run_scoped3A_209 = tpu.sem_alloc : memref<!tpu.dma_semaphore, #tpu.memory_space<semaphore_mem>>
        %dma_start3A_210 = arith.constant 0 : i32
        %dma_start3A_211 = tpu.memref_slice %arg9[%run_scoped3A_131, %dma_start3A_210] : memref<16x32xf32, #tpu.memory_space<vmem>> -> memref<1x32xf32, #tpu.memory_space<vmem>>
        %dma_start3A_212 = tpu.memref_squeeze %dma_start3A_211 : memref<1x32xf32, #tpu.memory_space<vmem>> -> memref<32xf32, #tpu.memory_space<vmem>>
        %dma_start3A_213 = arith.constant 0 : i32
        %dma_start3A_214 = arith.constant 0 : i32
        %dma_start3A_215 = tpu.memref_slice %arg2[%add3A, %dma_start3A_213, %dma_start3A_214] : memref<26x16x100000xf32, #tpu.memory_space<hbm>> -> memref<1x16x100000xf32, #tpu.memory_space<hbm>>
        %dma_start3A_216 = tpu.memref_squeeze %dma_start3A_215 : memref<1x16x100000xf32, #tpu.memory_space<hbm>> -> memref<16x100000xf32, #tpu.memory_space<hbm>>
        %dma_start3A_217 = tpu.memref_slice %dma_start3A_216[%run_scoped3A_130, %add3A_129] : memref<16x100000xf32, #tpu.memory_space<hbm>> -> memref<1x32xf32, #tpu.memory_space<hbm>>
        %dma_start3A_218 = tpu.memref_squeeze %dma_start3A_217 : memref<1x32xf32, #tpu.memory_space<hbm>> -> memref<32xf32, #tpu.memory_space<hbm>>
        %dma_start3A_219 = arith.constant 0 : i32
        %dma_start3A_220 = tpu.memref_slice %arg9[%run_scoped3A_131, %dma_start3A_219] : memref<16x32xf32, #tpu.memory_space<vmem>> -> memref<1x32xf32, #tpu.memory_space<vmem>>
        %dma_start3A_221 = tpu.memref_squeeze %dma_start3A_220 : memref<1x32xf32, #tpu.memory_space<vmem>> -> memref<32xf32, #tpu.memory_space<vmem>>
        %dma_start3A_222 = arith.constant 0 : i32
        %dma_start3A_223 = arith.constant 0 : i32
        %dma_start3A_224 = tpu.memref_slice %arg2[%add3A, %dma_start3A_222, %dma_start3A_223] : memref<26x16x100000xf32, #tpu.memory_space<hbm>> -> memref<1x16x100000xf32, #tpu.memory_space<hbm>>
        %dma_start3A_225 = tpu.memref_squeeze %dma_start3A_224 : memref<1x16x100000xf32, #tpu.memory_space<hbm>> -> memref<16x100000xf32, #tpu.memory_space<hbm>>
        %dma_start3A_226 = tpu.memref_slice %dma_start3A_225[%run_scoped3A_130, %add3A_129] : memref<16x100000xf32, #tpu.memory_space<hbm>> -> memref<1x32xf32, #tpu.memory_space<hbm>>
        %dma_start3A_227 = tpu.memref_squeeze %dma_start3A_226 : memref<1x32xf32, #tpu.memory_space<hbm>> -> memref<32xf32, #tpu.memory_space<hbm>>
        tpu.enqueue_dma source(%dma_start3A_227 : memref<32xf32, #tpu.memory_space<hbm>>) target(%dma_start3A_221 : memref<32xf32, #tpu.memory_space<vmem>>) target_semaphore(%run_scoped3A_209 : memref<!tpu.dma_semaphore, #tpu.memory_space<semaphore_mem>>)
        %dma_wait3A = arith.constant 0 : i32
        %dma_wait3A_228 = tpu.memref_slice %arg9[%run_scoped3A_131, %dma_wait3A] : memref<16x32xf32, #tpu.memory_space<vmem>> -> memref<1x32xf32, #tpu.memory_space<vmem>>
        %dma_wait3A_229 = tpu.memref_squeeze %dma_wait3A_228 : memref<1x32xf32, #tpu.memory_space<vmem>> -> memref<32xf32, #tpu.memory_space<vmem>>
        %dma_wait3A_230 = arith.constant 0 : i32
        %dma_wait3A_231 = arith.constant 0 : i32
        %dma_wait3A_232 = tpu.memref_slice %arg2[%add3A, %dma_wait3A_230, %dma_wait3A_231] : memref<26x16x100000xf32, #tpu.memory_space<hbm>> -> memref<1x16x100000xf32, #tpu.memory_space<hbm>>
        %dma_wait3A_233 = tpu.memref_squeeze %dma_wait3A_232 : memref<1x16x100000xf32, #tpu.memory_space<hbm>> -> memref<16x100000xf32, #tpu.memory_space<hbm>>
        %dma_wait3A_234 = tpu.memref_slice %dma_wait3A_233[%run_scoped3A_130, %add3A_129] : memref<16x100000xf32, #tpu.memory_space<hbm>> -> memref<1x32xf32, #tpu.memory_space<hbm>>
        %dma_wait3A_235 = tpu.memref_squeeze %dma_wait3A_234 : memref<1x32xf32, #tpu.memory_space<hbm>> -> memref<32xf32, #tpu.memory_space<hbm>>
        %dma_wait3A_236 = arith.constant 0 : i32
        %dma_wait3A_237 = tpu.memref_slice %arg9[%run_scoped3A_131, %dma_wait3A_236] : memref<16x32xf32, #tpu.memory_space<vmem>> -> memref<1x32xf32, #tpu.memory_space<vmem>>
        %dma_wait3A_238 = tpu.memref_squeeze %dma_wait3A_237 : memref<1x32xf32, #tpu.memory_space<vmem>> -> memref<32xf32, #tpu.memory_space<vmem>>
        %dma_wait3A_239 = arith.constant 0 : i32
        %dma_wait3A_240 = arith.constant 0 : i32
        %dma_wait3A_241 = tpu.memref_slice %arg2[%add3A, %dma_wait3A_239, %dma_wait3A_240] : memref<26x16x100000xf32, #tpu.memory_space<hbm>> -> memref<1x16x100000xf32, #tpu.memory_space<hbm>>
        %dma_wait3A_242 = tpu.memref_squeeze %dma_wait3A_241 : memref<1x16x100000xf32, #tpu.memory_space<hbm>> -> memref<16x100000xf32, #tpu.memory_space<hbm>>
        %dma_wait3A_243 = tpu.memref_slice %dma_wait3A_242[%run_scoped3A_130, %add3A_129] : memref<16x100000xf32, #tpu.memory_space<hbm>> -> memref<1x32xf32, #tpu.memory_space<hbm>>
        %dma_wait3A_244 = tpu.memref_squeeze %dma_wait3A_243 : memref<1x32xf32, #tpu.memory_space<hbm>> -> memref<32xf32, #tpu.memory_space<hbm>>
        tpu.wait_dma2 semaphore(%run_scoped3A_209 : memref<!tpu.dma_semaphore, #tpu.memory_space<semaphore_mem>>) src(%dma_wait3A_244 : memref<32xf32, #tpu.memory_space<hbm>>) dst(%dma_wait3A_238 : memref<32xf32, #tpu.memory_space<vmem>>)
        tpu.yield
      }) : () -> ()
      %add3A_132 = arith.constant 128 : i32
      %add3A_133 = arith.addi %multiple_of3A_124, %add3A_132 : i32
      %run_scoped3A_134 = arith.constant 2 : i32
      %run_scoped3A_135 = arith.constant 2 : i32
      "tpu.region"() ({
        %run_scoped3A_209 = tpu.sem_alloc : memref<!tpu.dma_semaphore, #tpu.memory_space<semaphore_mem>>
        %dma_start3A_210 = arith.constant 0 : i32
        %dma_start3A_211 = tpu.memref_slice %arg9[%run_scoped3A_135, %dma_start3A_210] : memref<16x32xf32, #tpu.memory_space<vmem>> -> memref<1x32xf32, #tpu.memory_space<vmem>>
        %dma_start3A_212 = tpu.memref_squeeze %dma_start3A_211 : memref<1x32xf32, #tpu.memory_space<vmem>> -> memref<32xf32, #tpu.memory_space<vmem>>
        %dma_start3A_213 = arith.constant 0 : i32
        %dma_start3A_214 = arith.constant 0 : i32
        %dma_start3A_215 = tpu.memref_slice %arg2[%add3A, %dma_start3A_213, %dma_start3A_214] : memref<26x16x100000xf32, #tpu.memory_space<hbm>> -> memref<1x16x100000xf32, #tpu.memory_space<hbm>>
        %dma_start3A_216 = tpu.memref_squeeze %dma_start3A_215 : memref<1x16x100000xf32, #tpu.memory_space<hbm>> -> memref<16x100000xf32, #tpu.memory_space<hbm>>
        %dma_start3A_217 = tpu.memref_slice %dma_start3A_216[%run_scoped3A_134, %add3A_133] : memref<16x100000xf32, #tpu.memory_space<hbm>> -> memref<1x32xf32, #tpu.memory_space<hbm>>
        %dma_start3A_218 = tpu.memref_squeeze %dma_start3A_217 : memref<1x32xf32, #tpu.memory_space<hbm>> -> memref<32xf32, #tpu.memory_space<hbm>>
        %dma_start3A_219 = arith.constant 0 : i32
        %dma_start3A_220 = tpu.memref_slice %arg9[%run_scoped3A_135, %dma_start3A_219] : memref<16x32xf32, #tpu.memory_space<vmem>> -> memref<1x32xf32, #tpu.memory_space<vmem>>
        %dma_start3A_221 = tpu.memref_squeeze %dma_start3A_220 : memref<1x32xf32, #tpu.memory_space<vmem>> -> memref<32xf32, #tpu.memory_space<vmem>>
        %dma_start3A_222 = arith.constant 0 : i32
        %dma_start3A_223 = arith.constant 0 : i32
        %dma_start3A_224 = tpu.memref_slice %arg2[%add3A, %dma_start3A_222, %dma_start3A_223] : memref<26x16x100000xf32, #tpu.memory_space<hbm>> -> memref<1x16x100000xf32, #tpu.memory_space<hbm>>
        %dma_start3A_225 = tpu.memref_squeeze %dma_start3A_224 : memref<1x16x100000xf32, #tpu.memory_space<hbm>> -> memref<16x100000xf32, #tpu.memory_space<hbm>>
        %dma_start3A_226 = tpu.memref_slice %dma_start3A_225[%run_scoped3A_134, %add3A_133] : memref<16x100000xf32, #tpu.memory_space<hbm>> -> memref<1x32xf32, #tpu.memory_space<hbm>>
        %dma_start3A_227 = tpu.memref_squeeze %dma_start3A_226 : memref<1x32xf32, #tpu.memory_space<hbm>> -> memref<32xf32, #tpu.memory_space<hbm>>
        tpu.enqueue_dma source(%dma_start3A_227 : memref<32xf32, #tpu.memory_space<hbm>>) target(%dma_start3A_221 : memref<32xf32, #tpu.memory_space<vmem>>) target_semaphore(%run_scoped3A_209 : memref<!tpu.dma_semaphore, #tpu.memory_space<semaphore_mem>>)
        %dma_wait3A = arith.constant 0 : i32
        %dma_wait3A_228 = tpu.memref_slice %arg9[%run_scoped3A_135, %dma_wait3A] : memref<16x32xf32, #tpu.memory_space<vmem>> -> memref<1x32xf32, #tpu.memory_space<vmem>>
        %dma_wait3A_229 = tpu.memref_squeeze %dma_wait3A_228 : memref<1x32xf32, #tpu.memory_space<vmem>> -> memref<32xf32, #tpu.memory_space<vmem>>
        %dma_wait3A_230 = arith.constant 0 : i32
        %dma_wait3A_231 = arith.constant 0 : i32
        %dma_wait3A_232 = tpu.memref_slice %arg2[%add3A, %dma_wait3A_230, %dma_wait3A_231] : memref<26x16x100000xf32, #tpu.memory_space<hbm>> -> memref<1x16x100000xf32, #tpu.memory_space<hbm>>
        %dma_wait3A_233 = tpu.memref_squeeze %dma_wait3A_232 : memref<1x16x100000xf32, #tpu.memory_space<hbm>> -> memref<16x100000xf32, #tpu.memory_space<hbm>>
        %dma_wait3A_234 = tpu.memref_slice %dma_wait3A_233[%run_scoped3A_134, %add3A_133] : memref<16x100000xf32, #tpu.memory_space<hbm>> -> memref<1x32xf32, #tpu.memory_space<hbm>>
        %dma_wait3A_235 = tpu.memref_squeeze %dma_wait3A_234 : memref<1x32xf32, #tpu.memory_space<hbm>> -> memref<32xf32, #tpu.memory_space<hbm>>
        %dma_wait3A_236 = arith.constant 0 : i32
        %dma_wait3A_237 = tpu.memref_slice %arg9[%run_scoped3A_135, %dma_wait3A_236] : memref<16x32xf32, #tpu.memory_space<vmem>> -> memref<1x32xf32, #tpu.memory_space<vmem>>
        %dma_wait3A_238 = tpu.memref_squeeze %dma_wait3A_237 : memref<1x32xf32, #tpu.memory_space<vmem>> -> memref<32xf32, #tpu.memory_space<vmem>>
        %dma_wait3A_239 = arith.constant 0 : i32
        %dma_wait3A_240 = arith.constant 0 : i32
        %dma_wait3A_241 = tpu.memref_slice %arg2[%add3A, %dma_wait3A_239, %dma_wait3A_240] : memref<26x16x100000xf32, #tpu.memory_space<hbm>> -> memref<1x16x100000xf32, #tpu.memory_space<hbm>>
        %dma_wait3A_242 = tpu.memref_squeeze %dma_wait3A_241 : memref<1x16x100000xf32, #tpu.memory_space<hbm>> -> memref<16x100000xf32, #tpu.memory_space<hbm>>
        %dma_wait3A_243 = tpu.memref_slice %dma_wait3A_242[%run_scoped3A_134, %add3A_133] : memref<16x100000xf32, #tpu.memory_space<hbm>> -> memref<1x32xf32, #tpu.memory_space<hbm>>
        %dma_wait3A_244 = tpu.memref_squeeze %dma_wait3A_243 : memref<1x32xf32, #tpu.memory_space<hbm>> -> memref<32xf32, #tpu.memory_space<hbm>>
        tpu.wait_dma2 semaphore(%run_scoped3A_209 : memref<!tpu.dma_semaphore, #tpu.memory_space<semaphore_mem>>) src(%dma_wait3A_244 : memref<32xf32, #tpu.memory_space<hbm>>) dst(%dma_wait3A_238 : memref<32xf32, #tpu.memory_space<vmem>>)
        tpu.yield
      }) : () -> ()
      %add3A_136 = arith.constant 128 : i32
      %add3A_137 = arith.addi %multiple_of3A_124, %add3A_136 : i32
      %run_scoped3A_138 = arith.constant 3 : i32
      %run_scoped3A_139 = arith.constant 3 : i32
      "tpu.region"() ({
        %run_scoped3A_209 = tpu.sem_alloc : memref<!tpu.dma_semaphore, #tpu.memory_space<semaphore_mem>>
        %dma_start3A_210 = arith.constant 0 : i32
        %dma_start3A_211 = tpu.memref_slice %arg9[%run_scoped3A_139, %dma_start3A_210] : memref<16x32xf32, #tpu.memory_space<vmem>> -> memref<1x32xf32, #tpu.memory_space<vmem>>
        %dma_start3A_212 = tpu.memref_squeeze %dma_start3A_211 : memref<1x32xf32, #tpu.memory_space<vmem>> -> memref<32xf32, #tpu.memory_space<vmem>>
        %dma_start3A_213 = arith.constant 0 : i32
        %dma_start3A_214 = arith.constant 0 : i32
        %dma_start3A_215 = tpu.memref_slice %arg2[%add3A, %dma_start3A_213, %dma_start3A_214] : memref<26x16x100000xf32, #tpu.memory_space<hbm>> -> memref<1x16x100000xf32, #tpu.memory_space<hbm>>
        %dma_start3A_216 = tpu.memref_squeeze %dma_start3A_215 : memref<1x16x100000xf32, #tpu.memory_space<hbm>> -> memref<16x100000xf32, #tpu.memory_space<hbm>>
        %dma_start3A_217 = tpu.memref_slice %dma_start3A_216[%run_scoped3A_138, %add3A_137] : memref<16x100000xf32, #tpu.memory_space<hbm>> -> memref<1x32xf32, #tpu.memory_space<hbm>>
        %dma_start3A_218 = tpu.memref_squeeze %dma_start3A_217 : memref<1x32xf32, #tpu.memory_space<hbm>> -> memref<32xf32, #tpu.memory_space<hbm>>
        %dma_start3A_219 = arith.constant 0 : i32
        %dma_start3A_220 = tpu.memref_slice %arg9[%run_scoped3A_139, %dma_start3A_219] : memref<16x32xf32, #tpu.memory_space<vmem>> -> memref<1x32xf32, #tpu.memory_space<vmem>>
        %dma_start3A_221 = tpu.memref_squeeze %dma_start3A_220 : memref<1x32xf32, #tpu.memory_space<vmem>> -> memref<32xf32, #tpu.memory_space<vmem>>
        %dma_start3A_222 = arith.constant 0 : i32
        %dma_start3A_223 = arith.constant 0 : i32
        %dma_start3A_224 = tpu.memref_slice %arg2[%add3A, %dma_start3A_222, %dma_start3A_223] : memref<26x16x100000xf32, #tpu.memory_space<hbm>> -> memref<1x16x100000xf32, #tpu.memory_space<hbm>>
        %dma_start3A_225 = tpu.memref_squeeze %dma_start3A_224 : memref<1x16x100000xf32, #tpu.memory_space<hbm>> -> memref<16x100000xf32, #tpu.memory_space<hbm>>
        %dma_start3A_226 = tpu.memref_slice %dma_start3A_225[%run_scoped3A_138, %add3A_137] : memref<16x100000xf32, #tpu.memory_space<hbm>> -> memref<1x32xf32, #tpu.memory_space<hbm>>
        %dma_start3A_227 = tpu.memref_squeeze %dma_start3A_226 : memref<1x32xf32, #tpu.memory_space<hbm>> -> memref<32xf32, #tpu.memory_space<hbm>>
        tpu.enqueue_dma source(%dma_start3A_227 : memref<32xf32, #tpu.memory_space<hbm>>) target(%dma_start3A_221 : memref<32xf32, #tpu.memory_space<vmem>>) target_semaphore(%run_scoped3A_209 : memref<!tpu.dma_semaphore, #tpu.memory_space<semaphore_mem>>)
        %dma_wait3A = arith.constant 0 : i32
        %dma_wait3A_228 = tpu.memref_slice %arg9[%run_scoped3A_139, %dma_wait3A] : memref<16x32xf32, #tpu.memory_space<vmem>> -> memref<1x32xf32, #tpu.memory_space<vmem>>
        %dma_wait3A_229 = tpu.memref_squeeze %dma_wait3A_228 : memref<1x32xf32, #tpu.memory_space<vmem>> -> memref<32xf32, #tpu.memory_space<vmem>>
        %dma_wait3A_230 = arith.constant 0 : i32
        %dma_wait3A_231 = arith.constant 0 : i32
        %dma_wait3A_232 = tpu.memref_slice %arg2[%add3A, %dma_wait3A_230, %dma_wait3A_231] : memref<26x16x100000xf32, #tpu.memory_space<hbm>> -> memref<1x16x100000xf32, #tpu.memory_space<hbm>>
        %dma_wait3A_233 = tpu.memref_squeeze %dma_wait3A_232 : memref<1x16x100000xf32, #tpu.memory_space<hbm>> -> memref<16x100000xf32, #tpu.memory_space<hbm>>
        %dma_wait3A_234 = tpu.memref_slice %dma_wait3A_233[%run_scoped3A_138, %add3A_137] : memref<16x100000xf32, #tpu.memory_space<hbm>> -> memref<1x32xf32, #tpu.memory_space<hbm>>
        %dma_wait3A_235 = tpu.memref_squeeze %dma_wait3A_234 : memref<1x32xf32, #tpu.memory_space<hbm>> -> memref<32xf32, #tpu.memory_space<hbm>>
        %dma_wait3A_236 = arith.constant 0 : i32
        %dma_wait3A_237 = tpu.memref_slice %arg9[%run_scoped3A_139, %dma_wait3A_236] : memref<16x32xf32, #tpu.memory_space<vmem>> -> memref<1x32xf32, #tpu.memory_space<vmem>>
        %dma_wait3A_238 = tpu.memref_squeeze %dma_wait3A_237 : memref<1x32xf32, #tpu.memory_space<vmem>> -> memref<32xf32, #tpu.memory_space<vmem>>
        %dma_wait3A_239 = arith.constant 0 : i32
        %dma_wait3A_240 = arith.constant 0 : i32
        %dma_wait3A_241 = tpu.memref_slice %arg2[%add3A, %dma_wait3A_239, %dma_wait3A_240] : memref<26x16x100000xf32, #tpu.memory_space<hbm>> -> memref<1x16x100000xf32, #tpu.memory_space<hbm>>
        %dma_wait3A_242 = tpu.memref_squeeze %dma_wait3A_241 : memref<1x16x100000xf32, #tpu.memory_space<hbm>> -> memref<16x100000xf32, #tpu.memory_space<hbm>>
        %dma_wait3A_243 = tpu.memref_slice %dma_wait3A_242[%run_scoped3A_138, %add3A_137] : memref<16x100000xf32, #tpu.memory_space<hbm>> -> memref<1x32xf32, #tpu.memory_space<hbm>>
        %dma_wait3A_244 = tpu.memref_squeeze %dma_wait3A_243 : memref<1x32xf32, #tpu.memory_space<hbm>> -> memref<32xf32, #tpu.memory_space<hbm>>
        tpu.wait_dma2 semaphore(%run_scoped3A_209 : memref<!tpu.dma_semaphore, #tpu.memory_space<semaphore_mem>>) src(%dma_wait3A_244 : memref<32xf32, #tpu.memory_space<hbm>>) dst(%dma_wait3A_238 : memref<32xf32, #tpu.memory_space<vmem>>)
        tpu.yield
      }) : () -> ()
      %add3A_140 = arith.constant 128 : i32
      %add3A_141 = arith.addi %multiple_of3A_124, %add3A_140 : i32
      %run_scoped3A_142 = arith.constant 4 : i32
      %run_scoped3A_143 = arith.constant 4 : i32
      "tpu.region"() ({
        %run_scoped3A_209 = tpu.sem_alloc : memref<!tpu.dma_semaphore, #tpu.memory_space<semaphore_mem>>
        %dma_start3A_210 = arith.constant 0 : i32
        %dma_start3A_211 = tpu.memref_slice %arg9[%run_scoped3A_143, %dma_start3A_210] : memref<16x32xf32, #tpu.memory_space<vmem>> -> memref<1x32xf32, #tpu.memory_space<vmem>>
        %dma_start3A_212 = tpu.memref_squeeze %dma_start3A_211 : memref<1x32xf32, #tpu.memory_space<vmem>> -> memref<32xf32, #tpu.memory_space<vmem>>
        %dma_start3A_213 = arith.constant 0 : i32
        %dma_start3A_214 = arith.constant 0 : i32
        %dma_start3A_215 = tpu.memref_slice %arg2[%add3A, %dma_start3A_213, %dma_start3A_214] : memref<26x16x100000xf32, #tpu.memory_space<hbm>> -> memref<1x16x100000xf32, #tpu.memory_space<hbm>>
        %dma_start3A_216 = tpu.memref_squeeze %dma_start3A_215 : memref<1x16x100000xf32, #tpu.memory_space<hbm>> -> memref<16x100000xf32, #tpu.memory_space<hbm>>
        %dma_start3A_217 = tpu.memref_slice %dma_start3A_216[%run_scoped3A_142, %add3A_141] : memref<16x100000xf32, #tpu.memory_space<hbm>> -> memref<1x32xf32, #tpu.memory_space<hbm>>
        %dma_start3A_218 = tpu.memref_squeeze %dma_start3A_217 : memref<1x32xf32, #tpu.memory_space<hbm>> -> memref<32xf32, #tpu.memory_space<hbm>>
        %dma_start3A_219 = arith.constant 0 : i32
        %dma_start3A_220 = tpu.memref_slice %arg9[%run_scoped3A_143, %dma_start3A_219] : memref<16x32xf32, #tpu.memory_space<vmem>> -> memref<1x32xf32, #tpu.memory_space<vmem>>
        %dma_start3A_221 = tpu.memref_squeeze %dma_start3A_220 : memref<1x32xf32, #tpu.memory_space<vmem>> -> memref<32xf32, #tpu.memory_space<vmem>>
        %dma_start3A_222 = arith.constant 0 : i32
        %dma_start3A_223 = arith.constant 0 : i32
        %dma_start3A_224 = tpu.memref_slice %arg2[%add3A, %dma_start3A_222, %dma_start3A_223] : memref<26x16x100000xf32, #tpu.memory_space<hbm>> -> memref<1x16x100000xf32, #tpu.memory_space<hbm>>
        %dma_start3A_225 = tpu.memref_squeeze %dma_start3A_224 : memref<1x16x100000xf32, #tpu.memory_space<hbm>> -> memref<16x100000xf32, #tpu.memory_space<hbm>>
        %dma_start3A_226 = tpu.memref_slice %dma_start3A_225[%run_scoped3A_142, %add3A_141] : memref<16x100000xf32, #tpu.memory_space<hbm>> -> memref<1x32xf32, #tpu.memory_space<hbm>>
        %dma_start3A_227 = tpu.memref_squeeze %dma_start3A_226 : memref<1x32xf32, #tpu.memory_space<hbm>> -> memref<32xf32, #tpu.memory_space<hbm>>
        tpu.enqueue_dma source(%dma_start3A_227 : memref<32xf32, #tpu.memory_space<hbm>>) target(%dma_start3A_221 : memref<32xf32, #tpu.memory_space<vmem>>) target_semaphore(%run_scoped3A_209 : memref<!tpu.dma_semaphore, #tpu.memory_space<semaphore_mem>>)
        %dma_wait3A = arith.constant 0 : i32
        %dma_wait3A_228 = tpu.memref_slice %arg9[%run_scoped3A_143, %dma_wait3A] : memref<16x32xf32, #tpu.memory_space<vmem>> -> memref<1x32xf32, #tpu.memory_space<vmem>>
        %dma_wait3A_229 = tpu.memref_squeeze %dma_wait3A_228 : memref<1x32xf32, #tpu.memory_space<vmem>> -> memref<32xf32, #tpu.memory_space<vmem>>
        %dma_wait3A_230 = arith.constant 0 : i32
        %dma_wait3A_231 = arith.constant 0 : i32
        %dma_wait3A_232 = tpu.memref_slice %arg2[%add3A, %dma_wait3A_230, %dma_wait3A_231] : memref<26x16x100000xf32, #tpu.memory_space<hbm>> -> memref<1x16x100000xf32, #tpu.memory_space<hbm>>
        %dma_wait3A_233 = tpu.memref_squeeze %dma_wait3A_232 : memref<1x16x100000xf32, #tpu.memory_space<hbm>> -> memref<16x100000xf32, #tpu.memory_space<hbm>>
        %dma_wait3A_234 = tpu.memref_slice %dma_wait3A_233[%run_scoped3A_142, %add3A_141] : memref<16x100000xf32, #tpu.memory_space<hbm>> -> memref<1x32xf32, #tpu.memory_space<hbm>>
        %dma_wait3A_235 = tpu.memref_squeeze %dma_wait3A_234 : memref<1x32xf32, #tpu.memory_space<hbm>> -> memref<32xf32, #tpu.memory_space<hbm>>
        %dma_wait3A_236 = arith.constant 0 : i32
        %dma_wait3A_237 = tpu.memref_slice %arg9[%run_scoped3A_143, %dma_wait3A_236] : memref<16x32xf32, #tpu.memory_space<vmem>> -> memref<1x32xf32, #tpu.memory_space<vmem>>
        %dma_wait3A_238 = tpu.memref_squeeze %dma_wait3A_237 : memref<1x32xf32, #tpu.memory_space<vmem>> -> memref<32xf32, #tpu.memory_space<vmem>>
        %dma_wait3A_239 = arith.constant 0 : i32
        %dma_wait3A_240 = arith.constant 0 : i32
        %dma_wait3A_241 = tpu.memref_slice %arg2[%add3A, %dma_wait3A_239, %dma_wait3A_240] : memref<26x16x100000xf32, #tpu.memory_space<hbm>> -> memref<1x16x100000xf32, #tpu.memory_space<hbm>>
        %dma_wait3A_242 = tpu.memref_squeeze %dma_wait3A_241 : memref<1x16x100000xf32, #tpu.memory_space<hbm>> -> memref<16x100000xf32, #tpu.memory_space<hbm>>
        %dma_wait3A_243 = tpu.memref_slice %dma_wait3A_242[%run_scoped3A_142, %add3A_141] : memref<16x100000xf32, #tpu.memory_space<hbm>> -> memref<1x32xf32, #tpu.memory_space<hbm>>
        %dma_wait3A_244 = tpu.memref_squeeze %dma_wait3A_243 : memref<1x32xf32, #tpu.memory_space<hbm>> -> memref<32xf32, #tpu.memory_space<hbm>>
        tpu.wait_dma2 semaphore(%run_scoped3A_209 : memref<!tpu.dma_semaphore, #tpu.memory_space<semaphore_mem>>) src(%dma_wait3A_244 : memref<32xf32, #tpu.memory_space<hbm>>) dst(%dma_wait3A_238 : memref<32xf32, #tpu.memory_space<vmem>>)
        tpu.yield
      }) : () -> ()
      %add3A_144 = arith.constant 128 : i32
      %add3A_145 = arith.addi %multiple_of3A_124, %add3A_144 : i32
      %run_scoped3A_146 = arith.constant 5 : i32
      %run_scoped3A_147 = arith.constant 5 : i32
      "tpu.region"() ({
        %run_scoped3A_209 = tpu.sem_alloc : memref<!tpu.dma_semaphore, #tpu.memory_space<semaphore_mem>>
        %dma_start3A_210 = arith.constant 0 : i32
        %dma_start3A_211 = tpu.memref_slice %arg9[%run_scoped3A_147, %dma_start3A_210] : memref<16x32xf32, #tpu.memory_space<vmem>> -> memref<1x32xf32, #tpu.memory_space<vmem>>
        %dma_start3A_212 = tpu.memref_squeeze %dma_start3A_211 : memref<1x32xf32, #tpu.memory_space<vmem>> -> memref<32xf32, #tpu.memory_space<vmem>>
        %dma_start3A_213 = arith.constant 0 : i32
        %dma_start3A_214 = arith.constant 0 : i32
        %dma_start3A_215 = tpu.memref_slice %arg2[%add3A, %dma_start3A_213, %dma_start3A_214] : memref<26x16x100000xf32, #tpu.memory_space<hbm>> -> memref<1x16x100000xf32, #tpu.memory_space<hbm>>
        %dma_start3A_216 = tpu.memref_squeeze %dma_start3A_215 : memref<1x16x100000xf32, #tpu.memory_space<hbm>> -> memref<16x100000xf32, #tpu.memory_space<hbm>>
        %dma_start3A_217 = tpu.memref_slice %dma_start3A_216[%run_scoped3A_146, %add3A_145] : memref<16x100000xf32, #tpu.memory_space<hbm>> -> memref<1x32xf32, #tpu.memory_space<hbm>>
        %dma_start3A_218 = tpu.memref_squeeze %dma_start3A_217 : memref<1x32xf32, #tpu.memory_space<hbm>> -> memref<32xf32, #tpu.memory_space<hbm>>
        %dma_start3A_219 = arith.constant 0 : i32
        %dma_start3A_220 = tpu.memref_slice %arg9[%run_scoped3A_147, %dma_start3A_219] : memref<16x32xf32, #tpu.memory_space<vmem>> -> memref<1x32xf32, #tpu.memory_space<vmem>>
        %dma_start3A_221 = tpu.memref_squeeze %dma_start3A_220 : memref<1x32xf32, #tpu.memory_space<vmem>> -> memref<32xf32, #tpu.memory_space<vmem>>
        %dma_start3A_222 = arith.constant 0 : i32
        %dma_start3A_223 = arith.constant 0 : i32
        %dma_start3A_224 = tpu.memref_slice %arg2[%add3A, %dma_start3A_222, %dma_start3A_223] : memref<26x16x100000xf32, #tpu.memory_space<hbm>> -> memref<1x16x100000xf32, #tpu.memory_space<hbm>>
        %dma_start3A_225 = tpu.memref_squeeze %dma_start3A_224 : memref<1x16x100000xf32, #tpu.memory_space<hbm>> -> memref<16x100000xf32, #tpu.memory_space<hbm>>
        %dma_start3A_226 = tpu.memref_slice %dma_start3A_225[%run_scoped3A_146, %add3A_145] : memref<16x100000xf32, #tpu.memory_space<hbm>> -> memref<1x32xf32, #tpu.memory_space<hbm>>
        %dma_start3A_227 = tpu.memref_squeeze %dma_start3A_226 : memref<1x32xf32, #tpu.memory_space<hbm>> -> memref<32xf32, #tpu.memory_space<hbm>>
        tpu.enqueue_dma source(%dma_start3A_227 : memref<32xf32, #tpu.memory_space<hbm>>) target(%dma_start3A_221 : memref<32xf32, #tpu.memory_space<vmem>>) target_semaphore(%run_scoped3A_209 : memref<!tpu.dma_semaphore, #tpu.memory_space<semaphore_mem>>)
        %dma_wait3A = arith.constant 0 : i32
        %dma_wait3A_228 = tpu.memref_slice %arg9[%run_scoped3A_147, %dma_wait3A] : memref<16x32xf32, #tpu.memory_space<vmem>> -> memref<1x32xf32, #tpu.memory_space<vmem>>
        %dma_wait3A_229 = tpu.memref_squeeze %dma_wait3A_228 : memref<1x32xf32, #tpu.memory_space<vmem>> -> memref<32xf32, #tpu.memory_space<vmem>>
        %dma_wait3A_230 = arith.constant 0 : i32
        %dma_wait3A_231 = arith.constant 0 : i32
        %dma_wait3A_232 = tpu.memref_slice %arg2[%add3A, %dma_wait3A_230, %dma_wait3A_231] : memref<26x16x100000xf32, #tpu.memory_space<hbm>> -> memref<1x16x100000xf32, #tpu.memory_space<hbm>>
        %dma_wait3A_233 = tpu.memref_squeeze %dma_wait3A_232 : memref<1x16x100000xf32, #tpu.memory_space<hbm>> -> memref<16x100000xf32, #tpu.memory_space<hbm>>
        %dma_wait3A_234 = tpu.memref_slice %dma_wait3A_233[%run_scoped3A_146, %add3A_145] : memref<16x100000xf32, #tpu.memory_space<hbm>> -> memref<1x32xf32, #tpu.memory_space<hbm>>
        %dma_wait3A_235 = tpu.memref_squeeze %dma_wait3A_234 : memref<1x32xf32, #tpu.memory_space<hbm>> -> memref<32xf32, #tpu.memory_space<hbm>>
        %dma_wait3A_236 = arith.constant 0 : i32
        %dma_wait3A_237 = tpu.memref_slice %arg9[%run_scoped3A_147, %dma_wait3A_236] : memref<16x32xf32, #tpu.memory_space<vmem>> -> memref<1x32xf32, #tpu.memory_space<vmem>>
        %dma_wait3A_238 = tpu.memref_squeeze %dma_wait3A_237 : memref<1x32xf32, #tpu.memory_space<vmem>> -> memref<32xf32, #tpu.memory_space<vmem>>
        %dma_wait3A_239 = arith.constant 0 : i32
        %dma_wait3A_240 = arith.constant 0 : i32
        %dma_wait3A_241 = tpu.memref_slice %arg2[%add3A, %dma_wait3A_239, %dma_wait3A_240] : memref<26x16x100000xf32, #tpu.memory_space<hbm>> -> memref<1x16x100000xf32, #tpu.memory_space<hbm>>
        %dma_wait3A_242 = tpu.memref_squeeze %dma_wait3A_241 : memref<1x16x100000xf32, #tpu.memory_space<hbm>> -> memref<16x100000xf32, #tpu.memory_space<hbm>>
        %dma_wait3A_243 = tpu.memref_slice %dma_wait3A_242[%run_scoped3A_146, %add3A_145] : memref<16x100000xf32, #tpu.memory_space<hbm>> -> memref<1x32xf32, #tpu.memory_space<hbm>>
        %dma_wait3A_244 = tpu.memref_squeeze %dma_wait3A_243 : memref<1x32xf32, #tpu.memory_space<hbm>> -> memref<32xf32, #tpu.memory_space<hbm>>
        tpu.wait_dma2 semaphore(%run_scoped3A_209 : memref<!tpu.dma_semaphore, #tpu.memory_space<semaphore_mem>>) src(%dma_wait3A_244 : memref<32xf32, #tpu.memory_space<hbm>>) dst(%dma_wait3A_238 : memref<32xf32, #tpu.memory_space<vmem>>)
        tpu.yield
      }) : () -> ()
      %add3A_148 = arith.constant 128 : i32
      %add3A_149 = arith.addi %multiple_of3A_124, %add3A_148 : i32
      %run_scoped3A_150 = arith.constant 6 : i32
      %run_scoped3A_151 = arith.constant 6 : i32
      "tpu.region"() ({
        %run_scoped3A_209 = tpu.sem_alloc : memref<!tpu.dma_semaphore, #tpu.memory_space<semaphore_mem>>
        %dma_start3A_210 = arith.constant 0 : i32
        %dma_start3A_211 = tpu.memref_slice %arg9[%run_scoped3A_151, %dma_start3A_210] : memref<16x32xf32, #tpu.memory_space<vmem>> -> memref<1x32xf32, #tpu.memory_space<vmem>>
        %dma_start3A_212 = tpu.memref_squeeze %dma_start3A_211 : memref<1x32xf32, #tpu.memory_space<vmem>> -> memref<32xf32, #tpu.memory_space<vmem>>
        %dma_start3A_213 = arith.constant 0 : i32
        %dma_start3A_214 = arith.constant 0 : i32
        %dma_start3A_215 = tpu.memref_slice %arg2[%add3A, %dma_start3A_213, %dma_start3A_214] : memref<26x16x100000xf32, #tpu.memory_space<hbm>> -> memref<1x16x100000xf32, #tpu.memory_space<hbm>>
        %dma_start3A_216 = tpu.memref_squeeze %dma_start3A_215 : memref<1x16x100000xf32, #tpu.memory_space<hbm>> -> memref<16x100000xf32, #tpu.memory_space<hbm>>
        %dma_start3A_217 = tpu.memref_slice %dma_start3A_216[%run_scoped3A_150, %add3A_149] : memref<16x100000xf32, #tpu.memory_space<hbm>> -> memref<1x32xf32, #tpu.memory_space<hbm>>
        %dma_start3A_218 = tpu.memref_squeeze %dma_start3A_217 : memref<1x32xf32, #tpu.memory_space<hbm>> -> memref<32xf32, #tpu.memory_space<hbm>>
        %dma_start3A_219 = arith.constant 0 : i32
        %dma_start3A_220 = tpu.memref_slice %arg9[%run_scoped3A_151, %dma_start3A_219] : memref<16x32xf32, #tpu.memory_space<vmem>> -> memref<1x32xf32, #tpu.memory_space<vmem>>
        %dma_start3A_221 = tpu.memref_squeeze %dma_start3A_220 : memref<1x32xf32, #tpu.memory_space<vmem>> -> memref<32xf32, #tpu.memory_space<vmem>>
        %dma_start3A_222 = arith.constant 0 : i32
        %dma_start3A_223 = arith.constant 0 : i32
        %dma_start3A_224 = tpu.memref_slice %arg2[%add3A, %dma_start3A_222, %dma_start3A_223] : memref<26x16x100000xf32, #tpu.memory_space<hbm>> -> memref<1x16x100000xf32, #tpu.memory_space<hbm>>
        %dma_start3A_225 = tpu.memref_squeeze %dma_start3A_224 : memref<1x16x100000xf32, #tpu.memory_space<hbm>> -> memref<16x100000xf32, #tpu.memory_space<hbm>>
        %dma_start3A_226 = tpu.memref_slice %dma_start3A_225[%run_scoped3A_150, %add3A_149] : memref<16x100000xf32, #tpu.memory_space<hbm>> -> memref<1x32xf32, #tpu.memory_space<hbm>>
        %dma_start3A_227 = tpu.memref_squeeze %dma_start3A_226 : memref<1x32xf32, #tpu.memory_space<hbm>> -> memref<32xf32, #tpu.memory_space<hbm>>
        tpu.enqueue_dma source(%dma_start3A_227 : memref<32xf32, #tpu.memory_space<hbm>>) target(%dma_start3A_221 : memref<32xf32, #tpu.memory_space<vmem>>) target_semaphore(%run_scoped3A_209 : memref<!tpu.dma_semaphore, #tpu.memory_space<semaphore_mem>>)
        %dma_wait3A = arith.constant 0 : i32
        %dma_wait3A_228 = tpu.memref_slice %arg9[%run_scoped3A_151, %dma_wait3A] : memref<16x32xf32, #tpu.memory_space<vmem>> -> memref<1x32xf32, #tpu.memory_space<vmem>>
        %dma_wait3A_229 = tpu.memref_squeeze %dma_wait3A_228 : memref<1x32xf32, #tpu.memory_space<vmem>> -> memref<32xf32, #tpu.memory_space<vmem>>
        %dma_wait3A_230 = arith.constant 0 : i32
        %dma_wait3A_231 = arith.constant 0 : i32
        %dma_wait3A_232 = tpu.memref_slice %arg2[%add3A, %dma_wait3A_230, %dma_wait3A_231] : memref<26x16x100000xf32, #tpu.memory_space<hbm>> -> memref<1x16x100000xf32, #tpu.memory_space<hbm>>
        %dma_wait3A_233 = tpu.memref_squeeze %dma_wait3A_232 : memref<1x16x100000xf32, #tpu.memory_space<hbm>> -> memref<16x100000xf32, #tpu.memory_space<hbm>>
        %dma_wait3A_234 = tpu.memref_slice %dma_wait3A_233[%run_scoped3A_150, %add3A_149] : memref<16x100000xf32, #tpu.memory_space<hbm>> -> memref<1x32xf32, #tpu.memory_space<hbm>>
        %dma_wait3A_235 = tpu.memref_squeeze %dma_wait3A_234 : memref<1x32xf32, #tpu.memory_space<hbm>> -> memref<32xf32, #tpu.memory_space<hbm>>
        %dma_wait3A_236 = arith.constant 0 : i32
        %dma_wait3A_237 = tpu.memref_slice %arg9[%run_scoped3A_151, %dma_wait3A_236] : memref<16x32xf32, #tpu.memory_space<vmem>> -> memref<1x32xf32, #tpu.memory_space<vmem>>
        %dma_wait3A_238 = tpu.memref_squeeze %dma_wait3A_237 : memref<1x32xf32, #tpu.memory_space<vmem>> -> memref<32xf32, #tpu.memory_space<vmem>>
        %dma_wait3A_239 = arith.constant 0 : i32
        %dma_wait3A_240 = arith.constant 0 : i32
        %dma_wait3A_241 = tpu.memref_slice %arg2[%add3A, %dma_wait3A_239, %dma_wait3A_240] : memref<26x16x100000xf32, #tpu.memory_space<hbm>> -> memref<1x16x100000xf32, #tpu.memory_space<hbm>>
        %dma_wait3A_242 = tpu.memref_squeeze %dma_wait3A_241 : memref<1x16x100000xf32, #tpu.memory_space<hbm>> -> memref<16x100000xf32, #tpu.memory_space<hbm>>
        %dma_wait3A_243 = tpu.memref_slice %dma_wait3A_242[%run_scoped3A_150, %add3A_149] : memref<16x100000xf32, #tpu.memory_space<hbm>> -> memref<1x32xf32, #tpu.memory_space<hbm>>
        %dma_wait3A_244 = tpu.memref_squeeze %dma_wait3A_243 : memref<1x32xf32, #tpu.memory_space<hbm>> -> memref<32xf32, #tpu.memory_space<hbm>>
        tpu.wait_dma2 semaphore(%run_scoped3A_209 : memref<!tpu.dma_semaphore, #tpu.memory_space<semaphore_mem>>) src(%dma_wait3A_244 : memref<32xf32, #tpu.memory_space<hbm>>) dst(%dma_wait3A_238 : memref<32xf32, #tpu.memory_space<vmem>>)
        tpu.yield
      }) : () -> ()
      %add3A_152 = arith.constant 128 : i32
      %add3A_153 = arith.addi %multiple_of3A_124, %add3A_152 : i32
      %run_scoped3A_154 = arith.constant 7 : i32
      %run_scoped3A_155 = arith.constant 7 : i32
      "tpu.region"() ({
        %run_scoped3A_209 = tpu.sem_alloc : memref<!tpu.dma_semaphore, #tpu.memory_space<semaphore_mem>>
        %dma_start3A_210 = arith.constant 0 : i32
        %dma_start3A_211 = tpu.memref_slice %arg9[%run_scoped3A_155, %dma_start3A_210] : memref<16x32xf32, #tpu.memory_space<vmem>> -> memref<1x32xf32, #tpu.memory_space<vmem>>
        %dma_start3A_212 = tpu.memref_squeeze %dma_start3A_211 : memref<1x32xf32, #tpu.memory_space<vmem>> -> memref<32xf32, #tpu.memory_space<vmem>>
        %dma_start3A_213 = arith.constant 0 : i32
        %dma_start3A_214 = arith.constant 0 : i32
        %dma_start3A_215 = tpu.memref_slice %arg2[%add3A, %dma_start3A_213, %dma_start3A_214] : memref<26x16x100000xf32, #tpu.memory_space<hbm>> -> memref<1x16x100000xf32, #tpu.memory_space<hbm>>
        %dma_start3A_216 = tpu.memref_squeeze %dma_start3A_215 : memref<1x16x100000xf32, #tpu.memory_space<hbm>> -> memref<16x100000xf32, #tpu.memory_space<hbm>>
        %dma_start3A_217 = tpu.memref_slice %dma_start3A_216[%run_scoped3A_154, %add3A_153] : memref<16x100000xf32, #tpu.memory_space<hbm>> -> memref<1x32xf32, #tpu.memory_space<hbm>>
        %dma_start3A_218 = tpu.memref_squeeze %dma_start3A_217 : memref<1x32xf32, #tpu.memory_space<hbm>> -> memref<32xf32, #tpu.memory_space<hbm>>
        %dma_start3A_219 = arith.constant 0 : i32
        %dma_start3A_220 = tpu.memref_slice %arg9[%run_scoped3A_155, %dma_start3A_219] : memref<16x32xf32, #tpu.memory_space<vmem>> -> memref<1x32xf32, #tpu.memory_space<vmem>>
        %dma_start3A_221 = tpu.memref_squeeze %dma_start3A_220 : memref<1x32xf32, #tpu.memory_space<vmem>> -> memref<32xf32, #tpu.memory_space<vmem>>
        %dma_start3A_222 = arith.constant 0 : i32
        %dma_start3A_223 = arith.constant 0 : i32
        %dma_start3A_224 = tpu.memref_slice %arg2[%add3A, %dma_start3A_222, %dma_start3A_223] : memref<26x16x100000xf32, #tpu.memory_space<hbm>> -> memref<1x16x100000xf32, #tpu.memory_space<hbm>>
        %dma_start3A_225 = tpu.memref_squeeze %dma_start3A_224 : memref<1x16x100000xf32, #tpu.memory_space<hbm>> -> memref<16x100000xf32, #tpu.memory_space<hbm>>
        %dma_start3A_226 = tpu.memref_slice %dma_start3A_225[%run_scoped3A_154, %add3A_153] : memref<16x100000xf32, #tpu.memory_space<hbm>> -> memref<1x32xf32, #tpu.memory_space<hbm>>
        %dma_start3A_227 = tpu.memref_squeeze %dma_start3A_226 : memref<1x32xf32, #tpu.memory_space<hbm>> -> memref<32xf32, #tpu.memory_space<hbm>>
        tpu.enqueue_dma source(%dma_start3A_227 : memref<32xf32, #tpu.memory_space<hbm>>) target(%dma_start3A_221 : memref<32xf32, #tpu.memory_space<vmem>>) target_semaphore(%run_scoped3A_209 : memref<!tpu.dma_semaphore, #tpu.memory_space<semaphore_mem>>)
        %dma_wait3A = arith.constant 0 : i32
        %dma_wait3A_228 = tpu.memref_slice %arg9[%run_scoped3A_155, %dma_wait3A] : memref<16x32xf32, #tpu.memory_space<vmem>> -> memref<1x32xf32, #tpu.memory_space<vmem>>
        %dma_wait3A_229 = tpu.memref_squeeze %dma_wait3A_228 : memref<1x32xf32, #tpu.memory_space<vmem>> -> memref<32xf32, #tpu.memory_space<vmem>>
        %dma_wait3A_230 = arith.constant 0 : i32
        %dma_wait3A_231 = arith.constant 0 : i32
        %dma_wait3A_232 = tpu.memref_slice %arg2[%add3A, %dma_wait3A_230, %dma_wait3A_231] : memref<26x16x100000xf32, #tpu.memory_space<hbm>> -> memref<1x16x100000xf32, #tpu.memory_space<hbm>>
        %dma_wait3A_233 = tpu.memref_squeeze %dma_wait3A_232 : memref<1x16x100000xf32, #tpu.memory_space<hbm>> -> memref<16x100000xf32, #tpu.memory_space<hbm>>
        %dma_wait3A_234 = tpu.memref_slice %dma_wait3A_233[%run_scoped3A_154, %add3A_153] : memref<16x100000xf32, #tpu.memory_space<hbm>> -> memref<1x32xf32, #tpu.memory_space<hbm>>
        %dma_wait3A_235 = tpu.memref_squeeze %dma_wait3A_234 : memref<1x32xf32, #tpu.memory_space<hbm>> -> memref<32xf32, #tpu.memory_space<hbm>>
        %dma_wait3A_236 = arith.constant 0 : i32
        %dma_wait3A_237 = tpu.memref_slice %arg9[%run_scoped3A_155, %dma_wait3A_236] : memref<16x32xf32, #tpu.memory_space<vmem>> -> memref<1x32xf32, #tpu.memory_space<vmem>>
        %dma_wait3A_238 = tpu.memref_squeeze %dma_wait3A_237 : memref<1x32xf32, #tpu.memory_space<vmem>> -> memref<32xf32, #tpu.memory_space<vmem>>
        %dma_wait3A_239 = arith.constant 0 : i32
        %dma_wait3A_240 = arith.constant 0 : i32
        %dma_wait3A_241 = tpu.memref_slice %arg2[%add3A, %dma_wait3A_239, %dma_wait3A_240] : memref<26x16x100000xf32, #tpu.memory_space<hbm>> -> memref<1x16x100000xf32, #tpu.memory_space<hbm>>
        %dma_wait3A_242 = tpu.memref_squeeze %dma_wait3A_241 : memref<1x16x100000xf32, #tpu.memory_space<hbm>> -> memref<16x100000xf32, #tpu.memory_space<hbm>>
        %dma_wait3A_243 = tpu.memref_slice %dma_wait3A_242[%run_scoped3A_154, %add3A_153] : memref<16x100000xf32, #tpu.memory_space<hbm>> -> memref<1x32xf32, #tpu.memory_space<hbm>>
        %dma_wait3A_244 = tpu.memref_squeeze %dma_wait3A_243 : memref<1x32xf32, #tpu.memory_space<hbm>> -> memref<32xf32, #tpu.memory_space<hbm>>
        tpu.wait_dma2 semaphore(%run_scoped3A_209 : memref<!tpu.dma_semaphore, #tpu.memory_space<semaphore_mem>>) src(%dma_wait3A_244 : memref<32xf32, #tpu.memory_space<hbm>>) dst(%dma_wait3A_238 : memref<32xf32, #tpu.memory_space<vmem>>)
        tpu.yield
      }) : () -> ()
      %add3A_156 = arith.constant 128 : i32
      %add3A_157 = arith.addi %multiple_of3A_124, %add3A_156 : i32
      %run_scoped3A_158 = arith.constant 8 : i32
      %run_scoped3A_159 = arith.constant 8 : i32
      "tpu.region"() ({
        %run_scoped3A_209 = tpu.sem_alloc : memref<!tpu.dma_semaphore, #tpu.memory_space<semaphore_mem>>
        %dma_start3A_210 = arith.constant 0 : i32
        %dma_start3A_211 = tpu.memref_slice %arg9[%run_scoped3A_159, %dma_start3A_210] : memref<16x32xf32, #tpu.memory_space<vmem>> -> memref<1x32xf32, #tpu.memory_space<vmem>>
        %dma_start3A_212 = tpu.memref_squeeze %dma_start3A_211 : memref<1x32xf32, #tpu.memory_space<vmem>> -> memref<32xf32, #tpu.memory_space<vmem>>
        %dma_start3A_213 = arith.constant 0 : i32
        %dma_start3A_214 = arith.constant 0 : i32
        %dma_start3A_215 = tpu.memref_slice %arg2[%add3A, %dma_start3A_213, %dma_start3A_214] : memref<26x16x100000xf32, #tpu.memory_space<hbm>> -> memref<1x16x100000xf32, #tpu.memory_space<hbm>>
        %dma_start3A_216 = tpu.memref_squeeze %dma_start3A_215 : memref<1x16x100000xf32, #tpu.memory_space<hbm>> -> memref<16x100000xf32, #tpu.memory_space<hbm>>
        %dma_start3A_217 = tpu.memref_slice %dma_start3A_216[%run_scoped3A_158, %add3A_157] : memref<16x100000xf32, #tpu.memory_space<hbm>> -> memref<1x32xf32, #tpu.memory_space<hbm>>
        %dma_start3A_218 = tpu.memref_squeeze %dma_start3A_217 : memref<1x32xf32, #tpu.memory_space<hbm>> -> memref<32xf32, #tpu.memory_space<hbm>>
        %dma_start3A_219 = arith.constant 0 : i32
        %dma_start3A_220 = tpu.memref_slice %arg9[%run_scoped3A_159, %dma_start3A_219] : memref<16x32xf32, #tpu.memory_space<vmem>> -> memref<1x32xf32, #tpu.memory_space<vmem>>
        %dma_start3A_221 = tpu.memref_squeeze %dma_start3A_220 : memref<1x32xf32, #tpu.memory_space<vmem>> -> memref<32xf32, #tpu.memory_space<vmem>>
        %dma_start3A_222 = arith.constant 0 : i32
        %dma_start3A_223 = arith.constant 0 : i32
        %dma_start3A_224 = tpu.memref_slice %arg2[%add3A, %dma_start3A_222, %dma_start3A_223] : memref<26x16x100000xf32, #tpu.memory_space<hbm>> -> memref<1x16x100000xf32, #tpu.memory_space<hbm>>
        %dma_start3A_225 = tpu.memref_squeeze %dma_start3A_224 : memref<1x16x100000xf32, #tpu.memory_space<hbm>> -> memref<16x100000xf32, #tpu.memory_space<hbm>>
        %dma_start3A_226 = tpu.memref_slice %dma_start3A_225[%run_scoped3A_158, %add3A_157] : memref<16x100000xf32, #tpu.memory_space<hbm>> -> memref<1x32xf32, #tpu.memory_space<hbm>>
        %dma_start3A_227 = tpu.memref_squeeze %dma_start3A_226 : memref<1x32xf32, #tpu.memory_space<hbm>> -> memref<32xf32, #tpu.memory_space<hbm>>
        tpu.enqueue_dma source(%dma_start3A_227 : memref<32xf32, #tpu.memory_space<hbm>>) target(%dma_start3A_221 : memref<32xf32, #tpu.memory_space<vmem>>) target_semaphore(%run_scoped3A_209 : memref<!tpu.dma_semaphore, #tpu.memory_space<semaphore_mem>>)
        %dma_wait3A = arith.constant 0 : i32
        %dma_wait3A_228 = tpu.memref_slice %arg9[%run_scoped3A_159, %dma_wait3A] : memref<16x32xf32, #tpu.memory_space<vmem>> -> memref<1x32xf32, #tpu.memory_space<vmem>>
        %dma_wait3A_229 = tpu.memref_squeeze %dma_wait3A_228 : memref<1x32xf32, #tpu.memory_space<vmem>> -> memref<32xf32, #tpu.memory_space<vmem>>
        %dma_wait3A_230 = arith.constant 0 : i32
        %dma_wait3A_231 = arith.constant 0 : i32
        %dma_wait3A_232 = tpu.memref_slice %arg2[%add3A, %dma_wait3A_230, %dma_wait3A_231] : memref<26x16x100000xf32, #tpu.memory_space<hbm>> -> memref<1x16x100000xf32, #tpu.memory_space<hbm>>
        %dma_wait3A_233 = tpu.memref_squeeze %dma_wait3A_232 : memref<1x16x100000xf32, #tpu.memory_space<hbm>> -> memref<16x100000xf32, #tpu.memory_space<hbm>>
        %dma_wait3A_234 = tpu.memref_slice %dma_wait3A_233[%run_scoped3A_158, %add3A_157] : memref<16x100000xf32, #tpu.memory_space<hbm>> -> memref<1x32xf32, #tpu.memory_space<hbm>>
        %dma_wait3A_235 = tpu.memref_squeeze %dma_wait3A_234 : memref<1x32xf32, #tpu.memory_space<hbm>> -> memref<32xf32, #tpu.memory_space<hbm>>
        %dma_wait3A_236 = arith.constant 0 : i32
        %dma_wait3A_237 = tpu.memref_slice %arg9[%run_scoped3A_159, %dma_wait3A_236] : memref<16x32xf32, #tpu.memory_space<vmem>> -> memref<1x32xf32, #tpu.memory_space<vmem>>
        %dma_wait3A_238 = tpu.memref_squeeze %dma_wait3A_237 : memref<1x32xf32, #tpu.memory_space<vmem>> -> memref<32xf32, #tpu.memory_space<vmem>>
        %dma_wait3A_239 = arith.constant 0 : i32
        %dma_wait3A_240 = arith.constant 0 : i32
        %dma_wait3A_241 = tpu.memref_slice %arg2[%add3A, %dma_wait3A_239, %dma_wait3A_240] : memref<26x16x100000xf32, #tpu.memory_space<hbm>> -> memref<1x16x100000xf32, #tpu.memory_space<hbm>>
        %dma_wait3A_242 = tpu.memref_squeeze %dma_wait3A_241 : memref<1x16x100000xf32, #tpu.memory_space<hbm>> -> memref<16x100000xf32, #tpu.memory_space<hbm>>
        %dma_wait3A_243 = tpu.memref_slice %dma_wait3A_242[%run_scoped3A_158, %add3A_157] : memref<16x100000xf32, #tpu.memory_space<hbm>> -> memref<1x32xf32, #tpu.memory_space<hbm>>
        %dma_wait3A_244 = tpu.memref_squeeze %dma_wait3A_243 : memref<1x32xf32, #tpu.memory_space<hbm>> -> memref<32xf32, #tpu.memory_space<hbm>>
        tpu.wait_dma2 semaphore(%run_scoped3A_209 : memref<!tpu.dma_semaphore, #tpu.memory_space<semaphore_mem>>) src(%dma_wait3A_244 : memref<32xf32, #tpu.memory_space<hbm>>) dst(%dma_wait3A_238 : memref<32xf32, #tpu.memory_space<vmem>>)
        tpu.yield
      }) : () -> ()
      %add3A_160 = arith.constant 128 : i32
      %add3A_161 = arith.addi %multiple_of3A_124, %add3A_160 : i32
      %run_scoped3A_162 = arith.constant 9 : i32
      %run_scoped3A_163 = arith.constant 9 : i32
      "tpu.region"() ({
        %run_scoped3A_209 = tpu.sem_alloc : memref<!tpu.dma_semaphore, #tpu.memory_space<semaphore_mem>>
        %dma_start3A_210 = arith.constant 0 : i32
        %dma_start3A_211 = tpu.memref_slice %arg9[%run_scoped3A_163, %dma_start3A_210] : memref<16x32xf32, #tpu.memory_space<vmem>> -> memref<1x32xf32, #tpu.memory_space<vmem>>
        %dma_start3A_212 = tpu.memref_squeeze %dma_start3A_211 : memref<1x32xf32, #tpu.memory_space<vmem>> -> memref<32xf32, #tpu.memory_space<vmem>>
        %dma_start3A_213 = arith.constant 0 : i32
        %dma_start3A_214 = arith.constant 0 : i32
        %dma_start3A_215 = tpu.memref_slice %arg2[%add3A, %dma_start3A_213, %dma_start3A_214] : memref<26x16x100000xf32, #tpu.memory_space<hbm>> -> memref<1x16x100000xf32, #tpu.memory_space<hbm>>
        %dma_start3A_216 = tpu.memref_squeeze %dma_start3A_215 : memref<1x16x100000xf32, #tpu.memory_space<hbm>> -> memref<16x100000xf32, #tpu.memory_space<hbm>>
        %dma_start3A_217 = tpu.memref_slice %dma_start3A_216[%run_scoped3A_162, %add3A_161] : memref<16x100000xf32, #tpu.memory_space<hbm>> -> memref<1x32xf32, #tpu.memory_space<hbm>>
        %dma_start3A_218 = tpu.memref_squeeze %dma_start3A_217 : memref<1x32xf32, #tpu.memory_space<hbm>> -> memref<32xf32, #tpu.memory_space<hbm>>
        %dma_start3A_219 = arith.constant 0 : i32
        %dma_start3A_220 = tpu.memref_slice %arg9[%run_scoped3A_163, %dma_start3A_219] : memref<16x32xf32, #tpu.memory_space<vmem>> -> memref<1x32xf32, #tpu.memory_space<vmem>>
        %dma_start3A_221 = tpu.memref_squeeze %dma_start3A_220 : memref<1x32xf32, #tpu.memory_space<vmem>> -> memref<32xf32, #tpu.memory_space<vmem>>
        %dma_start3A_222 = arith.constant 0 : i32
        %dma_start3A_223 = arith.constant 0 : i32
        %dma_start3A_224 = tpu.memref_slice %arg2[%add3A, %dma_start3A_222, %dma_start3A_223] : memref<26x16x100000xf32, #tpu.memory_space<hbm>> -> memref<1x16x100000xf32, #tpu.memory_space<hbm>>
        %dma_start3A_225 = tpu.memref_squeeze %dma_start3A_224 : memref<1x16x100000xf32, #tpu.memory_space<hbm>> -> memref<16x100000xf32, #tpu.memory_space<hbm>>
        %dma_start3A_226 = tpu.memref_slice %dma_start3A_225[%run_scoped3A_162, %add3A_161] : memref<16x100000xf32, #tpu.memory_space<hbm>> -> memref<1x32xf32, #tpu.memory_space<hbm>>
        %dma_start3A_227 = tpu.memref_squeeze %dma_start3A_226 : memref<1x32xf32, #tpu.memory_space<hbm>> -> memref<32xf32, #tpu.memory_space<hbm>>
        tpu.enqueue_dma source(%dma_start3A_227 : memref<32xf32, #tpu.memory_space<hbm>>) target(%dma_start3A_221 : memref<32xf32, #tpu.memory_space<vmem>>) target_semaphore(%run_scoped3A_209 : memref<!tpu.dma_semaphore, #tpu.memory_space<semaphore_mem>>)
        %dma_wait3A = arith.constant 0 : i32
        %dma_wait3A_228 = tpu.memref_slice %arg9[%run_scoped3A_163, %dma_wait3A] : memref<16x32xf32, #tpu.memory_space<vmem>> -> memref<1x32xf32, #tpu.memory_space<vmem>>
        %dma_wait3A_229 = tpu.memref_squeeze %dma_wait3A_228 : memref<1x32xf32, #tpu.memory_space<vmem>> -> memref<32xf32, #tpu.memory_space<vmem>>
        %dma_wait3A_230 = arith.constant 0 : i32
        %dma_wait3A_231 = arith.constant 0 : i32
        %dma_wait3A_232 = tpu.memref_slice %arg2[%add3A, %dma_wait3A_230, %dma_wait3A_231] : memref<26x16x100000xf32, #tpu.memory_space<hbm>> -> memref<1x16x100000xf32, #tpu.memory_space<hbm>>
        %dma_wait3A_233 = tpu.memref_squeeze %dma_wait3A_232 : memref<1x16x100000xf32, #tpu.memory_space<hbm>> -> memref<16x100000xf32, #tpu.memory_space<hbm>>
        %dma_wait3A_234 = tpu.memref_slice %dma_wait3A_233[%run_scoped3A_162, %add3A_161] : memref<16x100000xf32, #tpu.memory_space<hbm>> -> memref<1x32xf32, #tpu.memory_space<hbm>>
        %dma_wait3A_235 = tpu.memref_squeeze %dma_wait3A_234 : memref<1x32xf32, #tpu.memory_space<hbm>> -> memref<32xf32, #tpu.memory_space<hbm>>
        %dma_wait3A_236 = arith.constant 0 : i32
        %dma_wait3A_237 = tpu.memref_slice %arg9[%run_scoped3A_163, %dma_wait3A_236] : memref<16x32xf32, #tpu.memory_space<vmem>> -> memref<1x32xf32, #tpu.memory_space<vmem>>
        %dma_wait3A_238 = tpu.memref_squeeze %dma_wait3A_237 : memref<1x32xf32, #tpu.memory_space<vmem>> -> memref<32xf32, #tpu.memory_space<vmem>>
        %dma_wait3A_239 = arith.constant 0 : i32
        %dma_wait3A_240 = arith.constant 0 : i32
        %dma_wait3A_241 = tpu.memref_slice %arg2[%add3A, %dma_wait3A_239, %dma_wait3A_240] : memref<26x16x100000xf32, #tpu.memory_space<hbm>> -> memref<1x16x100000xf32, #tpu.memory_space<hbm>>
        %dma_wait3A_242 = tpu.memref_squeeze %dma_wait3A_241 : memref<1x16x100000xf32, #tpu.memory_space<hbm>> -> memref<16x100000xf32, #tpu.memory_space<hbm>>
        %dma_wait3A_243 = tpu.memref_slice %dma_wait3A_242[%run_scoped3A_162, %add3A_161] : memref<16x100000xf32, #tpu.memory_space<hbm>> -> memref<1x32xf32, #tpu.memory_space<hbm>>
        %dma_wait3A_244 = tpu.memref_squeeze %dma_wait3A_243 : memref<1x32xf32, #tpu.memory_space<hbm>> -> memref<32xf32, #tpu.memory_space<hbm>>
        tpu.wait_dma2 semaphore(%run_scoped3A_209 : memref<!tpu.dma_semaphore, #tpu.memory_space<semaphore_mem>>) src(%dma_wait3A_244 : memref<32xf32, #tpu.memory_space<hbm>>) dst(%dma_wait3A_238 : memref<32xf32, #tpu.memory_space<vmem>>)
        tpu.yield
      }) : () -> ()
      %add3A_164 = arith.constant 128 : i32
      %add3A_165 = arith.addi %multiple_of3A_124, %add3A_164 : i32
      %run_scoped3A_166 = arith.constant 10 : i32
      %run_scoped3A_167 = arith.constant 10 : i32
      "tpu.region"() ({
        %run_scoped3A_209 = tpu.sem_alloc : memref<!tpu.dma_semaphore, #tpu.memory_space<semaphore_mem>>
        %dma_start3A_210 = arith.constant 0 : i32
        %dma_start3A_211 = tpu.memref_slice %arg9[%run_scoped3A_167, %dma_start3A_210] : memref<16x32xf32, #tpu.memory_space<vmem>> -> memref<1x32xf32, #tpu.memory_space<vmem>>
        %dma_start3A_212 = tpu.memref_squeeze %dma_start3A_211 : memref<1x32xf32, #tpu.memory_space<vmem>> -> memref<32xf32, #tpu.memory_space<vmem>>
        %dma_start3A_213 = arith.constant 0 : i32
        %dma_start3A_214 = arith.constant 0 : i32
        %dma_start3A_215 = tpu.memref_slice %arg2[%add3A, %dma_start3A_213, %dma_start3A_214] : memref<26x16x100000xf32, #tpu.memory_space<hbm>> -> memref<1x16x100000xf32, #tpu.memory_space<hbm>>
        %dma_start3A_216 = tpu.memref_squeeze %dma_start3A_215 : memref<1x16x100000xf32, #tpu.memory_space<hbm>> -> memref<16x100000xf32, #tpu.memory_space<hbm>>
        %dma_start3A_217 = tpu.memref_slice %dma_start3A_216[%run_scoped3A_166, %add3A_165] : memref<16x100000xf32, #tpu.memory_space<hbm>> -> memref<1x32xf32, #tpu.memory_space<hbm>>
        %dma_start3A_218 = tpu.memref_squeeze %dma_start3A_217 : memref<1x32xf32, #tpu.memory_space<hbm>> -> memref<32xf32, #tpu.memory_space<hbm>>
        %dma_start3A_219 = arith.constant 0 : i32
        %dma_start3A_220 = tpu.memref_slice %arg9[%run_scoped3A_167, %dma_start3A_219] : memref<16x32xf32, #tpu.memory_space<vmem>> -> memref<1x32xf32, #tpu.memory_space<vmem>>
        %dma_start3A_221 = tpu.memref_squeeze %dma_start3A_220 : memref<1x32xf32, #tpu.memory_space<vmem>> -> memref<32xf32, #tpu.memory_space<vmem>>
        %dma_start3A_222 = arith.constant 0 : i32
        %dma_start3A_223 = arith.constant 0 : i32
        %dma_start3A_224 = tpu.memref_slice %arg2[%add3A, %dma_start3A_222, %dma_start3A_223] : memref<26x16x100000xf32, #tpu.memory_space<hbm>> -> memref<1x16x100000xf32, #tpu.memory_space<hbm>>
        %dma_start3A_225 = tpu.memref_squeeze %dma_start3A_224 : memref<1x16x100000xf32, #tpu.memory_space<hbm>> -> memref<16x100000xf32, #tpu.memory_space<hbm>>
        %dma_start3A_226 = tpu.memref_slice %dma_start3A_225[%run_scoped3A_166, %add3A_165] : memref<16x100000xf32, #tpu.memory_space<hbm>> -> memref<1x32xf32, #tpu.memory_space<hbm>>
        %dma_start3A_227 = tpu.memref_squeeze %dma_start3A_226 : memref<1x32xf32, #tpu.memory_space<hbm>> -> memref<32xf32, #tpu.memory_space<hbm>>
        tpu.enqueue_dma source(%dma_start3A_227 : memref<32xf32, #tpu.memory_space<hbm>>) target(%dma_start3A_221 : memref<32xf32, #tpu.memory_space<vmem>>) target_semaphore(%run_scoped3A_209 : memref<!tpu.dma_semaphore, #tpu.memory_space<semaphore_mem>>)
        %dma_wait3A = arith.constant 0 : i32
        %dma_wait3A_228 = tpu.memref_slice %arg9[%run_scoped3A_167, %dma_wait3A] : memref<16x32xf32, #tpu.memory_space<vmem>> -> memref<1x32xf32, #tpu.memory_space<vmem>>
        %dma_wait3A_229 = tpu.memref_squeeze %dma_wait3A_228 : memref<1x32xf32, #tpu.memory_space<vmem>> -> memref<32xf32, #tpu.memory_space<vmem>>
        %dma_wait3A_230 = arith.constant 0 : i32
        %dma_wait3A_231 = arith.constant 0 : i32
        %dma_wait3A_232 = tpu.memref_slice %arg2[%add3A, %dma_wait3A_230, %dma_wait3A_231] : memref<26x16x100000xf32, #tpu.memory_space<hbm>> -> memref<1x16x100000xf32, #tpu.memory_space<hbm>>
        %dma_wait3A_233 = tpu.memref_squeeze %dma_wait3A_232 : memref<1x16x100000xf32, #tpu.memory_space<hbm>> -> memref<16x100000xf32, #tpu.memory_space<hbm>>
        %dma_wait3A_234 = tpu.memref_slice %dma_wait3A_233[%run_scoped3A_166, %add3A_165] : memref<16x100000xf32, #tpu.memory_space<hbm>> -> memref<1x32xf32, #tpu.memory_space<hbm>>
        %dma_wait3A_235 = tpu.memref_squeeze %dma_wait3A_234 : memref<1x32xf32, #tpu.memory_space<hbm>> -> memref<32xf32, #tpu.memory_space<hbm>>
        %dma_wait3A_236 = arith.constant 0 : i32
        %dma_wait3A_237 = tpu.memref_slice %arg9[%run_scoped3A_167, %dma_wait3A_236] : memref<16x32xf32, #tpu.memory_space<vmem>> -> memref<1x32xf32, #tpu.memory_space<vmem>>
        %dma_wait3A_238 = tpu.memref_squeeze %dma_wait3A_237 : memref<1x32xf32, #tpu.memory_space<vmem>> -> memref<32xf32, #tpu.memory_space<vmem>>
        %dma_wait3A_239 = arith.constant 0 : i32
        %dma_wait3A_240 = arith.constant 0 : i32
        %dma_wait3A_241 = tpu.memref_slice %arg2[%add3A, %dma_wait3A_239, %dma_wait3A_240] : memref<26x16x100000xf32, #tpu.memory_space<hbm>> -> memref<1x16x100000xf32, #tpu.memory_space<hbm>>
        %dma_wait3A_242 = tpu.memref_squeeze %dma_wait3A_241 : memref<1x16x100000xf32, #tpu.memory_space<hbm>> -> memref<16x100000xf32, #tpu.memory_space<hbm>>
        %dma_wait3A_243 = tpu.memref_slice %dma_wait3A_242[%run_scoped3A_166, %add3A_165] : memref<16x100000xf32, #tpu.memory_space<hbm>> -> memref<1x32xf32, #tpu.memory_space<hbm>>
        %dma_wait3A_244 = tpu.memref_squeeze %dma_wait3A_243 : memref<1x32xf32, #tpu.memory_space<hbm>> -> memref<32xf32, #tpu.memory_space<hbm>>
        tpu.wait_dma2 semaphore(%run_scoped3A_209 : memref<!tpu.dma_semaphore, #tpu.memory_space<semaphore_mem>>) src(%dma_wait3A_244 : memref<32xf32, #tpu.memory_space<hbm>>) dst(%dma_wait3A_238 : memref<32xf32, #tpu.memory_space<vmem>>)
        tpu.yield
      }) : () -> ()
      %add3A_168 = arith.constant 128 : i32
      %add3A_169 = arith.addi %multiple_of3A_124, %add3A_168 : i32
      %run_scoped3A_170 = arith.constant 11 : i32
      %run_scoped3A_171 = arith.constant 11 : i32
      "tpu.region"() ({
        %run_scoped3A_209 = tpu.sem_alloc : memref<!tpu.dma_semaphore, #tpu.memory_space<semaphore_mem>>
        %dma_start3A_210 = arith.constant 0 : i32
        %dma_start3A_211 = tpu.memref_slice %arg9[%run_scoped3A_171, %dma_start3A_210] : memref<16x32xf32, #tpu.memory_space<vmem>> -> memref<1x32xf32, #tpu.memory_space<vmem>>
        %dma_start3A_212 = tpu.memref_squeeze %dma_start3A_211 : memref<1x32xf32, #tpu.memory_space<vmem>> -> memref<32xf32, #tpu.memory_space<vmem>>
        %dma_start3A_213 = arith.constant 0 : i32
        %dma_start3A_214 = arith.constant 0 : i32
        %dma_start3A_215 = tpu.memref_slice %arg2[%add3A, %dma_start3A_213, %dma_start3A_214] : memref<26x16x100000xf32, #tpu.memory_space<hbm>> -> memref<1x16x100000xf32, #tpu.memory_space<hbm>>
        %dma_start3A_216 = tpu.memref_squeeze %dma_start3A_215 : memref<1x16x100000xf32, #tpu.memory_space<hbm>> -> memref<16x100000xf32, #tpu.memory_space<hbm>>
        %dma_start3A_217 = tpu.memref_slice %dma_start3A_216[%run_scoped3A_170, %add3A_169] : memref<16x100000xf32, #tpu.memory_space<hbm>> -> memref<1x32xf32, #tpu.memory_space<hbm>>
        %dma_start3A_218 = tpu.memref_squeeze %dma_start3A_217 : memref<1x32xf32, #tpu.memory_space<hbm>> -> memref<32xf32, #tpu.memory_space<hbm>>
        %dma_start3A_219 = arith.constant 0 : i32
        %dma_start3A_220 = tpu.memref_slice %arg9[%run_scoped3A_171, %dma_start3A_219] : memref<16x32xf32, #tpu.memory_space<vmem>> -> memref<1x32xf32, #tpu.memory_space<vmem>>
        %dma_start3A_221 = tpu.memref_squeeze %dma_start3A_220 : memref<1x32xf32, #tpu.memory_space<vmem>> -> memref<32xf32, #tpu.memory_space<vmem>>
        %dma_start3A_222 = arith.constant 0 : i32
        %dma_start3A_223 = arith.constant 0 : i32
        %dma_start3A_224 = tpu.memref_slice %arg2[%add3A, %dma_start3A_222, %dma_start3A_223] : memref<26x16x100000xf32, #tpu.memory_space<hbm>> -> memref<1x16x100000xf32, #tpu.memory_space<hbm>>
        %dma_start3A_225 = tpu.memref_squeeze %dma_start3A_224 : memref<1x16x100000xf32, #tpu.memory_space<hbm>> -> memref<16x100000xf32, #tpu.memory_space<hbm>>
        %dma_start3A_226 = tpu.memref_slice %dma_start3A_225[%run_scoped3A_170, %add3A_169] : memref<16x100000xf32, #tpu.memory_space<hbm>> -> memref<1x32xf32, #tpu.memory_space<hbm>>
        %dma_start3A_227 = tpu.memref_squeeze %dma_start3A_226 : memref<1x32xf32, #tpu.memory_space<hbm>> -> memref<32xf32, #tpu.memory_space<hbm>>
        tpu.enqueue_dma source(%dma_start3A_227 : memref<32xf32, #tpu.memory_space<hbm>>) target(%dma_start3A_221 : memref<32xf32, #tpu.memory_space<vmem>>) target_semaphore(%run_scoped3A_209 : memref<!tpu.dma_semaphore, #tpu.memory_space<semaphore_mem>>)
        %dma_wait3A = arith.constant 0 : i32
        %dma_wait3A_228 = tpu.memref_slice %arg9[%run_scoped3A_171, %dma_wait3A] : memref<16x32xf32, #tpu.memory_space<vmem>> -> memref<1x32xf32, #tpu.memory_space<vmem>>
        %dma_wait3A_229 = tpu.memref_squeeze %dma_wait3A_228 : memref<1x32xf32, #tpu.memory_space<vmem>> -> memref<32xf32, #tpu.memory_space<vmem>>
        %dma_wait3A_230 = arith.constant 0 : i32
        %dma_wait3A_231 = arith.constant 0 : i32
        %dma_wait3A_232 = tpu.memref_slice %arg2[%add3A, %dma_wait3A_230, %dma_wait3A_231] : memref<26x16x100000xf32, #tpu.memory_space<hbm>> -> memref<1x16x100000xf32, #tpu.memory_space<hbm>>
        %dma_wait3A_233 = tpu.memref_squeeze %dma_wait3A_232 : memref<1x16x100000xf32, #tpu.memory_space<hbm>> -> memref<16x100000xf32, #tpu.memory_space<hbm>>
        %dma_wait3A_234 = tpu.memref_slice %dma_wait3A_233[%run_scoped3A_170, %add3A_169] : memref<16x100000xf32, #tpu.memory_space<hbm>> -> memref<1x32xf32, #tpu.memory_space<hbm>>
        %dma_wait3A_235 = tpu.memref_squeeze %dma_wait3A_234 : memref<1x32xf32, #tpu.memory_space<hbm>> -> memref<32xf32, #tpu.memory_space<hbm>>
        %dma_wait3A_236 = arith.constant 0 : i32
        %dma_wait3A_237 = tpu.memref_slice %arg9[%run_scoped3A_171, %dma_wait3A_236] : memref<16x32xf32, #tpu.memory_space<vmem>> -> memref<1x32xf32, #tpu.memory_space<vmem>>
        %dma_wait3A_238 = tpu.memref_squeeze %dma_wait3A_237 : memref<1x32xf32, #tpu.memory_space<vmem>> -> memref<32xf32, #tpu.memory_space<vmem>>
        %dma_wait3A_239 = arith.constant 0 : i32
        %dma_wait3A_240 = arith.constant 0 : i32
        %dma_wait3A_241 = tpu.memref_slice %arg2[%add3A, %dma_wait3A_239, %dma_wait3A_240] : memref<26x16x100000xf32, #tpu.memory_space<hbm>> -> memref<1x16x100000xf32, #tpu.memory_space<hbm>>
        %dma_wait3A_242 = tpu.memref_squeeze %dma_wait3A_241 : memref<1x16x100000xf32, #tpu.memory_space<hbm>> -> memref<16x100000xf32, #tpu.memory_space<hbm>>
        %dma_wait3A_243 = tpu.memref_slice %dma_wait3A_242[%run_scoped3A_170, %add3A_169] : memref<16x100000xf32, #tpu.memory_space<hbm>> -> memref<1x32xf32, #tpu.memory_space<hbm>>
        %dma_wait3A_244 = tpu.memref_squeeze %dma_wait3A_243 : memref<1x32xf32, #tpu.memory_space<hbm>> -> memref<32xf32, #tpu.memory_space<hbm>>
        tpu.wait_dma2 semaphore(%run_scoped3A_209 : memref<!tpu.dma_semaphore, #tpu.memory_space<semaphore_mem>>) src(%dma_wait3A_244 : memref<32xf32, #tpu.memory_space<hbm>>) dst(%dma_wait3A_238 : memref<32xf32, #tpu.memory_space<vmem>>)
        tpu.yield
      }) : () -> ()
      %add3A_172 = arith.constant 128 : i32
      %add3A_173 = arith.addi %multiple_of3A_124, %add3A_172 : i32
      %run_scoped3A_174 = arith.constant 12 : i32
      %run_scoped3A_175 = arith.constant 12 : i32
      "tpu.region"() ({
        %run_scoped3A_209 = tpu.sem_alloc : memref<!tpu.dma_semaphore, #tpu.memory_space<semaphore_mem>>
        %dma_start3A_210 = arith.constant 0 : i32
        %dma_start3A_211 = tpu.memref_slice %arg9[%run_scoped3A_175, %dma_start3A_210] : memref<16x32xf32, #tpu.memory_space<vmem>> -> memref<1x32xf32, #tpu.memory_space<vmem>>
        %dma_start3A_212 = tpu.memref_squeeze %dma_start3A_211 : memref<1x32xf32, #tpu.memory_space<vmem>> -> memref<32xf32, #tpu.memory_space<vmem>>
        %dma_start3A_213 = arith.constant 0 : i32
        %dma_start3A_214 = arith.constant 0 : i32
        %dma_start3A_215 = tpu.memref_slice %arg2[%add3A, %dma_start3A_213, %dma_start3A_214] : memref<26x16x100000xf32, #tpu.memory_space<hbm>> -> memref<1x16x100000xf32, #tpu.memory_space<hbm>>
        %dma_start3A_216 = tpu.memref_squeeze %dma_start3A_215 : memref<1x16x100000xf32, #tpu.memory_space<hbm>> -> memref<16x100000xf32, #tpu.memory_space<hbm>>
        %dma_start3A_217 = tpu.memref_slice %dma_start3A_216[%run_scoped3A_174, %add3A_173] : memref<16x100000xf32, #tpu.memory_space<hbm>> -> memref<1x32xf32, #tpu.memory_space<hbm>>
        %dma_start3A_218 = tpu.memref_squeeze %dma_start3A_217 : memref<1x32xf32, #tpu.memory_space<hbm>> -> memref<32xf32, #tpu.memory_space<hbm>>
        %dma_start3A_219 = arith.constant 0 : i32
        %dma_start3A_220 = tpu.memref_slice %arg9[%run_scoped3A_175, %dma_start3A_219] : memref<16x32xf32, #tpu.memory_space<vmem>> -> memref<1x32xf32, #tpu.memory_space<vmem>>
        %dma_start3A_221 = tpu.memref_squeeze %dma_start3A_220 : memref<1x32xf32, #tpu.memory_space<vmem>> -> memref<32xf32, #tpu.memory_space<vmem>>
        %dma_start3A_222 = arith.constant 0 : i32
        %dma_start3A_223 = arith.constant 0 : i32
        %dma_start3A_224 = tpu.memref_slice %arg2[%add3A, %dma_start3A_222, %dma_start3A_223] : memref<26x16x100000xf32, #tpu.memory_space<hbm>> -> memref<1x16x100000xf32, #tpu.memory_space<hbm>>
        %dma_start3A_225 = tpu.memref_squeeze %dma_start3A_224 : memref<1x16x100000xf32, #tpu.memory_space<hbm>> -> memref<16x100000xf32, #tpu.memory_space<hbm>>
        %dma_start3A_226 = tpu.memref_slice %dma_start3A_225[%run_scoped3A_174, %add3A_173] : memref<16x100000xf32, #tpu.memory_space<hbm>> -> memref<1x32xf32, #tpu.memory_space<hbm>>
        %dma_start3A_227 = tpu.memref_squeeze %dma_start3A_226 : memref<1x32xf32, #tpu.memory_space<hbm>> -> memref<32xf32, #tpu.memory_space<hbm>>
        tpu.enqueue_dma source(%dma_start3A_227 : memref<32xf32, #tpu.memory_space<hbm>>) target(%dma_start3A_221 : memref<32xf32, #tpu.memory_space<vmem>>) target_semaphore(%run_scoped3A_209 : memref<!tpu.dma_semaphore, #tpu.memory_space<semaphore_mem>>)
        %dma_wait3A = arith.constant 0 : i32
        %dma_wait3A_228 = tpu.memref_slice %arg9[%run_scoped3A_175, %dma_wait3A] : memref<16x32xf32, #tpu.memory_space<vmem>> -> memref<1x32xf32, #tpu.memory_space<vmem>>
        %dma_wait3A_229 = tpu.memref_squeeze %dma_wait3A_228 : memref<1x32xf32, #tpu.memory_space<vmem>> -> memref<32xf32, #tpu.memory_space<vmem>>
        %dma_wait3A_230 = arith.constant 0 : i32
        %dma_wait3A_231 = arith.constant 0 : i32
        %dma_wait3A_232 = tpu.memref_slice %arg2[%add3A, %dma_wait3A_230, %dma_wait3A_231] : memref<26x16x100000xf32, #tpu.memory_space<hbm>> -> memref<1x16x100000xf32, #tpu.memory_space<hbm>>
        %dma_wait3A_233 = tpu.memref_squeeze %dma_wait3A_232 : memref<1x16x100000xf32, #tpu.memory_space<hbm>> -> memref<16x100000xf32, #tpu.memory_space<hbm>>
        %dma_wait3A_234 = tpu.memref_slice %dma_wait3A_233[%run_scoped3A_174, %add3A_173] : memref<16x100000xf32, #tpu.memory_space<hbm>> -> memref<1x32xf32, #tpu.memory_space<hbm>>
        %dma_wait3A_235 = tpu.memref_squeeze %dma_wait3A_234 : memref<1x32xf32, #tpu.memory_space<hbm>> -> memref<32xf32, #tpu.memory_space<hbm>>
        %dma_wait3A_236 = arith.constant 0 : i32
        %dma_wait3A_237 = tpu.memref_slice %arg9[%run_scoped3A_175, %dma_wait3A_236] : memref<16x32xf32, #tpu.memory_space<vmem>> -> memref<1x32xf32, #tpu.memory_space<vmem>>
        %dma_wait3A_238 = tpu.memref_squeeze %dma_wait3A_237 : memref<1x32xf32, #tpu.memory_space<vmem>> -> memref<32xf32, #tpu.memory_space<vmem>>
        %dma_wait3A_239 = arith.constant 0 : i32
        %dma_wait3A_240 = arith.constant 0 : i32
        %dma_wait3A_241 = tpu.memref_slice %arg2[%add3A, %dma_wait3A_239, %dma_wait3A_240] : memref<26x16x100000xf32, #tpu.memory_space<hbm>> -> memref<1x16x100000xf32, #tpu.memory_space<hbm>>
        %dma_wait3A_242 = tpu.memref_squeeze %dma_wait3A_241 : memref<1x16x100000xf32, #tpu.memory_space<hbm>> -> memref<16x100000xf32, #tpu.memory_space<hbm>>
        %dma_wait3A_243 = tpu.memref_slice %dma_wait3A_242[%run_scoped3A_174, %add3A_173] : memref<16x100000xf32, #tpu.memory_space<hbm>> -> memref<1x32xf32, #tpu.memory_space<hbm>>
        %dma_wait3A_244 = tpu.memref_squeeze %dma_wait3A_243 : memref<1x32xf32, #tpu.memory_space<hbm>> -> memref<32xf32, #tpu.memory_space<hbm>>
        tpu.wait_dma2 semaphore(%run_scoped3A_209 : memref<!tpu.dma_semaphore, #tpu.memory_space<semaphore_mem>>) src(%dma_wait3A_244 : memref<32xf32, #tpu.memory_space<hbm>>) dst(%dma_wait3A_238 : memref<32xf32, #tpu.memory_space<vmem>>)
        tpu.yield
      }) : () -> ()
      %add3A_176 = arith.constant 128 : i32
      %add3A_177 = arith.addi %multiple_of3A_124, %add3A_176 : i32
      %run_scoped3A_178 = arith.constant 13 : i32
      %run_scoped3A_179 = arith.constant 13 : i32
      "tpu.region"() ({
        %run_scoped3A_209 = tpu.sem_alloc : memref<!tpu.dma_semaphore, #tpu.memory_space<semaphore_mem>>
        %dma_start3A_210 = arith.constant 0 : i32
        %dma_start3A_211 = tpu.memref_slice %arg9[%run_scoped3A_179, %dma_start3A_210] : memref<16x32xf32, #tpu.memory_space<vmem>> -> memref<1x32xf32, #tpu.memory_space<vmem>>
        %dma_start3A_212 = tpu.memref_squeeze %dma_start3A_211 : memref<1x32xf32, #tpu.memory_space<vmem>> -> memref<32xf32, #tpu.memory_space<vmem>>
        %dma_start3A_213 = arith.constant 0 : i32
        %dma_start3A_214 = arith.constant 0 : i32
        %dma_start3A_215 = tpu.memref_slice %arg2[%add3A, %dma_start3A_213, %dma_start3A_214] : memref<26x16x100000xf32, #tpu.memory_space<hbm>> -> memref<1x16x100000xf32, #tpu.memory_space<hbm>>
        %dma_start3A_216 = tpu.memref_squeeze %dma_start3A_215 : memref<1x16x100000xf32, #tpu.memory_space<hbm>> -> memref<16x100000xf32, #tpu.memory_space<hbm>>
        %dma_start3A_217 = tpu.memref_slice %dma_start3A_216[%run_scoped3A_178, %add3A_177] : memref<16x100000xf32, #tpu.memory_space<hbm>> -> memref<1x32xf32, #tpu.memory_space<hbm>>
        %dma_start3A_218 = tpu.memref_squeeze %dma_start3A_217 : memref<1x32xf32, #tpu.memory_space<hbm>> -> memref<32xf32, #tpu.memory_space<hbm>>
        %dma_start3A_219 = arith.constant 0 : i32
        %dma_start3A_220 = tpu.memref_slice %arg9[%run_scoped3A_179, %dma_start3A_219] : memref<16x32xf32, #tpu.memory_space<vmem>> -> memref<1x32xf32, #tpu.memory_space<vmem>>
        %dma_start3A_221 = tpu.memref_squeeze %dma_start3A_220 : memref<1x32xf32, #tpu.memory_space<vmem>> -> memref<32xf32, #tpu.memory_space<vmem>>
        %dma_start3A_222 = arith.constant 0 : i32
        %dma_start3A_223 = arith.constant 0 : i32
        %dma_start3A_224 = tpu.memref_slice %arg2[%add3A, %dma_start3A_222, %dma_start3A_223] : memref<26x16x100000xf32, #tpu.memory_space<hbm>> -> memref<1x16x100000xf32, #tpu.memory_space<hbm>>
        %dma_start3A_225 = tpu.memref_squeeze %dma_start3A_224 : memref<1x16x100000xf32, #tpu.memory_space<hbm>> -> memref<16x100000xf32, #tpu.memory_space<hbm>>
        %dma_start3A_226 = tpu.memref_slice %dma_start3A_225[%run_scoped3A_178, %add3A_177] : memref<16x100000xf32, #tpu.memory_space<hbm>> -> memref<1x32xf32, #tpu.memory_space<hbm>>
        %dma_start3A_227 = tpu.memref_squeeze %dma_start3A_226 : memref<1x32xf32, #tpu.memory_space<hbm>> -> memref<32xf32, #tpu.memory_space<hbm>>
        tpu.enqueue_dma source(%dma_start3A_227 : memref<32xf32, #tpu.memory_space<hbm>>) target(%dma_start3A_221 : memref<32xf32, #tpu.memory_space<vmem>>) target_semaphore(%run_scoped3A_209 : memref<!tpu.dma_semaphore, #tpu.memory_space<semaphore_mem>>)
        %dma_wait3A = arith.constant 0 : i32
        %dma_wait3A_228 = tpu.memref_slice %arg9[%run_scoped3A_179, %dma_wait3A] : memref<16x32xf32, #tpu.memory_space<vmem>> -> memref<1x32xf32, #tpu.memory_space<vmem>>
        %dma_wait3A_229 = tpu.memref_squeeze %dma_wait3A_228 : memref<1x32xf32, #tpu.memory_space<vmem>> -> memref<32xf32, #tpu.memory_space<vmem>>
        %dma_wait3A_230 = arith.constant 0 : i32
        %dma_wait3A_231 = arith.constant 0 : i32
        %dma_wait3A_232 = tpu.memref_slice %arg2[%add3A, %dma_wait3A_230, %dma_wait3A_231] : memref<26x16x100000xf32, #tpu.memory_space<hbm>> -> memref<1x16x100000xf32, #tpu.memory_space<hbm>>
        %dma_wait3A_233 = tpu.memref_squeeze %dma_wait3A_232 : memref<1x16x100000xf32, #tpu.memory_space<hbm>> -> memref<16x100000xf32, #tpu.memory_space<hbm>>
        %dma_wait3A_234 = tpu.memref_slice %dma_wait3A_233[%run_scoped3A_178, %add3A_177] : memref<16x100000xf32, #tpu.memory_space<hbm>> -> memref<1x32xf32, #tpu.memory_space<hbm>>
        %dma_wait3A_235 = tpu.memref_squeeze %dma_wait3A_234 : memref<1x32xf32, #tpu.memory_space<hbm>> -> memref<32xf32, #tpu.memory_space<hbm>>
        %dma_wait3A_236 = arith.constant 0 : i32
        %dma_wait3A_237 = tpu.memref_slice %arg9[%run_scoped3A_179, %dma_wait3A_236] : memref<16x32xf32, #tpu.memory_space<vmem>> -> memref<1x32xf32, #tpu.memory_space<vmem>>
        %dma_wait3A_238 = tpu.memref_squeeze %dma_wait3A_237 : memref<1x32xf32, #tpu.memory_space<vmem>> -> memref<32xf32, #tpu.memory_space<vmem>>
        %dma_wait3A_239 = arith.constant 0 : i32
        %dma_wait3A_240 = arith.constant 0 : i32
        %dma_wait3A_241 = tpu.memref_slice %arg2[%add3A, %dma_wait3A_239, %dma_wait3A_240] : memref<26x16x100000xf32, #tpu.memory_space<hbm>> -> memref<1x16x100000xf32, #tpu.memory_space<hbm>>
        %dma_wait3A_242 = tpu.memref_squeeze %dma_wait3A_241 : memref<1x16x100000xf32, #tpu.memory_space<hbm>> -> memref<16x100000xf32, #tpu.memory_space<hbm>>
        %dma_wait3A_243 = tpu.memref_slice %dma_wait3A_242[%run_scoped3A_178, %add3A_177] : memref<16x100000xf32, #tpu.memory_space<hbm>> -> memref<1x32xf32, #tpu.memory_space<hbm>>
        %dma_wait3A_244 = tpu.memref_squeeze %dma_wait3A_243 : memref<1x32xf32, #tpu.memory_space<hbm>> -> memref<32xf32, #tpu.memory_space<hbm>>
        tpu.wait_dma2 semaphore(%run_scoped3A_209 : memref<!tpu.dma_semaphore, #tpu.memory_space<semaphore_mem>>) src(%dma_wait3A_244 : memref<32xf32, #tpu.memory_space<hbm>>) dst(%dma_wait3A_238 : memref<32xf32, #tpu.memory_space<vmem>>)
        tpu.yield
      }) : () -> ()
      %add3A_180 = arith.constant 128 : i32
      %add3A_181 = arith.addi %multiple_of3A_124, %add3A_180 : i32
      %run_scoped3A_182 = arith.constant 14 : i32
      %run_scoped3A_183 = arith.constant 14 : i32
      "tpu.region"() ({
        %run_scoped3A_209 = tpu.sem_alloc : memref<!tpu.dma_semaphore, #tpu.memory_space<semaphore_mem>>
        %dma_start3A_210 = arith.constant 0 : i32
        %dma_start3A_211 = tpu.memref_slice %arg9[%run_scoped3A_183, %dma_start3A_210] : memref<16x32xf32, #tpu.memory_space<vmem>> -> memref<1x32xf32, #tpu.memory_space<vmem>>
        %dma_start3A_212 = tpu.memref_squeeze %dma_start3A_211 : memref<1x32xf32, #tpu.memory_space<vmem>> -> memref<32xf32, #tpu.memory_space<vmem>>
        %dma_start3A_213 = arith.constant 0 : i32
        %dma_start3A_214 = arith.constant 0 : i32
        %dma_start3A_215 = tpu.memref_slice %arg2[%add3A, %dma_start3A_213, %dma_start3A_214] : memref<26x16x100000xf32, #tpu.memory_space<hbm>> -> memref<1x16x100000xf32, #tpu.memory_space<hbm>>
        %dma_start3A_216 = tpu.memref_squeeze %dma_start3A_215 : memref<1x16x100000xf32, #tpu.memory_space<hbm>> -> memref<16x100000xf32, #tpu.memory_space<hbm>>
        %dma_start3A_217 = tpu.memref_slice %dma_start3A_216[%run_scoped3A_182, %add3A_181] : memref<16x100000xf32, #tpu.memory_space<hbm>> -> memref<1x32xf32, #tpu.memory_space<hbm>>
        %dma_start3A_218 = tpu.memref_squeeze %dma_start3A_217 : memref<1x32xf32, #tpu.memory_space<hbm>> -> memref<32xf32, #tpu.memory_space<hbm>>
        %dma_start3A_219 = arith.constant 0 : i32
        %dma_start3A_220 = tpu.memref_slice %arg9[%run_scoped3A_183, %dma_start3A_219] : memref<16x32xf32, #tpu.memory_space<vmem>> -> memref<1x32xf32, #tpu.memory_space<vmem>>
        %dma_start3A_221 = tpu.memref_squeeze %dma_start3A_220 : memref<1x32xf32, #tpu.memory_space<vmem>> -> memref<32xf32, #tpu.memory_space<vmem>>
        %dma_start3A_222 = arith.constant 0 : i32
        %dma_start3A_223 = arith.constant 0 : i32
        %dma_start3A_224 = tpu.memref_slice %arg2[%add3A, %dma_start3A_222, %dma_start3A_223] : memref<26x16x100000xf32, #tpu.memory_space<hbm>> -> memref<1x16x100000xf32, #tpu.memory_space<hbm>>
        %dma_start3A_225 = tpu.memref_squeeze %dma_start3A_224 : memref<1x16x100000xf32, #tpu.memory_space<hbm>> -> memref<16x100000xf32, #tpu.memory_space<hbm>>
        %dma_start3A_226 = tpu.memref_slice %dma_start3A_225[%run_scoped3A_182, %add3A_181] : memref<16x100000xf32, #tpu.memory_space<hbm>> -> memref<1x32xf32, #tpu.memory_space<hbm>>
        %dma_start3A_227 = tpu.memref_squeeze %dma_start3A_226 : memref<1x32xf32, #tpu.memory_space<hbm>> -> memref<32xf32, #tpu.memory_space<hbm>>
        tpu.enqueue_dma source(%dma_start3A_227 : memref<32xf32, #tpu.memory_space<hbm>>) target(%dma_start3A_221 : memref<32xf32, #tpu.memory_space<vmem>>) target_semaphore(%run_scoped3A_209 : memref<!tpu.dma_semaphore, #tpu.memory_space<semaphore_mem>>)
        %dma_wait3A = arith.constant 0 : i32
        %dma_wait3A_228 = tpu.memref_slice %arg9[%run_scoped3A_183, %dma_wait3A] : memref<16x32xf32, #tpu.memory_space<vmem>> -> memref<1x32xf32, #tpu.memory_space<vmem>>
        %dma_wait3A_229 = tpu.memref_squeeze %dma_wait3A_228 : memref<1x32xf32, #tpu.memory_space<vmem>> -> memref<32xf32, #tpu.memory_space<vmem>>
        %dma_wait3A_230 = arith.constant 0 : i32
        %dma_wait3A_231 = arith.constant 0 : i32
        %dma_wait3A_232 = tpu.memref_slice %arg2[%add3A, %dma_wait3A_230, %dma_wait3A_231] : memref<26x16x100000xf32, #tpu.memory_space<hbm>> -> memref<1x16x100000xf32, #tpu.memory_space<hbm>>
        %dma_wait3A_233 = tpu.memref_squeeze %dma_wait3A_232 : memref<1x16x100000xf32, #tpu.memory_space<hbm>> -> memref<16x100000xf32, #tpu.memory_space<hbm>>
        %dma_wait3A_234 = tpu.memref_slice %dma_wait3A_233[%run_scoped3A_182, %add3A_181] : memref<16x100000xf32, #tpu.memory_space<hbm>> -> memref<1x32xf32, #tpu.memory_space<hbm>>
        %dma_wait3A_235 = tpu.memref_squeeze %dma_wait3A_234 : memref<1x32xf32, #tpu.memory_space<hbm>> -> memref<32xf32, #tpu.memory_space<hbm>>
        %dma_wait3A_236 = arith.constant 0 : i32
        %dma_wait3A_237 = tpu.memref_slice %arg9[%run_scoped3A_183, %dma_wait3A_236] : memref<16x32xf32, #tpu.memory_space<vmem>> -> memref<1x32xf32, #tpu.memory_space<vmem>>
        %dma_wait3A_238 = tpu.memref_squeeze %dma_wait3A_237 : memref<1x32xf32, #tpu.memory_space<vmem>> -> memref<32xf32, #tpu.memory_space<vmem>>
        %dma_wait3A_239 = arith.constant 0 : i32
        %dma_wait3A_240 = arith.constant 0 : i32
        %dma_wait3A_241 = tpu.memref_slice %arg2[%add3A, %dma_wait3A_239, %dma_wait3A_240] : memref<26x16x100000xf32, #tpu.memory_space<hbm>> -> memref<1x16x100000xf32, #tpu.memory_space<hbm>>
        %dma_wait3A_242 = tpu.memref_squeeze %dma_wait3A_241 : memref<1x16x100000xf32, #tpu.memory_space<hbm>> -> memref<16x100000xf32, #tpu.memory_space<hbm>>
        %dma_wait3A_243 = tpu.memref_slice %dma_wait3A_242[%run_scoped3A_182, %add3A_181] : memref<16x100000xf32, #tpu.memory_space<hbm>> -> memref<1x32xf32, #tpu.memory_space<hbm>>
        %dma_wait3A_244 = tpu.memref_squeeze %dma_wait3A_243 : memref<1x32xf32, #tpu.memory_space<hbm>> -> memref<32xf32, #tpu.memory_space<hbm>>
        tpu.wait_dma2 semaphore(%run_scoped3A_209 : memref<!tpu.dma_semaphore, #tpu.memory_space<semaphore_mem>>) src(%dma_wait3A_244 : memref<32xf32, #tpu.memory_space<hbm>>) dst(%dma_wait3A_238 : memref<32xf32, #tpu.memory_space<vmem>>)
        tpu.yield
      }) : () -> ()
      %add3A_184 = arith.constant 128 : i32
      %add3A_185 = arith.addi %multiple_of3A_124, %add3A_184 : i32
      %run_scoped3A_186 = arith.constant 15 : i32
      %run_scoped3A_187 = arith.constant 15 : i32
      "tpu.region"() ({
        %run_scoped3A_209 = tpu.sem_alloc : memref<!tpu.dma_semaphore, #tpu.memory_space<semaphore_mem>>
        %dma_start3A_210 = arith.constant 0 : i32
        %dma_start3A_211 = tpu.memref_slice %arg9[%run_scoped3A_187, %dma_start3A_210] : memref<16x32xf32, #tpu.memory_space<vmem>> -> memref<1x32xf32, #tpu.memory_space<vmem>>
        %dma_start3A_212 = tpu.memref_squeeze %dma_start3A_211 : memref<1x32xf32, #tpu.memory_space<vmem>> -> memref<32xf32, #tpu.memory_space<vmem>>
        %dma_start3A_213 = arith.constant 0 : i32
        %dma_start3A_214 = arith.constant 0 : i32
        %dma_start3A_215 = tpu.memref_slice %arg2[%add3A, %dma_start3A_213, %dma_start3A_214] : memref<26x16x100000xf32, #tpu.memory_space<hbm>> -> memref<1x16x100000xf32, #tpu.memory_space<hbm>>
        %dma_start3A_216 = tpu.memref_squeeze %dma_start3A_215 : memref<1x16x100000xf32, #tpu.memory_space<hbm>> -> memref<16x100000xf32, #tpu.memory_space<hbm>>
        %dma_start3A_217 = tpu.memref_slice %dma_start3A_216[%run_scoped3A_186, %add3A_185] : memref<16x100000xf32, #tpu.memory_space<hbm>> -> memref<1x32xf32, #tpu.memory_space<hbm>>
        %dma_start3A_218 = tpu.memref_squeeze %dma_start3A_217 : memref<1x32xf32, #tpu.memory_space<hbm>> -> memref<32xf32, #tpu.memory_space<hbm>>
        %dma_start3A_219 = arith.constant 0 : i32
        %dma_start3A_220 = tpu.memref_slice %arg9[%run_scoped3A_187, %dma_start3A_219] : memref<16x32xf32, #tpu.memory_space<vmem>> -> memref<1x32xf32, #tpu.memory_space<vmem>>
        %dma_start3A_221 = tpu.memref_squeeze %dma_start3A_220 : memref<1x32xf32, #tpu.memory_space<vmem>> -> memref<32xf32, #tpu.memory_space<vmem>>
        %dma_start3A_222 = arith.constant 0 : i32
        %dma_start3A_223 = arith.constant 0 : i32
        %dma_start3A_224 = tpu.memref_slice %arg2[%add3A, %dma_start3A_222, %dma_start3A_223] : memref<26x16x100000xf32, #tpu.memory_space<hbm>> -> memref<1x16x100000xf32, #tpu.memory_space<hbm>>
        %dma_start3A_225 = tpu.memref_squeeze %dma_start3A_224 : memref<1x16x100000xf32, #tpu.memory_space<hbm>> -> memref<16x100000xf32, #tpu.memory_space<hbm>>
        %dma_start3A_226 = tpu.memref_slice %dma_start3A_225[%run_scoped3A_186, %add3A_185] : memref<16x100000xf32, #tpu.memory_space<hbm>> -> memref<1x32xf32, #tpu.memory_space<hbm>>
        %dma_start3A_227 = tpu.memref_squeeze %dma_start3A_226 : memref<1x32xf32, #tpu.memory_space<hbm>> -> memref<32xf32, #tpu.memory_space<hbm>>
        tpu.enqueue_dma source(%dma_start3A_227 : memref<32xf32, #tpu.memory_space<hbm>>) target(%dma_start3A_221 : memref<32xf32, #tpu.memory_space<vmem>>) target_semaphore(%run_scoped3A_209 : memref<!tpu.dma_semaphore, #tpu.memory_space<semaphore_mem>>)
        %dma_wait3A = arith.constant 0 : i32
        %dma_wait3A_228 = tpu.memref_slice %arg9[%run_scoped3A_187, %dma_wait3A] : memref<16x32xf32, #tpu.memory_space<vmem>> -> memref<1x32xf32, #tpu.memory_space<vmem>>
        %dma_wait3A_229 = tpu.memref_squeeze %dma_wait3A_228 : memref<1x32xf32, #tpu.memory_space<vmem>> -> memref<32xf32, #tpu.memory_space<vmem>>
        %dma_wait3A_230 = arith.constant 0 : i32
        %dma_wait3A_231 = arith.constant 0 : i32
        %dma_wait3A_232 = tpu.memref_slice %arg2[%add3A, %dma_wait3A_230, %dma_wait3A_231] : memref<26x16x100000xf32, #tpu.memory_space<hbm>> -> memref<1x16x100000xf32, #tpu.memory_space<hbm>>
        %dma_wait3A_233 = tpu.memref_squeeze %dma_wait3A_232 : memref<1x16x100000xf32, #tpu.memory_space<hbm>> -> memref<16x100000xf32, #tpu.memory_space<hbm>>
        %dma_wait3A_234 = tpu.memref_slice %dma_wait3A_233[%run_scoped3A_186, %add3A_185] : memref<16x100000xf32, #tpu.memory_space<hbm>> -> memref<1x32xf32, #tpu.memory_space<hbm>>
        %dma_wait3A_235 = tpu.memref_squeeze %dma_wait3A_234 : memref<1x32xf32, #tpu.memory_space<hbm>> -> memref<32xf32, #tpu.memory_space<hbm>>
        %dma_wait3A_236 = arith.constant 0 : i32
        %dma_wait3A_237 = tpu.memref_slice %arg9[%run_scoped3A_187, %dma_wait3A_236] : memref<16x32xf32, #tpu.memory_space<vmem>> -> memref<1x32xf32, #tpu.memory_space<vmem>>
        %dma_wait3A_238 = tpu.memref_squeeze %dma_wait3A_237 : memref<1x32xf32, #tpu.memory_space<vmem>> -> memref<32xf32, #tpu.memory_space<vmem>>
        %dma_wait3A_239 = arith.constant 0 : i32
        %dma_wait3A_240 = arith.constant 0 : i32
        %dma_wait3A_241 = tpu.memref_slice %arg2[%add3A, %dma_wait3A_239, %dma_wait3A_240] : memref<26x16x100000xf32, #tpu.memory_space<hbm>> -> memref<1x16x100000xf32, #tpu.memory_space<hbm>>
        %dma_wait3A_242 = tpu.memref_squeeze %dma_wait3A_241 : memref<1x16x100000xf32, #tpu.memory_space<hbm>> -> memref<16x100000xf32, #tpu.memory_space<hbm>>
        %dma_wait3A_243 = tpu.memref_slice %dma_wait3A_242[%run_scoped3A_186, %add3A_185] : memref<16x100000xf32, #tpu.memory_space<hbm>> -> memref<1x32xf32, #tpu.memory_space<hbm>>
        %dma_wait3A_244 = tpu.memref_squeeze %dma_wait3A_243 : memref<1x32xf32, #tpu.memory_space<hbm>> -> memref<32xf32, #tpu.memory_space<hbm>>
        tpu.wait_dma2 semaphore(%run_scoped3A_209 : memref<!tpu.dma_semaphore, #tpu.memory_space<semaphore_mem>>) src(%dma_wait3A_244 : memref<32xf32, #tpu.memory_space<hbm>>) dst(%dma_wait3A_238 : memref<32xf32, #tpu.memory_space<vmem>>)
        tpu.yield
      }) : () -> ()
      %scan3A = arith.constant 0 : i32
      %scan3A_188 = arith.constant 0 : i32
      %scan3A_189 = arith.constant 8 : i32
      %scan3A_190 = arith.addi %scan3A_188, %scan3A_189 : i32
      %scan3A_191 = arith.constant 1 : i32
      scf.for %scan3A_209 = %scan3A_188 to %scan3A_190 step %scan3A_191  : i32 {
        %sub3A_210 = arith.constant 0 : i32
        %sub3A_211 = arith.subi %scan3A_209, %sub3A_210 : i32
        %mul3A_212 = arith.constant 16 : i32
        %mul3A_213 = arith.muli %sub3A_211, %mul3A_212 : i32
        %iota3A = tpu.iota {dimensions = array<i32: 0>} : vector<16xi32>
        %add3A_214 = vector.broadcast %mul3A_213 : i32 to vector<16xi32>
        %add3A_215 = arith.addi %add3A_214, %iota3A : vector<16xi32>
        %shift_right_logical3A = arith.constant 3 : i32
        %shift_right_logical3A_216 = vector.broadcast %shift_right_logical3A : i32 to vector<16xi32>
        %shift_right_logical3A_217 = arith.shrui %add3A_215, %shift_right_logical3A_216 : vector<16xi32>
        %and3A_218 = arith.constant 7 : i32
        %and3A_219 = vector.broadcast %and3A_218 : i32 to vector<16xi32>
        %and3A_220 = arith.andi %iota3A, %and3A_219 : vector<16xi32>
        %mul3A_221 = arith.constant 16 : i32
        %mul3A_222 = vector.broadcast %mul3A_221 : i32 to vector<16xi32>
        %mul3A_223 = arith.muli %and3A_220, %mul3A_222 : vector<16xi32>
        %mul3A_224 = arith.constant 16 : i32
        %mul3A_225 = arith.muli %scan3A_209, %mul3A_224 : i32
        %multiple_of3A_226 = tpu.assume_multiple %mul3A_225, 16 : i32
        %get3A = arith.constant 0 : i32
        %get3A_227 = arith.index_cast %get3A : i32 to index
        %get3A_228 = arith.index_cast %multiple_of3A_226 : i32 to index
        %get3A_229 = tpu.vector_load %arg8[%get3A_227, %get3A_228] {strides = array<i32>} : memref<16x128xf32, #tpu.memory_space<vmem>>, vector<16xf32>,
        %mul3A_230 = arith.constant 16 : i32
        %mul3A_231 = arith.muli %scan3A_209, %mul3A_230 : i32
        %multiple_of3A_232 = tpu.assume_multiple %mul3A_231, 16 : i32
        %get3A_233 = arith.constant 1 : i32
        %get3A_234 = arith.index_cast %get3A_233 : i32 to index
        %get3A_235 = arith.index_cast %multiple_of3A_232 : i32 to index
        %get3A_236 = tpu.vector_load %arg8[%get3A_234, %get3A_235] {strides = array<i32>} : memref<16x128xf32, #tpu.memory_space<vmem>>, vector<16xf32>,
        %mul3A_237 = arith.constant 16 : i32
        %mul3A_238 = arith.muli %scan3A_209, %mul3A_237 : i32
        %multiple_of3A_239 = tpu.assume_multiple %mul3A_238, 16 : i32
        %get3A_240 = arith.constant 2 : i32
        %get3A_241 = arith.index_cast %get3A_240 : i32 to index
        %get3A_242 = arith.index_cast %multiple_of3A_239 : i32 to index
        %get3A_243 = tpu.vector_load %arg8[%get3A_241, %get3A_242] {strides = array<i32>} : memref<16x128xf32, #tpu.memory_space<vmem>>, vector<16xf32>,
        %mul3A_244 = arith.constant 16 : i32
        %mul3A_245 = arith.muli %scan3A_209, %mul3A_244 : i32
        %multiple_of3A_246 = tpu.assume_multiple %mul3A_245, 16 : i32
        %get3A_247 = arith.constant 3 : i32
        %get3A_248 = arith.index_cast %get3A_247 : i32 to index
        %get3A_249 = arith.index_cast %multiple_of3A_246 : i32 to index
        %get3A_250 = tpu.vector_load %arg8[%get3A_248, %get3A_249] {strides = array<i32>} : memref<16x128xf32, #tpu.memory_space<vmem>>, vector<16xf32>,
        %mul3A_251 = arith.constant 16 : i32
        %mul3A_252 = arith.muli %scan3A_209, %mul3A_251 : i32
        %multiple_of3A_253 = tpu.assume_multiple %mul3A_252, 16 : i32
        %get3A_254 = arith.constant 4 : i32
        %get3A_255 = arith.index_cast %get3A_254 : i32 to index
        %get3A_256 = arith.index_cast %multiple_of3A_253 : i32 to index
        %get3A_257 = tpu.vector_load %arg8[%get3A_255, %get3A_256] {strides = array<i32>} : memref<16x128xf32, #tpu.memory_space<vmem>>, vector<16xf32>,
        %mul3A_258 = arith.constant 16 : i32
        %mul3A_259 = arith.muli %scan3A_209, %mul3A_258 : i32
        %multiple_of3A_260 = tpu.assume_multiple %mul3A_259, 16 : i32
        %get3A_261 = arith.constant 5 : i32
        %get3A_262 = arith.index_cast %get3A_261 : i32 to index
        %get3A_263 = arith.index_cast %multiple_of3A_260 : i32 to index
        %get3A_264 = tpu.vector_load %arg8[%get3A_262, %get3A_263] {strides = array<i32>} : memref<16x128xf32, #tpu.memory_space<vmem>>, vector<16xf32>,
        %mul3A_265 = arith.constant 16 : i32
        %mul3A_266 = arith.muli %scan3A_209, %mul3A_265 : i32
        %multiple_of3A_267 = tpu.assume_multiple %mul3A_266, 16 : i32
        %get3A_268 = arith.constant 6 : i32
        %get3A_269 = arith.index_cast %get3A_268 : i32 to index
        %get3A_270 = arith.index_cast %multiple_of3A_267 : i32 to index
        %get3A_271 = tpu.vector_load %arg8[%get3A_269, %get3A_270] {strides = array<i32>} : memref<16x128xf32, #tpu.memory_space<vmem>>, vector<16xf32>,
        %mul3A_272 = arith.constant 16 : i32
        %mul3A_273 = arith.muli %scan3A_209, %mul3A_272 : i32
        %multiple_of3A_274 = tpu.assume_multiple %mul3A_273, 16 : i32
        %get3A_275 = arith.constant 7 : i32
        %get3A_276 = arith.index_cast %get3A_275 : i32 to index
        %get3A_277 = arith.index_cast %multiple_of3A_274 : i32 to index
        %get3A_278 = tpu.vector_load %arg8[%get3A_276, %get3A_277] {strides = array<i32>} : memref<16x128xf32, #tpu.memory_space<vmem>>, vector<16xf32>,
        %mul3A_279 = arith.constant 16 : i32
        %mul3A_280 = arith.muli %scan3A_209, %mul3A_279 : i32
        %multiple_of3A_281 = tpu.assume_multiple %mul3A_280, 16 : i32
        %get3A_282 = arith.constant 8 : i32
        %get3A_283 = arith.index_cast %get3A_282 : i32 to index
        %get3A_284 = arith.index_cast %multiple_of3A_281 : i32 to index
        %get3A_285 = tpu.vector_load %arg8[%get3A_283, %get3A_284] {strides = array<i32>} : memref<16x128xf32, #tpu.memory_space<vmem>>, vector<16xf32>,
        %mul3A_286 = arith.constant 16 : i32
        %mul3A_287 = arith.muli %scan3A_209, %mul3A_286 : i32
        %multiple_of3A_288 = tpu.assume_multiple %mul3A_287, 16 : i32
        %get3A_289 = arith.constant 9 : i32
        %get3A_290 = arith.index_cast %get3A_289 : i32 to index
        %get3A_291 = arith.index_cast %multiple_of3A_288 : i32 to index
        %get3A_292 = tpu.vector_load %arg8[%get3A_290, %get3A_291] {strides = array<i32>} : memref<16x128xf32, #tpu.memory_space<vmem>>, vector<16xf32>,
        %mul3A_293 = arith.constant 16 : i32
        %mul3A_294 = arith.muli %scan3A_209, %mul3A_293 : i32
        %multiple_of3A_295 = tpu.assume_multiple %mul3A_294, 16 : i32
        %get3A_296 = arith.constant 10 : i32
        %get3A_297 = arith.index_cast %get3A_296 : i32 to index
        %get3A_298 = arith.index_cast %multiple_of3A_295 : i32 to index
        %get3A_299 = tpu.vector_load %arg8[%get3A_297, %get3A_298] {strides = array<i32>} : memref<16x128xf32, #tpu.memory_space<vmem>>, vector<16xf32>,
        %mul3A_300 = arith.constant 16 : i32
        %mul3A_301 = arith.muli %scan3A_209, %mul3A_300 : i32
        %multiple_of3A_302 = tpu.assume_multiple %mul3A_301, 16 : i32
        %get3A_303 = arith.constant 11 : i32
        %get3A_304 = arith.index_cast %get3A_303 : i32 to index
        %get3A_305 = arith.index_cast %multiple_of3A_302 : i32 to index
        %get3A_306 = tpu.vector_load %arg8[%get3A_304, %get3A_305] {strides = array<i32>} : memref<16x128xf32, #tpu.memory_space<vmem>>, vector<16xf32>,
        %mul3A_307 = arith.constant 16 : i32
        %mul3A_308 = arith.muli %scan3A_209, %mul3A_307 : i32
        %multiple_of3A_309 = tpu.assume_multiple %mul3A_308, 16 : i32
        %get3A_310 = arith.constant 12 : i32
        %get3A_311 = arith.index_cast %get3A_310 : i32 to index
        %get3A_312 = arith.index_cast %multiple_of3A_309 : i32 to index
        %get3A_313 = tpu.vector_load %arg8[%get3A_311, %get3A_312] {strides = array<i32>} : memref<16x128xf32, #tpu.memory_space<vmem>>, vector<16xf32>,
        %mul3A_314 = arith.constant 16 : i32
        %mul3A_315 = arith.muli %scan3A_209, %mul3A_314 : i32
        %multiple_of3A_316 = tpu.assume_multiple %mul3A_315, 16 : i32
        %get3A_317 = arith.constant 13 : i32
        %get3A_318 = arith.index_cast %get3A_317 : i32 to index
        %get3A_319 = arith.index_cast %multiple_of3A_316 : i32 to index
        %get3A_320 = tpu.vector_load %arg8[%get3A_318, %get3A_319] {strides = array<i32>} : memref<16x128xf32, #tpu.memory_space<vmem>>, vector<16xf32>,
        %mul3A_321 = arith.constant 16 : i32
        %mul3A_322 = arith.muli %scan3A_209, %mul3A_321 : i32
        %multiple_of3A_323 = tpu.assume_multiple %mul3A_322, 16 : i32
        %get3A_324 = arith.constant 14 : i32
        %get3A_325 = arith.index_cast %get3A_324 : i32 to index
        %get3A_326 = arith.index_cast %multiple_of3A_323 : i32 to index
        %get3A_327 = tpu.vector_load %arg8[%get3A_325, %get3A_326] {strides = array<i32>} : memref<16x128xf32, #tpu.memory_space<vmem>>, vector<16xf32>,
        %mul3A_328 = arith.constant 16 : i32
        %mul3A_329 = arith.muli %scan3A_209, %mul3A_328 : i32
        %multiple_of3A_330 = tpu.assume_multiple %mul3A_329, 16 : i32
        %get3A_331 = arith.constant 15 : i32
        %get3A_332 = arith.index_cast %get3A_331 : i32 to index
        %get3A_333 = arith.index_cast %multiple_of3A_330 : i32 to index
        %get3A_334 = tpu.vector_load %arg8[%get3A_332, %get3A_333] {strides = array<i32>} : memref<16x128xf32, #tpu.memory_space<vmem>>, vector<16xf32>,
        %add3A_335 = arith.constant 0 : i32
        %add3A_336 = vector.broadcast %add3A_335 : i32 to vector<16xi32>
        %add3A_337 = arith.addi %mul3A_223, %add3A_336 : vector<16xi32>
        tpu.vector_store_idx %arg6[%shift_right_logical3A_217, %add3A_337], %get3A_229 : memref<192x128xf32, #tpu.memory_space<vmem>>[vector<16xi32>, vector<16xi32>], vector<16xf32>,
        %add3A_338 = arith.constant 1 : i32
        %add3A_339 = vector.broadcast %add3A_338 : i32 to vector<16xi32>
        %add3A_340 = arith.addi %mul3A_223, %add3A_339 : vector<16xi32>
        tpu.vector_store_idx %arg6[%shift_right_logical3A_217, %add3A_340], %get3A_236 : memref<192x128xf32, #tpu.memory_space<vmem>>[vector<16xi32>, vector<16xi32>], vector<16xf32>,
        %add3A_341 = arith.constant 2 : i32
        %add3A_342 = vector.broadcast %add3A_341 : i32 to vector<16xi32>
        %add3A_343 = arith.addi %mul3A_223, %add3A_342 : vector<16xi32>
        tpu.vector_store_idx %arg6[%shift_right_logical3A_217, %add3A_343], %get3A_243 : memref<192x128xf32, #tpu.memory_space<vmem>>[vector<16xi32>, vector<16xi32>], vector<16xf32>,
        %add3A_344 = arith.constant 3 : i32
        %add3A_345 = vector.broadcast %add3A_344 : i32 to vector<16xi32>
        %add3A_346 = arith.addi %mul3A_223, %add3A_345 : vector<16xi32>
        tpu.vector_store_idx %arg6[%shift_right_logical3A_217, %add3A_346], %get3A_250 : memref<192x128xf32, #tpu.memory_space<vmem>>[vector<16xi32>, vector<16xi32>], vector<16xf32>,
        %add3A_347 = arith.constant 4 : i32
        %add3A_348 = vector.broadcast %add3A_347 : i32 to vector<16xi32>
        %add3A_349 = arith.addi %mul3A_223, %add3A_348 : vector<16xi32>
        tpu.vector_store_idx %arg6[%shift_right_logical3A_217, %add3A_349], %get3A_257 : memref<192x128xf32, #tpu.memory_space<vmem>>[vector<16xi32>, vector<16xi32>], vector<16xf32>,
        %add3A_350 = arith.constant 5 : i32
        %add3A_351 = vector.broadcast %add3A_350 : i32 to vector<16xi32>
        %add3A_352 = arith.addi %mul3A_223, %add3A_351 : vector<16xi32>
        tpu.vector_store_idx %arg6[%shift_right_logical3A_217, %add3A_352], %get3A_264 : memref<192x128xf32, #tpu.memory_space<vmem>>[vector<16xi32>, vector<16xi32>], vector<16xf32>,
        %add3A_353 = arith.constant 6 : i32
        %add3A_354 = vector.broadcast %add3A_353 : i32 to vector<16xi32>
        %add3A_355 = arith.addi %mul3A_223, %add3A_354 : vector<16xi32>
        tpu.vector_store_idx %arg6[%shift_right_logical3A_217, %add3A_355], %get3A_271 : memref<192x128xf32, #tpu.memory_space<vmem>>[vector<16xi32>, vector<16xi32>], vector<16xf32>,
        %add3A_356 = arith.constant 7 : i32
        %add3A_357 = vector.broadcast %add3A_356 : i32 to vector<16xi32>
        %add3A_358 = arith.addi %mul3A_223, %add3A_357 : vector<16xi32>
        tpu.vector_store_idx %arg6[%shift_right_logical3A_217, %add3A_358], %get3A_278 : memref<192x128xf32, #tpu.memory_space<vmem>>[vector<16xi32>, vector<16xi32>], vector<16xf32>,
        %add3A_359 = arith.constant 8 : i32
        %add3A_360 = vector.broadcast %add3A_359 : i32 to vector<16xi32>
        %add3A_361 = arith.addi %mul3A_223, %add3A_360 : vector<16xi32>
        tpu.vector_store_idx %arg6[%shift_right_logical3A_217, %add3A_361], %get3A_285 : memref<192x128xf32, #tpu.memory_space<vmem>>[vector<16xi32>, vector<16xi32>], vector<16xf32>,
        %add3A_362 = arith.constant 9 : i32
        %add3A_363 = vector.broadcast %add3A_362 : i32 to vector<16xi32>
        %add3A_364 = arith.addi %mul3A_223, %add3A_363 : vector<16xi32>
        tpu.vector_store_idx %arg6[%shift_right_logical3A_217, %add3A_364], %get3A_292 : memref<192x128xf32, #tpu.memory_space<vmem>>[vector<16xi32>, vector<16xi32>], vector<16xf32>,
        %add3A_365 = arith.constant 10 : i32
        %add3A_366 = vector.broadcast %add3A_365 : i32 to vector<16xi32>
        %add3A_367 = arith.addi %mul3A_223, %add3A_366 : vector<16xi32>
        tpu.vector_store_idx %arg6[%shift_right_logical3A_217, %add3A_367], %get3A_299 : memref<192x128xf32, #tpu.memory_space<vmem>>[vector<16xi32>, vector<16xi32>], vector<16xf32>,
        %add3A_368 = arith.constant 11 : i32
        %add3A_369 = vector.broadcast %add3A_368 : i32 to vector<16xi32>
        %add3A_370 = arith.addi %mul3A_223, %add3A_369 : vector<16xi32>
        tpu.vector_store_idx %arg6[%shift_right_logical3A_217, %add3A_370], %get3A_306 : memref<192x128xf32, #tpu.memory_space<vmem>>[vector<16xi32>, vector<16xi32>], vector<16xf32>,
        %add3A_371 = arith.constant 12 : i32
        %add3A_372 = vector.broadcast %add3A_371 : i32 to vector<16xi32>
        %add3A_373 = arith.addi %mul3A_223, %add3A_372 : vector<16xi32>
        tpu.vector_store_idx %arg6[%shift_right_logical3A_217, %add3A_373], %get3A_313 : memref<192x128xf32, #tpu.memory_space<vmem>>[vector<16xi32>, vector<16xi32>], vector<16xf32>,
        %add3A_374 = arith.constant 13 : i32
        %add3A_375 = vector.broadcast %add3A_374 : i32 to vector<16xi32>
        %add3A_376 = arith.addi %mul3A_223, %add3A_375 : vector<16xi32>
        tpu.vector_store_idx %arg6[%shift_right_logical3A_217, %add3A_376], %get3A_320 : memref<192x128xf32, #tpu.memory_space<vmem>>[vector<16xi32>, vector<16xi32>], vector<16xf32>,
        %add3A_377 = arith.constant 14 : i32
        %add3A_378 = vector.broadcast %add3A_377 : i32 to vector<16xi32>
        %add3A_379 = arith.addi %mul3A_223, %add3A_378 : vector<16xi32>
        tpu.vector_store_idx %arg6[%shift_right_logical3A_217, %add3A_379], %get3A_327 : memref<192x128xf32, #tpu.memory_space<vmem>>[vector<16xi32>, vector<16xi32>], vector<16xf32>,
        %add3A_380 = arith.constant 15 : i32
        %add3A_381 = vector.broadcast %add3A_380 : i32 to vector<16xi32>
        %add3A_382 = arith.addi %mul3A_223, %add3A_381 : vector<16xi32>
        tpu.vector_store_idx %arg6[%shift_right_logical3A_217, %add3A_382], %get3A_334 : memref<192x128xf32, #tpu.memory_space<vmem>>[vector<16xi32>, vector<16xi32>], vector<16xf32>,
      }
      %scan3A_192 = arith.constant 8 : i32
      %scan3A_193 = arith.constant 0 : i32
      %scan3A_194 = arith.constant 8 : i32
      %scan3A_195 = arith.constant 2 : i32
      %scan3A_196 = arith.addi %scan3A_194, %scan3A_195 : i32
      %scan3A_197 = arith.constant 1 : i32
      scf.for %scan3A_209 = %scan3A_194 to %scan3A_196 step %scan3A_197  : i32 {
        %sub3A_210 = arith.constant 0 : i32
        %sub3A_211 = arith.subi %scan3A_209, %sub3A_210 : i32
        %mul3A_212 = arith.constant 16 : i32
        %mul3A_213 = arith.muli %sub3A_211, %mul3A_212 : i32
        %iota3A = tpu.iota {dimensions = array<i32: 0>} : vector<16xi32>
        %add3A_214 = vector.broadcast %mul3A_213 : i32 to vector<16xi32>
        %add3A_215 = arith.addi %add3A_214, %iota3A : vector<16xi32>
        %shift_right_logical3A = arith.constant 3 : i32
        %shift_right_logical3A_216 = vector.broadcast %shift_right_logical3A : i32 to vector<16xi32>
        %shift_right_logical3A_217 = arith.shrui %add3A_215, %shift_right_logical3A_216 : vector<16xi32>
        %and3A_218 = arith.constant 7 : i32
        %and3A_219 = vector.broadcast %and3A_218 : i32 to vector<16xi32>
        %and3A_220 = arith.andi %iota3A, %and3A_219 : vector<16xi32>
        %mul3A_221 = arith.constant 16 : i32
        %mul3A_222 = vector.broadcast %mul3A_221 : i32 to vector<16xi32>
        %mul3A_223 = arith.muli %and3A_220, %mul3A_222 : vector<16xi32>
        %sub3A_224 = arith.constant 8 : i32
        %sub3A_225 = arith.subi %scan3A_209, %sub3A_224 : i32
        %mul3A_226 = arith.constant 16 : i32
        %mul3A_227 = arith.muli %sub3A_225, %mul3A_226 : i32
        %multiple_of3A_228 = tpu.assume_multiple %mul3A_227, 16 : i32
        %get3A = arith.constant 0 : i32
        %get3A_229 = arith.index_cast %get3A : i32 to index
        %get3A_230 = arith.index_cast %multiple_of3A_228 : i32 to index
        %get3A_231 = tpu.vector_load %arg9[%get3A_229, %get3A_230] {strides = array<i32>} : memref<16x32xf32, #tpu.memory_space<vmem>>, vector<16xf32>,
        %sub3A_232 = arith.constant 8 : i32
        %sub3A_233 = arith.subi %scan3A_209, %sub3A_232 : i32
        %mul3A_234 = arith.constant 16 : i32
        %mul3A_235 = arith.muli %sub3A_233, %mul3A_234 : i32
        %multiple_of3A_236 = tpu.assume_multiple %mul3A_235, 16 : i32
        %get3A_237 = arith.constant 1 : i32
        %get3A_238 = arith.index_cast %get3A_237 : i32 to index
        %get3A_239 = arith.index_cast %multiple_of3A_236 : i32 to index
        %get3A_240 = tpu.vector_load %arg9[%get3A_238, %get3A_239] {strides = array<i32>} : memref<16x32xf32, #tpu.memory_space<vmem>>, vector<16xf32>,
        %sub3A_241 = arith.constant 8 : i32
        %sub3A_242 = arith.subi %scan3A_209, %sub3A_241 : i32
        %mul3A_243 = arith.constant 16 : i32
        %mul3A_244 = arith.muli %sub3A_242, %mul3A_243 : i32
        %multiple_of3A_245 = tpu.assume_multiple %mul3A_244, 16 : i32
        %get3A_246 = arith.constant 2 : i32
        %get3A_247 = arith.index_cast %get3A_246 : i32 to index
        %get3A_248 = arith.index_cast %multiple_of3A_245 : i32 to index
        %get3A_249 = tpu.vector_load %arg9[%get3A_247, %get3A_248] {strides = array<i32>} : memref<16x32xf32, #tpu.memory_space<vmem>>, vector<16xf32>,
        %sub3A_250 = arith.constant 8 : i32
        %sub3A_251 = arith.subi %scan3A_209, %sub3A_250 : i32
        %mul3A_252 = arith.constant 16 : i32
        %mul3A_253 = arith.muli %sub3A_251, %mul3A_252 : i32
        %multiple_of3A_254 = tpu.assume_multiple %mul3A_253, 16 : i32
        %get3A_255 = arith.constant 3 : i32
        %get3A_256 = arith.index_cast %get3A_255 : i32 to index
        %get3A_257 = arith.index_cast %multiple_of3A_254 : i32 to index
        %get3A_258 = tpu.vector_load %arg9[%get3A_256, %get3A_257] {strides = array<i32>} : memref<16x32xf32, #tpu.memory_space<vmem>>, vector<16xf32>,
        %sub3A_259 = arith.constant 8 : i32
        %sub3A_260 = arith.subi %scan3A_209, %sub3A_259 : i32
        %mul3A_261 = arith.constant 16 : i32
        %mul3A_262 = arith.muli %sub3A_260, %mul3A_261 : i32
        %multiple_of3A_263 = tpu.assume_multiple %mul3A_262, 16 : i32
        %get3A_264 = arith.constant 4 : i32
        %get3A_265 = arith.index_cast %get3A_264 : i32 to index
        %get3A_266 = arith.index_cast %multiple_of3A_263 : i32 to index
        %get3A_267 = tpu.vector_load %arg9[%get3A_265, %get3A_266] {strides = array<i32>} : memref<16x32xf32, #tpu.memory_space<vmem>>, vector<16xf32>,
        %sub3A_268 = arith.constant 8 : i32
        %sub3A_269 = arith.subi %scan3A_209, %sub3A_268 : i32
        %mul3A_270 = arith.constant 16 : i32
        %mul3A_271 = arith.muli %sub3A_269, %mul3A_270 : i32
        %multiple_of3A_272 = tpu.assume_multiple %mul3A_271, 16 : i32
        %get3A_273 = arith.constant 5 : i32
        %get3A_274 = arith.index_cast %get3A_273 : i32 to index
        %get3A_275 = arith.index_cast %multiple_of3A_272 : i32 to index
        %get3A_276 = tpu.vector_load %arg9[%get3A_274, %get3A_275] {strides = array<i32>} : memref<16x32xf32, #tpu.memory_space<vmem>>, vector<16xf32>,
        %sub3A_277 = arith.constant 8 : i32
        %sub3A_278 = arith.subi %scan3A_209, %sub3A_277 : i32
        %mul3A_279 = arith.constant 16 : i32
        %mul3A_280 = arith.muli %sub3A_278, %mul3A_279 : i32
        %multiple_of3A_281 = tpu.assume_multiple %mul3A_280, 16 : i32
        %get3A_282 = arith.constant 6 : i32
        %get3A_283 = arith.index_cast %get3A_282 : i32 to index
        %get3A_284 = arith.index_cast %multiple_of3A_281 : i32 to index
        %get3A_285 = tpu.vector_load %arg9[%get3A_283, %get3A_284] {strides = array<i32>} : memref<16x32xf32, #tpu.memory_space<vmem>>, vector<16xf32>,
        %sub3A_286 = arith.constant 8 : i32
        %sub3A_287 = arith.subi %scan3A_209, %sub3A_286 : i32
        %mul3A_288 = arith.constant 16 : i32
        %mul3A_289 = arith.muli %sub3A_287, %mul3A_288 : i32
        %multiple_of3A_290 = tpu.assume_multiple %mul3A_289, 16 : i32
        %get3A_291 = arith.constant 7 : i32
        %get3A_292 = arith.index_cast %get3A_291 : i32 to index
        %get3A_293 = arith.index_cast %multiple_of3A_290 : i32 to index
        %get3A_294 = tpu.vector_load %arg9[%get3A_292, %get3A_293] {strides = array<i32>} : memref<16x32xf32, #tpu.memory_space<vmem>>, vector<16xf32>,
        %sub3A_295 = arith.constant 8 : i32
        %sub3A_296 = arith.subi %scan3A_209, %sub3A_295 : i32
        %mul3A_297 = arith.constant 16 : i32
        %mul3A_298 = arith.muli %sub3A_296, %mul3A_297 : i32
        %multiple_of3A_299 = tpu.assume_multiple %mul3A_298, 16 : i32
        %get3A_300 = arith.constant 8 : i32
        %get3A_301 = arith.index_cast %get3A_300 : i32 to index
        %get3A_302 = arith.index_cast %multiple_of3A_299 : i32 to index
        %get3A_303 = tpu.vector_load %arg9[%get3A_301, %get3A_302] {strides = array<i32>} : memref<16x32xf32, #tpu.memory_space<vmem>>, vector<16xf32>,
        %sub3A_304 = arith.constant 8 : i32
        %sub3A_305 = arith.subi %scan3A_209, %sub3A_304 : i32
        %mul3A_306 = arith.constant 16 : i32
        %mul3A_307 = arith.muli %sub3A_305, %mul3A_306 : i32
        %multiple_of3A_308 = tpu.assume_multiple %mul3A_307, 16 : i32
        %get3A_309 = arith.constant 9 : i32
        %get3A_310 = arith.index_cast %get3A_309 : i32 to index
        %get3A_311 = arith.index_cast %multiple_of3A_308 : i32 to index
        %get3A_312 = tpu.vector_load %arg9[%get3A_310, %get3A_311] {strides = array<i32>} : memref<16x32xf32, #tpu.memory_space<vmem>>, vector<16xf32>,
        %sub3A_313 = arith.constant 8 : i32
        %sub3A_314 = arith.subi %scan3A_209, %sub3A_313 : i32
        %mul3A_315 = arith.constant 16 : i32
        %mul3A_316 = arith.muli %sub3A_314, %mul3A_315 : i32
        %multiple_of3A_317 = tpu.assume_multiple %mul3A_316, 16 : i32
        %get3A_318 = arith.constant 10 : i32
        %get3A_319 = arith.index_cast %get3A_318 : i32 to index
        %get3A_320 = arith.index_cast %multiple_of3A_317 : i32 to index
        %get3A_321 = tpu.vector_load %arg9[%get3A_319, %get3A_320] {strides = array<i32>} : memref<16x32xf32, #tpu.memory_space<vmem>>, vector<16xf32>,
        %sub3A_322 = arith.constant 8 : i32
        %sub3A_323 = arith.subi %scan3A_209, %sub3A_322 : i32
        %mul3A_324 = arith.constant 16 : i32
        %mul3A_325 = arith.muli %sub3A_323, %mul3A_324 : i32
        %multiple_of3A_326 = tpu.assume_multiple %mul3A_325, 16 : i32
        %get3A_327 = arith.constant 11 : i32
        %get3A_328 = arith.index_cast %get3A_327 : i32 to index
        %get3A_329 = arith.index_cast %multiple_of3A_326 : i32 to index
        %get3A_330 = tpu.vector_load %arg9[%get3A_328, %get3A_329] {strides = array<i32>} : memref<16x32xf32, #tpu.memory_space<vmem>>, vector<16xf32>,
        %sub3A_331 = arith.constant 8 : i32
        %sub3A_332 = arith.subi %scan3A_209, %sub3A_331 : i32
        %mul3A_333 = arith.constant 16 : i32
        %mul3A_334 = arith.muli %sub3A_332, %mul3A_333 : i32
        %multiple_of3A_335 = tpu.assume_multiple %mul3A_334, 16 : i32
        %get3A_336 = arith.constant 12 : i32
        %get3A_337 = arith.index_cast %get3A_336 : i32 to index
        %get3A_338 = arith.index_cast %multiple_of3A_335 : i32 to index
        %get3A_339 = tpu.vector_load %arg9[%get3A_337, %get3A_338] {strides = array<i32>} : memref<16x32xf32, #tpu.memory_space<vmem>>, vector<16xf32>,
        %sub3A_340 = arith.constant 8 : i32
        %sub3A_341 = arith.subi %scan3A_209, %sub3A_340 : i32
        %mul3A_342 = arith.constant 16 : i32
        %mul3A_343 = arith.muli %sub3A_341, %mul3A_342 : i32
        %multiple_of3A_344 = tpu.assume_multiple %mul3A_343, 16 : i32
        %get3A_345 = arith.constant 13 : i32
        %get3A_346 = arith.index_cast %get3A_345 : i32 to index
        %get3A_347 = arith.index_cast %multiple_of3A_344 : i32 to index
        %get3A_348 = tpu.vector_load %arg9[%get3A_346, %get3A_347] {strides = array<i32>} : memref<16x32xf32, #tpu.memory_space<vmem>>, vector<16xf32>,
        %sub3A_349 = arith.constant 8 : i32
        %sub3A_350 = arith.subi %scan3A_209, %sub3A_349 : i32
        %mul3A_351 = arith.constant 16 : i32
        %mul3A_352 = arith.muli %sub3A_350, %mul3A_351 : i32
        %multiple_of3A_353 = tpu.assume_multiple %mul3A_352, 16 : i32
        %get3A_354 = arith.constant 14 : i32
        %get3A_355 = arith.index_cast %get3A_354 : i32 to index
        %get3A_356 = arith.index_cast %multiple_of3A_353 : i32 to index
        %get3A_357 = tpu.vector_load %arg9[%get3A_355, %get3A_356] {strides = array<i32>} : memref<16x32xf32, #tpu.memory_space<vmem>>, vector<16xf32>,
        %sub3A_358 = arith.constant 8 : i32
        %sub3A_359 = arith.subi %scan3A_209, %sub3A_358 : i32
        %mul3A_360 = arith.constant 16 : i32
        %mul3A_361 = arith.muli %sub3A_359, %mul3A_360 : i32
        %multiple_of3A_362 = tpu.assume_multiple %mul3A_361, 16 : i32
        %get3A_363 = arith.constant 15 : i32
        %get3A_364 = arith.index_cast %get3A_363 : i32 to index
        %get3A_365 = arith.index_cast %multiple_of3A_362 : i32 to index
        %get3A_366 = tpu.vector_load %arg9[%get3A_364, %get3A_365] {strides = array<i32>} : memref<16x32xf32, #tpu.memory_space<vmem>>, vector<16xf32>,
        %add3A_367 = arith.constant 0 : i32
        %add3A_368 = vector.broadcast %add3A_367 : i32 to vector<16xi32>
        %add3A_369 = arith.addi %mul3A_223, %add3A_368 : vector<16xi32>
        tpu.vector_store_idx %arg6[%shift_right_logical3A_217, %add3A_369], %get3A_231 : memref<192x128xf32, #tpu.memory_space<vmem>>[vector<16xi32>, vector<16xi32>], vector<16xf32>,
        %add3A_370 = arith.constant 1 : i32
        %add3A_371 = vector.broadcast %add3A_370 : i32 to vector<16xi32>
        %add3A_372 = arith.addi %mul3A_223, %add3A_371 : vector<16xi32>
        tpu.vector_store_idx %arg6[%shift_right_logical3A_217, %add3A_372], %get3A_240 : memref<192x128xf32, #tpu.memory_space<vmem>>[vector<16xi32>, vector<16xi32>], vector<16xf32>,
        %add3A_373 = arith.constant 2 : i32
        %add3A_374 = vector.broadcast %add3A_373 : i32 to vector<16xi32>
        %add3A_375 = arith.addi %mul3A_223, %add3A_374 : vector<16xi32>
        tpu.vector_store_idx %arg6[%shift_right_logical3A_217, %add3A_375], %get3A_249 : memref<192x128xf32, #tpu.memory_space<vmem>>[vector<16xi32>, vector<16xi32>], vector<16xf32>,
        %add3A_376 = arith.constant 3 : i32
        %add3A_377 = vector.broadcast %add3A_376 : i32 to vector<16xi32>
        %add3A_378 = arith.addi %mul3A_223, %add3A_377 : vector<16xi32>
        tpu.vector_store_idx %arg6[%shift_right_logical3A_217, %add3A_378], %get3A_258 : memref<192x128xf32, #tpu.memory_space<vmem>>[vector<16xi32>, vector<16xi32>], vector<16xf32>,
        %add3A_379 = arith.constant 4 : i32
        %add3A_380 = vector.broadcast %add3A_379 : i32 to vector<16xi32>
        %add3A_381 = arith.addi %mul3A_223, %add3A_380 : vector<16xi32>
        tpu.vector_store_idx %arg6[%shift_right_logical3A_217, %add3A_381], %get3A_267 : memref<192x128xf32, #tpu.memory_space<vmem>>[vector<16xi32>, vector<16xi32>], vector<16xf32>,
        %add3A_382 = arith.constant 5 : i32
        %add3A_383 = vector.broadcast %add3A_382 : i32 to vector<16xi32>
        %add3A_384 = arith.addi %mul3A_223, %add3A_383 : vector<16xi32>
        tpu.vector_store_idx %arg6[%shift_right_logical3A_217, %add3A_384], %get3A_276 : memref<192x128xf32, #tpu.memory_space<vmem>>[vector<16xi32>, vector<16xi32>], vector<16xf32>,
        %add3A_385 = arith.constant 6 : i32
        %add3A_386 = vector.broadcast %add3A_385 : i32 to vector<16xi32>
        %add3A_387 = arith.addi %mul3A_223, %add3A_386 : vector<16xi32>
        tpu.vector_store_idx %arg6[%shift_right_logical3A_217, %add3A_387], %get3A_285 : memref<192x128xf32, #tpu.memory_space<vmem>>[vector<16xi32>, vector<16xi32>], vector<16xf32>,
        %add3A_388 = arith.constant 7 : i32
        %add3A_389 = vector.broadcast %add3A_388 : i32 to vector<16xi32>
        %add3A_390 = arith.addi %mul3A_223, %add3A_389 : vector<16xi32>
        tpu.vector_store_idx %arg6[%shift_right_logical3A_217, %add3A_390], %get3A_294 : memref<192x128xf32, #tpu.memory_space<vmem>>[vector<16xi32>, vector<16xi32>], vector<16xf32>,
        %add3A_391 = arith.constant 8 : i32
        %add3A_392 = vector.broadcast %add3A_391 : i32 to vector<16xi32>
        %add3A_393 = arith.addi %mul3A_223, %add3A_392 : vector<16xi32>
        tpu.vector_store_idx %arg6[%shift_right_logical3A_217, %add3A_393], %get3A_303 : memref<192x128xf32, #tpu.memory_space<vmem>>[vector<16xi32>, vector<16xi32>], vector<16xf32>,
        %add3A_394 = arith.constant 9 : i32
        %add3A_395 = vector.broadcast %add3A_394 : i32 to vector<16xi32>
        %add3A_396 = arith.addi %mul3A_223, %add3A_395 : vector<16xi32>
        tpu.vector_store_idx %arg6[%shift_right_logical3A_217, %add3A_396], %get3A_312 : memref<192x128xf32, #tpu.memory_space<vmem>>[vector<16xi32>, vector<16xi32>], vector<16xf32>,
        %add3A_397 = arith.constant 10 : i32
        %add3A_398 = vector.broadcast %add3A_397 : i32 to vector<16xi32>
        %add3A_399 = arith.addi %mul3A_223, %add3A_398 : vector<16xi32>
        tpu.vector_store_idx %arg6[%shift_right_logical3A_217, %add3A_399], %get3A_321 : memref<192x128xf32, #tpu.memory_space<vmem>>[vector<16xi32>, vector<16xi32>], vector<16xf32>,
        %add3A_400 = arith.constant 11 : i32
        %add3A_401 = vector.broadcast %add3A_400 : i32 to vector<16xi32>
        %add3A_402 = arith.addi %mul3A_223, %add3A_401 : vector<16xi32>
        tpu.vector_store_idx %arg6[%shift_right_logical3A_217, %add3A_402], %get3A_330 : memref<192x128xf32, #tpu.memory_space<vmem>>[vector<16xi32>, vector<16xi32>], vector<16xf32>,
        %add3A_403 = arith.constant 12 : i32
        %add3A_404 = vector.broadcast %add3A_403 : i32 to vector<16xi32>
        %add3A_405 = arith.addi %mul3A_223, %add3A_404 : vector<16xi32>
        tpu.vector_store_idx %arg6[%shift_right_logical3A_217, %add3A_405], %get3A_339 : memref<192x128xf32, #tpu.memory_space<vmem>>[vector<16xi32>, vector<16xi32>], vector<16xf32>,
        %add3A_406 = arith.constant 13 : i32
        %add3A_407 = vector.broadcast %add3A_406 : i32 to vector<16xi32>
        %add3A_408 = arith.addi %mul3A_223, %add3A_407 : vector<16xi32>
        tpu.vector_store_idx %arg6[%shift_right_logical3A_217, %add3A_408], %get3A_348 : memref<192x128xf32, #tpu.memory_space<vmem>>[vector<16xi32>, vector<16xi32>], vector<16xf32>,
        %add3A_409 = arith.constant 14 : i32
        %add3A_410 = vector.broadcast %add3A_409 : i32 to vector<16xi32>
        %add3A_411 = arith.addi %mul3A_223, %add3A_410 : vector<16xi32>
        tpu.vector_store_idx %arg6[%shift_right_logical3A_217, %add3A_411], %get3A_357 : memref<192x128xf32, #tpu.memory_space<vmem>>[vector<16xi32>, vector<16xi32>], vector<16xf32>,
        %add3A_412 = arith.constant 15 : i32
        %add3A_413 = vector.broadcast %add3A_412 : i32 to vector<16xi32>
        %add3A_414 = arith.addi %mul3A_223, %add3A_413 : vector<16xi32>
        tpu.vector_store_idx %arg6[%shift_right_logical3A_217, %add3A_414], %get3A_366 : memref<192x128xf32, #tpu.memory_space<vmem>>[vector<16xi32>, vector<16xi32>], vector<16xf32>,
      }
      %scan3A_198 = arith.constant 2 : i32
      %mul3A_199 = arith.constant 12496 : i32
      %mul3A_200 = arith.muli %add3A, %mul3A_199 : i32
      %add3A_201 = arith.constant 12480 : i32
      %add3A_202 = arith.addi %mul3A_200, %add3A_201 : i32
      %multiple_of3A_203 = tpu.assume_multiple %add3A_202, 8 : i32
      "tpu.region"() ({
        %run_scoped3A_209 = tpu.sem_alloc : memref<!tpu.dma_semaphore, #tpu.memory_space<semaphore_mem>>
        %dma_start3A_210 = arith.constant 0 : i32
        %dma_start3A_211 = arith.constant 0 : i32
        %dma_start3A_212 = tpu.memref_slice %arg6[%dma_start3A_210, %dma_start3A_211] : memref<192x128xf32, #tpu.memory_space<vmem>> -> memref<16x128xf32, #tpu.memory_space<vmem>>
        %dma_start3A_213 = arith.constant 0 : i32
        %dma_start3A_214 = tpu.memref_slice %arg3[%multiple_of3A_203, %dma_start3A_213] : memref<325104x128xf32, #tpu.memory_space<hbm>> -> memref<16x128xf32, #tpu.memory_space<hbm>>
        %dma_start3A_215 = arith.constant 0 : i32
        %dma_start3A_216 = tpu.memref_slice %arg3[%multiple_of3A_203, %dma_start3A_215] : memref<325104x128xf32, #tpu.memory_space<hbm>> -> memref<16x128xf32, #tpu.memory_space<hbm>>
        %dma_start3A_217 = arith.constant 0 : i32
        %dma_start3A_218 = arith.constant 0 : i32
        %dma_start3A_219 = tpu.memref_slice %arg6[%dma_start3A_217, %dma_start3A_218] : memref<192x128xf32, #tpu.memory_space<vmem>> -> memref<16x128xf32, #tpu.memory_space<vmem>>
        tpu.enqueue_dma source(%dma_start3A_219 : memref<16x128xf32, #tpu.memory_space<vmem>>) target(%dma_start3A_216 : memref<16x128xf32, #tpu.memory_space<hbm>>) target_semaphore(%run_scoped3A_209 : memref<!tpu.dma_semaphore, #tpu.memory_space<semaphore_mem>>)
        %dma_wait3A = arith.constant 0 : i32
        %dma_wait3A_220 = arith.constant 0 : i32
        %dma_wait3A_221 = tpu.memref_slice %arg6[%dma_wait3A, %dma_wait3A_220] : memref<192x128xf32, #tpu.memory_space<vmem>> -> memref<16x128xf32, #tpu.memory_space<vmem>>
        %dma_wait3A_222 = arith.constant 0 : i32
        %dma_wait3A_223 = tpu.memref_slice %arg3[%multiple_of3A_203, %dma_wait3A_222] : memref<325104x128xf32, #tpu.memory_space<hbm>> -> memref<16x128xf32, #tpu.memory_space<hbm>>
        %dma_wait3A_224 = arith.constant 0 : i32
        %dma_wait3A_225 = tpu.memref_slice %arg3[%multiple_of3A_203, %dma_wait3A_224] : memref<325104x128xf32, #tpu.memory_space<hbm>> -> memref<16x128xf32, #tpu.memory_space<hbm>>
        %dma_wait3A_226 = arith.constant 0 : i32
        %dma_wait3A_227 = arith.constant 0 : i32
        %dma_wait3A_228 = tpu.memref_slice %arg6[%dma_wait3A_226, %dma_wait3A_227] : memref<192x128xf32, #tpu.memory_space<vmem>> -> memref<16x128xf32, #tpu.memory_space<vmem>>
        tpu.wait_dma2 semaphore(%run_scoped3A_209 : memref<!tpu.dma_semaphore, #tpu.memory_space<semaphore_mem>>) src(%dma_wait3A_228 : memref<16x128xf32, #tpu.memory_space<vmem>>) dst(%dma_wait3A_225 : memref<16x128xf32, #tpu.memory_space<hbm>>)
        tpu.yield
      }) : () -> ()
      %mul3A_204 = arith.constant 8 : i32
      %mul3A_205 = arith.muli %mul3A_204, %add3A : i32
      %add3A_206 = arith.constant 324896 : i32
      %add3A_207 = arith.addi %add3A_206, %mul3A_205 : i32
      %multiple_of3A_208 = tpu.assume_multiple %add3A_207, 8 : i32
      "tpu.region"() ({
        %run_scoped3A_209 = tpu.sem_alloc : memref<!tpu.dma_semaphore, #tpu.memory_space<semaphore_mem>>
        %dma_start3A_210 = arith.constant 16 : i32
        %dma_start3A_211 = arith.constant 0 : i32
        %dma_start3A_212 = tpu.memref_slice %arg6[%dma_start3A_210, %dma_start3A_211] : memref<192x128xf32, #tpu.memory_space<vmem>> -> memref<8x128xf32, #tpu.memory_space<vmem>>
        %dma_start3A_213 = arith.constant 0 : i32
        %dma_start3A_214 = tpu.memref_slice %arg3[%multiple_of3A_208, %dma_start3A_213] : memref<325104x128xf32, #tpu.memory_space<hbm>> -> memref<8x128xf32, #tpu.memory_space<hbm>>
        %dma_start3A_215 = arith.constant 0 : i32
        %dma_start3A_216 = tpu.memref_slice %arg3[%multiple_of3A_208, %dma_start3A_215] : memref<325104x128xf32, #tpu.memory_space<hbm>> -> memref<8x128xf32, #tpu.memory_space<hbm>>
        %dma_start3A_217 = arith.constant 16 : i32
        %dma_start3A_218 = arith.constant 0 : i32
        %dma_start3A_219 = tpu.memref_slice %arg6[%dma_start3A_217, %dma_start3A_218] : memref<192x128xf32, #tpu.memory_space<vmem>> -> memref<8x128xf32, #tpu.memory_space<vmem>>
        tpu.enqueue_dma source(%dma_start3A_219 : memref<8x128xf32, #tpu.memory_space<vmem>>) target(%dma_start3A_216 : memref<8x128xf32, #tpu.memory_space<hbm>>) target_semaphore(%run_scoped3A_209 : memref<!tpu.dma_semaphore, #tpu.memory_space<semaphore_mem>>)
        %dma_wait3A = arith.constant 16 : i32
        %dma_wait3A_220 = arith.constant 0 : i32
        %dma_wait3A_221 = tpu.memref_slice %arg6[%dma_wait3A, %dma_wait3A_220] : memref<192x128xf32, #tpu.memory_space<vmem>> -> memref<8x128xf32, #tpu.memory_space<vmem>>
        %dma_wait3A_222 = arith.constant 0 : i32
        %dma_wait3A_223 = tpu.memref_slice %arg3[%multiple_of3A_208, %dma_wait3A_222] : memref<325104x128xf32, #tpu.memory_space<hbm>> -> memref<8x128xf32, #tpu.memory_space<hbm>>
        %dma_wait3A_224 = arith.constant 0 : i32
        %dma_wait3A_225 = tpu.memref_slice %arg3[%multiple_of3A_208, %dma_wait3A_224] : memref<325104x128xf32, #tpu.memory_space<hbm>> -> memref<8x128xf32, #tpu.memory_space<hbm>>
        %dma_wait3A_226 = arith.constant 16 : i32
        %dma_wait3A_227 = arith.constant 0 : i32
        %dma_wait3A_228 = tpu.memref_slice %arg6[%dma_wait3A_226, %dma_wait3A_227] : memref<192x128xf32, #tpu.memory_space<vmem>> -> memref<8x128xf32, #tpu.memory_space<vmem>>
        tpu.wait_dma2 semaphore(%run_scoped3A_209 : memref<!tpu.dma_semaphore, #tpu.memory_space<semaphore_mem>>) src(%dma_wait3A_228 : memref<8x128xf32, #tpu.memory_space<vmem>>) dst(%dma_wait3A_225 : memref<8x128xf32, #tpu.memory_space<hbm>>)
        tpu.yield
      }) : () -> ()
    } else {
    }
    return
  }
}

#map = affine_map<(d0, d1) -> (0, 0)>
module attributes {stable_mosaic.version = 14 : i64} {
  func.func @_gather_body(%arg0: i32, %arg1: i32, %arg2: memref<16384x39xf32, #tpu.memory_space<hbm>>, %arg3: memref<2600832x16xf32, #tpu.memory_space<hbm>>, %arg4: memref<16384x429xf32, #tpu.memory_space<hbm>>, %arg5: memref<512x39xf32, #tpu.memory_space<vmem>>, %arg6: memref<512xi32, #tpu.memory_space<vmem>>, %arg7: memref<512xi32, #tpu.memory_space<vmem>>, %arg8: memref<512x16xf32, #tpu.memory_space<vmem>>, %arg9: memref<512x16xf32, #tpu.memory_space<vmem>>, %arg10: memref<512x13xf32, #tpu.memory_space<vmem>>, %arg11: memref<!tpu.dma_semaphore, #tpu.memory_space<semaphore_mem>>, %arg12: memref<!tpu.dma_semaphore, #tpu.memory_space<semaphore_mem>>, %arg13: memref<!tpu.dma_semaphore, #tpu.memory_space<semaphore_mem>>, %arg14: memref<!tpu.dma_semaphore, #tpu.memory_space<semaphore_mem>>) attributes {dimension_semantics = [#tpu.dimension_semantics<core_parallel>, #tpu.dimension_semantics<subcore_parallel>], iteration_bounds = array<i64: 2, 16>, scalar_prefetch = 0 : i64, scratch_operands = 10 : i64, tpu.core_type = #tpu.core_type<sc_vector_subcore>, window_params = [{transform_indices = #map}, {transform_indices = #map}, {transform_indices = #map}]} {
    %mul3A = arith.constant 2 : i32
    %mul3A_0 = arith.muli %arg1, %mul3A : i32
    %add3A = arith.addi %mul3A_0, %arg0 : i32
    %mul3A_1 = arith.constant 512 : i32
    %mul3A_2 = arith.muli %add3A, %mul3A_1 : i32
    "tpu.region"() ({
      %run_scoped3A = tpu.sem_alloc : memref<!tpu.dma_semaphore, #tpu.memory_space<semaphore_mem>>
      %dma_start3A_27 = arith.constant 0 : i32
      %dma_start3A_28 = tpu.memref_slice %arg2[%mul3A_2, %dma_start3A_27] : memref<16384x39xf32, #tpu.memory_space<hbm>> -> memref<512x39xf32, #tpu.memory_space<hbm>>
      %dma_start3A_29 = arith.constant 0 : i32
      %dma_start3A_30 = tpu.memref_slice %arg2[%mul3A_2, %dma_start3A_29] : memref<16384x39xf32, #tpu.memory_space<hbm>> -> memref<512x39xf32, #tpu.memory_space<hbm>>
      tpu.enqueue_dma source(%dma_start3A_30 : memref<512x39xf32, #tpu.memory_space<hbm>>) target(%arg5 : memref<512x39xf32, #tpu.memory_space<vmem>>) target_semaphore(%run_scoped3A : memref<!tpu.dma_semaphore, #tpu.memory_space<semaphore_mem>>)
      %dma_wait3A_31 = arith.constant 0 : i32
      %dma_wait3A_32 = tpu.memref_slice %arg2[%mul3A_2, %dma_wait3A_31] : memref<16384x39xf32, #tpu.memory_space<hbm>> -> memref<512x39xf32, #tpu.memory_space<hbm>>
      %dma_wait3A_33 = arith.constant 0 : i32
      %dma_wait3A_34 = tpu.memref_slice %arg2[%mul3A_2, %dma_wait3A_33] : memref<16384x39xf32, #tpu.memory_space<hbm>> -> memref<512x39xf32, #tpu.memory_space<hbm>>
      tpu.wait_dma2 semaphore(%run_scoped3A : memref<!tpu.dma_semaphore, #tpu.memory_space<semaphore_mem>>) src(%dma_wait3A_34 : memref<512x39xf32, #tpu.memory_space<hbm>>) dst(%arg5 : memref<512x39xf32, #tpu.memory_space<vmem>>)
      tpu.yield
    }) : () -> ()
    %scan3A = arith.constant 0 : i32
    %scan3A_3 = arith.constant 0 : i32
    %scan3A_4 = arith.constant 32 : i32
    %scan3A_5 = arith.addi %scan3A_3, %scan3A_4 : i32
    %scan3A_6 = arith.constant 1 : i32
    scf.for %scan3A_27 = %scan3A_3 to %scan3A_5 step %scan3A_6  : i32 {
      %iota3A = tpu.iota {dimensions = array<i32: 0>} : vector<16xi32>
      %mul3A_28 = arith.constant 16 : i32
      %mul3A_29 = arith.muli %scan3A_27, %mul3A_28 : i32
      %add3A_30 = vector.broadcast %mul3A_29 : i32 to vector<16xi32>
      %add3A_31 = arith.addi %iota3A, %add3A_30 : vector<16xi32>
      %broadcast_in_dim3A = arith.constant 26 : i32
      %broadcast_in_dim3A_32 = vector.broadcast %broadcast_in_dim3A : i32 to vector<16xi32>
      %gather3A = tpu.vector_load_idx %arg5[%add3A_31, %broadcast_in_dim3A_32] : memref<512x39xf32, #tpu.memory_space<vmem>>[vector<16xi32>, vector<16xi32>], vector<16xf32>,
      %broadcast_in_dim3A_33 = arith.constant 0 : i32
      %broadcast_in_dim3A_34 = vector.broadcast %broadcast_in_dim3A_33 : i32 to vector<16xi32>
      tpu.vector_store_idx %arg10[%add3A_31, %broadcast_in_dim3A_34], %gather3A : memref<512x13xf32, #tpu.memory_space<vmem>>[vector<16xi32>, vector<16xi32>], vector<16xf32>,
      %broadcast_in_dim3A_35 = arith.constant 27 : i32
      %broadcast_in_dim3A_36 = vector.broadcast %broadcast_in_dim3A_35 : i32 to vector<16xi32>
      %gather3A_37 = tpu.vector_load_idx %arg5[%add3A_31, %broadcast_in_dim3A_36] : memref<512x39xf32, #tpu.memory_space<vmem>>[vector<16xi32>, vector<16xi32>], vector<16xf32>,
      %broadcast_in_dim3A_38 = arith.constant 1 : i32
      %broadcast_in_dim3A_39 = vector.broadcast %broadcast_in_dim3A_38 : i32 to vector<16xi32>
      tpu.vector_store_idx %arg10[%add3A_31, %broadcast_in_dim3A_39], %gather3A_37 : memref<512x13xf32, #tpu.memory_space<vmem>>[vector<16xi32>, vector<16xi32>], vector<16xf32>,
      %broadcast_in_dim3A_40 = arith.constant 28 : i32
      %broadcast_in_dim3A_41 = vector.broadcast %broadcast_in_dim3A_40 : i32 to vector<16xi32>
      %gather3A_42 = tpu.vector_load_idx %arg5[%add3A_31, %broadcast_in_dim3A_41] : memref<512x39xf32, #tpu.memory_space<vmem>>[vector<16xi32>, vector<16xi32>], vector<16xf32>,
      %broadcast_in_dim3A_43 = arith.constant 2 : i32
      %broadcast_in_dim3A_44 = vector.broadcast %broadcast_in_dim3A_43 : i32 to vector<16xi32>
      tpu.vector_store_idx %arg10[%add3A_31, %broadcast_in_dim3A_44], %gather3A_42 : memref<512x13xf32, #tpu.memory_space<vmem>>[vector<16xi32>, vector<16xi32>], vector<16xf32>,
      %broadcast_in_dim3A_45 = arith.constant 29 : i32
      %broadcast_in_dim3A_46 = vector.broadcast %broadcast_in_dim3A_45 : i32 to vector<16xi32>
      %gather3A_47 = tpu.vector_load_idx %arg5[%add3A_31, %broadcast_in_dim3A_46] : memref<512x39xf32, #tpu.memory_space<vmem>>[vector<16xi32>, vector<16xi32>], vector<16xf32>,
      %broadcast_in_dim3A_48 = arith.constant 3 : i32
      %broadcast_in_dim3A_49 = vector.broadcast %broadcast_in_dim3A_48 : i32 to vector<16xi32>
      tpu.vector_store_idx %arg10[%add3A_31, %broadcast_in_dim3A_49], %gather3A_47 : memref<512x13xf32, #tpu.memory_space<vmem>>[vector<16xi32>, vector<16xi32>], vector<16xf32>,
      %broadcast_in_dim3A_50 = arith.constant 30 : i32
      %broadcast_in_dim3A_51 = vector.broadcast %broadcast_in_dim3A_50 : i32 to vector<16xi32>
      %gather3A_52 = tpu.vector_load_idx %arg5[%add3A_31, %broadcast_in_dim3A_51] : memref<512x39xf32, #tpu.memory_space<vmem>>[vector<16xi32>, vector<16xi32>], vector<16xf32>,
      %broadcast_in_dim3A_53 = arith.constant 4 : i32
      %broadcast_in_dim3A_54 = vector.broadcast %broadcast_in_dim3A_53 : i32 to vector<16xi32>
      tpu.vector_store_idx %arg10[%add3A_31, %broadcast_in_dim3A_54], %gather3A_52 : memref<512x13xf32, #tpu.memory_space<vmem>>[vector<16xi32>, vector<16xi32>], vector<16xf32>,
      %broadcast_in_dim3A_55 = arith.constant 31 : i32
      %broadcast_in_dim3A_56 = vector.broadcast %broadcast_in_dim3A_55 : i32 to vector<16xi32>
      %gather3A_57 = tpu.vector_load_idx %arg5[%add3A_31, %broadcast_in_dim3A_56] : memref<512x39xf32, #tpu.memory_space<vmem>>[vector<16xi32>, vector<16xi32>], vector<16xf32>,
      %broadcast_in_dim3A_58 = arith.constant 5 : i32
      %broadcast_in_dim3A_59 = vector.broadcast %broadcast_in_dim3A_58 : i32 to vector<16xi32>
      tpu.vector_store_idx %arg10[%add3A_31, %broadcast_in_dim3A_59], %gather3A_57 : memref<512x13xf32, #tpu.memory_space<vmem>>[vector<16xi32>, vector<16xi32>], vector<16xf32>,
      %broadcast_in_dim3A_60 = arith.constant 32 : i32
      %broadcast_in_dim3A_61 = vector.broadcast %broadcast_in_dim3A_60 : i32 to vector<16xi32>
      %gather3A_62 = tpu.vector_load_idx %arg5[%add3A_31, %broadcast_in_dim3A_61] : memref<512x39xf32, #tpu.memory_space<vmem>>[vector<16xi32>, vector<16xi32>], vector<16xf32>,
      %broadcast_in_dim3A_63 = arith.constant 6 : i32
      %broadcast_in_dim3A_64 = vector.broadcast %broadcast_in_dim3A_63 : i32 to vector<16xi32>
      tpu.vector_store_idx %arg10[%add3A_31, %broadcast_in_dim3A_64], %gather3A_62 : memref<512x13xf32, #tpu.memory_space<vmem>>[vector<16xi32>, vector<16xi32>], vector<16xf32>,
      %broadcast_in_dim3A_65 = arith.constant 33 : i32
      %broadcast_in_dim3A_66 = vector.broadcast %broadcast_in_dim3A_65 : i32 to vector<16xi32>
      %gather3A_67 = tpu.vector_load_idx %arg5[%add3A_31, %broadcast_in_dim3A_66] : memref<512x39xf32, #tpu.memory_space<vmem>>[vector<16xi32>, vector<16xi32>], vector<16xf32>,
      %broadcast_in_dim3A_68 = arith.constant 7 : i32
      %broadcast_in_dim3A_69 = vector.broadcast %broadcast_in_dim3A_68 : i32 to vector<16xi32>
      tpu.vector_store_idx %arg10[%add3A_31, %broadcast_in_dim3A_69], %gather3A_67 : memref<512x13xf32, #tpu.memory_space<vmem>>[vector<16xi32>, vector<16xi32>], vector<16xf32>,
      %broadcast_in_dim3A_70 = arith.constant 34 : i32
      %broadcast_in_dim3A_71 = vector.broadcast %broadcast_in_dim3A_70 : i32 to vector<16xi32>
      %gather3A_72 = tpu.vector_load_idx %arg5[%add3A_31, %broadcast_in_dim3A_71] : memref<512x39xf32, #tpu.memory_space<vmem>>[vector<16xi32>, vector<16xi32>], vector<16xf32>,
      %broadcast_in_dim3A_73 = arith.constant 8 : i32
      %broadcast_in_dim3A_74 = vector.broadcast %broadcast_in_dim3A_73 : i32 to vector<16xi32>
      tpu.vector_store_idx %arg10[%add3A_31, %broadcast_in_dim3A_74], %gather3A_72 : memref<512x13xf32, #tpu.memory_space<vmem>>[vector<16xi32>, vector<16xi32>], vector<16xf32>,
      %broadcast_in_dim3A_75 = arith.constant 35 : i32
      %broadcast_in_dim3A_76 = vector.broadcast %broadcast_in_dim3A_75 : i32 to vector<16xi32>
      %gather3A_77 = tpu.vector_load_idx %arg5[%add3A_31, %broadcast_in_dim3A_76] : memref<512x39xf32, #tpu.memory_space<vmem>>[vector<16xi32>, vector<16xi32>], vector<16xf32>,
      %broadcast_in_dim3A_78 = arith.constant 9 : i32
      %broadcast_in_dim3A_79 = vector.broadcast %broadcast_in_dim3A_78 : i32 to vector<16xi32>
      tpu.vector_store_idx %arg10[%add3A_31, %broadcast_in_dim3A_79], %gather3A_77 : memref<512x13xf32, #tpu.memory_space<vmem>>[vector<16xi32>, vector<16xi32>], vector<16xf32>,
      %broadcast_in_dim3A_80 = arith.constant 36 : i32
      %broadcast_in_dim3A_81 = vector.broadcast %broadcast_in_dim3A_80 : i32 to vector<16xi32>
      %gather3A_82 = tpu.vector_load_idx %arg5[%add3A_31, %broadcast_in_dim3A_81] : memref<512x39xf32, #tpu.memory_space<vmem>>[vector<16xi32>, vector<16xi32>], vector<16xf32>,
      %broadcast_in_dim3A_83 = arith.constant 10 : i32
      %broadcast_in_dim3A_84 = vector.broadcast %broadcast_in_dim3A_83 : i32 to vector<16xi32>
      tpu.vector_store_idx %arg10[%add3A_31, %broadcast_in_dim3A_84], %gather3A_82 : memref<512x13xf32, #tpu.memory_space<vmem>>[vector<16xi32>, vector<16xi32>], vector<16xf32>,
      %broadcast_in_dim3A_85 = arith.constant 37 : i32
      %broadcast_in_dim3A_86 = vector.broadcast %broadcast_in_dim3A_85 : i32 to vector<16xi32>
      %gather3A_87 = tpu.vector_load_idx %arg5[%add3A_31, %broadcast_in_dim3A_86] : memref<512x39xf32, #tpu.memory_space<vmem>>[vector<16xi32>, vector<16xi32>], vector<16xf32>,
      %broadcast_in_dim3A_88 = arith.constant 11 : i32
      %broadcast_in_dim3A_89 = vector.broadcast %broadcast_in_dim3A_88 : i32 to vector<16xi32>
      tpu.vector_store_idx %arg10[%add3A_31, %broadcast_in_dim3A_89], %gather3A_87 : memref<512x13xf32, #tpu.memory_space<vmem>>[vector<16xi32>, vector<16xi32>], vector<16xf32>,
      %broadcast_in_dim3A_90 = arith.constant 38 : i32
      %broadcast_in_dim3A_91 = vector.broadcast %broadcast_in_dim3A_90 : i32 to vector<16xi32>
      %gather3A_92 = tpu.vector_load_idx %arg5[%add3A_31, %broadcast_in_dim3A_91] : memref<512x39xf32, #tpu.memory_space<vmem>>[vector<16xi32>, vector<16xi32>], vector<16xf32>,
      %broadcast_in_dim3A_93 = arith.constant 12 : i32
      %broadcast_in_dim3A_94 = vector.broadcast %broadcast_in_dim3A_93 : i32 to vector<16xi32>
      tpu.vector_store_idx %arg10[%add3A_31, %broadcast_in_dim3A_94], %gather3A_92 : memref<512x13xf32, #tpu.memory_space<vmem>>[vector<16xi32>, vector<16xi32>], vector<16xf32>,
    }
    %scan3A_7 = arith.constant 32 : i32
    "tpu.region"() ({
      %run_scoped3A = tpu.sem_alloc : memref<!tpu.dma_semaphore, #tpu.memory_space<semaphore_mem>>
      %dma_start3A_27 = arith.constant 416 : i32
      %dma_start3A_28 = tpu.memref_slice %arg4[%mul3A_2, %dma_start3A_27] : memref<16384x429xf32, #tpu.memory_space<hbm>> -> memref<512x13xf32, #tpu.memory_space<hbm>>
      %dma_start3A_29 = arith.constant 416 : i32
      %dma_start3A_30 = tpu.memref_slice %arg4[%mul3A_2, %dma_start3A_29] : memref<16384x429xf32, #tpu.memory_space<hbm>> -> memref<512x13xf32, #tpu.memory_space<hbm>>
      tpu.enqueue_dma source(%arg10 : memref<512x13xf32, #tpu.memory_space<vmem>>) target(%dma_start3A_30 : memref<512x13xf32, #tpu.memory_space<hbm>>) target_semaphore(%run_scoped3A : memref<!tpu.dma_semaphore, #tpu.memory_space<semaphore_mem>>)
      %dma_wait3A_31 = arith.constant 416 : i32
      %dma_wait3A_32 = tpu.memref_slice %arg4[%mul3A_2, %dma_wait3A_31] : memref<16384x429xf32, #tpu.memory_space<hbm>> -> memref<512x13xf32, #tpu.memory_space<hbm>>
      %dma_wait3A_33 = arith.constant 416 : i32
      %dma_wait3A_34 = tpu.memref_slice %arg4[%mul3A_2, %dma_wait3A_33] : memref<16384x429xf32, #tpu.memory_space<hbm>> -> memref<512x13xf32, #tpu.memory_space<hbm>>
      tpu.wait_dma2 semaphore(%run_scoped3A : memref<!tpu.dma_semaphore, #tpu.memory_space<semaphore_mem>>) src(%arg10 : memref<512x13xf32, #tpu.memory_space<vmem>>) dst(%dma_wait3A_34 : memref<512x13xf32, #tpu.memory_space<hbm>>)
      tpu.yield
    }) : () -> ()
    %scan3A_8 = arith.constant 0 : i32
    %scan3A_9 = arith.constant 0 : i32
    %scan3A_10 = arith.constant 13 : i32
    %scan3A_11 = arith.addi %scan3A_9, %scan3A_10 : i32
    %scan3A_12 = arith.constant 1 : i32
    scf.for %scan3A_27 = %scan3A_9 to %scan3A_11 step %scan3A_12  : i32 {
      %mul3A_28 = arith.constant 2 : i32
      %mul3A_29 = arith.muli %scan3A_27, %mul3A_28 : i32
      %add3A_30 = arith.constant 0 : i32
      %add3A_31 = arith.addi %mul3A_29, %add3A_30 : i32
      %lt3A = arith.constant 26 : i32
      %lt3A_32 = arith.cmpi slt, %add3A_31, %lt3A : i32
      %convert_element_type3A = arith.extui %lt3A_32 : i1 to i32
      %cond3A = arith.constant 0 : i32
      %cond3A_33 = arith.cmpi ne, %convert_element_type3A, %cond3A : i32
      scf.if %cond3A_33 {
        %scan3A_43 = arith.constant 0 : i32
        %scan3A_44 = arith.constant 0 : i32
        %scan3A_45 = arith.constant 32 : i32
        %scan3A_46 = arith.addi %scan3A_44, %scan3A_45 : i32
        %scan3A_47 = arith.constant 1 : i32
        scf.for %scan3A_61 = %scan3A_44 to %scan3A_46 step %scan3A_47  : i32 {
          %iota3A = tpu.iota {dimensions = array<i32: 0>} : vector<16xi32>
          %mul3A_62 = arith.constant 16 : i32
          %mul3A_63 = arith.muli %scan3A_61, %mul3A_62 : i32
          %add3A_64 = vector.broadcast %mul3A_63 : i32 to vector<16xi32>
          %add3A_65 = arith.addi %iota3A, %add3A_64 : vector<16xi32>
          %broadcast_in_dim3A = vector.broadcast %add3A_31 : i32 to vector<16xi32>
          %gather3A = tpu.vector_load_idx %arg5[%add3A_65, %broadcast_in_dim3A] : memref<512x39xf32, #tpu.memory_space<vmem>>[vector<16xi32>, vector<16xi32>], vector<16xf32>,
          %convert_element_type3A_66 = arith.fptosi %gather3A : vector<16xf32> to vector<16xi32>
          %mul3A_67 = arith.constant 99968 : i32
          %mul3A_68 = arith.muli %add3A_31, %mul3A_67 : i32
          %add3A_69 = vector.broadcast %mul3A_68 : i32 to vector<16xi32>
          %add3A_70 = arith.addi %convert_element_type3A_66, %add3A_69 : vector<16xi32>
          %mul3A_71 = arith.constant 64 : i32
          %mul3A_72 = arith.muli %mul3A_71, %add3A_31 : i32
          %add3A_73 = arith.constant 2599168 : i32
          %add3A_74 = arith.addi %add3A_73, %mul3A_72 : i32
          %sub3A = arith.constant 99968 : i32
          %sub3A_75 = arith.subi %add3A_74, %sub3A : i32
          %add3A_76 = vector.broadcast %sub3A_75 : i32 to vector<16xi32>
          %add3A_77 = arith.addi %add3A_76, %convert_element_type3A_66 : vector<16xi32>
          %mul3A_78 = arith.constant 16 : i32
          %mul3A_79 = arith.muli %scan3A_61, %mul3A_78 : i32
          %multiple_of3A = tpu.assume_multiple %mul3A_79, 16 : i32
          %lt3A_80 = arith.constant 99968 : i32
          %lt3A_81 = vector.broadcast %lt3A_80 : i32 to vector<16xi32>
          %lt3A_82 = arith.cmpi slt, %convert_element_type3A_66, %lt3A_81 : vector<16xi32>
          %select_n3A = arith.select %lt3A_82, %add3A_70, %add3A_77 : vector<16xi1>, vector<16xi32>
          %swap3A = arith.index_cast %multiple_of3A : i32 to index
          %swap3A_83 = tpu.vector_load %arg6[%swap3A] {strides = array<i32>} : memref<512xi32, #tpu.memory_space<vmem>>, vector<16xi32>,
          tpu.vector_store %arg6[%swap3A], %select_n3A {strides = array<i32>} : memref<512xi32, #tpu.memory_space<vmem>>, vector<16xi32>,
        }
        %scan3A_48 = arith.constant 32 : i32
        %ge3A = arith.constant 2 : i32
        %ge3A_49 = arith.cmpi sge, %add3A_31, %ge3A : i32
        %convert_element_type3A_50 = arith.extui %ge3A_49 : i1 to i32
        %cond3A_51 = arith.constant 0 : i32
        %cond3A_52 = arith.cmpi ne, %convert_element_type3A_50, %cond3A_51 : i32
        scf.if %cond3A_52 {
          %dma_wait3A_61 = arith.constant 0 : i32
          %dma_wait3A_62 = tpu.memref_slice %arg4[%mul3A_2, %dma_wait3A_61] : memref<16384x429xf32, #tpu.memory_space<hbm>> -> memref<512x16xf32, #tpu.memory_space<hbm>>
          %dma_wait3A_63 = arith.constant 0 : i32
          %dma_wait3A_64 = tpu.memref_slice %arg4[%mul3A_2, %dma_wait3A_63] : memref<16384x429xf32, #tpu.memory_space<hbm>> -> memref<512x16xf32, #tpu.memory_space<hbm>>
          tpu.wait_dma2 semaphore(%arg13 : memref<!tpu.dma_semaphore, #tpu.memory_space<semaphore_mem>>) src(%arg8 : memref<512x16xf32, #tpu.memory_space<vmem>>) dst(%dma_wait3A_64 : memref<512x16xf32, #tpu.memory_space<hbm>>)
        } else {
        }
        %dma_start3A_53 = arith.constant 0 : i32
        %dma_start3A_54 = arith.constant 0 : i32
        %dma_start3A_55 = tpu.memref_slice %arg3[%dma_start3A_53, %dma_start3A_54] : memref<2600832x16xf32, #tpu.memory_space<hbm>> -> memref<2600832x16xf32, #tpu.memory_space<hbm>>
        tpu.enqueue_indirect_dma source(%dma_start3A_55 : memref<2600832x16xf32, #tpu.memory_space<hbm>>) target(%arg8 : memref<512x16xf32, #tpu.memory_space<vmem>>) offsets(%arg6 : memref<512xi32, #tpu.memory_space<vmem>>) semaphore(%arg11 : memref<!tpu.dma_semaphore, #tpu.memory_space<semaphore_mem>>)
        %ge3A_56 = arith.constant 1 : i32
        %ge3A_57 = arith.cmpi sge, %add3A_31, %ge3A_56 : i32
        %convert_element_type3A_58 = arith.extui %ge3A_57 : i1 to i32
        %cond3A_59 = arith.constant 0 : i32
        %cond3A_60 = arith.cmpi ne, %convert_element_type3A_58, %cond3A_59 : i32
        scf.if %cond3A_60 {
          %dma_wait3A_61 = arith.constant 0 : i32
          %dma_wait3A_62 = arith.constant 0 : i32
          %dma_wait3A_63 = tpu.memref_slice %arg3[%dma_wait3A_61, %dma_wait3A_62] : memref<2600832x16xf32, #tpu.memory_space<hbm>> -> memref<2600832x16xf32, #tpu.memory_space<hbm>>
          tpu.wait_indirect_dma semaphore(%arg12 : memref<!tpu.dma_semaphore, #tpu.memory_space<semaphore_mem>>) src(%dma_wait3A_63 : memref<2600832x16xf32, #tpu.memory_space<hbm>>) dst(%arg9 : memref<512x16xf32, #tpu.memory_space<vmem>>)
          %sub3A = arith.constant 1 : i32
          %sub3A_64 = arith.subi %add3A_31, %sub3A : i32
          %mul3A_65 = arith.constant 16 : i32
          %mul3A_66 = arith.muli %sub3A_64, %mul3A_65 : i32
          %dma_start3A_67 = tpu.memref_slice %arg4[%mul3A_2, %mul3A_66] : memref<16384x429xf32, #tpu.memory_space<hbm>> -> memref<512x16xf32, #tpu.memory_space<hbm>>
          %dma_start3A_68 = tpu.memref_slice %arg4[%mul3A_2, %mul3A_66] : memref<16384x429xf32, #tpu.memory_space<hbm>> -> memref<512x16xf32, #tpu.memory_space<hbm>>
          tpu.enqueue_dma source(%arg9 : memref<512x16xf32, #tpu.memory_space<vmem>>) target(%dma_start3A_68 : memref<512x16xf32, #tpu.memory_space<hbm>>) target_semaphore(%arg14 : memref<!tpu.dma_semaphore, #tpu.memory_space<semaphore_mem>>)
        } else {
        }
      } else {
      }
      %mul3A_34 = arith.constant 2 : i32
      %mul3A_35 = arith.muli %scan3A_27, %mul3A_34 : i32
      %add3A_36 = arith.constant 1 : i32
      %add3A_37 = arith.addi %mul3A_35, %add3A_36 : i32
      %lt3A_38 = arith.constant 26 : i32
      %lt3A_39 = arith.cmpi slt, %add3A_37, %lt3A_38 : i32
      %convert_element_type3A_40 = arith.extui %lt3A_39 : i1 to i32
      %cond3A_41 = arith.constant 0 : i32
      %cond3A_42 = arith.cmpi ne, %convert_element_type3A_40, %cond3A_41 : i32
      scf.if %cond3A_42 {
        %scan3A_43 = arith.constant 0 : i32
        %scan3A_44 = arith.constant 0 : i32
        %scan3A_45 = arith.constant 32 : i32
        %scan3A_46 = arith.addi %scan3A_44, %scan3A_45 : i32
        %scan3A_47 = arith.constant 1 : i32
        scf.for %scan3A_61 = %scan3A_44 to %scan3A_46 step %scan3A_47  : i32 {
          %iota3A = tpu.iota {dimensions = array<i32: 0>} : vector<16xi32>
          %mul3A_62 = arith.constant 16 : i32
          %mul3A_63 = arith.muli %scan3A_61, %mul3A_62 : i32
          %add3A_64 = vector.broadcast %mul3A_63 : i32 to vector<16xi32>
          %add3A_65 = arith.addi %iota3A, %add3A_64 : vector<16xi32>
          %broadcast_in_dim3A = vector.broadcast %add3A_37 : i32 to vector<16xi32>
          %gather3A = tpu.vector_load_idx %arg5[%add3A_65, %broadcast_in_dim3A] : memref<512x39xf32, #tpu.memory_space<vmem>>[vector<16xi32>, vector<16xi32>], vector<16xf32>,
          %convert_element_type3A_66 = arith.fptosi %gather3A : vector<16xf32> to vector<16xi32>
          %mul3A_67 = arith.constant 99968 : i32
          %mul3A_68 = arith.muli %add3A_37, %mul3A_67 : i32
          %add3A_69 = vector.broadcast %mul3A_68 : i32 to vector<16xi32>
          %add3A_70 = arith.addi %convert_element_type3A_66, %add3A_69 : vector<16xi32>
          %mul3A_71 = arith.constant 64 : i32
          %mul3A_72 = arith.muli %mul3A_71, %add3A_37 : i32
          %add3A_73 = arith.constant 2599168 : i32
          %add3A_74 = arith.addi %add3A_73, %mul3A_72 : i32
          %sub3A = arith.constant 99968 : i32
          %sub3A_75 = arith.subi %add3A_74, %sub3A : i32
          %add3A_76 = vector.broadcast %sub3A_75 : i32 to vector<16xi32>
          %add3A_77 = arith.addi %add3A_76, %convert_element_type3A_66 : vector<16xi32>
          %mul3A_78 = arith.constant 16 : i32
          %mul3A_79 = arith.muli %scan3A_61, %mul3A_78 : i32
          %multiple_of3A = tpu.assume_multiple %mul3A_79, 16 : i32
          %lt3A_80 = arith.constant 99968 : i32
          %lt3A_81 = vector.broadcast %lt3A_80 : i32 to vector<16xi32>
          %lt3A_82 = arith.cmpi slt, %convert_element_type3A_66, %lt3A_81 : vector<16xi32>
          %select_n3A = arith.select %lt3A_82, %add3A_70, %add3A_77 : vector<16xi1>, vector<16xi32>
          %swap3A = arith.index_cast %multiple_of3A : i32 to index
          %swap3A_83 = tpu.vector_load %arg7[%swap3A] {strides = array<i32>} : memref<512xi32, #tpu.memory_space<vmem>>, vector<16xi32>,
          tpu.vector_store %arg7[%swap3A], %select_n3A {strides = array<i32>} : memref<512xi32, #tpu.memory_space<vmem>>, vector<16xi32>,
        }
        %scan3A_48 = arith.constant 32 : i32
        %ge3A = arith.constant 2 : i32
        %ge3A_49 = arith.cmpi sge, %add3A_37, %ge3A : i32
        %convert_element_type3A_50 = arith.extui %ge3A_49 : i1 to i32
        %cond3A_51 = arith.constant 0 : i32
        %cond3A_52 = arith.cmpi ne, %convert_element_type3A_50, %cond3A_51 : i32
        scf.if %cond3A_52 {
          %dma_wait3A_61 = arith.constant 0 : i32
          %dma_wait3A_62 = tpu.memref_slice %arg4[%mul3A_2, %dma_wait3A_61] : memref<16384x429xf32, #tpu.memory_space<hbm>> -> memref<512x16xf32, #tpu.memory_space<hbm>>
          %dma_wait3A_63 = arith.constant 0 : i32
          %dma_wait3A_64 = tpu.memref_slice %arg4[%mul3A_2, %dma_wait3A_63] : memref<16384x429xf32, #tpu.memory_space<hbm>> -> memref<512x16xf32, #tpu.memory_space<hbm>>
          tpu.wait_dma2 semaphore(%arg14 : memref<!tpu.dma_semaphore, #tpu.memory_space<semaphore_mem>>) src(%arg9 : memref<512x16xf32, #tpu.memory_space<vmem>>) dst(%dma_wait3A_64 : memref<512x16xf32, #tpu.memory_space<hbm>>)
        } else {
        }
        %dma_start3A_53 = arith.constant 0 : i32
        %dma_start3A_54 = arith.constant 0 : i32
        %dma_start3A_55 = tpu.memref_slice %arg3[%dma_start3A_53, %dma_start3A_54] : memref<2600832x16xf32, #tpu.memory_space<hbm>> -> memref<2600832x16xf32, #tpu.memory_space<hbm>>
        tpu.enqueue_indirect_dma source(%dma_start3A_55 : memref<2600832x16xf32, #tpu.memory_space<hbm>>) target(%arg9 : memref<512x16xf32, #tpu.memory_space<vmem>>) offsets(%arg7 : memref<512xi32, #tpu.memory_space<vmem>>) semaphore(%arg12 : memref<!tpu.dma_semaphore, #tpu.memory_space<semaphore_mem>>)
        %ge3A_56 = arith.constant 1 : i32
        %ge3A_57 = arith.cmpi sge, %add3A_37, %ge3A_56 : i32
        %convert_element_type3A_58 = arith.extui %ge3A_57 : i1 to i32
        %cond3A_59 = arith.constant 0 : i32
        %cond3A_60 = arith.cmpi ne, %convert_element_type3A_58, %cond3A_59 : i32
        scf.if %cond3A_60 {
          %dma_wait3A_61 = arith.constant 0 : i32
          %dma_wait3A_62 = arith.constant 0 : i32
          %dma_wait3A_63 = tpu.memref_slice %arg3[%dma_wait3A_61, %dma_wait3A_62] : memref<2600832x16xf32, #tpu.memory_space<hbm>> -> memref<2600832x16xf32, #tpu.memory_space<hbm>>
          tpu.wait_indirect_dma semaphore(%arg11 : memref<!tpu.dma_semaphore, #tpu.memory_space<semaphore_mem>>) src(%dma_wait3A_63 : memref<2600832x16xf32, #tpu.memory_space<hbm>>) dst(%arg8 : memref<512x16xf32, #tpu.memory_space<vmem>>)
          %sub3A = arith.constant 1 : i32
          %sub3A_64 = arith.subi %add3A_37, %sub3A : i32
          %mul3A_65 = arith.constant 16 : i32
          %mul3A_66 = arith.muli %sub3A_64, %mul3A_65 : i32
          %dma_start3A_67 = tpu.memref_slice %arg4[%mul3A_2, %mul3A_66] : memref<16384x429xf32, #tpu.memory_space<hbm>> -> memref<512x16xf32, #tpu.memory_space<hbm>>
          %dma_start3A_68 = tpu.memref_slice %arg4[%mul3A_2, %mul3A_66] : memref<16384x429xf32, #tpu.memory_space<hbm>> -> memref<512x16xf32, #tpu.memory_space<hbm>>
          tpu.enqueue_dma source(%arg8 : memref<512x16xf32, #tpu.memory_space<vmem>>) target(%dma_start3A_68 : memref<512x16xf32, #tpu.memory_space<hbm>>) target_semaphore(%arg13 : memref<!tpu.dma_semaphore, #tpu.memory_space<semaphore_mem>>)
        } else {
        }
      } else {
      }
    }
    %scan3A_13 = arith.constant 13 : i32
    %dma_wait3A = arith.constant 0 : i32
    %dma_wait3A_14 = arith.constant 0 : i32
    %dma_wait3A_15 = tpu.memref_slice %arg3[%dma_wait3A, %dma_wait3A_14] : memref<2600832x16xf32, #tpu.memory_space<hbm>> -> memref<2600832x16xf32, #tpu.memory_space<hbm>>
    tpu.wait_indirect_dma semaphore(%arg12 : memref<!tpu.dma_semaphore, #tpu.memory_space<semaphore_mem>>) src(%dma_wait3A_15 : memref<2600832x16xf32, #tpu.memory_space<hbm>>) dst(%arg9 : memref<512x16xf32, #tpu.memory_space<vmem>>)
    %dma_start3A = arith.constant 400 : i32
    %dma_start3A_16 = tpu.memref_slice %arg4[%mul3A_2, %dma_start3A] : memref<16384x429xf32, #tpu.memory_space<hbm>> -> memref<512x16xf32, #tpu.memory_space<hbm>>
    %dma_start3A_17 = arith.constant 400 : i32
    %dma_start3A_18 = tpu.memref_slice %arg4[%mul3A_2, %dma_start3A_17] : memref<16384x429xf32, #tpu.memory_space<hbm>> -> memref<512x16xf32, #tpu.memory_space<hbm>>
    tpu.enqueue_dma source(%arg9 : memref<512x16xf32, #tpu.memory_space<vmem>>) target(%dma_start3A_18 : memref<512x16xf32, #tpu.memory_space<hbm>>) target_semaphore(%arg14 : memref<!tpu.dma_semaphore, #tpu.memory_space<semaphore_mem>>)
    %dma_wait3A_19 = arith.constant 0 : i32
    %dma_wait3A_20 = tpu.memref_slice %arg4[%mul3A_2, %dma_wait3A_19] : memref<16384x429xf32, #tpu.memory_space<hbm>> -> memref<512x16xf32, #tpu.memory_space<hbm>>
    %dma_wait3A_21 = arith.constant 0 : i32
    %dma_wait3A_22 = tpu.memref_slice %arg4[%mul3A_2, %dma_wait3A_21] : memref<16384x429xf32, #tpu.memory_space<hbm>> -> memref<512x16xf32, #tpu.memory_space<hbm>>
    tpu.wait_dma2 semaphore(%arg14 : memref<!tpu.dma_semaphore, #tpu.memory_space<semaphore_mem>>) src(%arg9 : memref<512x16xf32, #tpu.memory_space<vmem>>) dst(%dma_wait3A_22 : memref<512x16xf32, #tpu.memory_space<hbm>>)
    %dma_wait3A_23 = arith.constant 0 : i32
    %dma_wait3A_24 = tpu.memref_slice %arg4[%mul3A_2, %dma_wait3A_23] : memref<16384x429xf32, #tpu.memory_space<hbm>> -> memref<512x16xf32, #tpu.memory_space<hbm>>
    %dma_wait3A_25 = arith.constant 0 : i32
    %dma_wait3A_26 = tpu.memref_slice %arg4[%mul3A_2, %dma_wait3A_25] : memref<16384x429xf32, #tpu.memory_space<hbm>> -> memref<512x16xf32, #tpu.memory_space<hbm>>
    tpu.wait_dma2 semaphore(%arg13 : memref<!tpu.dma_semaphore, #tpu.memory_space<semaphore_mem>>) src(%arg8 : memref<512x16xf32, #tpu.memory_space<vmem>>) dst(%dma_wait3A_26 : memref<512x16xf32, #tpu.memory_space<hbm>>)
    return
  }
}

</mosaic_0001>

<sc_bundles>
// kernel: kernel.4.cloned.1.call-start
scs
__scs_entry_jumppad:
0x0: {  	(pc) =	sbr.rel $0x88, $3  }
0x1: {  	(tag) =	ssettag $0x0;
	lr =	simm.s32 $0x1  }
0x2: {  	[smem:$0x3F9F] =	sst lr;
	_ =	strace $0xD0000000  }
0x3: {  	_ = 	snop  }
0x4: {  	_ = 	snop  }
0x5: {  	_ = 	snop  }
0x6: {  	_ = 	snop  }
0x7: {  	_ = 	snop  }
__scs_overlays_trampoline_lowered:
0x8: {  	[smem:$0x3FAE] =	sst s0  }
0x9: {  	[smem:$0x3FAF] =	sst s1  }
0xa: {  	[smem:$0x3FB0] =	sst s2  }
0xb: {  	[smem:$0x3FB1] =	sst s3  }
0xc: {  	[smem:$0x3FB2] =	sst s4  }
0xd: {  	[smem:$0x3FB3] =	sst s5  }
0xe: {  	[smem:$0x3FB4] =	sst s6  }
0xf: {  	[smem:$0x3FB5] =	sst s7  }
0x10: {  	[smem:$0x3FB6] =	sst s8  }
0x11: {  	[smem:$0x3FB7] =	sst s9;
	s0 =	simm.s32 @!p0 $0x0  }
0x12: {  	s1 =	sld [smem:$0x3F9D];
	s0 =	simm.s32 @p0 $0x1  }
0x13: {  	[smem:$0x3FB8] =	sst s0;
	s0 =	simm.s32 @!p1 $0x0  }
0x14: {  	s2 =	sld [smem:$0x3F9C];
	s0 =	simm.s32 @p1 $0x1  }
0x15: {  	[smem:$0x3FB9] =	sst s0;
	s0 =	simm.s32 @!p2 $0x0  }
0x16: {  	s3 =	sld [smem:$0x3FDB];
	s0 =	simm.s32 @p2 $0x1  }
0x17: {  	s4 =	simm.s32 $0x1BF5;
	[smem:$0x3FBB] =	sst s0  }
0x18: {  	s0 =	sld [smem:$0x3F9E];
	_ =	swait.ge [sflag:s4], $0x0  }
0x19: {  	s7 =	sld [smem:$0x3F9F]  }
0x1a: {  	s8 =	sadd.s32 $0xFFFFE003, lr  }
0x1b: {  	s9 =	sadd.s32 $0xFFFFFEF7, lr;
	s5 =	simm.s32 $0xFFFFFFFF;
	p2 =	slt.u32 s8, $0xFFFFF086  }
0x1c: {  	p1 =	slt.u32 s9, $0xF7A;
	s5 =	simm.s32 @!p2 $0x0  }
0x1d: {  	s5 =	simm.s32 @p1 $0x1;
	p0 =	seq.s32 s7, s2  }
0x1e: {  	s7 =	smul.u32 @!p0 $0xF7A, s2;
	p2 =	seq.s32 @!p0 s5, $0x0  }
0x1f: {  	s9 =	smul.u32 $0xF7A, s1;
	s8 =	simm.s32 @!p0 $0x1BF5;
	p2 =	por !p2, p0  }
0x20: {  	[sflag:s8] =	ssyncset.s32 @!p0 $0xFFFFF086;
	s6 =	sadd.s32 @!p0 s3, s7;
	s7 =	simm.s32 @!p0 $0x108  }
0x21: {  	s3 =	sadd.s32 s3, s9;
	s6 =	sadd.s32 @!p0 $0x88, s6;
	s7 =	simm.s32 @p2 $0x1082  }
0x22: {  	[simem:s7], [sflag:s8] =	dma.local @!p0 [hbm:s6], $0xF7A  }
0x23: {  	s9 =	sor.u32 $0xD0000000, s2;
	s6 =	simm.s32 $0x108;
	_ =	swait.ge @!p0 [sflag:s8], $0x0  }
0x24: {  	s3 =	sadd.s32 $0x88, s3;
	s6 =	simm.s32 @!p1 $0x1082;
	[sflag:s4] =	ssyncset.s32 $0xFFFFF086  }
0x25: {  	[simem:s6], [sflag:s4] =	dma.local [hbm:s3], $0xF7A  }
0x26: {  	[smem:$0x3F9F] =	sst s1;
	(tag) =	ssettag s2;
	_ =	strace s9  }
0x27: {  	s1 =	sld [smem:$0x3FAF]  }
0x28: {  	s2 =	sld [smem:$0x3FB0]  }
0x29: {  	s4 =	sld [smem:$0x3FB2]  }
0x2a: {  	p0 =	seq.s32 s5, $0x0;
	s5 =	sld [smem:$0x3FB3]  }
0x2b: {  	s6 =	sld [smem:$0x3FB4]  }
0x2c: {  	s7 =	sld [smem:$0x3FB5]  }
0x2d: {  	s3 =	simm.s32 $0x108;
	s8 =	sld [smem:$0x3FB6]  }
0x2e: {  	s3 =	simm.s32 @!p0 $0x1082;
	s9 =	sld [smem:$0x3FB7]  }
0x2f: {  	lr =	sadd.s32 s0, s3;
	s0 =	sld [smem:$0x3FAE]  }
0x30: {  	s3 =	sld [smem:$0x3FB1]  }
0x31: {  	[smem:$0x3FBA] =	sst s10  }
0x32: {  	s10 =	sld [smem:$0x3FB8];
	_ =	sdelay $0x3  }
0x33: {  	p0 =	seq.s32 s10, $0x1;
	s10 =	sld [smem:$0x3FBA];
	_ =	sdelay $0x3  }
0x34: {  	[smem:$0x3FBA] =	sst s10  }
0x35: {  	s10 =	sld [smem:$0x3FB9];
	_ =	sdelay $0x3  }
0x36: {  	p1 =	seq.s32 s10, $0x1;
	s10 =	sld [smem:$0x3FBA];
	_ =	sdelay $0x3  }
0x37: {  	[smem:$0x3FBA] =	sst s10  }
0x38: {  	s10 =	sld [smem:$0x3FBB]  }
0x39: {  	_ = 	snop;
	(pc) =	sbr.ind lr, $3  }
0x3a: {  	_ = 	snop  }
0x3b: {  	_ = 	snop  }
0x3c: {  	p2 =	seq.s32 s10, $0x1;
	s10 =	sld [smem:$0x3FBA]  }
0x3d: {  	_ =	shalt  }
0x3e: {  	_ =	shalt  }
0x3f: {  	_ =	shalt  }
0x40: {  	_ =	shalt  }
0x41: {  	_ =	shalt  }
0x42: {  	_ =	shalt  }
0x43: {  	_ =	shalt  }
0x44: {  	_ =	shalt  }
0x45: {  	_ =	shalt  }
0x46: {  	_ =	shalt  }
0x47: {  	_ =	shalt  }
0x48: {  	_ =	shalt  }
0x49: {  	_ =	shalt  }
0x4a: {  	_ =	shalt  }
0x4b: {  	_ =	shalt  }
0x4c: {  	_ =	shalt  }
0x4d: {  	_ =	shalt  }
0x4e: {  	_ =	shalt  }
0x4f: {  	_ =	shalt  }
0x50: {  	_ =	shalt  }
0x51: {  	_ =	shalt  }
0x52: {  	_ =	shalt  }
0x53: {  	_ =	shalt  }
0x54: {  	_ =	shalt  }
0x55: {  	_ =	shalt  }
0x56: {  	_ =	shalt  }
0x57: {  	_ =	shalt  }
0x58: {  	_ =	shalt  }
0x59: {  	_ =	shalt  }
0x5a: {  	_ =	shalt  }
0x5b: {  	_ =	shalt  }
0x5c: {  	_ =	shalt  }
0x5d: {  	_ =	shalt  }
0x5e: {  	_ =	shalt  }
0x5f: {  	_ =	shalt  }
0x60: {  	_ =	shalt  }
0x61: {  	_ =	shalt  }
0x62: {  	_ =	shalt  }
0x63: {  	_ =	shalt  }
0x64: {  	_ =	shalt  }
0x65: {  	_ =	shalt  }
0x66: {  	_ =	shalt  }
0x67: {  	_ =	shalt  }
0x68: {  	_ =	shalt  }
0x69: {  	_ =	shalt  }
0x6a: {  	_ =	shalt  }
0x6b: {  	_ =	shalt  }
0x6c: {  	_ =	shalt  }
0x6d: {  	_ =	shalt  }
0x6e: {  	_ =	shalt  }
0x6f: {  	_ =	shalt  }
0x70: {  	_ =	shalt  }
0x71: {  	_ =	shalt  }
0x72: {  	_ =	shalt  }
0x73: {  	_ =	shalt  }
0x74: {  	_ =	shalt  }
0x75: {  	_ =	shalt  }
0x76: {  	_ =	shalt  }
0x77: {  	_ =	shalt  }
0x78: {  	_ =	shalt  }
0x79: {  	_ =	shalt  }
0x7a: {  	_ =	shalt  }
0x7b: {  	_ =	shalt  }
0x7c: {  	_ =	shalt  }
0x7d: {  	_ =	shalt  }
0x7e: {  	_ =	shalt  }
0x7f: {  	_ =	shalt  }
0x80: {  	_ =	shalt  }
0x81: {  	_ =	shalt  }
0x82: {  	_ =	shalt  }
0x83: {  	_ =	shalt  }
0x84: {  	_ =	shalt  }
0x85: {  	_ =	shalt  }
0x86: {  	_ =	shalt  }
0x87: {  	_ =	shalt  }
.Lfunc_end0:
.L_simem_size_0:
called_computation_lowered:
.L_overlay_start_0:
0x88: {  	s2 =	sld [smem:$0x3FD9]  }
0x89: {  	s3 =	sld [smem:$0x3FFE];
	_ =	sdelay $0x1  }
0x8a: {  	s1 =	srdreg.scid  }
0x8b: {  	s0 =	sand.u32 $0x1, s1  }
0x8c: {  	s17 =	sshll.u32 s0, $0xA;
	s2 =	sadd.s32 s3, s2  }
0x8d: {  	s2 =	sadd.s32 s2, s17  }
0x8e: {  	[smem:$0x3FC6] =	sst s2  }
0x8f: {  	_ = 	snop  }
0x90: {  	s2 =	sld [smem:$0x3FC8];
	(tm) =	ssettm $0x1  }
0x91: {  	s18 =	sld [smem:$0x3FFB];
	_ =	sdelay $0x3  }
0x92: {  	_ =	strace s18  }
0x93: {  	s3 =	sld [smem:$0x3FFC];
	_ =	sdelay $0x3  }
0x94: {  	_ =	strace s3  }
0x95: {  	s3 =	sld [smem:$0x3FFD];
	_ =	sdelay $0x3  }
0x96: {  	_ =	strace s3  }
0x97: {  	_ =	strace $0x8FFFFFFF  }
0x98: {  	s19 =	sld [smem:$0x3FDB];
	_ =	sdelay $0x1  }
0x99: {  	s4 =	simm.s32 $_scs_section_size  }
0x9a: {  	s5 =	simm.s32 $_size__tile_overlayer_lowered;
	s6 =	simm.s32 $_tile_overlayer_lowered  }
0x9b: {  	s22 =	simm.s32 $0x1BFF;
	s21 =	sshll.u32 s6, $0x1;
	s3 =	sadd.s32 s4, s19  }
0x9c: {  	s7 =	simm.s32 $0x0;
	s20 =	sshll.u32 s5, $0x1;
	s5 =	sadd.s32 s21, s3  }
0x9d: {  	[timem:s7], [sflag:s22] =	dma.local [hbm:s5], s20  }
0x9e: {  	_ =	swait.ge [sflag:s22], s20  }
0x9f: {  	s4 =	ssub.s32 $0x0, s20;
	[sflag:s22] =	ssyncset.done $0x0  }
0xa0: {  	[sflag:s22] =	ssyncadd.s32 s4;
	_ =	sdelay $0x1  }
0xa1: {  	s23 =	simm.s32 $0x1B8B  }
0xa2: {  	_ =	swait.ge [sflag:s23], $0x1  }
0xa3: {  	[sflag:s23] =	ssyncset.done $0x0  }
0xa4: {  	s25 =	simm.s32 $0x1B8E;
	s24 =	sld [smem:$0x3FFE];
	[sflag:s23] =	ssyncadd.s32 $0xFFFFFFFF  }
0xa5: {  	s26 =	simm.s32 $execute0_lowered;
	[smem:$0x3FD2] =	sst s25  }
0xa6: {  	s5 =	sshll.u32 s26, $0x1;
	_ =	strace $0x80000046;
	[dreg:$0x1] =	wrdreg $0xFFFFFFFF  }
0xa7: {  	s28 =	simm.s32 $_size_execute0_lowered;
	s3 =	sadd.s32 s3, s5;
	[dreg:$0x0] =	wrdreg $0x0  }
0xa8: {  	s5 =	sshll.u32 s28, $0x1;
	[dreg:$0x2] =	wrdreg s3  }
0xa9: {  	[dreg:$0x3] =	wrdreg s5  }
0xaa: {  	[dreg:$0x4] =	wrdreg $0xC0  }
0xab: {  	_ =	task [dreg:s7], $0x5FFFF  }
0xac: {  	[dreg:$0x1] =	wrdreg $0xFFFFFFFF  }
0xad: {  	[dreg:$0x0] =	wrdreg $0x60  }
0xae: {  	[dreg:$0x2] =	wrdreg s2  }
0xaf: {  	[dreg:$0x3] =	wrdreg s24  }
0xb0: {  	[dreg:$0x4] =	wrdreg $0x9  }
0xb1: {  	_ =	task.clear_ibuf [dreg:s7], $0x5FFFF;
	_ =	strace $0x90000046  }
0xb2: {  	s29 =	simm.s32 $0x9;
	_ =	strace $0x80000048  }
0xb3: {  	_ =	swait.ge [sflag:s29], $0x1  }
0xb4: {  	[sflag:s29] =	ssyncadd.s32 $0xFFFFFFFF  }
0xb5: {  	_ =	strace $0x90000048  }
0xb6: {  	_ =	sfence  }
0xb7: {  	s30 =	sld [smem:$0x0];
	_ =	sdelay $0x2  }
0xb8: {  	s31 =	sshll.u32 s1, $0xD;
	s1 =	sshrl.u32 s1, $0x2  }
0xb9: {  	s3 =	sand.u32 $0x4000, s31;
	s1 =	sadd.s32 s1, s30  }
0xba: {  	s0 =	sor.u32 s3, s0;
	s1 =	sshll.u32 s1, $0x11  }
0xbb: {  	s0 =	sor.u32 s1, s0  }
0xbc: {  	s0 =	sadd.s32 $0x8F2B, s0  }
0xbd: {  	[sflag:s0] =	ssyncadd.remote.s32 $0x1  }
0xbe: {  	_ =	sfence.sel $0xFFFF  }
0xbf: {  	[dreg:$0x0] =	wrdreg $0xFFFFFFFF;
	(pc) =	sbr.abs _section_cstart, $3  }
0xc0: {  	[dreg:$0x1] =	wrdreg $0xFFFFFFFF  }
0xc1: {  	_ =	task.clear_ibuf [dreg:s7], $0x2FFFF;
	_ =	strace $0x9FFFFFFF  }
0xc2: {  	(tm) =	ssettm $0x7FFFFFFF  }
0xc3: {  	_ =	shalt  }
tec
execute0_lowered:
.L_overlay_start_1:
0x0: {  	(tag) =	ssettag $0x1  }
0x1: {  	v1 =	vlaneseq.u32  }
0x2: {  	v0 =	vand.u32 $0x7, v1;
	v1 =	vmul.u32 $0x10, v1;
	_ =	sdelay $0x1  }
0x3: {  	v0 =	vmul.u32 $0x10, v0;
	v17 =	vor.u32 $0x800, v1;
	v29 =	vor.u32 $0x80C, v1  }
0x4: {  	s2 =	rddreg [dreg:$0x0];
	v30 =	vor.u32 $0x80D, v1;
	v31 =	vor.u32 $0x80E, v1;
	v32 =	vor.u32 $0x80F, v1  }
0x5: {  	s0 =	rddreg [dreg:$0x1];
	s1 =	srdreg.scid;
	s3 =	simm.s32 $0x0;
	v33 =	vor.u32 $0x900, v1;
	v34 =	vor.u32 $0x901, v1;
	v35 =	vor.u32 $0x902, v1  }
0x6: {  	s13 =	simm.s32 $0x3000;
	s14 =	simm.s32 $0xC3800;
	[smem:$0x7FF] =	sst s3;
	v36 =	vor.u32 $0x903, v1;
	v37 =	vor.u32 $0x904, v1;
	v38 =	vor.u32 $0x905, v1  }
0x7: {  	s19 =	stileid.u32;
	s15 =	simm.s32 $0x1;
	_ =	strace $0x80000047;
	v39 =	vor.u32 $0x906, v1;
	v40 =	vor.u32 $0x907, v1;
	[tilespmem:$0x1FF40] =	vst v17;
	v17 =	vor.u32 $0x801, v1  }
0x8: {  	s16 =	simm.s32 $0xC000;
	s17 =	simm.s32 $0x2;
	s18 =	simm.s32 $0x12000;
	v41 =	vor.u32 $0x908, v1;
	v42 =	vor.u32 $0x909, v1;
	[tilespmem:$0x1FF50] =	vst v17;
	v17 =	vor.u32 $0x802, v1  }
0x9: {  	s20 =	simm.s32 $0x4;
	s1 =	sand.u32 $0x1, s1;
	s4 =	sshll.u32 s19, $0x1;
	v43 =	vor.u32 $0x90A, v1;
	v44 =	vor.u32 $0x90B, v1;
	[tilespmem:$0x1FF60] =	vst v17;
	v17 =	vor.u32 $0x803, v1  }
0xa: {  	s23 =	simm.s32 $0x5;
	s30 =	simm.s32 $0xC800;
	s4 =	sor.u32 s1, s4;
	v45 =	vor.u32 $0x90C, v1;
	v46 =	vor.u32 $0x90D, v1;
	[tilespmem:$0x1FF70] =	vst v17;
	v17 =	vor.u32 $0x804, v1  }
0xb: {  	s31 =	simm.s32 $0x0;
	s5 =	sadd.s32 $0xA00, s0;
	s7 =	smul.u32 $0x600, s4;
	v47 =	vor.u32 $0x90E, v1;
	v48 =	vor.u32 $0x90F, v1;
	[tilespmem:$0x1FF80] =	vst v17;
	v17 =	vor.u32 $0x805, v1  }
0xc: {  	p0 =	sgt.u32 s19, $0xC;
	s1 =	ssub.s32 $0x2, s1;
	s8 =	smul.u32 $0x186800, s4;
	v2 =	vor.u32 $0x1, v0;
	v3 =	vor.u32 $0x2, v0;
	[tilespmem:$0x1FF90] =	vst v17;
	v17 =	vor.u32 $0x806, v1  }
0xd: {  	s19 =	simm.s32 $0x3;
	s25 =	sshrl.u32 s1, $0x1;
	s9 =	smul.u32 $0x30E00, s4;
	v4 =	vor.u32 $0x3, v0;
	v5 =	vor.u32 $0x4, v0;
	[tilespmem:$0x1FFA0] =	vst v17;
	v17 =	vor.u32 $0x807, v1  }
.Ltmp0:
0xe: {  	s26 =	ssub.s32 $0x6B9, s4;
	s10 =	sshll.u32 s4, $0x7;
	v6 =	vor.u32 $0x5, v0;
	v7 =	vor.u32 $0x6, v0;
	[tilespmem:$0x1FFB0] =	vst v17;
	v17 =	vor.u32 $0x808, v1;
	(pc) =	sbr.rel .LBB2_1-.Ltmp0, $4  }
0xf: {  	s0 =	ssub.s32 s1, s25;
	s6 =	sshrl.u32 s26, $0x5;
	v8 =	vor.u32 $0x7, v0;
	v9 =	vor.u32 $0x8, v0;
	s29 =	sadd.s32 s10, s5;
	[tilespmem:$0x1FFC0] =	vst v17;
	v17 =	vor.u32 $0x809, v1  }
0x10: {  	v10 =	vor.u32 $0x9, v0;
	v11 =	vor.u32 $0xA, v0;
	s7 =	sadd.s32 s7, s2;
	s28 =	sshrl.u32 s8, $0x3;
	s8 =	sadd.s32 s2, s9;
	[tilespmem:$0x1FFD0] =	vst v17;
	v17 =	vor.u32 $0x80A, v1  }
0x11: {  	v12 =	vor.u32 $0xB, v0;
	v13 =	vor.u32 $0xC, v0;
	s11 =	sadd.s32 $0x1, s6;
	s10 =	sadd.s32 $0x4F5200, s29;
	s1 =	sadd.s32 s5, s28;
	[tilespmem:$0x1FFE0] =	vst v17;
	v17 =	vor.u32 $0x80B, v1  }
0x12: {  	v14 =	vor.u32 $0xD, v0;
	v15 =	vor.u32 $0xE, v0;
	v16 =	vor.u32 $0xF, v0;
	s12 =	smax.u32 s0, $0x1;
	s11 =	sshrl.u32 s11, $0x1;
	s9 =	sadd.s32 $0x30C00, s1;
	[tilespmem:$0x1FFF0] =	vst v17  }
.LBB2_15:
0x13: {  	s31 =	sadd.s32 $0x1, s31  }
0x14: {  	p1 =	sne.s32 s31, s12  }
.Ltmp1:
0x15: {  	_ = 	snop;
	(pc) =	sbr.rel @!p1 .LBB2_16-.Ltmp1, $1  }
0x16: {  	_ =	sdelay $0x3  }
.LBB2_1:
.Ltmp2:
0x17: {  	(pc) =	sbr.rel .LBB2_2-.Ltmp2, $3  }
0x18: {  	_ =	sdelay $0x1  }
0x19: {  	[tilespmem:s3], [sflag:$0x1] =	stream.strided.gather [hbm4b:s7+s13], $0x6000, s14, s13, $0x38;
	[tilespmem:$0x19000] =	vst v63  }
0x1a: {  	s0 =	simm.s32 $0x0  }
.LBB2_10:
0x1b: {  	s0 =	sadd.s32 $0x1, s0  }
0x1c: {  	p1 =	sne.s32 s0, s11  }
.Ltmp3:
0x1d: {  	_ = 	snop;
	(pc) =	sbr.rel @!p1 .LBB2_11-.Ltmp3, $1  }
0x1e: {  	_ =	sdelay $0x3  }
.LBB2_2:
0x1f: {  	s21 =	sshll.u32 s0, $0x1  }
0x20: {  	p1 =	slt.u32 s21, s6  }
.Ltmp4:
0x21: {  	_ = 	snop;
	(pc) =	sbr.rel @!p1 .LBB2_6-.Ltmp4, $2  }
0x22: {  	_ =	sdelay $0x2  }
0x23: {  	s1 =	sor.u32 $0x1, s21  }
0x24: {  	s1 =	sor.u32 $0x1, s21  }
0x25: {  	p1 =	sge.u32 s1, s6  }
0x26: {  	s22 =	sshll.u32 @!p1 s1, $0x5  }
0x27: {  	s22 =	sor.u32 @!p1 s4, s22  }
0x28: {  	s24 =	smulhi.u32 @!p1 $0x7E07E07F, s22;
	_ =	sdelay $0x1  }
0x29: {  	s24 =	sshrl.u32 @!p1 s24, $0x5  }
0x2a: {  	s25 =	smul.u32 @!p1 $0x41, s24;
	_ =	sdelay $0x1  }
0x2b: {  	_ =	swait.ge [sflag:s15], $0x6000;
	s24 =	smul.u32 @!p1 $0x30E00, s24;
	s22 =	ssub.s32 @!p1 s22, s25  }
0x2c: {  	[sflag:s15] =	ssyncset.done $0x0;
	s22 =	smul.u32 @!p1 $0x600, s22  }
0x2d: {  	[sflag:s15] =	ssyncadd.s32 $0xFFFFA000;
	s26 =	simm.s32 @!p1 $0x6000;
	s24 =	sadd.s32 @!p1 s2, s24  }
0x2e: {  	s25 =	simm.s32 @!p1 $0xC3800;
	s22 =	sadd.s32 @!p1 s22, s24;
	s24 =	simm.s32 @!p1 $0x3000  }
0x2f: {  	[tilespmem:s26], [sflag:$0x2] =	stream.strided.gather @!p1 [hbm4b:s22+s24], $0x6000, s25, s24, $0x38;
	[tilespmem:$0x19000] =	vst v63  }
0x30: {  	p1 =	seq.s32 s0, $0x0;
	s22 =	simm.s32 $0x0  }
0x31: {  	s24 =	simm.s32 @!p1 $0x3;
	s29 =	sand.u32 $0x7, s22  }
0x32: {  	_ =	swait.ge @!p1 [sflag:s24], $0x6000;
	s25 =	sshll.u32 s29, $0x4  }
0x33: {  	s28 =	sand.u32 $0x70, s22;
	[sflag:s24] =	ssyncset.done @!p1 $0x0;
	s26 =	sadd.s32 $0x0, s25  }
0x34: {  	s29 =	sand.u32 $0x3C00, s22;
	[sflag:s24] =	ssyncadd.s32 @!p1 $0xFFFFA000;
	s24 =	sor.u32 $0x380, s26  }
0x35: {  	s25 =	sor.u32 s28, s29;
	v52 =	vld [tilespmem:s24+$0x0]  }
0x36: {  	v57 =	vld [tilespmem:s25+$0x280]  }
0x37: {  	v19 =	vld [tilespmem:s25+$0x200]  }
0x38: {  	v55 =	vld [tilespmem:s25+$0x3000]  }
0x39: {  	v49 =	vld [tilespmem:s25+$0x3300]  }
0x3a: {  	v50 =	vld [tilespmem:s25+$0x3200]  }
0x3b: {  	v17 =	vmov s22;
	v53 =	vld [tilespmem:s25+$0x3100]  }
0x3c: {  	v17 =	vshll.u32 v17, $0x4;
	v60 =	vld [tilespmem:s25+$0x300]  }
0x3d: {  	v17 =	vor.u32 v1, v17;
	v20 =	vld [tilespmem:s25+$0x180]  }
0x3e: {  	v51 =	vand.u32 $0x7F80, v17;
	v62 =	vld [tilespmem:s25+$0x100]  }
0x3f: {  	v18 =	vor.u32 v0, v51;
	v54 =	vld [tilespmem:s25+$0x0]  }
0x40: {  	v17 =	vld [tilespmem:s25+$0x80];
	v63 =	vor.u32 v2, v51  }
0x41: {  	v61 =	vld [tilespmem:s25+$0x3080];
	v21 =	vor.u32 v3, v51  }
0x42: {  	v59 =	vld [tilespmem:s25+$0x3180];
	v22 =	vor.u32 v4, v51  }
0x43: {  	v58 =	vld [tilespmem:s25+$0x3280];
	v23 =	vor.u32 v5, v51  }
0x44: {  	v56 =	vld [tilespmem:s25+$0x3380];
	[tilespmem:v18+s16+$0x0] =	vst.idx.msk $0xffff, v54;
	v18 =	vor.u32 v6, v51  }
0x45: {  	[tilespmem:v63+s16+$0x0] =	vst.idx.msk $0xffff, v17;
	v17 =	vor.u32 v7, v51  }
0x46: {  	v63 =	vor.u32 v8, v51;
	[tilespmem:v21+s16+$0x0] =	vst.idx.msk $0xffff, v62  }
0x47: {  	v54 =	vor.u32 v12, v51;
	[tilespmem:v22+s16+$0x0] =	vst.idx.msk $0xffff, v20;
	v20 =	vor.u32 v9, v51  }
0x48: {  	s24 =	simm.s32 $0x10;
	s25 =	simm.s32 $0x1;
	v62 =	vor.u32 v10, v51;
	[tilespmem:v23+s16+$0x0] =	vst.idx.msk $0xffff, v19;
	v19 =	vor.u32 v11, v51  }
.LBB2_4:
0x49: {  	s26 =	sand.u32 $0x7, s25;
	p1 =	sne.s32 s24, $0x5F0;
	[tilespmem:v18+s16+$0x0] =	vst.idx.msk $0xffff, v57;
	s22 =	sadd.s32 $0x80, s22  }
0x4a: {  	s28 =	smov.u32 s24;
	s24 =	sadd.s32 $0x10, s24;
	s26 =	sshll.u32 s26, $0x4;
	[tilespmem:v17+s16+$0x0] =	vst.idx.msk $0xffff, v60;
	v17 =	vor.u32 v13, v51  }
0x4b: {  	v18 =	vor.u32 v14, v51;
	s26 =	sadd.s32 s26, s22;
	[tilespmem:v63+s16+$0x0] =	vst.idx.msk $0xffff, v52  }
0x4c: {  	[tilespmem:v20+s16+$0x0] =	vst.idx.msk $0xffff, v55;
	v20 =	vor.u32 v15, v51  }
0x4d: {  	v21 =	vor.u32 v16, v51;
	[tilespmem:v62+s16+$0x0] =	vst.idx.msk $0xffff, v61  }
0x4e: {  	[tilespmem:v19+s16+$0x0] =	vst.idx.msk $0xffff, v53  }
0x4f: {  	[tilespmem:v54+s16+$0x0] =	vst.idx.msk $0xffff, v59  }
0x50: {  	[tilespmem:v17+s16+$0x0] =	vst.idx.msk $0xffff, v50  }
0x51: {  	v17 =	vmov s28;
	[tilespmem:v18+s16+$0x0] =	vst.idx.msk $0xffff, v58  }
0x52: {  	v17 =	vshll.u32 v17, $0x4;
	[tilespmem:v20+s16+$0x0] =	vst.idx.msk $0xffff, v49  }
0x53: {  	s29 =	sand.u32 $0x3C00, s22;
	s26 =	sor.u32 $0x380, s26;
	s28 =	sand.u32 $0x70, s28;
	v17 =	vor.u32 v1, v17;
	[tilespmem:v21+s16+$0x0] =	vst.idx.msk $0xffff, v56  }
0x54: {  	s28 =	sor.u32 s28, s29;
	v51 =	vand.u32 $0x7F80, v17;
	v52 =	vld [tilespmem:s26+$0x0]  }
0x55: {  	v19 =	vor.u32 v0, v51;
	v54 =	vor.u32 v12, v51;
	v57 =	vld [tilespmem:s28+$0x280]  }
0x56: {  	v20 =	vor.u32 v2, v51;
	v21 =	vld [tilespmem:s28+$0x200]  }
0x57: {  	v22 =	vor.u32 v3, v51;
	v55 =	vld [tilespmem:s28+$0x3000]  }
0x58: {  	v23 =	vor.u32 v4, v51;
	v49 =	vld [tilespmem:s28+$0x3300]  }
0x59: {  	v24 =	vor.u32 v5, v51;
	v50 =	vld [tilespmem:s28+$0x3200]  }
0x5a: {  	v18 =	vor.u32 v6, v51;
	v53 =	vld [tilespmem:s28+$0x3100]  }
0x5b: {  	v17 =	vor.u32 v7, v51;
	v60 =	vld [tilespmem:s28+$0x300]  }
0x5c: {  	v63 =	vor.u32 v8, v51;
	v25 =	vld [tilespmem:s28+$0x180]  }
0x5d: {  	v26 =	vld [tilespmem:s28+$0x100]  }
0x5e: {  	v62 =	vor.u32 v10, v51;
	v27 =	vld [tilespmem:s28+$0x80]  }
0x5f: {  	v28 =	vld [tilespmem:s28+$0x0]  }
0x60: {  	v61 =	vld [tilespmem:s28+$0x3080]  }
0x61: {  	v59 =	vld [tilespmem:s28+$0x3180]  }
0x62: {  	v58 =	vld [tilespmem:s28+$0x3280]  }
0x63: {  	v56 =	vld [tilespmem:s28+$0x3380]  }
.Ltmp5:
0x64: {  	[tilespmem:v19+s16+$0x0] =	vst.idx.msk $0xffff, v28;
	(pc) =	sbr.rel @p1 .LBB2_4-.Ltmp5, $4  }
0x65: {  	[tilespmem:v20+s16+$0x0] =	vst.idx.msk $0xffff, v27  }
0x66: {  	v20 =	vor.u32 v9, v51;
	[tilespmem:v22+s16+$0x0] =	vst.idx.msk $0xffff, v26  }
0x67: {  	[tilespmem:v23+s16+$0x0] =	vst.idx.msk $0xffff, v25  }
0x68: {  	s25 =	sadd.s32 $0x1, s25;
	v19 =	vor.u32 v11, v51;
	[tilespmem:v24+s16+$0x0] =	vst.idx.msk $0xffff, v21  }
0x69: {  	s22 =	sshll.u32 s0, $0x6  }
0x6a: {  	s22 =	sor.u32 s4, s22  }
0x6b: {  	s24 =	smulhi.u32 $0x7E07E07F, s22;
	s25 =	sshra.s32 s22, $0x1F  }
0x6c: {  	s25 =	smul.u32 $0x7E07E07F, s25;
	_ =	sdelay $0x1  }
0x6d: {  	s24 =	sadd.s32 s25, s24  }
0x6e: {  	s25 =	sshrl.u32 s24, $0x1F;
	s24 =	sshra.s32 s24, $0x5  }
0x6f: {  	s24 =	sadd.s32 s25, s24  }
0x70: {  	s25 =	smul.u32 $0xFFFFFFBF, s24;
	_ =	sdelay $0x1  }
0x71: {  	[tilespmem:v18+s16+$0x0] =	vst.idx.msk $0xffff, v57;
	s25 =	sadd.s32 s22, s25  }
0x72: {  	[tilespmem:v17+s16+$0x0] =	vst.idx.msk $0xffff, v60;
	p1 =	slt.s32 s22, $0x1;
	p2 =	sne.s32 s25, $0x0  }
0x73: {  	v17 =	vor.u32 v13, v51;
	[tilespmem:v63+s16+$0x0] =	vst.idx.msk $0xffff, v52;
	p1 =	por !p1, !p2  }
0x74: {  	v18 =	vor.u32 v14, v51;
	[tilespmem:v20+s16+$0x0] =	vst.idx.msk $0xffff, v55;
	s22 =	simm.s32 $0x1;
	p1 =	por !p1, !p1  }
0x75: {  	v63 =	vor.u32 v15, v51;
	[tilespmem:v62+s16+$0x0] =	vst.idx.msk $0xffff, v61;
	s22 =	simm.s32 @!p1 $0x0  }
0x76: {  	v21 =	vor.u32 v16, v51;
	[tilespmem:v19+s16+$0x0] =	vst.idx.msk $0xffff, v53;
	p1 =	slt.s32 s25, $0x0;
	s22 =	ssub.s32 s24, s22;
	s24 =	sadd.s32 $0x41, s25  }
0x77: {  	[tilespmem:v54+s16+$0x0] =	vst.idx.msk $0xffff, v59;
	s22 =	smul.u32 $0x30D00, s22;
	s25 =	smov.u32 @p1 s24  }
0x78: {  	[tilespmem:v17+s16+$0x0] =	vst.idx.msk $0xffff, v50;
	s24 =	smul.u32 $0xC00, s25  }
0x79: {  	[tilespmem:v18+s16+$0x0] =	vst.idx.msk $0xffff, v58  }
0x7a: {  	[tilespmem:v63+s16+$0x0] =	vst.idx.msk $0xffff, v49;
	s22 =	sadd.s32 s24, s22  }
0x7b: {  	[tilespmem:v21+s16+$0x0] =	vst.idx.msk $0xffff, v56;
	s22 =	sadd.s32 s5, s22  }
0x7c: {  	[hbm4b:s22+s3] =	stream.linear.scatter [tilespmem:s16], [sflag:$0x3], $0x6000, $0x38;
	[tilespmem:$0x19000] =	vst v63  }
.LBB2_6:
0x7d: {  	p1 =	sge.u32 s1, s6  }
.Ltmp6:
0x7e: {  	_ = 	snop;
	(pc) =	sbr.rel @p1 .LBB2_10-.Ltmp6, $1  }
0x7f: {  	_ =	sdelay $0x3  }
0x80: {  	s21 =	sadd.s32 $0x2, s21  }
0x81: {  	p1 =	sge.u32 s21, s6  }
0x82: {  	s21 =	sshll.u32 @!p1 s21, $0x5  }
0x83: {  	s21 =	sor.u32 @!p1 s4, s21  }
0x84: {  	s22 =	smulhi.u32 @!p1 $0x7E07E07F, s21;
	_ =	sdelay $0x1  }
0x85: {  	s22 =	sshrl.u32 @!p1 s22, $0x5  }
0x86: {  	s24 =	smul.u32 @!p1 $0x41, s22;
	_ =	sdelay $0x1  }
0x87: {  	_ =	swait.ge [sflag:s17], $0x6000;
	s22 =	smul.u32 @!p1 $0x30E00, s22;
	s21 =	ssub.s32 @!p1 s21, s24  }
0x88: {  	[sflag:s17] =	ssyncset.done $0x0;
	s21 =	smul.u32 @!p1 $0x600, s21  }
0x89: {  	[sflag:s17] =	ssyncadd.s32 $0xFFFFA000;
	s25 =	simm.s32 @!p1 $0x0;
	s22 =	sadd.s32 @!p1 s2, s22  }
0x8a: {  	s24 =	simm.s32 @!p1 $0xC3800;
	s21 =	sadd.s32 @!p1 s21, s22;
	s22 =	simm.s32 @!p1 $0x3000  }
0x8b: {  	[tilespmem:s25], [sflag:$0x1] =	stream.strided.gather @!p1 [hbm4b:s21+s22], $0x6000, s24, s22, $0x38;
	[tilespmem:$0x19000] =	vst v63  }
0x8c: {  	p1 =	seq.s32 s0, $0x0;
	s21 =	simm.s32 $0x0  }
0x8d: {  	s22 =	simm.s32 @!p1 $0x4;
	s25 =	sand.u32 $0x7, s21  }
0x8e: {  	_ =	swait.ge @!p1 [sflag:s22], $0x6000;
	s24 =	sshll.u32 s25, $0x4  }
0x8f: {  	s28 =	sand.u32 $0x70, s21;
	[sflag:s22] =	ssyncset.done @!p1 $0x0;
	s26 =	sadd.s32 $0x0, s24  }
0x90: {  	s29 =	sand.u32 $0x3C00, s21;
	[sflag:s22] =	ssyncadd.s32 @!p1 $0xFFFFA000;
	s22 =	sor.u32 $0x380, s26  }
0x91: {  	s24 =	sor.u32 s28, s29;
	v52 =	vld [tilespmem:s22+$0x6000]  }
0x92: {  	v56 =	vld [tilespmem:s24+$0x6280]  }
0x93: {  	v20 =	vld [tilespmem:s24+$0x6200]  }
0x94: {  	v53 =	vld [tilespmem:s24+$0x9000]  }
0x95: {  	v49 =	vld [tilespmem:s24+$0x9300]  }
0x96: {  	v50 =	vld [tilespmem:s24+$0x9200]  }
0x97: {  	v17 =	vmov s21;
	v54 =	vld [tilespmem:s24+$0x9100]  }
0x98: {  	v17 =	vshll.u32 v17, $0x4;
	v60 =	vld [tilespmem:s24+$0x6300]  }
0x99: {  	v17 =	vor.u32 v1, v17;
	v21 =	vld [tilespmem:s24+$0x6180]  }
0x9a: {  	v51 =	vand.u32 $0x7F80, v17;
	v18 =	vld [tilespmem:s24+$0x6100]  }
0x9b: {  	v19 =	vor.u32 v0, v51;
	v22 =	vld [tilespmem:s24+$0x6000]  }
0x9c: {  	v17 =	vld [tilespmem:s24+$0x6080];
	v23 =	vor.u32 v2, v51  }
0x9d: {  	v61 =	vld [tilespmem:s24+$0x9080];
	v24 =	vor.u32 v3, v51  }
0x9e: {  	v59 =	vld [tilespmem:s24+$0x9180];
	v25 =	vor.u32 v4, v51  }
0x9f: {  	v58 =	vld [tilespmem:s24+$0x9280];
	v26 =	vor.u32 v5, v51  }
0xa0: {  	v57 =	vld [tilespmem:s24+$0x9380];
	v62 =	vor.u32 v6, v51;
	[tilespmem:v19+s18+$0x0] =	vst.idx.msk $0xffff, v22  }
0xa1: {  	v19 =	vor.u32 v7, v51;
	[tilespmem:v23+s18+$0x0] =	vst.idx.msk $0xffff, v17  }
0xa2: {  	[tilespmem:v24+s18+$0x0] =	vst.idx.msk $0xffff, v18;
	v18 =	vor.u32 v8, v51  }
0xa3: {  	v55 =	vor.u32 v12, v51;
	v63 =	vor.u32 v9, v51;
	[tilespmem:v25+s18+$0x0] =	vst.idx.msk $0xffff, v21  }
0xa4: {  	s22 =	simm.s32 $0x10;
	s24 =	simm.s32 $0x1;
	v17 =	vor.u32 v10, v51;
	[tilespmem:v26+s18+$0x0] =	vst.idx.msk $0xffff, v20;
	v20 =	vor.u32 v11, v51  }
.LBB2_8:
0xa5: {  	s25 =	sand.u32 $0x7, s24;
	p1 =	sne.s32 s22, $0x5F0;
	[tilespmem:v62+s18+$0x0] =	vst.idx.msk $0xffff, v56;
	s21 =	sadd.s32 $0x80, s21  }
0xa6: {  	s26 =	smov.u32 s22;
	s22 =	sadd.s32 $0x10, s22;
	s25 =	sshll.u32 s25, $0x4;
	[tilespmem:v19+s18+$0x0] =	vst.idx.msk $0xffff, v60;
	v19 =	vor.u32 v13, v51  }
0xa7: {  	s25 =	sadd.s32 s25, s21;
	[tilespmem:v18+s18+$0x0] =	vst.idx.msk $0xffff, v52;
	v18 =	vor.u32 v14, v51  }
0xa8: {  	v21 =	vor.u32 v15, v51;
	[tilespmem:v63+s18+$0x0] =	vst.idx.msk $0xffff, v53  }
0xa9: {  	[tilespmem:v17+s18+$0x0] =	vst.idx.msk $0xffff, v61;
	v17 =	vor.u32 v16, v51  }
0xaa: {  	[tilespmem:v20+s18+$0x0] =	vst.idx.msk $0xffff, v54  }
0xab: {  	[tilespmem:v55+s18+$0x0] =	vst.idx.msk $0xffff, v59  }
0xac: {  	[tilespmem:v19+s18+$0x0] =	vst.idx.msk $0xffff, v50  }
0xad: {  	v19 =	vmov s26;
	[tilespmem:v18+s18+$0x0] =	vst.idx.msk $0xffff, v58  }
0xae: {  	v18 =	vshll.u32 v19, $0x4;
	[tilespmem:v21+s18+$0x0] =	vst.idx.msk $0xffff, v49  }
0xaf: {  	s28 =	sand.u32 $0x3C00, s21;
	s25 =	sor.u32 $0x380, s25;
	s26 =	sand.u32 $0x70, s26;
	v18 =	vor.u32 v1, v18;
	[tilespmem:v17+s18+$0x0] =	vst.idx.msk $0xffff, v57  }
0xb0: {  	s26 =	sor.u32 s26, s28;
	v51 =	vand.u32 $0x7F80, v18;
	v52 =	vld [tilespmem:s25+$0x6000]  }
0xb1: {  	v20 =	vor.u32 v0, v51;
	v55 =	vor.u32 v12, v51;
	v56 =	vld [tilespmem:s26+$0x6280]  }
0xb2: {  	v22 =	vor.u32 v2, v51;
	v21 =	vld [tilespmem:s26+$0x6200]  }
0xb3: {  	v23 =	vor.u32 v3, v51;
	v53 =	vld [tilespmem:s26+$0x9000]  }
0xb4: {  	v24 =	vor.u32 v4, v51;
	v49 =	vld [tilespmem:s26+$0x9300]  }
0xb5: {  	v25 =	vor.u32 v5, v51;
	v50 =	vld [tilespmem:s26+$0x9200]  }
0xb6: {  	v62 =	vor.u32 v6, v51;
	v54 =	vld [tilespmem:s26+$0x9100]  }
0xb7: {  	v19 =	vor.u32 v7, v51;
	v60 =	vld [tilespmem:s26+$0x6300]  }
0xb8: {  	v18 =	vor.u32 v8, v51;
	v26 =	vld [tilespmem:s26+$0x6180]  }
0xb9: {  	v27 =	vld [tilespmem:s26+$0x6100]  }
0xba: {  	v17 =	vor.u32 v10, v51;
	v28 =	vld [tilespmem:s26+$0x6080]  }
0xbb: {  	v63 =	vld [tilespmem:s26+$0x6000]  }
0xbc: {  	v61 =	vld [tilespmem:s26+$0x9080]  }
0xbd: {  	v59 =	vld [tilespmem:s26+$0x9180]  }
0xbe: {  	v58 =	vld [tilespmem:s26+$0x9280]  }
0xbf: {  	v57 =	vld [tilespmem:s26+$0x9380]  }
.Ltmp7:
0xc0: {  	[tilespmem:v20+s18+$0x0] =	vst.idx.msk $0xffff, v63;
	(pc) =	sbr.rel @p1 .LBB2_8-.Ltmp7, $4  }
0xc1: {  	[tilespmem:v22+s18+$0x0] =	vst.idx.msk $0xffff, v28  }
0xc2: {  	v63 =	vor.u32 v9, v51;
	[tilespmem:v23+s18+$0x0] =	vst.idx.msk $0xffff, v27  }
0xc3: {  	[tilespmem:v24+s18+$0x0] =	vst.idx.msk $0xffff, v26  }
0xc4: {  	s24 =	sadd.s32 $0x1, s24;
	v20 =	vor.u32 v11, v51;
	[tilespmem:v25+s18+$0x0] =	vst.idx.msk $0xffff, v21  }
0xc5: {  	_ =	sdelay $0x1  }
0xc6: {  	s1 =	sshll.u32 s1, $0x5  }
0xc7: {  	s1 =	sor.u32 s4, s1  }
0xc8: {  	[tilespmem:v62+s18+$0x0] =	vst.idx.msk $0xffff, v56;
	s21 =	smulhi.u32 $0x7E07E07F, s1  }
0xc9: {  	[tilespmem:v19+s18+$0x0] =	vst.idx.msk $0xffff, v60  }
0xca: {  	v19 =	vor.u32 v13, v51;
	[tilespmem:v18+s18+$0x0] =	vst.idx.msk $0xffff, v52;
	s21 =	sshrl.u32 s21, $0x5  }
0xcb: {  	v18 =	vor.u32 v14, v51;
	[tilespmem:v63+s18+$0x0] =	vst.idx.msk $0xffff, v53;
	s22 =	smul.u32 $0x41, s21  }
0xcc: {  	v21 =	vor.u32 v15, v51;
	[tilespmem:v17+s18+$0x0] =	vst.idx.msk $0xffff, v61  }
0xcd: {  	v17 =	vor.u32 v16, v51;
	[tilespmem:v20+s18+$0x0] =	vst.idx.msk $0xffff, v54;
	s21 =	smul.u32 $0x30D00, s21;
	s1 =	ssub.s32 s1, s22  }
0xce: {  	[tilespmem:v55+s18+$0x0] =	vst.idx.msk $0xffff, v59;
	s1 =	smul.u32 $0xC00, s1  }
.Ltmp8:
0xcf: {  	[tilespmem:v19+s18+$0x0] =	vst.idx.msk $0xffff, v50;
	(pc) =	sbr.rel .LBB2_10-.Ltmp8, $4  }
0xd0: {  	[tilespmem:v18+s18+$0x0] =	vst.idx.msk $0xffff, v58  }
0xd1: {  	[tilespmem:v21+s18+$0x0] =	vst.idx.msk $0xffff, v49;
	s1 =	sadd.s32 s1, s21  }
0xd2: {  	[tilespmem:v17+s18+$0x0] =	vst.idx.msk $0xffff, v57;
	s1 =	sadd.s32 s5, s1  }
0xd3: {  	[hbm4b:s1+s3] =	stream.linear.scatter [tilespmem:s18], [sflag:$0x4], $0x6000, $0x38;
	[tilespmem:$0x19000] =	vst v63  }
.LBB2_11:
0xd4: {  	_ =	swait.ge [sflag:s19], $0x6000  }
.Ltmp9:
0xd5: {  	[sflag:s19] =	ssyncset.done $0x0;
	(pc) =	sbr.rel @p0 .LBB2_15-.Ltmp9, $4  }
0xd6: {  	[sflag:s19] =	ssyncadd.s32 $0xFFFFA000  }
0xd7: {  	_ =	swait.ge [sflag:s20], $0x6000  }
0xd8: {  	[sflag:s20] =	ssyncset.done $0x0  }
0xd9: {  	[sflag:s20] =	ssyncadd.s32 $0xFFFFA000  }
0xda: {  	s0 =	sadd.s32 $0x18600, s8;
	s1 =	simm.s32 $0x400;
	s21 =	simm.s32 $0x18000  }
0xdb: {  	[tilespmem:s21], [sflag:$0x5] =	stream.strided.gather [hbm4b:s0+s1], $0x800, s14, s1, $0x38;
	[tilespmem:$0x19000] =	vst v63  }
0xdc: {  	_ =	swait.ge [sflag:s23], $0x800  }
0xdd: {  	s28 =	sadd.s32 $0x18680, s8;
	[sflag:s23] =	ssyncset.done $0x0  }
0xde: {  	s29 =	simm.s32 $0x18800;
	s1 =	simm.s32 $0x0;
	[sflag:s23] =	ssyncadd.s32 $0xFFFFF800  }
0xdf: {  	[tilespmem:s29], [sflag:$0x5] =	stream.linear.gather [hbm4b:s28+s1], $0x20, $0x38;
	[tilespmem:$0x19000] =	vst v63  }
0xe0: {  	_ =	swait.ge [sflag:s23], $0x20  }
0xe1: {  	[sflag:s23] =	ssyncset.done $0x0  }
0xe2: {  	s22 =	sadd.s32 $0x18690, s8;
	s24 =	simm.s32 $0x18880;
	[sflag:s23] =	ssyncadd.s32 $0xFFFFFFE0  }
0xe3: {  	[tilespmem:s24], [sflag:$0x5] =	stream.linear.gather [hbm4b:s22+s1], $0x20, $0x38;
	[tilespmem:$0x19000] =	vst v63  }
0xe4: {  	_ =	swait.ge [sflag:s23], $0x20  }
0xe5: {  	[sflag:s23] =	ssyncset.done $0x0  }
0xe6: {  	s25 =	sadd.s32 $0x186A0, s8;
	s26 =	simm.s32 $0x18900;
	[sflag:s23] =	ssyncadd.s32 $0xFFFFFFE0  }
0xe7: {  	[tilespmem:s26], [sflag:$0x5] =	stream.linear.gather [hbm4b:s25+s1], $0x20, $0x38;
	[tilespmem:$0x19000] =	vst v63  }
0xe8: {  	_ =	swait.ge [sflag:s23], $0x20  }
0xe9: {  	[sflag:s23] =	ssyncset.done $0x0  }
0xea: {  	s28 =	sadd.s32 $0x186B0, s8;
	s29 =	simm.s32 $0x18980;
	[sflag:s23] =	ssyncadd.s32 $0xFFFFFFE0  }
0xeb: {  	[tilespmem:s29], [sflag:$0x5] =	stream.linear.gather [hbm4b:s28+s1], $0x20, $0x38;
	[tilespmem:$0x19000] =	vst v63  }
0xec: {  	_ =	swait.ge [sflag:s23], $0x20  }
0xed: {  	[sflag:s23] =	ssyncset.done $0x0  }
0xee: {  	s22 =	sadd.s32 $0x186C0, s8;
	s24 =	simm.s32 $0x18A00;
	[sflag:s23] =	ssyncadd.s32 $0xFFFFFFE0  }
0xef: {  	[tilespmem:s24], [sflag:$0x5] =	stream.linear.gather [hbm4b:s22+s1], $0x20, $0x38;
	[tilespmem:$0x19000] =	vst v63  }
0xf0: {  	_ =	swait.ge [sflag:s23], $0x20  }
0xf1: {  	[sflag:s23] =	ssyncset.done $0x0  }
0xf2: {  	s25 =	sadd.s32 $0x186D0, s8;
	s26 =	simm.s32 $0x18A80;
	[sflag:s23] =	ssyncadd.s32 $0xFFFFFFE0  }
0xf3: {  	[tilespmem:s26], [sflag:$0x5] =	stream.linear.gather [hbm4b:s25+s1], $0x20, $0x38;
	[tilespmem:$0x19000] =	vst v63  }
0xf4: {  	_ =	swait.ge [sflag:s23], $0x20  }
0xf5: {  	[sflag:s23] =	ssyncset.done $0x0  }
0xf6: {  	s28 =	sadd.s32 $0x186E0, s8;
	s29 =	simm.s32 $0x18B00;
	[sflag:s23] =	ssyncadd.s32 $0xFFFFFFE0  }
0xf7: {  	[tilespmem:s29], [sflag:$0x5] =	stream.linear.gather [hbm4b:s28+s1], $0x20, $0x38;
	[tilespmem:$0x19000] =	vst v63  }
0xf8: {  	_ =	swait.ge [sflag:s23], $0x20  }
0xf9: {  	[sflag:s23] =	ssyncset.done $0x0  }
0xfa: {  	s22 =	sadd.s32 $0x186F0, s8;
	s24 =	simm.s32 $0x18B80;
	[sflag:s23] =	ssyncadd.s32 $0xFFFFFFE0  }
0xfb: {  	[tilespmem:s24], [sflag:$0x5] =	stream.linear.gather [hbm4b:s22+s1], $0x20, $0x38;
	[tilespmem:$0x19000] =	vst v63  }
0xfc: {  	_ =	swait.ge [sflag:s23], $0x20  }
0xfd: {  	[sflag:s23] =	ssyncset.done $0x0  }
0xfe: {  	s25 =	sadd.s32 $0x30D80, s8;
	s26 =	simm.s32 $0x18C00;
	[sflag:s23] =	ssyncadd.s32 $0xFFFFFFE0  }
0xff: {  	[tilespmem:s26], [sflag:$0x5] =	stream.linear.gather [hbm4b:s25+s1], $0x20, $0x38;
	[tilespmem:$0x19000] =	vst v63  }
0x100: {  	_ =	swait.ge [sflag:s23], $0x20  }
0x101: {  	[sflag:s23] =	ssyncset.done $0x0  }
0x102: {  	s28 =	sadd.s32 $0x30D90, s8;
	s29 =	simm.s32 $0x18C80;
	[sflag:s23] =	ssyncadd.s32 $0xFFFFFFE0  }
0x103: {  	[tilespmem:s29], [sflag:$0x5] =	stream.linear.gather [hbm4b:s28+s1], $0x20, $0x38;
	[tilespmem:$0x19000] =	vst v63  }
0x104: {  	_ =	swait.ge [sflag:s23], $0x20  }
0x105: {  	[sflag:s23] =	ssyncset.done $0x0  }
0x106: {  	s22 =	sadd.s32 $0x30DA0, s8;
	s24 =	simm.s32 $0x18D00;
	[sflag:s23] =	ssyncadd.s32 $0xFFFFFFE0  }
0x107: {  	[tilespmem:s24], [sflag:$0x5] =	stream.linear.gather [hbm4b:s22+s1], $0x20, $0x38;
	[tilespmem:$0x19000] =	vst v63  }
0x108: {  	_ =	swait.ge [sflag:s23], $0x20  }
0x109: {  	[sflag:s23] =	ssyncset.done $0x0  }
0x10a: {  	s25 =	sadd.s32 $0x30DB0, s8;
	s26 =	simm.s32 $0x18D80;
	[sflag:s23] =	ssyncadd.s32 $0xFFFFFFE0  }
0x10b: {  	[tilespmem:s26], [sflag:$0x5] =	stream.linear.gather [hbm4b:s25+s1], $0x20, $0x38;
	[tilespmem:$0x19000] =	vst v63  }
0x10c: {  	_ =	swait.ge [sflag:s23], $0x20  }
0x10d: {  	[sflag:s23] =	ssyncset.done $0x0  }
0x10e: {  	s28 =	sadd.s32 $0x30DC0, s8;
	s29 =	simm.s32 $0x18E00;
	[sflag:s23] =	ssyncadd.s32 $0xFFFFFFE0  }
0x10f: {  	[tilespmem:s29], [sflag:$0x5] =	stream.linear.gather [hbm4b:s28+s1], $0x20, $0x38;
	[tilespmem:$0x19000] =	vst v63  }
0x110: {  	_ =	swait.ge [sflag:s23], $0x20  }
0x111: {  	[sflag:s23] =	ssyncset.done $0x0  }
0x112: {  	s22 =	sadd.s32 $0x30DD0, s8;
	s24 =	simm.s32 $0x18E80;
	[sflag:s23] =	ssyncadd.s32 $0xFFFFFFE0  }
0x113: {  	[tilespmem:s24], [sflag:$0x5] =	stream.linear.gather [hbm4b:s22+s1], $0x20, $0x38;
	[tilespmem:$0x19000] =	vst v63  }
0x114: {  	_ =	swait.ge [sflag:s23], $0x20  }
0x115: {  	[sflag:s23] =	ssyncset.done $0x0  }
0x116: {  	s25 =	sadd.s32 $0x30DE0, s8;
	s26 =	simm.s32 $0x18F00;
	[sflag:s23] =	ssyncadd.s32 $0xFFFFFFE0  }
0x117: {  	[tilespmem:s26], [sflag:$0x5] =	stream.linear.gather [hbm4b:s25+s1], $0x20, $0x38;
	[tilespmem:$0x19000] =	vst v63  }
0x118: {  	_ =	swait.ge [sflag:s23], $0x20  }
0x119: {  	[sflag:s23] =	ssyncset.done $0x0  }
0x11a: {  	s28 =	sadd.s32 $0x30DF0, s8;
	s29 =	simm.s32 $0x18F80;
	[sflag:s23] =	ssyncadd.s32 $0xFFFFFFE0  }
0x11b: {  	[tilespmem:s29], [sflag:$0x5] =	stream.linear.gather [hbm4b:s28+s1], $0x20, $0x38;
	[tilespmem:$0x19000] =	vst v63  }
0x11c: {  	_ =	swait.ge [sflag:s23], $0x20  }
0x11d: {  	[sflag:s23] =	ssyncset.done $0x0  }
0x11e: {  	s0 =	simm.s32 $0x18400;
	[sflag:s23] =	ssyncadd.s32 $0xFFFFFFE0  }
0x11f: {  	v49 =	vld [tilespmem:s0+$0x380]  }
0x120: {  	v18 =	vld [tilespmem:s0+$0x300]  }
0x121: {  	v17 =	vld [tilespmem:s0+$0x280]  }
0x122: {  	v19 =	vld [tilespmem:s0+$0x200]  }
0x123: {  	v20 =	vld [tilespmem:s0+$0x180]  }
0x124: {  	v21 =	vld [tilespmem:s0+$0x100]  }
0x125: {  	v23 =	vmov s1;
	v22 =	vld [tilespmem:s0+$0x80]  }
0x126: {  	v23 =	vshll.u32 v23, $0x4;
	v24 =	vld [tilespmem:s0+$0x0]  }
0x127: {  	v23 =	vor.u32 v1, v23;
	v25 =	vld [tilespmem:s0+$0xFFFFFF80]  }
0x128: {  	v23 =	vand.u32 $0x780, v23;
	v26 =	vld [tilespmem:s0+$0xFFFFFF00]  }
0x129: {  	v50 =	vor.u32 v0, v23;
	v28 =	vld [tilespmem:s0+$0xFFFFFC00]  }
0x12a: {  	v52 =	vor.u32 v2, v23;
	v51 =	vld [tilespmem:s0+$0xFFFFFC80]  }
0x12b: {  	v54 =	vor.u32 v3, v23;
	v53 =	vld [tilespmem:s0+$0xFFFFFD00]  }
0x12c: {  	v56 =	vor.u32 v4, v23;
	v55 =	vld [tilespmem:s0+$0xFFFFFD80]  }
0x12d: {  	v58 =	vor.u32 v5, v23;
	v57 =	vld [tilespmem:s0+$0xFFFFFE00]  }
0x12e: {  	v27 =	vld [tilespmem:s0+$0xFFFFFE80];
	[tilespmem:v50+s16+$0x0] =	vst.idx.msk $0xffff, v28;
	v28 =	vor.u32 v6, v23  }
0x12f: {  	v62 =	vor.u32 v7, v23;
	[tilespmem:v52+s16+$0x0] =	vst.idx.msk $0xffff, v51  }
0x130: {  	v63 =	vor.u32 v8, v23;
	[tilespmem:v54+s16+$0x0] =	vst.idx.msk $0xffff, v53  }
0x131: {  	[tilespmem:v56+s16+$0x0] =	vst.idx.msk $0xffff, v55;
	v56 =	vor.u32 v9, v23  }
0x132: {  	v59 =	vor.u32 v10, v23;
	[tilespmem:v58+s16+$0x0] =	vst.idx.msk $0xffff, v57  }
0x133: {  	[tilespmem:v28+s16+$0x0] =	vst.idx.msk $0xffff, v27;
	v27 =	vor.u32 v11, v23  }
0x134: {  	v60 =	vor.u32 v12, v23;
	[tilespmem:v62+s16+$0x0] =	vst.idx.msk $0xffff, v26  }
0x135: {  	v61 =	vor.u32 v13, v23;
	[tilespmem:v63+s16+$0x0] =	vst.idx.msk $0xffff, v25  }
0x136: {  	v62 =	vor.u32 v14, v23;
	[tilespmem:v56+s16+$0x0] =	vst.idx.msk $0xffff, v24  }
0x137: {  	[tilespmem:v59+s16+$0x0] =	vst.idx.msk $0xffff, v22  }
0x138: {  	[tilespmem:v27+s16+$0x0] =	vst.idx.msk $0xffff, v21  }
0x139: {  	v63 =	vor.u32 v15, v23;
	[tilespmem:v60+s16+$0x0] =	vst.idx.msk $0xffff, v20  }
0x13a: {  	[tilespmem:v61+s16+$0x0] =	vst.idx.msk $0xffff, v19  }
0x13b: {  	[tilespmem:v62+s16+$0x0] =	vst.idx.msk $0xffff, v17;
	v17 =	vor.u32 v16, v23;
	_ =	sdelay $0x2  }
0x13c: {  	s1 =	simm.s32 $0x10;
	[tilespmem:v63+s16+$0x0] =	vst.idx.msk $0xffff, v18  }
.LBB2_13:
0x13d: {  	p1 =	sne.s32 s1, $0x70  }
0x13e: {  	[tilespmem:v17+s16+$0x0] =	vst.idx.msk $0xffff, v49;
	s0 =	sadd.s32 $0x10, s0;
	s21 =	smov.u32 s1;
	s1 =	sadd.s32 $0x10, s1  }
0x13f: {  	v49 =	vld [tilespmem:s0+$0x380]  }
0x140: {  	v18 =	vld [tilespmem:s0+$0x300]  }
0x141: {  	v19 =	vld [tilespmem:s0+$0x280]  }
0x142: {  	v20 =	vld [tilespmem:s0+$0x200]  }
0x143: {  	v21 =	vld [tilespmem:s0+$0x180]  }
0x144: {  	v17 =	vld [tilespmem:s0+$0x100]  }
0x145: {  	v22 =	vld [tilespmem:s0+$0x80]  }
0x146: {  	v23 =	vmov s21;
	v24 =	vld [tilespmem:s0+$0x0]  }
0x147: {  	v23 =	vshll.u32 v23, $0x4;
	v25 =	vld [tilespmem:s0+$0xFFFFFF80]  }
0x148: {  	v23 =	vor.u32 v1, v23;
	v26 =	vld [tilespmem:s0+$0xFFFFFF00]  }
0x149: {  	v23 =	vand.u32 $0x780, v23;
	v27 =	vld [tilespmem:s0+$0xFFFFFE80]  }
0x14a: {  	v50 =	vor.u32 v0, v23;
	v28 =	vld [tilespmem:s0+$0xFFFFFC00]  }
0x14b: {  	v52 =	vor.u32 v2, v23;
	v51 =	vld [tilespmem:s0+$0xFFFFFC80]  }
0x14c: {  	v54 =	vor.u32 v3, v23;
	v53 =	vld [tilespmem:s0+$0xFFFFFD00]  }
0x14d: {  	v56 =	vor.u32 v4, v23;
	v55 =	vld [tilespmem:s0+$0xFFFFFD80]  }
0x14e: {  	v58 =	vor.u32 v5, v23;
	v57 =	vld [tilespmem:s0+$0xFFFFFE00]  }
0x14f: {  	[tilespmem:v50+s16+$0x0] =	vst.idx.msk $0xffff, v28;
	v28 =	vor.u32 v6, v23  }
0x150: {  	v50 =	vor.u32 v7, v23;
	[tilespmem:v52+s16+$0x0] =	vst.idx.msk $0xffff, v51  }
0x151: {  	v51 =	vor.u32 v8, v23;
	[tilespmem:v54+s16+$0x0] =	vst.idx.msk $0xffff, v53  }
0x152: {  	v52 =	vor.u32 v9, v23;
	[tilespmem:v56+s16+$0x0] =	vst.idx.msk $0xffff, v55  }
0x153: {  	v53 =	vor.u32 v10, v23;
	[tilespmem:v58+s16+$0x0] =	vst.idx.msk $0xffff, v57  }
0x154: {  	[tilespmem:v28+s16+$0x0] =	vst.idx.msk $0xffff, v27;
	v27 =	vor.u32 v11, v23  }
0x155: {  	[tilespmem:v50+s16+$0x0] =	vst.idx.msk $0xffff, v26;
	v26 =	vor.u32 v12, v23  }
0x156: {  	[tilespmem:v51+s16+$0x0] =	vst.idx.msk $0xffff, v25;
	v25 =	vor.u32 v13, v23  }
0x157: {  	[tilespmem:v52+s16+$0x0] =	vst.idx.msk $0xffff, v24;
	v24 =	vor.u32 v14, v23  }
0x158: {  	[tilespmem:v53+s16+$0x0] =	vst.idx.msk $0xffff, v22;
	v22 =	vor.u32 v15, v23  }
.Ltmp10:
0x159: {  	[tilespmem:v27+s16+$0x0] =	vst.idx.msk $0xffff, v17;
	v17 =	vor.u32 v16, v23;
	(pc) =	sbr.rel @p1 .LBB2_13-.Ltmp10, $4  }
0x15a: {  	[tilespmem:v26+s16+$0x0] =	vst.idx.msk $0xffff, v21  }
0x15b: {  	[tilespmem:v25+s16+$0x0] =	vst.idx.msk $0xffff, v20  }
0x15c: {  	[tilespmem:v24+s16+$0x0] =	vst.idx.msk $0xffff, v19  }
0x15d: {  	[tilespmem:v22+s16+$0x0] =	vst.idx.msk $0xffff, v18  }
0x15e: {  	_ =	sdelay $0x3  }
0x15f: {  	[tilespmem:v17+s16+$0x0] =	vst.idx.msk $0xffff, v49;
	v53 =	vld [tilespmem:$0x1FF40]  }
0x160: {  	v17 =	vld [tilespmem:$0x18800]  }
0x161: {  	v18 =	vld [tilespmem:$0x18880]  }
0x162: {  	v19 =	vld [tilespmem:$0x18900]  }
0x163: {  	v20 =	vld [tilespmem:$0x18980]  }
0x164: {  	v21 =	vld [tilespmem:$0x18A00]  }
0x165: {  	v22 =	vld [tilespmem:$0x18A80]  }
0x166: {  	v23 =	vld [tilespmem:$0x18B00]  }
0x167: {  	v24 =	vld [tilespmem:$0x18B80]  }
0x168: {  	v25 =	vld [tilespmem:$0x18C00]  }
0x169: {  	v26 =	vld [tilespmem:$0x18C80]  }
0x16a: {  	v27 =	vld [tilespmem:$0x18D00]  }
0x16b: {  	v28 =	vld [tilespmem:$0x18D80]  }
0x16c: {  	v49 =	vld [tilespmem:$0x18E00]  }
0x16d: {  	v50 =	vld [tilespmem:$0x18E80]  }
0x16e: {  	v51 =	vld [tilespmem:$0x18F00]  }
0x16f: {  	v52 =	vld [tilespmem:$0x18F80]  }
0x170: {  	[tilespmem:v53+s16+$0x0] =	vst.idx.msk $0xffff, v17;
	v17 =	vld [tilespmem:$0x1FF50];
	_ =	sdelay $0x7  }
0x171: {  	[tilespmem:v17+s16+$0x0] =	vst.idx.msk $0xffff, v18;
	v17 =	vld [tilespmem:$0x1FF60];
	_ =	sdelay $0x7  }
0x172: {  	[tilespmem:v17+s16+$0x0] =	vst.idx.msk $0xffff, v19;
	v17 =	vld [tilespmem:$0x1FF70];
	_ =	sdelay $0x7  }
0x173: {  	[tilespmem:v17+s16+$0x0] =	vst.idx.msk $0xffff, v20;
	v17 =	vld [tilespmem:$0x1FF80];
	_ =	sdelay $0x7  }
0x174: {  	[tilespmem:v17+s16+$0x0] =	vst.idx.msk $0xffff, v21;
	v17 =	vld [tilespmem:$0x1FF90];
	_ =	sdelay $0x7  }
0x175: {  	[tilespmem:v17+s16+$0x0] =	vst.idx.msk $0xffff, v22;
	v17 =	vld [tilespmem:$0x1FFA0];
	_ =	sdelay $0x7  }
0x176: {  	[tilespmem:v17+s16+$0x0] =	vst.idx.msk $0xffff, v23;
	v17 =	vld [tilespmem:$0x1FFB0];
	_ =	sdelay $0x7  }
0x177: {  	[tilespmem:v17+s16+$0x0] =	vst.idx.msk $0xffff, v24;
	v17 =	vld [tilespmem:$0x1FFC0];
	_ =	sdelay $0x7  }
0x178: {  	[tilespmem:v17+s16+$0x0] =	vst.idx.msk $0xffff, v25;
	v17 =	vld [tilespmem:$0x1FFD0];
	_ =	sdelay $0x7  }
0x179: {  	[tilespmem:v17+s16+$0x0] =	vst.idx.msk $0xffff, v26;
	v17 =	vld [tilespmem:$0x1FFE0];
	_ =	sdelay $0x7  }
0x17a: {  	[tilespmem:v17+s16+$0x0] =	vst.idx.msk $0xffff, v27;
	v17 =	vld [tilespmem:$0x1FFF0];
	_ =	sdelay $0x7  }
0x17b: {  	[tilespmem:v17+s16+$0x0] =	vst.idx.msk $0xffff, v28  }
0x17c: {  	[tilespmem:v29+s16+$0x0] =	vst.idx.msk $0xffff, v49  }
0x17d: {  	[tilespmem:v30+s16+$0x0] =	vst.idx.msk $0xffff, v50  }
0x17e: {  	[tilespmem:v31+s16+$0x0] =	vst.idx.msk $0xffff, v51  }
0x17f: {  	[tilespmem:v32+s16+$0x0] =	vst.idx.msk $0xffff, v52  }
0x180: {  	v17 =	vld [tilespmem:$0x18810]  }
0x181: {  	v18 =	vld [tilespmem:$0x18890]  }
0x182: {  	v19 =	vld [tilespmem:$0x18910]  }
0x183: {  	v20 =	vld [tilespmem:$0x18990]  }
0x184: {  	v21 =	vld [tilespmem:$0x18A10]  }
0x185: {  	v22 =	vld [tilespmem:$0x18A90]  }
0x186: {  	v23 =	vld [tilespmem:$0x18B10]  }
0x187: {  	v24 =	vld [tilespmem:$0x18B90]  }
0x188: {  	v25 =	vld [tilespmem:$0x18C10]  }
0x189: {  	v26 =	vld [tilespmem:$0x18C90]  }
0x18a: {  	v27 =	vld [tilespmem:$0x18D10]  }
0x18b: {  	v28 =	vld [tilespmem:$0x18D90]  }
0x18c: {  	v49 =	vld [tilespmem:$0x18E10]  }
0x18d: {  	v50 =	vld [tilespmem:$0x18E90]  }
0x18e: {  	v51 =	vld [tilespmem:$0x18F10]  }
0x18f: {  	v52 =	vld [tilespmem:$0x18F90];
	[tilespmem:v33+s16+$0x0] =	vst.idx.msk $0xffff, v17  }
0x190: {  	[tilespmem:v34+s16+$0x0] =	vst.idx.msk $0xffff, v18  }
0x191: {  	[tilespmem:v35+s16+$0x0] =	vst.idx.msk $0xffff, v19  }
0x192: {  	[tilespmem:v36+s16+$0x0] =	vst.idx.msk $0xffff, v20  }
0x193: {  	[tilespmem:v37+s16+$0x0] =	vst.idx.msk $0xffff, v21  }
0x194: {  	[tilespmem:v38+s16+$0x0] =	vst.idx.msk $0xffff, v22  }
0x195: {  	[tilespmem:v39+s16+$0x0] =	vst.idx.msk $0xffff, v23  }
0x196: {  	[tilespmem:v40+s16+$0x0] =	vst.idx.msk $0xffff, v24  }
0x197: {  	[tilespmem:v41+s16+$0x0] =	vst.idx.msk $0xffff, v25  }
0x198: {  	[tilespmem:v42+s16+$0x0] =	vst.idx.msk $0xffff, v26  }
0x199: {  	[tilespmem:v43+s16+$0x0] =	vst.idx.msk $0xffff, v27  }
0x19a: {  	[tilespmem:v44+s16+$0x0] =	vst.idx.msk $0xffff, v28  }
0x19b: {  	[tilespmem:v45+s16+$0x0] =	vst.idx.msk $0xffff, v49  }
0x19c: {  	[tilespmem:v46+s16+$0x0] =	vst.idx.msk $0xffff, v50  }
0x19d: {  	[tilespmem:v47+s16+$0x0] =	vst.idx.msk $0xffff, v51  }
0x19e: {  	[tilespmem:v48+s16+$0x0] =	vst.idx.msk $0xffff, v52  }
0x19f: {  	[hbm4b:s9+s3] =	stream.linear.scatter [tilespmem:s16], [sflag:$0x5], $0x800, $0x38;
	[tilespmem:$0x19000] =	vst v63  }
0x1a0: {  	_ =	swait.ge [sflag:s23], $0x800  }
0x1a1: {  	[sflag:s23] =	ssyncset.done $0x0  }
.Ltmp11:
0x1a2: {  	[sflag:s23] =	ssyncadd.s32 $0xFFFFF800;
	(pc) =	sbr.rel .LBB2_15-.Ltmp11, $4  }
0x1a3: {  	[hbm4b:s10+s3] =	stream.linear.scatter [tilespmem:s30], [sflag:$0x5], $0x400, $0x38;
	[tilespmem:$0x19000] =	vst v63  }
0x1a4: {  	_ =	swait.ge [sflag:s23], $0x400  }
0x1a5: {  	[sflag:s23] =	ssyncset.done $0x0  }
0x1a6: {  	[sflag:s23] =	ssyncadd.s32 $0xFFFFFC00  }
.LBB2_16:
0x1a7: {  	_ =	sfence.sel $0x180000  }
0x1a8: {  	[bflag:$0x0] =	sbarrier.arrive $0xFFFF  }
0x1a9: {  	_ =	strace $0x90000047  }
0x1aa: {  	s0 =	stileid.u32;
	[bflag:$0x2] =	sbarrier.arrive $0xFFFF  }
0x1ab: {  	p0 =	sne.s32 s0, $0x0;
	s0 =	rddreg [dreg:$0x2]  }
0x1ac: {  	s0 =	sadd.s32 @!p0 $0x100000, s0  }
0x1ad: {  	[sflag:s0] =	ssyncadd.tile.s32 @!p0 $0x1;
	_ =	shalt  }
.Lfunc_end2:
_tile_overlayer_lowered:
.L_overlay_start_2:
0x1ae: {  	(tag) =	ssettag $0x2  }
0x1af: {  	s0 =	rddreg [dreg:$0x0];
	s2 =	stileid.u32  }
0x1b0: {  	s1 =	rddreg [dreg:$0x1];
	p0 =	sne.s32 s2, $0x0  }
0x1b1: {  	s3 =	rddreg [dreg:$0x2];
	[bflag:$0x3] =	sbarrier.arrive $0xFFFF;
	s2 =	simm.s32 @!p0 $0x1C05  }
0x1b2: {  	[timem:s3], [sflag:s2] =	dma.local @!p0 [hbm:s0], s1  }
0x1b3: {  	s0 =	simm.s32 @!p0 $0x5  }
0x1b4: {  	_ =	swait.ge @!p0 [sflag:s0], s1  }
0x1b5: {  	s1 =	ssub.s32 @!p0 $0x0, s1;
	[sflag:s0] =	ssyncset.done @!p0 $0x0  }
0x1b6: {  	[sflag:s0] =	ssyncadd.s32 @!p0 s1  }
0x1b7: {  	[bflag:$0x3] =	sbarrier.arrive $0xFFFF  }
0x1b8: {  	_ =	shalt  }

// kernel: kernel.7.cloned.1.call-start
scs
__scs_entry_jumppad:
0x0: {  	(pc) =	sbr.rel $0x88, $3  }
0x1: {  	(tag) =	ssettag $0x0;
	lr =	simm.s32 $0x1  }
0x2: {  	[smem:$0x3F9F] =	sst lr;
	_ =	strace $0xD0000000  }
0x3: {  	_ = 	snop  }
0x4: {  	_ = 	snop  }
0x5: {  	_ = 	snop  }
0x6: {  	_ = 	snop  }
0x7: {  	_ = 	snop  }
__scs_overlays_trampoline_lowered:
0x8: {  	[smem:$0x3FAE] =	sst s0  }
0x9: {  	[smem:$0x3FAF] =	sst s1  }
0xa: {  	[smem:$0x3FB0] =	sst s2  }
0xb: {  	[smem:$0x3FB1] =	sst s3  }
0xc: {  	[smem:$0x3FB2] =	sst s4  }
0xd: {  	[smem:$0x3FB3] =	sst s5  }
0xe: {  	[smem:$0x3FB4] =	sst s6  }
0xf: {  	[smem:$0x3FB5] =	sst s7  }
0x10: {  	[smem:$0x3FB6] =	sst s8  }
0x11: {  	[smem:$0x3FB7] =	sst s9;
	s0 =	simm.s32 @!p0 $0x0  }
0x12: {  	s1 =	sld [smem:$0x3F9D];
	s0 =	simm.s32 @p0 $0x1  }
0x13: {  	[smem:$0x3FB8] =	sst s0;
	s0 =	simm.s32 @!p1 $0x0  }
0x14: {  	s2 =	sld [smem:$0x3F9C];
	s0 =	simm.s32 @p1 $0x1  }
0x15: {  	[smem:$0x3FB9] =	sst s0;
	s0 =	simm.s32 @!p2 $0x0  }
0x16: {  	s3 =	sld [smem:$0x3FDB];
	s0 =	simm.s32 @p2 $0x1  }
0x17: {  	s4 =	simm.s32 $0x1BF5;
	[smem:$0x3FBB] =	sst s0  }
0x18: {  	s0 =	sld [smem:$0x3F9E];
	_ =	swait.ge [sflag:s4], $0x0  }
0x19: {  	s7 =	sld [smem:$0x3F9F]  }
0x1a: {  	s8 =	sadd.s32 $0xFFFFE003, lr  }
0x1b: {  	s9 =	sadd.s32 $0xFFFFFEF7, lr;
	s5 =	simm.s32 $0xFFFFFFFF;
	p2 =	slt.u32 s8, $0xFFFFF086  }
0x1c: {  	p1 =	slt.u32 s9, $0xF7A;
	s5 =	simm.s32 @!p2 $0x0  }
0x1d: {  	s5 =	simm.s32 @p1 $0x1;
	p0 =	seq.s32 s7, s2  }
0x1e: {  	s7 =	smul.u32 @!p0 $0xF7A, s2;
	p2 =	seq.s32 @!p0 s5, $0x0  }
0x1f: {  	s9 =	smul.u32 $0xF7A, s1;
	s8 =	simm.s32 @!p0 $0x1BF5;
	p2 =	por !p2, p0  }
0x20: {  	[sflag:s8] =	ssyncset.s32 @!p0 $0xFFFFF086;
	s6 =	sadd.s32 @!p0 s3, s7;
	s7 =	simm.s32 @!p0 $0x108  }
0x21: {  	s3 =	sadd.s32 s3, s9;
	s6 =	sadd.s32 @!p0 $0x88, s6;
	s7 =	simm.s32 @p2 $0x1082  }
0x22: {  	[simem:s7], [sflag:s8] =	dma.local @!p0 [hbm:s6], $0xF7A  }
0x23: {  	s9 =	sor.u32 $0xD0000000, s2;
	s6 =	simm.s32 $0x108;
	_ =	swait.ge @!p0 [sflag:s8], $0x0  }
0x24: {  	s3 =	sadd.s32 $0x88, s3;
	s6 =	simm.s32 @!p1 $0x1082;
	[sflag:s4] =	ssyncset.s32 $0xFFFFF086  }
0x25: {  	[simem:s6], [sflag:s4] =	dma.local [hbm:s3], $0xF7A  }
0x26: {  	[smem:$0x3F9F] =	sst s1;
	(tag) =	ssettag s2;
	_ =	strace s9  }
0x27: {  	s1 =	sld [smem:$0x3FAF]  }
0x28: {  	s2 =	sld [smem:$0x3FB0]  }
0x29: {  	s4 =	sld [smem:$0x3FB2]  }
0x2a: {  	p0 =	seq.s32 s5, $0x0;
	s5 =	sld [smem:$0x3FB3]  }
0x2b: {  	s6 =	sld [smem:$0x3FB4]  }
0x2c: {  	s7 =	sld [smem:$0x3FB5]  }
0x2d: {  	s3 =	simm.s32 $0x108;
	s8 =	sld [smem:$0x3FB6]  }
0x2e: {  	s3 =	simm.s32 @!p0 $0x1082;
	s9 =	sld [smem:$0x3FB7]  }
0x2f: {  	lr =	sadd.s32 s0, s3;
	s0 =	sld [smem:$0x3FAE]  }
0x30: {  	s3 =	sld [smem:$0x3FB1]  }
0x31: {  	[smem:$0x3FBA] =	sst s10  }
0x32: {  	s10 =	sld [smem:$0x3FB8];
	_ =	sdelay $0x3  }
0x33: {  	p0 =	seq.s32 s10, $0x1;
	s10 =	sld [smem:$0x3FBA];
	_ =	sdelay $0x3  }
0x34: {  	[smem:$0x3FBA] =	sst s10  }
0x35: {  	s10 =	sld [smem:$0x3FB9];
	_ =	sdelay $0x3  }
0x36: {  	p1 =	seq.s32 s10, $0x1;
	s10 =	sld [smem:$0x3FBA];
	_ =	sdelay $0x3  }
0x37: {  	[smem:$0x3FBA] =	sst s10  }
0x38: {  	s10 =	sld [smem:$0x3FBB]  }
0x39: {  	_ = 	snop;
	(pc) =	sbr.ind lr, $3  }
0x3a: {  	_ = 	snop  }
0x3b: {  	_ = 	snop  }
0x3c: {  	p2 =	seq.s32 s10, $0x1;
	s10 =	sld [smem:$0x3FBA]  }
0x3d: {  	_ =	shalt  }
0x3e: {  	_ =	shalt  }
0x3f: {  	_ =	shalt  }
0x40: {  	_ =	shalt  }
0x41: {  	_ =	shalt  }
0x42: {  	_ =	shalt  }
0x43: {  	_ =	shalt  }
0x44: {  	_ =	shalt  }
0x45: {  	_ =	shalt  }
0x46: {  	_ =	shalt  }
0x47: {  	_ =	shalt  }
0x48: {  	_ =	shalt  }
0x49: {  	_ =	shalt  }
0x4a: {  	_ =	shalt  }
0x4b: {  	_ =	shalt  }
0x4c: {  	_ =	shalt  }
0x4d: {  	_ =	shalt  }
0x4e: {  	_ =	shalt  }
0x4f: {  	_ =	shalt  }
0x50: {  	_ =	shalt  }
0x51: {  	_ =	shalt  }
0x52: {  	_ =	shalt  }
0x53: {  	_ =	shalt  }
0x54: {  	_ =	shalt  }
0x55: {  	_ =	shalt  }
0x56: {  	_ =	shalt  }
0x57: {  	_ =	shalt  }
0x58: {  	_ =	shalt  }
0x59: {  	_ =	shalt  }
0x5a: {  	_ =	shalt  }
0x5b: {  	_ =	shalt  }
0x5c: {  	_ =	shalt  }
0x5d: {  	_ =	shalt  }
0x5e: {  	_ =	shalt  }
0x5f: {  	_ =	shalt  }
0x60: {  	_ =	shalt  }
0x61: {  	_ =	shalt  }
0x62: {  	_ =	shalt  }
0x63: {  	_ =	shalt  }
0x64: {  	_ =	shalt  }
0x65: {  	_ =	shalt  }
0x66: {  	_ =	shalt  }
0x67: {  	_ =	shalt  }
0x68: {  	_ =	shalt  }
0x69: {  	_ =	shalt  }
0x6a: {  	_ =	shalt  }
0x6b: {  	_ =	shalt  }
0x6c: {  	_ =	shalt  }
0x6d: {  	_ =	shalt  }
0x6e: {  	_ =	shalt  }
0x6f: {  	_ =	shalt  }
0x70: {  	_ =	shalt  }
0x71: {  	_ =	shalt  }
0x72: {  	_ =	shalt  }
0x73: {  	_ =	shalt  }
0x74: {  	_ =	shalt  }
0x75: {  	_ =	shalt  }
0x76: {  	_ =	shalt  }
0x77: {  	_ =	shalt  }
0x78: {  	_ =	shalt  }
0x79: {  	_ =	shalt  }
0x7a: {  	_ =	shalt  }
0x7b: {  	_ =	shalt  }
0x7c: {  	_ =	shalt  }
0x7d: {  	_ =	shalt  }
0x7e: {  	_ =	shalt  }
0x7f: {  	_ =	shalt  }
0x80: {  	_ =	shalt  }
0x81: {  	_ =	shalt  }
0x82: {  	_ =	shalt  }
0x83: {  	_ =	shalt  }
0x84: {  	_ =	shalt  }
0x85: {  	_ =	shalt  }
0x86: {  	_ =	shalt  }
0x87: {  	_ =	shalt  }
.Lfunc_end0:
.L_simem_size_0:
called_computation.1_lowered:
.L_overlay_start_0:
0x88: {  	s2 =	sld [smem:$0x3FD9]  }
0x89: {  	s3 =	sld [smem:$0x3FFE];
	_ =	sdelay $0x1  }
0x8a: {  	s1 =	srdreg.scid  }
0x8b: {  	s0 =	sand.u32 $0x1, s1  }
0x8c: {  	s17 =	sshll.u32 s0, $0xA;
	s2 =	sadd.s32 s3, s2  }
0x8d: {  	s2 =	sadd.s32 s2, s17  }
0x8e: {  	[smem:$0x3FC6] =	sst s2  }
0x8f: {  	_ = 	snop  }
0x90: {  	s2 =	sld [smem:$0x3FD0];
	(tm) =	ssettm $0x1  }
0x91: {  	s18 =	sld [smem:$0x3FFB];
	_ =	sdelay $0x3  }
0x92: {  	_ =	strace s18  }
0x93: {  	s3 =	sld [smem:$0x3FFC];
	_ =	sdelay $0x3  }
0x94: {  	_ =	strace s3  }
0x95: {  	s3 =	sld [smem:$0x3FFD];
	_ =	sdelay $0x3  }
0x96: {  	_ =	strace s3  }
0x97: {  	_ =	strace $0x8FFFFFFF  }
0x98: {  	s19 =	sld [smem:$0x3FDB];
	_ =	sdelay $0x1  }
0x99: {  	s4 =	simm.s32 $_scs_section_size  }
0x9a: {  	s5 =	simm.s32 $_size__tile_overlayer_lowered;
	s6 =	simm.s32 $_tile_overlayer_lowered  }
0x9b: {  	s22 =	simm.s32 $0x1BFF;
	s21 =	sshll.u32 s6, $0x1;
	s3 =	sadd.s32 s4, s19  }
0x9c: {  	s7 =	simm.s32 $0x0;
	s20 =	sshll.u32 s5, $0x1;
	s5 =	sadd.s32 s21, s3  }
0x9d: {  	[timem:s7], [sflag:s22] =	dma.local [hbm:s5], s20  }
0x9e: {  	_ =	swait.ge [sflag:s22], s20  }
0x9f: {  	s4 =	ssub.s32 $0x0, s20;
	[sflag:s22] =	ssyncset.done $0x0  }
0xa0: {  	[sflag:s22] =	ssyncadd.s32 s4;
	_ =	sdelay $0x1  }
0xa1: {  	s23 =	simm.s32 $0x1B8B  }
0xa2: {  	_ =	swait.ge [sflag:s23], $0x1  }
0xa3: {  	[sflag:s23] =	ssyncset.done $0x0  }
0xa4: {  	s25 =	simm.s32 $0x1B8E;
	s24 =	sld [smem:$0x3FFE];
	[sflag:s23] =	ssyncadd.s32 $0xFFFFFFFF  }
0xa5: {  	s26 =	simm.s32 $execute0_lowered;
	[smem:$0x3FD2] =	sst s25  }
0xa6: {  	s5 =	sshll.u32 s26, $0x1;
	_ =	strace $0x80000049;
	[dreg:$0x1] =	wrdreg $0xFFFFFFFF  }
0xa7: {  	s28 =	simm.s32 $_size_execute0_lowered;
	s3 =	sadd.s32 s3, s5;
	[dreg:$0x0] =	wrdreg $0x0  }
0xa8: {  	s5 =	sshll.u32 s28, $0x1;
	[dreg:$0x2] =	wrdreg s3  }
0xa9: {  	[dreg:$0x3] =	wrdreg s5  }
0xaa: {  	[dreg:$0x4] =	wrdreg $0xC0  }
0xab: {  	_ =	task [dreg:s7], $0x5FFFF  }
0xac: {  	[dreg:$0x1] =	wrdreg $0xFFFFFFFF  }
0xad: {  	[dreg:$0x0] =	wrdreg $0x60  }
0xae: {  	[dreg:$0x2] =	wrdreg s24  }
0xaf: {  	[dreg:$0x3] =	wrdreg s2  }
0xb0: {  	[dreg:$0x4] =	wrdreg $0x9  }
0xb1: {  	_ =	task.clear_ibuf [dreg:s7], $0x5FFFF;
	_ =	strace $0x90000049  }
0xb2: {  	s29 =	simm.s32 $0x9;
	_ =	strace $0x8000004B  }
0xb3: {  	_ =	swait.ge [sflag:s29], $0x1  }
0xb4: {  	[sflag:s29] =	ssyncadd.s32 $0xFFFFFFFF  }
0xb5: {  	_ =	strace $0x9000004B  }
0xb6: {  	_ =	sfence  }
0xb7: {  	s30 =	sld [smem:$0x0];
	_ =	sdelay $0x2  }
0xb8: {  	s31 =	sshll.u32 s1, $0xD;
	s1 =	sshrl.u32 s1, $0x2  }
0xb9: {  	s3 =	sand.u32 $0x4000, s31;
	s1 =	sadd.s32 s1, s30  }
0xba: {  	s0 =	sor.u32 s3, s0;
	s1 =	sshll.u32 s1, $0x11  }
0xbb: {  	s0 =	sor.u32 s1, s0  }
0xbc: {  	s0 =	sadd.s32 $0x8F2B, s0  }
0xbd: {  	[sflag:s0] =	ssyncadd.remote.s32 $0x1  }
0xbe: {  	_ =	sfence.sel $0xFFFF  }
0xbf: {  	[dreg:$0x0] =	wrdreg $0xFFFFFFFF;
	(pc) =	sbr.abs _section_cstart, $3  }
0xc0: {  	[dreg:$0x1] =	wrdreg $0xFFFFFFFF  }
0xc1: {  	_ =	task.clear_ibuf [dreg:s7], $0x2FFFF;
	_ =	strace $0x9FFFFFFF  }
0xc2: {  	(tm) =	ssettm $0x7FFFFFFF  }
0xc3: {  	_ =	shalt  }
tec
execute0_lowered:
.L_overlay_start_1:
0x0: {  	(tag) =	ssettag $0x1  }
0x1: {  	s5 =	rddreg [dreg:$0x0];
	s1 =	srdreg.scid  }
0x2: {  	s0 =	stileid.u32;
	s2 =	rddreg [dreg:$0x1];
	s3 =	simm.s32 $0x0  }
0x3: {  	s11 =	simm.s32 $0x5;
	s12 =	simm.s32 $0x9400;
	s13 =	simm.s32 $0x10  }
0x4: {  	s14 =	simm.s32 $0x1B0;
	s15 =	simm.s32 $0x200;
	s16 =	simm.s32 $0x5200  }
0x5: {  	s17 =	simm.s32 $0x7400;
	s18 =	simm.s32 $0x1;
	s19 =	simm.s32 $0x5400  }
0x6: {  	s20 =	simm.s32 $0x2;
	s4 =	sand.u32 $0x1, s1;
	s6 =	sshll.u32 s0, $0x1  }
0x7: {  	s21 =	simm.s32 $0x4;
	s22 =	simm.s32 $0x3;
	s6 =	sor.u32 s4, s6  }
0x8: {  	s23 =	simm.s32 $0x0;
	s1 =	rddreg [dreg:$0x2];
	s7 =	smul.u32 $0xA00, s6  }
0x9: {  	[smem:$0x7FF] =	sst s3;
	s8 =	ssub.s32 $0x2, s4;
	s9 =	smul.u32 $0x6C00, s6  }
0xa: {  	_ =	strace $0x8000004A;
	s10 =	sshrl.u32 s8, $0x1;
	s4 =	smul.u32 $0x36000, s6  }
0xb: {  	s10 =	ssub.s32 s8, s10;
	s7 =	sadd.s32 s7, s5;
	s5 =	sadd.s32 $0xA00, s5  }
0xc: {  	v0 =	vlaneseq.u32;
	s9 =	sadd.s32 s9, s2;
	s8 =	sadd.s32 $0xFFFFFFF0, s4;
	s10 =	smax.u32 s10, $0x1  }
0xd: {  	v1 =	vmul.u32 $0x28, v0;
	s6 =	sadd.s32 $0x4F6A00, s7;
	s7 =	sadd.s32 $0x34, s9;
	s9 =	sadd.s32 $0x32, s9  }
.LBB2_1:
0xe: {  	v2 =	vor.u32 s3, v0  }
0xf: {  	v3 =	vmul.u32 $0x28, v2;
	_ =	sdelay $0x1  }
0x10: {  	v4 =	vadd.s32 $0x1A, v3  }
0x11: {  	[tilespmem:s3], [sflag:$0x5] =	stream.linear.gather [hbm4b:s6+s3], $0x5000, $0x38;
	[tilespmem:$0xB400] =	vst v63  }
0x12: {  	_ =	swait.ge [sflag:s11], $0x5000  }
0x13: {  	[sflag:s11] =	ssyncset.done $0x0  }
0x14: {  	[sflag:s11] =	ssyncadd.s32 $0xFFFFB000  }
0x15: {  	v2 =	vshll.u32 v2, $0x4;
	v4 =	vld.idx.msk [tilespmem:v4+s3+$0x0], $0xffff  }
0x16: {  	v5 =	vadd.s32 $0x1B, v3;
	_ =	sdelay $0x3  }
0x17: {  	[tilespmem:v2+s12+$0x0] =	vst.idx.msk $0xffff, v4  }
0x18: {  	v4 =	vld.idx.msk [tilespmem:v5+s3+$0x0], $0xffff;
	v5 =	vor.u32 $0x1, v2  }
0x19: {  	v6 =	vadd.s32 $0x1C, v3;
	_ =	sdelay $0x3  }
0x1a: {  	[tilespmem:v5+s12+$0x0] =	vst.idx.msk $0xffff, v4  }
0x1b: {  	v5 =	vor.u32 $0x2, v2;
	v4 =	vld.idx.msk [tilespmem:v6+s3+$0x0], $0xffff  }
0x1c: {  	v6 =	vadd.s32 $0x1D, v3;
	_ =	sdelay $0x3  }
0x1d: {  	[tilespmem:v5+s12+$0x0] =	vst.idx.msk $0xffff, v4  }
0x1e: {  	v5 =	vor.u32 $0x3, v2;
	v4 =	vld.idx.msk [tilespmem:v6+s3+$0x0], $0xffff  }
0x1f: {  	v6 =	vadd.s32 $0x1E, v3;
	_ =	sdelay $0x3  }
0x20: {  	[tilespmem:v5+s12+$0x0] =	vst.idx.msk $0xffff, v4  }
0x21: {  	v5 =	vor.u32 $0x4, v2;
	v4 =	vld.idx.msk [tilespmem:v6+s3+$0x0], $0xffff  }
0x22: {  	v6 =	vadd.s32 $0x1F, v3;
	_ =	sdelay $0x3  }
0x23: {  	[tilespmem:v5+s12+$0x0] =	vst.idx.msk $0xffff, v4  }
0x24: {  	v5 =	vor.u32 $0x5, v2;
	v4 =	vld.idx.msk [tilespmem:v6+s3+$0x0], $0xffff  }
0x25: {  	v6 =	vadd.s32 $0x20, v3;
	_ =	sdelay $0x3  }
0x26: {  	[tilespmem:v5+s12+$0x0] =	vst.idx.msk $0xffff, v4  }
0x27: {  	v5 =	vor.u32 $0x6, v2;
	v4 =	vld.idx.msk [tilespmem:v6+s3+$0x0], $0xffff  }
0x28: {  	v6 =	vadd.s32 $0x21, v3;
	_ =	sdelay $0x3  }
0x29: {  	[tilespmem:v5+s12+$0x0] =	vst.idx.msk $0xffff, v4  }
0x2a: {  	v5 =	vor.u32 $0x7, v2;
	v4 =	vld.idx.msk [tilespmem:v6+s3+$0x0], $0xffff  }
0x2b: {  	v6 =	vadd.s32 $0x22, v3;
	_ =	sdelay $0x3  }
0x2c: {  	[tilespmem:v5+s12+$0x0] =	vst.idx.msk $0xffff, v4  }
0x2d: {  	v5 =	vor.u32 $0x8, v2;
	v4 =	vld.idx.msk [tilespmem:v6+s3+$0x0], $0xffff  }
0x2e: {  	v6 =	vadd.s32 $0x23, v3;
	_ =	sdelay $0x3  }
0x2f: {  	[tilespmem:v5+s12+$0x0] =	vst.idx.msk $0xffff, v4  }
0x30: {  	v5 =	vor.u32 $0x9, v2;
	v4 =	vld.idx.msk [tilespmem:v6+s3+$0x0], $0xffff  }
0x31: {  	v6 =	vadd.s32 $0x24, v3;
	_ =	sdelay $0x3  }
0x32: {  	[tilespmem:v5+s12+$0x0] =	vst.idx.msk $0xffff, v4  }
0x33: {  	v5 =	vor.u32 $0xA, v2;
	v4 =	vld.idx.msk [tilespmem:v6+s3+$0x0], $0xffff  }
0x34: {  	v6 =	vadd.s32 $0x25, v3;
	_ =	sdelay $0x3  }
0x35: {  	[tilespmem:v5+s12+$0x0] =	vst.idx.msk $0xffff, v4  }
0x36: {  	v7 =	vor.u32 $0xB, v2;
	v6 =	vld.idx.msk [tilespmem:v6+s3+$0x0], $0xffff  }
0x37: {  	v5 =	vadd.s32 $0x26, v3;
	_ =	sdelay $0x2  }
0x38: {  	s24 =	simm.s32 $0x10  }
0x39: {  	v4 =	vor.u32 s24, v0;
	s24 =	simm.s32 $0x20;
	[tilespmem:v7+s12+$0x0] =	vst.idx.msk $0xffff, v6  }
.LBB2_2:
0x3a: {  	p0 =	sne.s32 s24, $0x1F0;
	v3 =	vmul.u32 $0x28, v4;
	v5 =	vld.idx.msk [tilespmem:v5+s3+$0x0], $0xffff  }
0x3b: {  	v2 =	vor.u32 $0xC, v2  }
0x3c: {  	v6 =	vadd.s32 $0x1A, v3;
	_ =	sdelay $0x3  }
0x3d: {  	[tilespmem:v2+s12+$0x0] =	vst.idx.msk $0xffff, v5  }
0x3e: {  	v5 =	vld.idx.msk [tilespmem:v6+s3+$0x0], $0xffff  }
0x3f: {  	v2 =	vshll.u32 v4, $0x4  }
0x40: {  	v4 =	vadd.s32 $0x1B, v3;
	_ =	sdelay $0x3  }
0x41: {  	[tilespmem:v2+s12+$0x0] =	vst.idx.msk $0xffff, v5  }
0x42: {  	v4 =	vld.idx.msk [tilespmem:v4+s3+$0x0], $0xffff  }
0x43: {  	v5 =	vor.u32 $0x1, v2  }
0x44: {  	v6 =	vadd.s32 $0x1C, v3;
	_ =	sdelay $0x3  }
0x45: {  	[tilespmem:v5+s12+$0x0] =	vst.idx.msk $0xffff, v4  }
0x46: {  	v4 =	vld.idx.msk [tilespmem:v6+s3+$0x0], $0xffff  }
0x47: {  	v5 =	vor.u32 $0x2, v2  }
0x48: {  	v6 =	vadd.s32 $0x1D, v3;
	_ =	sdelay $0x3  }
0x49: {  	[tilespmem:v5+s12+$0x0] =	vst.idx.msk $0xffff, v4  }
0x4a: {  	v4 =	vld.idx.msk [tilespmem:v6+s3+$0x0], $0xffff  }
0x4b: {  	v5 =	vor.u32 $0x3, v2  }
0x4c: {  	v6 =	vadd.s32 $0x1E, v3;
	_ =	sdelay $0x3  }
0x4d: {  	[tilespmem:v5+s12+$0x0] =	vst.idx.msk $0xffff, v4  }
0x4e: {  	v4 =	vld.idx.msk [tilespmem:v6+s3+$0x0], $0xffff  }
0x4f: {  	v5 =	vor.u32 $0x4, v2  }
0x50: {  	v6 =	vadd.s32 $0x1F, v3;
	_ =	sdelay $0x3  }
0x51: {  	[tilespmem:v5+s12+$0x0] =	vst.idx.msk $0xffff, v4  }
0x52: {  	v4 =	vld.idx.msk [tilespmem:v6+s3+$0x0], $0xffff  }
0x53: {  	v5 =	vor.u32 $0x5, v2  }
0x54: {  	v6 =	vadd.s32 $0x20, v3;
	_ =	sdelay $0x3  }
0x55: {  	[tilespmem:v5+s12+$0x0] =	vst.idx.msk $0xffff, v4  }
0x56: {  	v4 =	vld.idx.msk [tilespmem:v6+s3+$0x0], $0xffff  }
0x57: {  	v5 =	vor.u32 $0x6, v2  }
0x58: {  	v6 =	vadd.s32 $0x21, v3;
	_ =	sdelay $0x3  }
0x59: {  	[tilespmem:v5+s12+$0x0] =	vst.idx.msk $0xffff, v4  }
0x5a: {  	v4 =	vld.idx.msk [tilespmem:v6+s3+$0x0], $0xffff  }
0x5b: {  	v5 =	vor.u32 $0x7, v2  }
0x5c: {  	v6 =	vadd.s32 $0x22, v3;
	_ =	sdelay $0x3  }
0x5d: {  	[tilespmem:v5+s12+$0x0] =	vst.idx.msk $0xffff, v4  }
0x5e: {  	v4 =	vld.idx.msk [tilespmem:v6+s3+$0x0], $0xffff  }
0x5f: {  	v5 =	vor.u32 $0x8, v2  }
0x60: {  	v6 =	vadd.s32 $0x23, v3;
	_ =	sdelay $0x3  }
0x61: {  	[tilespmem:v5+s12+$0x0] =	vst.idx.msk $0xffff, v4  }
0x62: {  	v4 =	vld.idx.msk [tilespmem:v6+s3+$0x0], $0xffff  }
0x63: {  	v5 =	vor.u32 $0x9, v2  }
0x64: {  	v6 =	vadd.s32 $0x24, v3;
	_ =	sdelay $0x3  }
0x65: {  	[tilespmem:v5+s12+$0x0] =	vst.idx.msk $0xffff, v4  }
0x66: {  	v4 =	vld.idx.msk [tilespmem:v6+s3+$0x0], $0xffff  }
0x67: {  	v5 =	vor.u32 $0xA, v2  }
0x68: {  	v6 =	vadd.s32 $0x25, v3;
	_ =	sdelay $0x3  }
0x69: {  	[tilespmem:v5+s12+$0x0] =	vst.idx.msk $0xffff, v4  }
0x6a: {  	v6 =	vld.idx.msk [tilespmem:v6+s3+$0x0], $0xffff  }
0x6b: {  	v7 =	vor.u32 $0xB, v2  }
.Ltmp0:
0x6c: {  	v5 =	vadd.s32 $0x26, v3;
	(pc) =	sbr.rel @p0 .LBB2_2-.Ltmp0, $2  }
0x6d: {  	_ =	sdelay $0x2  }
0x6e: {  	v4 =	vor.u32 s24, v0;
	s24 =	sadd.s32 $0x10, s24;
	[tilespmem:v7+s12+$0x0] =	vst.idx.msk $0xffff, v6  }
0x6f: {  	_ =	sdelay $0x2  }
0x70: {  	v3 =	vmul.u32 $0x28, v4  }
0x71: {  	v5 =	vld.idx.msk [tilespmem:v5+s3+$0x0], $0xffff;
	v2 =	vor.u32 $0xC, v2  }
0x72: {  	v6 =	vadd.s32 $0x1A, v3;
	_ =	sdelay $0x3  }
0x73: {  	[tilespmem:v2+s12+$0x0] =	vst.idx.msk $0xffff, v5  }
0x74: {  	v41 =	vshll.u32 v4, $0x4;
	v2 =	vld.idx.msk [tilespmem:v6+s3+$0x0], $0xffff  }
0x75: {  	v42 =	vadd.s32 $0x1B, v3;
	_ =	sdelay $0x3  }
0x76: {  	[tilespmem:v41+s12+$0x0] =	vst.idx.msk $0xffff, v2  }
0x77: {  	v43 =	vor.u32 $0x1, v41;
	v2 =	vld.idx.msk [tilespmem:v42+s3+$0x0], $0xffff  }
0x78: {  	v44 =	vadd.s32 $0x1C, v3;
	_ =	sdelay $0x3  }
0x79: {  	[tilespmem:v43+s12+$0x0] =	vst.idx.msk $0xffff, v2  }
0x7a: {  	v45 =	vor.u32 $0x2, v41;
	v2 =	vld.idx.msk [tilespmem:v44+s3+$0x0], $0xffff  }
0x7b: {  	v46 =	vadd.s32 $0x1D, v3;
	_ =	sdelay $0x3  }
0x7c: {  	[tilespmem:v45+s12+$0x0] =	vst.idx.msk $0xffff, v2  }
0x7d: {  	v47 =	vor.u32 $0x3, v41;
	v2 =	vld.idx.msk [tilespmem:v46+s3+$0x0], $0xffff  }
0x7e: {  	v48 =	vadd.s32 $0x1E, v3;
	_ =	sdelay $0x3  }
0x7f: {  	[tilespmem:v47+s12+$0x0] =	vst.idx.msk $0xffff, v2  }
0x80: {  	v49 =	vor.u32 $0x4, v41;
	v2 =	vld.idx.msk [tilespmem:v48+s3+$0x0], $0xffff  }
0x81: {  	v50 =	vadd.s32 $0x1F, v3;
	_ =	sdelay $0x3  }
0x82: {  	[tilespmem:v49+s12+$0x0] =	vst.idx.msk $0xffff, v2  }
0x83: {  	v51 =	vor.u32 $0x5, v41;
	v2 =	vld.idx.msk [tilespmem:v50+s3+$0x0], $0xffff  }
0x84: {  	v52 =	vadd.s32 $0x20, v3;
	_ =	sdelay $0x3  }
0x85: {  	[tilespmem:v51+s12+$0x0] =	vst.idx.msk $0xffff, v2  }
0x86: {  	v53 =	vor.u32 $0x6, v41;
	v2 =	vld.idx.msk [tilespmem:v52+s3+$0x0], $0xffff  }
0x87: {  	v54 =	vadd.s32 $0x21, v3;
	_ =	sdelay $0x3  }
0x88: {  	[tilespmem:v53+s12+$0x0] =	vst.idx.msk $0xffff, v2  }
0x89: {  	v55 =	vor.u32 $0x7, v41;
	v2 =	vld.idx.msk [tilespmem:v54+s3+$0x0], $0xffff  }
0x8a: {  	v56 =	vadd.s32 $0x22, v3;
	_ =	sdelay $0x3  }
0x8b: {  	[tilespmem:v55+s12+$0x0] =	vst.idx.msk $0xffff, v2  }
0x8c: {  	v57 =	vor.u32 $0x8, v41;
	v2 =	vld.idx.msk [tilespmem:v56+s3+$0x0], $0xffff  }
0x8d: {  	v58 =	vadd.s32 $0x23, v3;
	_ =	sdelay $0x3  }
0x8e: {  	[tilespmem:v57+s12+$0x0] =	vst.idx.msk $0xffff, v2  }
0x8f: {  	v59 =	vor.u32 $0x9, v41;
	v2 =	vld.idx.msk [tilespmem:v58+s3+$0x0], $0xffff  }
0x90: {  	v60 =	vadd.s32 $0x24, v3;
	_ =	sdelay $0x3  }
0x91: {  	[tilespmem:v59+s12+$0x0] =	vst.idx.msk $0xffff, v2  }
0x92: {  	v61 =	vor.u32 $0xA, v41;
	v2 =	vld.idx.msk [tilespmem:v60+s3+$0x0], $0xffff  }
0x93: {  	v62 =	vadd.s32 $0x25, v3;
	_ =	sdelay $0x3  }
0x94: {  	[tilespmem:v61+s12+$0x0] =	vst.idx.msk $0xffff, v2  }
0x95: {  	v63 =	vor.u32 $0xB, v41;
	v2 =	vld.idx.msk [tilespmem:v62+s3+$0x0], $0xffff  }
0x96: {  	v3 =	vadd.s32 $0x26, v3;
	_ =	sdelay $0x3  }
0x97: {  	[tilespmem:v63+s12+$0x0] =	vst.idx.msk $0xffff, v2  }
0x98: {  	v2 =	vld.idx.msk [tilespmem:v3+s3+$0x0], $0xffff;
	v3 =	vor.u32 $0xC, v41;
	_ =	sdelay $0x4  }
0x99: {  	[tilespmem:v3+s12+$0x0] =	vst.idx.msk $0xffff, v2  }
0x9a: {  	[hbm4b:s7+s13] =	stream.strided.scatter [tilespmem:s12], [sflag:$0x5], $0x2000, s14, s13, $0x38;
	[tilespmem:$0xB400] =	vst v63  }
0x9b: {  	_ =	swait.ge [sflag:s11], $0x2000  }
0x9c: {  	[sflag:s11] =	ssyncset.done $0x0  }
0x9d: {  	s24 =	simm.s32 $0x0;
	s25 =	simm.s32 $0x0;
	[sflag:s11] =	ssyncadd.s32 $0xFFFFE000  }
.LBB2_4:
0x9e: {  	v2 =	vmov s24  }
0x9f: {  	s26 =	sshll.u32 s25, $0x1;
	v2 =	vmul.u32 $0x28, v2  }
0xa0: {  	v3 =	vmov s26  }
0xa1: {  	v3 =	vand.u32 $0x1E, v3;
	v4 =	vbroadcast v2, $0x0  }
0xa2: {  	v2 =	vadd.s32 v1, v3  }
0xa3: {  	v3 =	vadd.s32 v4, v2;
	_ =	sdelay $0x4  }
0xa4: {  	v3 =	vld.idx.msk [tilespmem:v3+s3+$0x0], $0xffff  }
0xa5: {  	s28 =	simm.s32 $0x10  }
0xa6: {  	v4 =	vmov s28  }
0xa7: {  	v4 =	vmul.u32 $0x28, v4;
	_ =	sdelay $0x1  }
0xa8: {  	v4 =	vbroadcast v4, $0x0;
	v3 =	vtrunc.f32 v3  }
0xa9: {  	s29 =	sshll.u32 s25, $0x7;
	s28 =	smul.u32 $0x30D00, s25;
	v5 =	vcvt.f32.s32 v3  }
0xaa: {  	s29 =	sadd.s32 $0x262280, s29;
	v6 =	vadd.s32 v4, v2  }
0xab: {  	v4 =	vmov s29;
	v3 =	vmov s28;
	vm0 =	vlt.s32 v5, $0x18680  }
0xac: {  	v7 =	vsel vm0, v3, v4  }
0xad: {  	s28 =	simm.s32 $0x5000;
	v5 =	vadd.s32 v5, v7  }
0xae: {  	[tilespmem:s28+$0x0] =	vst v5  }
0xaf: {  	v5 =	vld.idx.msk [tilespmem:v6+s3+$0x0], $0xffff  }
0xb0: {  	s29 =	simm.s32 $0x20  }
0xb1: {  	v6 =	vmov s29;
	s29 =	simm.s32 $0x30  }
.LBB2_5:
0xb2: {  	p0 =	sne.s32 s29, $0x1F0;
	v6 =	vmul.u32 $0x28, v6;
	_ =	sdelay $0x1  }
0xb3: {  	v5 =	vtrunc.f32 v5;
	v6 =	vbroadcast v6, $0x0  }
0xb4: {  	v5 =	vcvt.f32.s32 v5  }
0xb5: {  	v6 =	vadd.s32 v6, v2  }
0xb6: {  	vm0 =	vlt.s32 v5, $0x18680  }
0xb7: {  	v7 =	vsel vm0, v3, v4  }
0xb8: {  	s28 =	sadd.s32 $0x10, s28;
	v5 =	vadd.s32 v5, v7  }
.Ltmp1:
0xb9: {  	[tilespmem:s28+$0x0] =	vst v5;
	(pc) =	sbr.rel @p0 .LBB2_5-.Ltmp1, $2  }
0xba: {  	v5 =	vld.idx.msk [tilespmem:v6+s3+$0x0], $0xffff;
	_ =	sdelay $0x2  }
0xbb: {  	v6 =	vmov s29;
	s29 =	sadd.s32 $0x10, s29  }
0xbc: {  	v6 =	vmul.u32 $0x28, v6;
	_ =	sdelay $0x1  }
0xbd: {  	v5 =	vtrunc.f32 v5;
	v6 =	vbroadcast v6, $0x0  }
0xbe: {  	v5 =	vcvt.f32.s32 v5  }
0xbf: {  	v2 =	vadd.s32 v6, v2  }
0xc0: {  	vm0 =	vlt.s32 v5, $0x18680  }
0xc1: {  	v6 =	vsel vm0, v3, v4  }
0xc2: {  	s28 =	sadd.s32 $0x10, s28;
	v5 =	vadd.s32 v5, v6  }
0xc3: {  	[tilespmem:s28+$0x0] =	vst v5  }
0xc4: {  	v2 =	vld.idx.msk [tilespmem:v2+s3+$0x0], $0xffff;
	_ =	sdelay $0x4  }
0xc5: {  	v2 =	vtrunc.f32 v2  }
0xc6: {  	v2 =	vcvt.f32.s32 v2;
	_ =	sdelay $0x1  }
0xc7: {  	vm14 =	vlt.s32 v2, $0x18680  }
0xc8: {  	v3 =	vsel vm14, v3, v4  }
0xc9: {  	p0 =	sne.s32 s25, $0x0;
	s28 =	sadd.s32 $0x10, s28;
	v2 =	vadd.s32 v2, v3  }
0xca: {  	[tilespmem:s28+$0x0] =	vst v2;
	s28 =	simm.s32 @p0 $0x3  }
0xcb: {  	s31 =	simm.s32 $0x0;
	_ =	swait.ge @p0 [sflag:s28], $0x2000  }
0xcc: {  	s26 =	sor.u32 $0x1, s26;
	s29 =	simm.s32 @p0 $0x5000;
	v2 =	vmov s31;
	[sflag:s28] =	ssyncset.done @p0 $0x0  }
0xcd: {  	s30 =	simm.s32 @p0 $0x5400;
	v2 =	vmul.u32 $0x28, v2;
	[sflag:s28] =	ssyncadd.s32 @p0 $0xFFFFE000;
	s28 =	simm.s32 @p0 $0x200  }
0xce: {  	v3 =	vmov s26;
	[tilespmem:s30], [sflag:$0x1] =	stream.indirect.gather @p0 [hbm4b:s5+s28], $0x10, s29, s28, $0xb8;
	[tilespmem:$0xB400] =	vst v63  }
0xcf: {  	v3 =	vand.u32 $0x1F, v3;
	v4 =	vbroadcast v2, $0x0;
	s28 =	simm.s32 @p0 $0x2;
	s29 =	sshll.u32 @p0 s25, $0x5  }
0xd0: {  	s31 =	simm.s32 @p0 $0x7400;
	v2 =	vadd.s32 v1, v3;
	_ =	swait.ge @p0 [sflag:s28], $0x2000;
	s29 =	sadd.s32 @p0 s29, s8  }
0xd1: {  	s30 =	simm.s32 @p0 $0x1B0;
	v3 =	vadd.s32 v4, v2;
	[sflag:s28] =	ssyncset.done @p0 $0x0;
	s29 =	sshrl.u32 @p0 s29, $0x3  }
0xd2: {  	[sflag:s28] =	ssyncadd.s32 @p0 $0xFFFFE000;
	s28 =	sadd.s32 @p0 s2, s29;
	s29 =	simm.s32 @p0 $0x10  }
0xd3: {  	[hbm4b:s28+s29] =	stream.strided.scatter @p0 [tilespmem:s31], [sflag:$0x4], $0x2000, s30, s29, $0x38;
	[tilespmem:$0xB400] =	vst v63  }
0xd4: {  	s28 =	simm.s32 @!p0 $0x200;
	s29 =	simm.s32 @!p0 $0x5000;
	s30 =	simm.s32 @!p0 $0x5400  }
0xd5: {  	[tilespmem:s30], [sflag:$0x1] =	stream.indirect.gather @!p0 [hbm4b:s5+s28], $0x10, s29, s28, $0xb8;
	[tilespmem:$0xB400] =	vst v63  }
0xd6: {  	v3 =	vld.idx.msk [tilespmem:v3+s3+$0x0], $0xffff  }
0xd7: {  	s28 =	simm.s32 $0x10  }
0xd8: {  	v4 =	vmov s28  }
0xd9: {  	v4 =	vmul.u32 $0x28, v4;
	_ =	sdelay $0x1  }
0xda: {  	v4 =	vbroadcast v4, $0x0;
	v3 =	vtrunc.f32 v3  }
0xdb: {  	s28 =	smul.u32 $0x18680, s26;
	s26 =	sshll.u32 s26, $0x6;
	v5 =	vcvt.f32.s32 v3  }
0xdc: {  	s26 =	sadd.s32 $0x262280, s26;
	v6 =	vadd.s32 v4, v2  }
0xdd: {  	v4 =	vmov s26;
	v3 =	vmov s28;
	vm15 =	vlt.s32 v5, $0x18680  }
0xde: {  	v7 =	vsel vm15, v3, v4  }
0xdf: {  	s26 =	simm.s32 $0x5200;
	v5 =	vadd.s32 v5, v7  }
0xe0: {  	[tilespmem:s26+$0x0] =	vst v5  }
0xe1: {  	v5 =	vld.idx.msk [tilespmem:v6+s3+$0x0], $0xffff  }
0xe2: {  	s28 =	simm.s32 $0x20  }
0xe3: {  	v6 =	vmov s28;
	s28 =	simm.s32 $0x30  }
.LBB2_7:
0xe4: {  	p0 =	sne.s32 s28, $0x1F0;
	v6 =	vmul.u32 $0x28, v6;
	_ =	sdelay $0x1  }
0xe5: {  	v5 =	vtrunc.f32 v5;
	v6 =	vbroadcast v6, $0x0  }
0xe6: {  	v5 =	vcvt.f32.s32 v5  }
0xe7: {  	v6 =	vadd.s32 v6, v2  }
0xe8: {  	vm0 =	vlt.s32 v5, $0x18680  }
0xe9: {  	v7 =	vsel vm0, v3, v4  }
0xea: {  	s26 =	sadd.s32 $0x10, s26;
	v5 =	vadd.s32 v5, v7  }
.Ltmp2:
0xeb: {  	[tilespmem:s26+$0x0] =	vst v5;
	(pc) =	sbr.rel @p0 .LBB2_7-.Ltmp2, $2  }
0xec: {  	v5 =	vld.idx.msk [tilespmem:v6+s3+$0x0], $0xffff;
	_ =	sdelay $0x2  }
0xed: {  	v6 =	vmov s28;
	s28 =	sadd.s32 $0x10, s28  }
0xee: {  	v6 =	vmul.u32 $0x28, v6;
	_ =	sdelay $0x1  }
0xef: {  	v5 =	vtrunc.f32 v5;
	v6 =	vbroadcast v6, $0x0  }
0xf0: {  	v5 =	vcvt.f32.s32 v5  }
0xf1: {  	v2 =	vadd.s32 v6, v2  }
0xf2: {  	vm0 =	vlt.s32 v5, $0x18680  }
0xf3: {  	v63 =	vsel vm0, v3, v4  }
0xf4: {  	s26 =	sadd.s32 $0x10, s26;
	v5 =	vadd.s32 v5, v63  }
0xf5: {  	[tilespmem:s26+$0x0] =	vst v5  }
0xf6: {  	v2 =	vld.idx.msk [tilespmem:v2+s3+$0x0], $0xffff;
	_ =	sdelay $0x4  }
0xf7: {  	v2 =	vtrunc.f32 v2  }
0xf8: {  	v2 =	vcvt.f32.s32 v2;
	_ =	sdelay $0x1  }
0xf9: {  	vm15 =	vlt.s32 v2, $0x18680  }
0xfa: {  	v3 =	vsel vm15, v3, v4  }
0xfb: {  	p0 =	seq.s32 s25, $0x0;
	s26 =	sadd.s32 $0x10, s26;
	v2 =	vadd.s32 v2, v3  }
0xfc: {  	[tilespmem:s26+$0x0] =	vst v2;
	s26 =	simm.s32 @!p0 $0x4  }
0xfd: {  	_ =	swait.ge @!p0 [sflag:s26], $0x2000  }
0xfe: {  	s31 =	sshll.u32 s25, $0x5;
	s25 =	sadd.s32 $0x1, s25;
	[sflag:s26] =	ssyncset.done @!p0 $0x0  }
0xff: {  	[sflag:s26] =	ssyncadd.s32 @!p0 $0xFFFFE000;
	p0 =	sne.s32 s25, $0xD  }
0x100: {  	[tilespmem:s17], [sflag:$0x2] =	stream.indirect.gather [hbm4b:s5+s15], $0x10, s16, s15, $0xb8;
	[tilespmem:$0xB400] =	vst v63  }
.Ltmp3:
0x101: {  	_ = 	snop;
	(pc) =	sbr.rel @p0 .LBB2_4-.Ltmp3, $4  }
0x102: {  	s26 =	sadd.s32 s4, s31;
	_ =	swait.ge [sflag:s18], $0x2000  }
0x103: {  	s26 =	sshrl.u32 s26, $0x3;
	[sflag:s18] =	ssyncset.done $0x0  }
0x104: {  	s26 =	sadd.s32 s2, s26;
	[sflag:s18] =	ssyncadd.s32 $0xFFFFE000  }
0x105: {  	[hbm4b:s26+s13] =	stream.strided.scatter [tilespmem:s19], [sflag:$0x3], $0x2000, s14, s13, $0x38;
	[tilespmem:$0xB400] =	vst v63  }
0x106: {  	_ =	swait.ge [sflag:s20], $0x2000  }
0x107: {  	[sflag:s20] =	ssyncset.done $0x0  }
0x108: {  	s23 =	sadd.s32 $0x1, s23;
	[sflag:s20] =	ssyncadd.s32 $0xFFFFE000  }
0x109: {  	[hbm4b:s9+s13] =	stream.strided.scatter [tilespmem:s17], [sflag:$0x4], $0x2000, s14, s13, $0x38;
	[tilespmem:$0xB400] =	vst v63  }
0x10a: {  	p0 =	sne.s32 s23, s10;
	_ =	swait.ge [sflag:s21], $0x2000  }
.Ltmp4:
0x10b: {  	[sflag:s21] =	ssyncset.done $0x0;
	(pc) =	sbr.rel @p0 .LBB2_1-.Ltmp4, $4  }
0x10c: {  	[sflag:s21] =	ssyncadd.s32 $0xFFFFE000  }
0x10d: {  	_ =	swait.ge [sflag:s22], $0x2000  }
0x10e: {  	[sflag:s22] =	ssyncset.done $0x0  }
0x10f: {  	[sflag:s22] =	ssyncadd.s32 $0xFFFFE000  }
0x110: {  	_ =	sfence.sel $0x180000  }
0x111: {  	[bflag:$0x0] =	sbarrier.arrive $0xFFFF  }
0x112: {  	p0 =	sne.s32 s0, $0x0;
	_ =	strace $0x9000004A  }
0x113: {  	s0 =	sadd.s32 @!p0 $0x100000, s1;
	[bflag:$0x2] =	sbarrier.arrive $0xFFFF  }
0x114: {  	[sflag:s0] =	ssyncadd.tile.s32 @!p0 $0x1;
	_ =	shalt  }
.Lfunc_end2:
_tile_overlayer_lowered:
.L_overlay_start_2:
0x115: {  	(tag) =	ssettag $0x2  }
0x116: {  	s0 =	rddreg [dreg:$0x0];
	s2 =	stileid.u32  }
0x117: {  	s1 =	rddreg [dreg:$0x1];
	p0 =	sne.s32 s2, $0x0  }
0x118: {  	s3 =	rddreg [dreg:$0x2];
	[bflag:$0x3] =	sbarrier.arrive $0xFFFF;
	s2 =	simm.s32 @!p0 $0x1C05  }
0x119: {  	[timem:s3], [sflag:s2] =	dma.local @!p0 [hbm:s0], s1  }
0x11a: {  	s0 =	simm.s32 @!p0 $0x5  }
0x11b: {  	_ =	swait.ge @!p0 [sflag:s0], s1  }
0x11c: {  	s1 =	ssub.s32 @!p0 $0x0, s1;
	[sflag:s0] =	ssyncset.done @!p0 $0x0  }
0x11d: {  	[sflag:s0] =	ssyncadd.s32 @!p0 s1  }
0x11e: {  	[bflag:$0x3] =	sbarrier.arrive $0xFFFF  }
0x11f: {  	_ =	shalt  }

</sc_bundles>
